<compile_context>
chip_gen: v7x
topology: tpu7x:2x2x1
jax: 0.10.2.dev20260603
libtpu: 0.0.44.dev20260713+nightly
codegen_flags: <defaults>
</compile_context>

<pallas_src>
import functools

import jax
import jax.numpy as jnp
from jax import lax
from jax.experimental import pallas as pl
from jax.experimental.pallas import tpu as pltpu
from jax.experimental.pallas import tpu_sc as plsc

CH = 128
XCH = 64

_SC_PARAMS = pltpu.CompilerParams(needs_layout_passes=False,
                                  use_tc_tiling_on_sc=False)


def _sc_mesh():
    return plsc.VectorSubcoreMesh(core_axis_name="c", subcore_axis_name="s")


def _emb_deg_kernel(V, D, N_pad, K0, K1, NC, NS):
    NW = NC * NS
    rows_w = N_pad // NW
    nx = rows_w // XCH
    rows_s = N_pad // NS

    @functools.partial(
        pl.kernel,
        out_type=[
            jax.ShapeDtypeStruct((N_pad, D), jnp.float32),
            jax.ShapeDtypeStruct((NC, N_pad, 16), jnp.float32),
        ],
        mesh=_sc_mesh(),
        compiler_params=_SC_PARAMS,
        scratch_types=[
            pltpu.VMEM((nx, XCH), jnp.int32),
            pltpu.VMEM((4, XCH, D), jnp.float32),
            pltpu.VMEM((2, 6, CH), jnp.int32),
            pltpu.VMEM((CH, 16), jnp.float32),
            pltpu.VMEM((CH, 16), jnp.float32),
            pltpu.VMEM_SHARED((N_pad, 16), jnp.float32),
            pltpu.SemaphoreType.DMA((4,)),
            pltpu.SemaphoreType.DMA((4,)),
            pltpu.SemaphoreType.DMA((2,)),
            pltpu.SemaphoreType.DMA,
            pltpu.SemaphoreType.DMA,
        ],
    )
    def k(emb_h, xi_h, pk_h, z16_h, h0_h, deg_h,
          xi_v, ebuf, pk_v, w0, w1, deg_sh, egs, ews, pks, ds0, ds1):
        c = lax.axis_index("c")
        s = lax.axis_index("s")
        wid = s * NC + c
        start = jnp.where(c == 0, s * K0, NS * K0 + s * K1)
        cnt = jnp.where(c == 0, K0, K1)
        sl = pl.ds(s * rows_s, rows_s)
        pltpu.sync_copy(z16_h.at[sl], deg_sh.at[sl])
        pltpu.sync_copy(xi_h.at[wid], xi_v)

        def eg(j):
            return pltpu.make_async_copy(emb_h.at[xi_v.at[j]],
                                         ebuf.at[j % 4], egs.at[j % 4])

        def ew(j):
            return pltpu.make_async_copy(
                ebuf.at[j % 4], h0_h.at[pl.ds(wid * rows_w + j * XCH, XCH)],
                ews.at[j % 4])

        def pkd(p, b):
            return pltpu.make_async_copy(pk_h.at[start + p], pk_v.at[b],
                                         pks.at[b])

        def dsc(b, par, wbuf, sem):
            return pltpu.make_async_copy(wbuf, deg_sh.at[pk_v.at[b, 2 + par]],
                                         sem)

        def build(b, par, wbuf):
            bs = lax.broadcast_in_dim(b, (16,), ())
            ws = lax.broadcast_in_dim(4 + par, (16,), ())

            def body(i, carry):
                wi = plsc.load_gather(
                    pk_v, [bs, ws, lax.broadcast_in_dim(i, (16,), ())])
                wbuf[i, :] = plsc.bitcast(wi, jnp.float32)
                return carry

            lax.fori_loop(0, CH, body, 0, unroll=4)

        pkd(0, 0).start()
        for j in range(min(nx, 4)):
            eg(j).start()
        for j in range(nx):
            eg(j).wait()
            ew(j).start()
            if j + 4 < nx:
                ew(j).wait()
                eg(j + 4).start()
        for j in range(max(nx - 4, 0), nx):
            ew(j).wait()

        pkd(0, 0).wait()
        plsc.subcore_barrier()

        def pair(p, carry):
            b = p & 1
            nb = 1 - b

            @pl.when(p + 1 < cnt)
            def _():
                pkd(p + 1, nb).start()

            build(b, 0, w0)
            dsc(b, 0, w0, ds0).start(add=True)
            build(b, 1, w1)
            dsc(b, 1, w1, ds1).start(add=True)

            @pl.when(p + 1 < cnt)
            def _():
                pkd(p + 1, nb).wait()

            dsc(b, 0, w0, ds0).wait()
            dsc(b, 1, w1, ds1).wait()
            return carry

        lax.fori_loop(0, cnt, pair, 0)
        plsc.subcore_barrier()
        pltpu.sync_copy(deg_sh.at[sl], deg_h.at[c].at[sl])

    return k


def _agg_kernel(Dc, N_pad, K0, K1, NC, NS):
    rows_s = N_pad // NS

    @functools.partial(
        pl.kernel,
        out_type=jax.ShapeDtypeStruct((NC, N_pad, Dc), jnp.float32),
        mesh=_sc_mesh(),
        compiler_params=_SC_PARAMS,
        scratch_types=[
            pltpu.VMEM((2, 6, CH), jnp.int32),
            pltpu.VMEM((CH, Dc), jnp.float32),
            pltpu.VMEM((CH, Dc), jnp.float32),
            pltpu.VMEM_SHARED((N_pad, Dc), jnp.float32),
            pltpu.SemaphoreType.DMA((2,)),
            pltpu.SemaphoreType.DMA,
            pltpu.SemaphoreType.DMA,
            pltpu.SemaphoreType.DMA,
            pltpu.SemaphoreType.DMA,
        ],
    )
    def k(g_h, pk_h, acc_h, pk_v, buf0, buf1, acc_sh, pks, gs0, gs1, ss0, ss1):
        c = lax.axis_index("c")
        s = lax.axis_index("s")
        start = jnp.where(c == 0, s * K0, NS * K0 + s * K1)
        cnt = jnp.where(c == 0, K0, K1)
        sl = pl.ds(s * rows_s, rows_s)
        pltpu.sync_copy(g_h.at[sl], acc_sh.at[sl])
        plsc.subcore_barrier()

        def pkd(p, b):
            return pltpu.make_async_copy(pk_h.at[start + p], pk_v.at[b],
                                         pks.at[b])

        def gat(b, par, buf, sem):
            return pltpu.make_async_copy(g_h.at[pk_v.at[b, par]], buf, sem)

        def sca(b, par, buf, sem):
            return pltpu.make_async_copy(buf, acc_sh.at[pk_v.at[b, 2 + par]],
                                         sem)

        def scale(b, par, buf):
            bs = lax.broadcast_in_dim(b, (16,), ())
            ws = lax.broadcast_in_dim(4 + par, (16,), ())

            def body(i, carry):
                wi = plsc.load_gather(
                    pk_v, [bs, ws, lax.broadcast_in_dim(i, (16,), ())])
                wb = plsc.bitcast(wi, jnp.float32)
                for kk in range(Dc // 16):
                    csl = pl.ds(kk * 16, 16)
                    buf[i, csl] = buf[i, csl] * wb
                return carry

            lax.fori_loop(0, CH, body, 0, unroll=4)

        pkd(0, 0).start()
        pkd(0, 0).wait()
        gat(0, 0, buf0, gs0).start()
        gat(0, 1, buf1, gs1).start()

        def pair(p, carry):
            b = p & 1
            nb = 1 - b

            @pl.when(p + 1 < cnt)
            def _():
                pkd(p + 1, nb).start()

            gat(b, 0, buf0, gs0).wait()
            scale(b, 0, buf0)
            sca(b, 0, buf0, ss0).start(add=True)
            gat(b, 1, buf1, gs1).wait()
            scale(b, 1, buf1)
            sca(b, 1, buf1, ss1).start(add=True)

            @pl.when(p + 1 < cnt)
            def _():
                pkd(p + 1, nb).wait()
                sca(b, 0, buf0, ss0).wait()
                gat(nb, 0, buf0, gs0).start()
                sca(b, 1, buf1, ss1).wait()
                gat(nb, 1, buf1, gs1).start()

            @pl.when(p + 1 >= cnt)
            def _():
                sca(b, 0, buf0, ss0).wait()
                sca(b, 1, buf1, ss1).wait()

            return carry

        lax.fori_loop(0, cnt, pair, 0)
        plsc.subcore_barrier()
        pltpu.sync_copy(acc_sh.at[sl], acc_h.at[c].at[sl])

    return k


def _dinv(deg_ref):
    deg = 1.0 + deg_ref[0][:, 0:1] + deg_ref[1][:, 0:1]
    return jnp.where(deg > 0, lax.rsqrt(deg), 0.0)


def _lin1_body(deg_ref, h0_ref, w1_ref, g1_ref):
    dinv = _dinv(deg_ref)
    hw = jnp.dot(h0_ref[...], w1_ref[...], preferred_element_type=jnp.float32)
    g1_ref[...] = dinv * hw


def _lin2_body(acc_ref, g1_ref, deg_ref, b1_ref, w2_ref, g2_ref):
    dinv = _dinv(deg_ref)
    a = acc_ref[0] + acc_ref[1] - g1_ref[...]
    pre = dinv * a + b1_ref[...]
    h1 = jnp.where(pre >= 0, pre, 0.01 * pre)
    hw = jnp.dot(h1, w2_ref[...], preferred_element_type=jnp.float32)
    g2_ref[...] = dinv * hw


def _final_body(acc_ref, g2_ref, deg_ref, b2_ref, out_ref):
    dinv = _dinv(deg_ref)
    z = dinv * (acc_ref[0] + acc_ref[1] - g2_ref[...]) + b2_ref[...]
    valid = lax.broadcasted_iota(jnp.int32, z.shape, 1) < 40
    zm = jnp.where(valid, z, -1e30)
    m = jnp.max(zm, axis=1, keepdims=True)
    e = jnp.where(valid, jnp.exp(zm - m), 0.0)
    ssum = jnp.sum(e, axis=1, keepdims=True)
    out_ref[...] = z - m - jnp.log(ssum)


def kernel(x, edge_index, edge_attr, emb, W1, b1, W2, b2):
    N = x.shape[0]
    E = edge_index.shape[1]
    V, D = emb.shape
    C = W2.shape[1]
    Dc2 = 48

    info = plsc.get_sparse_core_info()
    NC, NS = info.num_cores, info.num_subcores
    NW = NC * NS

    N_pad = -(-N // (NW * XCH)) * (NW * XCH)
    PAIR = 2 * CH
    npl_min = -(-E // PAIR)
    KSUM = -(-npl_min // NS)
    NPL = NS * KSUM
    E_pad = NPL * PAIR

    def _split(fr0):
        k0 = min(KSUM - 1, max(1, round(fr0 * KSUM)))
        return k0, KSUM - k0

    K0e, K1e = _split(0.57)
    K0a, K1a = _split(0.75)
    K0b, K1b = _split(0.63)

    xi = jnp.concatenate([x[:, 0].astype(jnp.int32),
                          jnp.zeros((N_pad - N,), jnp.int32)])
    xi = xi.reshape(NW, (N_pad // NW) // XCH, XCH)
    epad = E_pad - E
    rowp = jnp.concatenate([edge_index[0].astype(jnp.int32),
                            jnp.zeros((epad,), jnp.int32)])
    colp = jnp.concatenate([edge_index[1].astype(jnp.int32),
                            jnp.zeros((epad,), jnp.int32)])
    wp = jnp.concatenate([edge_attr, jnp.zeros((epad,), jnp.float32)])
    wbits = lax.bitcast_convert_type(wp, jnp.int32)
    pk = jnp.concatenate([rowp.reshape(NPL, 2, CH),
                          colp.reshape(NPL, 2, CH),
                          wbits.reshape(NPL, 2, CH)], axis=1)
    z16 = jnp.zeros((N_pad, 16), jnp.float32)

    h0, deg2 = _emb_deg_kernel(V, D, N_pad, K0e, K1e, NC, NS)(emb, xi, pk, z16)

    nblk = N_pad // 512
    deg_spec = pl.BlockSpec((NC, 512, 16), lambda i: (0, i, 0))
    g1 = pl.pallas_call(
        _lin1_body,
        grid=(nblk,),
        in_specs=[deg_spec,
                  pl.BlockSpec((512, D), lambda i: (i, 0)),
                  pl.BlockSpec((D, D), lambda i: (0, 0))],
        out_specs=pl.BlockSpec((512, D), lambda i: (i, 0)),
        out_shape=jax.ShapeDtypeStruct((N_pad, D), jnp.float32),
    )(deg2, h0, W1)

    acc1 = _agg_kernel(D, N_pad, K0a, K1a, NC, NS)(g1, pk)

    W2p = jnp.pad(W2, ((0, 0), (0, Dc2 - C)))
    g2 = pl.pallas_call(
        _lin2_body,
        grid=(nblk,),
        in_specs=[pl.BlockSpec((NC, 512, D), lambda i: (0, i, 0)),
                  pl.BlockSpec((512, D), lambda i: (i, 0)),
                  deg_spec,
                  pl.BlockSpec((1, D), lambda i: (0, 0)),
                  pl.BlockSpec((D, Dc2), lambda i: (0, 0))],
        out_specs=pl.BlockSpec((512, Dc2), lambda i: (i, 0)),
        out_shape=jax.ShapeDtypeStruct((N_pad, Dc2), jnp.float32),
    )(acc1, g1, deg2, b1[None, :], W2p)

    acc2 = _agg_kernel(Dc2, N_pad, K0b, K1b, NC, NS)(g2, pk)

    b2p = jnp.pad(b2, (0, Dc2 - C))
    out = pl.pallas_call(
        _final_body,
        grid=(nblk,),
        in_specs=[pl.BlockSpec((NC, 512, Dc2), lambda i: (0, i, 0)),
                  pl.BlockSpec((512, Dc2), lambda i: (i, 0)),
                  deg_spec,
                  pl.BlockSpec((1, Dc2), lambda i: (0, 0))],
        out_specs=pl.BlockSpec((512, Dc2), lambda i: (i, 0)),
        out_shape=jax.ShapeDtypeStruct((N_pad, Dc2), jnp.float32),
    )(acc2, g2, deg2, b2p[None, :])

    return out[:N, :C]

# --- scband reference (transcript-rebuilt; emitter-appended) ---
"""Pipeline reference for scband-nlayer-gcn-2035814498364 (READ-ONLY COPY).

The authoritative reference and input builder live on the scoring server;
editing this copy changes nothing except your own understanding.
"""

import jax, jax.numpy as jnp
import numpy as np

N = 10000
E = 320000
D = 128
V = 50000
C = 40


def setup_inputs(seed: int = 0) -> dict:
    key = jax.random.key(seed)
    ks = jax.random.split(key, 8)
    x = jax.random.randint(ks[0], (N, 1), 0, V)
    edge_index = jax.random.randint(ks[1], (2, E), 0, N)
    edge_attr = jax.random.uniform(ks[2], (E,), dtype=jnp.float32)
    emb = jax.random.normal(ks[3], (V, D), dtype=jnp.float32) * 0.02
    W1 = jax.random.normal(ks[4], (D, D), dtype=jnp.float32) / np.sqrt(D)
    b1 = jnp.zeros((D,), dtype=jnp.float32)
    W2 = jax.random.normal(ks[5], (D, C), dtype=jnp.float32) / np.sqrt(D)
    b2 = jnp.zeros((C,), dtype=jnp.float32)
    return {"x": x, "edge_index": edge_index, "edge_attr": edge_attr,
            "emb": emb, "W1": W1, "b1": b1, "W2": W2, "b2": b2}


def _gcn_conv(h, edge_index, edge_weight, W, b):
    # PyG GCNConv with normalize=True, add_self_loops=True, edge weights
    n = h.shape[0]
    sl = jnp.arange(n, dtype=edge_index.dtype)
    row = jnp.concatenate([edge_index[0], sl])
    col = jnp.concatenate([edge_index[1], sl])
    w = jnp.concatenate([edge_weight, jnp.ones((n,), dtype=h.dtype)])
    deg = jax.ops.segment_sum(w, col, num_segments=n)
    dinv = jnp.where(deg > 0, deg ** -0.5, 0.0)
    norm = dinv[row] * w * dinv[col]
    hw = h @ W  # linear transform (no bias inside lin)
    msg = norm[:, None] * hw[row]  # gather by src
    out = jnp.zeros((n, W.shape[1]), dtype=h.dtype).at[col].add(msg)  # scatter-add by dst
    return out + b


def reference(x, edge_index, edge_attr, emb, W1, b1, W2, b2):
    # embedding lookup + squeeze: [N,1] -> [N, D]
    h = jnp.take(emb, x[:, 0], axis=0)
    h = _gcn_conv(h, edge_index, edge_attr, W1, b1)
    h = jax.nn.leaky_relu(h, negative_slope=0.01)
    # F.dropout in eval mode is identity (deterministic reference)
    h = _gcn_conv(h, edge_index, edge_attr, W2, b2)
    return jax.nn.log_softmax(h, axis=1)

if __name__ == "__main__":
    import jax
    _d = setup_inputs()
    print(jax.jit(kernel)(*tuple(_d.values())))

</pallas_src>

<mosaic_0001>
#map = affine_map<(d0, d1) -> (0, 0)>
#map1 = affine_map<(d0, d1) -> (0, 0, 0)>
module attributes {stable_mosaic.version = 14 : i64} {
  func.func @k(%arg0: i32, %arg1: i32, %arg2: memref<50000x128xf32, #tpu.memory_space<hbm>>, %arg3: memref<32x5x64xi32, #tpu.memory_space<hbm>>, %arg4: memref<1264x6x128xi32, #tpu.memory_space<hbm>>, %arg5: memref<10240x16xf32, #tpu.memory_space<hbm>>, %arg6: memref<10240x128xf32, #tpu.memory_space<hbm>>, %arg7: memref<2x10240x16xf32, #tpu.memory_space<hbm>>, %arg8: memref<5x64xi32, #tpu.memory_space<vmem>>, %arg9: memref<4x64x128xf32, #tpu.memory_space<vmem>>, %arg10: memref<2x6x128xi32, #tpu.memory_space<vmem>>, %arg11: memref<128x16xf32, #tpu.memory_space<vmem>>, %arg12: memref<128x16xf32, #tpu.memory_space<vmem>>, %arg13: memref<10240x16xf32, #tpu.memory_space<vmem_shared>>, %arg14: memref<4x!tpu.dma_semaphore, #tpu.memory_space<semaphore_mem>>, %arg15: memref<4x!tpu.dma_semaphore, #tpu.memory_space<semaphore_mem>>, %arg16: memref<2x!tpu.dma_semaphore, #tpu.memory_space<semaphore_mem>>, %arg17: memref<!tpu.dma_semaphore, #tpu.memory_space<semaphore_mem>>, %arg18: memref<!tpu.dma_semaphore, #tpu.memory_space<semaphore_mem>>) attributes {dimension_semantics = [#tpu.dimension_semantics<core_parallel>, #tpu.dimension_semantics<subcore_parallel>], iteration_bounds = array<i64: 2, 16>, scalar_prefetch = 0 : i64, scratch_operands = 11 : i64, tpu.core_type = #tpu.core_type<sc_vector_subcore>, window_params = [{transform_indices = #map}, {transform_indices = #map1}, {transform_indices = #map1}, {transform_indices = #map}, {transform_indices = #map}, {transform_indices = #map1}]} {
    %mul3A = arith.constant 2 : i32
    %mul3A_0 = arith.muli %arg1, %mul3A : i32
    %add3A = arith.addi %mul3A_0, %arg0 : i32
    %eq3A = arith.constant 0 : i32
    %eq3A_1 = arith.cmpi eq, %arg0, %eq3A : i32
    %mul3A_2 = arith.constant 45 : i32
    %mul3A_3 = arith.muli %arg1, %mul3A_2 : i32
    %mul3A_4 = arith.constant 34 : i32
    %mul3A_5 = arith.muli %arg1, %mul3A_4 : i32
    %add3A_6 = arith.constant 720 : i32
    %add3A_7 = arith.addi %add3A_6, %mul3A_5 : i32
    %select_n3A = arith.select %eq3A_1, %mul3A_3, %add3A_7 : i32
    %eq3A_8 = arith.constant 0 : i32
    %eq3A_9 = arith.cmpi eq, %arg0, %eq3A_8 : i32
    %jit3A = arith.constant 45 : i32
    %jit3A_10 = arith.constant 34 : i32
    %select_n3A_11 = arith.select %eq3A_9, %jit3A, %jit3A_10 : i32
    %mul3A_12 = arith.constant 640 : i32
    %mul3A_13 = arith.muli %arg1, %mul3A_12 : i32
    "tpu.region"() ({
      %run_scoped3A = tpu.sem_alloc : memref<!tpu.dma_semaphore, #tpu.memory_space<semaphore_mem>>
      %dma_start3A_416 = arith.constant 0 : i32
      %dma_start3A_417 = tpu.memref_slice %arg13[%mul3A_13, %dma_start3A_416] : memref<10240x16xf32, #tpu.memory_space<vmem_shared>> -> memref<640x16xf32, #tpu.memory_space<vmem_shared>>
      %dma_start3A_418 = arith.constant 0 : i32
      %dma_start3A_419 = tpu.memref_slice %arg5[%mul3A_13, %dma_start3A_418] : memref<10240x16xf32, #tpu.memory_space<hbm>> -> memref<640x16xf32, #tpu.memory_space<hbm>>
      tpu.enqueue_dma source(%dma_start3A_419 : memref<640x16xf32, #tpu.memory_space<hbm>>) target(%dma_start3A_417 : memref<640x16xf32, #tpu.memory_space<vmem_shared>>) target_semaphore(%run_scoped3A : memref<!tpu.dma_semaphore, #tpu.memory_space<semaphore_mem>>)
      %dma_wait3A_420 = arith.constant 0 : i32
      %dma_wait3A_421 = tpu.memref_slice %arg13[%mul3A_13, %dma_wait3A_420] : memref<10240x16xf32, #tpu.memory_space<vmem_shared>> -> memref<640x16xf32, #tpu.memory_space<vmem_shared>>
      %dma_wait3A_422 = arith.constant 0 : i32
      %dma_wait3A_423 = tpu.memref_slice %arg5[%mul3A_13, %dma_wait3A_422] : memref<10240x16xf32, #tpu.memory_space<hbm>> -> memref<640x16xf32, #tpu.memory_space<hbm>>
      tpu.wait_dma2 semaphore(%run_scoped3A : memref<!tpu.dma_semaphore, #tpu.memory_space<semaphore_mem>>) src(%dma_wait3A_423 : memref<640x16xf32, #tpu.memory_space<hbm>>) dst(%dma_wait3A_421 : memref<640x16xf32, #tpu.memory_space<vmem_shared>>)
      tpu.yield
    }) : () -> ()
    "tpu.region"() ({
      %run_scoped3A = tpu.sem_alloc : memref<!tpu.dma_semaphore, #tpu.memory_space<semaphore_mem>>
      %dma_start3A_416 = arith.constant 0 : i32
      %dma_start3A_417 = arith.constant 0 : i32
      %dma_start3A_418 = tpu.memref_slice %arg3[%add3A, %dma_start3A_416, %dma_start3A_417] : memref<32x5x64xi32, #tpu.memory_space<hbm>> -> memref<1x5x64xi32, #tpu.memory_space<hbm>>
      %dma_start3A_419 = tpu.memref_squeeze %dma_start3A_418 : memref<1x5x64xi32, #tpu.memory_space<hbm>> -> memref<5x64xi32, #tpu.memory_space<hbm>>
      %dma_start3A_420 = arith.constant 0 : i32
      %dma_start3A_421 = arith.constant 0 : i32
      %dma_start3A_422 = tpu.memref_slice %arg3[%add3A, %dma_start3A_420, %dma_start3A_421] : memref<32x5x64xi32, #tpu.memory_space<hbm>> -> memref<1x5x64xi32, #tpu.memory_space<hbm>>
      %dma_start3A_423 = tpu.memref_squeeze %dma_start3A_422 : memref<1x5x64xi32, #tpu.memory_space<hbm>> -> memref<5x64xi32, #tpu.memory_space<hbm>>
      tpu.enqueue_dma source(%dma_start3A_423 : memref<5x64xi32, #tpu.memory_space<hbm>>) target(%arg8 : memref<5x64xi32, #tpu.memory_space<vmem>>) target_semaphore(%run_scoped3A : memref<!tpu.dma_semaphore, #tpu.memory_space<semaphore_mem>>)
      %dma_wait3A_424 = arith.constant 0 : i32
      %dma_wait3A_425 = arith.constant 0 : i32
      %dma_wait3A_426 = tpu.memref_slice %arg3[%add3A, %dma_wait3A_424, %dma_wait3A_425] : memref<32x5x64xi32, #tpu.memory_space<hbm>> -> memref<1x5x64xi32, #tpu.memory_space<hbm>>
      %dma_wait3A_427 = tpu.memref_squeeze %dma_wait3A_426 : memref<1x5x64xi32, #tpu.memory_space<hbm>> -> memref<5x64xi32, #tpu.memory_space<hbm>>
      %dma_wait3A_428 = arith.constant 0 : i32
      %dma_wait3A_429 = arith.constant 0 : i32
      %dma_wait3A_430 = tpu.memref_slice %arg3[%add3A, %dma_wait3A_428, %dma_wait3A_429] : memref<32x5x64xi32, #tpu.memory_space<hbm>> -> memref<1x5x64xi32, #tpu.memory_space<hbm>>
      %dma_wait3A_431 = tpu.memref_squeeze %dma_wait3A_430 : memref<1x5x64xi32, #tpu.memory_space<hbm>> -> memref<5x64xi32, #tpu.memory_space<hbm>>
      tpu.wait_dma2 semaphore(%run_scoped3A : memref<!tpu.dma_semaphore, #tpu.memory_space<semaphore_mem>>) src(%dma_wait3A_431 : memref<5x64xi32, #tpu.memory_space<hbm>>) dst(%arg8 : memref<5x64xi32, #tpu.memory_space<vmem>>)
      tpu.yield
    }) : () -> ()
    %add3A_14 = arith.constant 0 : i32
    %add3A_15 = arith.addi %select_n3A, %add3A_14 : i32
    %dma_start3A = arith.constant 0 : i32
    %dma_start3A_16 = arith.constant 0 : i32
    %dma_start3A_17 = arith.constant 0 : i32
    %dma_start3A_18 = arith.constant 0 : i32
    %dma_start3A_19 = tpu.memref_slice %arg10[%dma_start3A, %dma_start3A_17, %dma_start3A_18] : memref<2x6x128xi32, #tpu.memory_space<vmem>> -> memref<1x6x128xi32, #tpu.memory_space<vmem>>
    %dma_start3A_20 = tpu.memref_squeeze %dma_start3A_19 : memref<1x6x128xi32, #tpu.memory_space<vmem>> -> memref<6x128xi32, #tpu.memory_space<vmem>>
    %dma_start3A_21 = arith.constant 0 : i32
    %dma_start3A_22 = arith.constant 0 : i32
    %dma_start3A_23 = tpu.memref_slice %arg4[%add3A_15, %dma_start3A_21, %dma_start3A_22] : memref<1264x6x128xi32, #tpu.memory_space<hbm>> -> memref<1x6x128xi32, #tpu.memory_space<hbm>>
    %dma_start3A_24 = tpu.memref_squeeze %dma_start3A_23 : memref<1x6x128xi32, #tpu.memory_space<hbm>> -> memref<6x128xi32, #tpu.memory_space<hbm>>
    %dma_start3A_25 = tpu.memref_slice %arg16[%dma_start3A_16] : memref<2x!tpu.dma_semaphore, #tpu.memory_space<semaphore_mem>> -> memref<1x!tpu.dma_semaphore, #tpu.memory_space<semaphore_mem>>
    %dma_start3A_26 = tpu.memref_squeeze %dma_start3A_25 : memref<1x!tpu.dma_semaphore, #tpu.memory_space<semaphore_mem>> -> memref<!tpu.dma_semaphore, #tpu.memory_space<semaphore_mem>>
    %dma_start3A_27 = arith.constant 0 : i32
    %dma_start3A_28 = arith.constant 0 : i32
    %dma_start3A_29 = tpu.memref_slice %arg10[%dma_start3A, %dma_start3A_27, %dma_start3A_28] : memref<2x6x128xi32, #tpu.memory_space<vmem>> -> memref<1x6x128xi32, #tpu.memory_space<vmem>>
    %dma_start3A_30 = tpu.memref_squeeze %dma_start3A_29 : memref<1x6x128xi32, #tpu.memory_space<vmem>> -> memref<6x128xi32, #tpu.memory_space<vmem>>
    %dma_start3A_31 = arith.constant 0 : i32
    %dma_start3A_32 = arith.constant 0 : i32
    %dma_start3A_33 = tpu.memref_slice %arg4[%add3A_15, %dma_start3A_31, %dma_start3A_32] : memref<1264x6x128xi32, #tpu.memory_space<hbm>> -> memref<1x6x128xi32, #tpu.memory_space<hbm>>
    %dma_start3A_34 = tpu.memref_squeeze %dma_start3A_33 : memref<1x6x128xi32, #tpu.memory_space<hbm>> -> memref<6x128xi32, #tpu.memory_space<hbm>>
    tpu.enqueue_dma source(%dma_start3A_34 : memref<6x128xi32, #tpu.memory_space<hbm>>) target(%dma_start3A_30 : memref<6x128xi32, #tpu.memory_space<vmem>>) target_semaphore(%dma_start3A_26 : memref<!tpu.dma_semaphore, #tpu.memory_space<semaphore_mem>>)
    %dma_start3A_35 = arith.constant 0 : i32
    %dma_start3A_36 = arith.constant 0 : i32
    %dma_start3A_37 = arith.constant 0 : i32
    %dma_start3A_38 = arith.constant 0 : i32
    %dma_start3A_39 = arith.constant 0 : i32
    %dma_start3A_40 = tpu.memref_slice %arg9[%dma_start3A_36, %dma_start3A_38, %dma_start3A_39] : memref<4x64x128xf32, #tpu.memory_space<vmem>> -> memref<1x64x128xf32, #tpu.memory_space<vmem>>
    %dma_start3A_41 = tpu.memref_squeeze %dma_start3A_40 : memref<1x64x128xf32, #tpu.memory_space<vmem>> -> memref<64x128xf32, #tpu.memory_space<vmem>>
    %dma_start3A_42 = arith.constant 0 : i32
    %dma_start3A_43 = tpu.memref_slice %arg8[%dma_start3A_35, %dma_start3A_42] : memref<5x64xi32, #tpu.memory_space<vmem>> -> memref<1x64xi32, #tpu.memory_space<vmem>>
    %dma_start3A_44 = tpu.memref_squeeze %dma_start3A_43 : memref<1x64xi32, #tpu.memory_space<vmem>> -> memref<64xi32, #tpu.memory_space<vmem>>
    %dma_start3A_45 = arith.constant 0 : i32
    %dma_start3A_46 = arith.constant 0 : i32
    %dma_start3A_47 = tpu.memref_slice %arg2[%dma_start3A_45, %dma_start3A_46] : memref<50000x128xf32, #tpu.memory_space<hbm>> -> memref<50000x128xf32, #tpu.memory_space<hbm>>
    %dma_start3A_48 = tpu.memref_slice %arg14[%dma_start3A_37] : memref<4x!tpu.dma_semaphore, #tpu.memory_space<semaphore_mem>> -> memref<1x!tpu.dma_semaphore, #tpu.memory_space<semaphore_mem>>
    %dma_start3A_49 = tpu.memref_squeeze %dma_start3A_48 : memref<1x!tpu.dma_semaphore, #tpu.memory_space<semaphore_mem>> -> memref<!tpu.dma_semaphore, #tpu.memory_space<semaphore_mem>>
    tpu.enqueue_indirect_dma source(%dma_start3A_47 : memref<50000x128xf32, #tpu.memory_space<hbm>>) target(%dma_start3A_41 : memref<64x128xf32, #tpu.memory_space<vmem>>) offsets(%dma_start3A_44 : memref<64xi32, #tpu.memory_space<vmem>>) semaphore(%dma_start3A_49 : memref<!tpu.dma_semaphore, #tpu.memory_space<semaphore_mem>>)
    %dma_start3A_50 = arith.constant 1 : i32
    %dma_start3A_51 = arith.constant 1 : i32
    %dma_start3A_52 = arith.constant 1 : i32
    %dma_start3A_53 = arith.constant 0 : i32
    %dma_start3A_54 = arith.constant 0 : i32
    %dma_start3A_55 = tpu.memref_slice %arg9[%dma_start3A_51, %dma_start3A_53, %dma_start3A_54] : memref<4x64x128xf32, #tpu.memory_space<vmem>> -> memref<1x64x128xf32, #tpu.memory_space<vmem>>
    %dma_start3A_56 = tpu.memref_squeeze %dma_start3A_55 : memref<1x64x128xf32, #tpu.memory_space<vmem>> -> memref<64x128xf32, #tpu.memory_space<vmem>>
    %dma_start3A_57 = arith.constant 0 : i32
    %dma_start3A_58 = tpu.memref_slice %arg8[%dma_start3A_50, %dma_start3A_57] : memref<5x64xi32, #tpu.memory_space<vmem>> -> memref<1x64xi32, #tpu.memory_space<vmem>>
    %dma_start3A_59 = tpu.memref_squeeze %dma_start3A_58 : memref<1x64xi32, #tpu.memory_space<vmem>> -> memref<64xi32, #tpu.memory_space<vmem>>
    %dma_start3A_60 = arith.constant 0 : i32
    %dma_start3A_61 = arith.constant 0 : i32
    %dma_start3A_62 = tpu.memref_slice %arg2[%dma_start3A_60, %dma_start3A_61] : memref<50000x128xf32, #tpu.memory_space<hbm>> -> memref<50000x128xf32, #tpu.memory_space<hbm>>
    %dma_start3A_63 = tpu.memref_slice %arg14[%dma_start3A_52] : memref<4x!tpu.dma_semaphore, #tpu.memory_space<semaphore_mem>> -> memref<1x!tpu.dma_semaphore, #tpu.memory_space<semaphore_mem>>
    %dma_start3A_64 = tpu.memref_squeeze %dma_start3A_63 : memref<1x!tpu.dma_semaphore, #tpu.memory_space<semaphore_mem>> -> memref<!tpu.dma_semaphore, #tpu.memory_space<semaphore_mem>>
    tpu.enqueue_indirect_dma source(%dma_start3A_62 : memref<50000x128xf32, #tpu.memory_space<hbm>>) target(%dma_start3A_56 : memref<64x128xf32, #tpu.memory_space<vmem>>) offsets(%dma_start3A_59 : memref<64xi32, #tpu.memory_space<vmem>>) semaphore(%dma_start3A_64 : memref<!tpu.dma_semaphore, #tpu.memory_space<semaphore_mem>>)
    %dma_start3A_65 = arith.constant 2 : i32
    %dma_start3A_66 = arith.constant 2 : i32
    %dma_start3A_67 = arith.constant 2 : i32
    %dma_start3A_68 = arith.constant 0 : i32
    %dma_start3A_69 = arith.constant 0 : i32
    %dma_start3A_70 = tpu.memref_slice %arg9[%dma_start3A_66, %dma_start3A_68, %dma_start3A_69] : memref<4x64x128xf32, #tpu.memory_space<vmem>> -> memref<1x64x128xf32, #tpu.memory_space<vmem>>
    %dma_start3A_71 = tpu.memref_squeeze %dma_start3A_70 : memref<1x64x128xf32, #tpu.memory_space<vmem>> -> memref<64x128xf32, #tpu.memory_space<vmem>>
    %dma_start3A_72 = arith.constant 0 : i32
    %dma_start3A_73 = tpu.memref_slice %arg8[%dma_start3A_65, %dma_start3A_72] : memref<5x64xi32, #tpu.memory_space<vmem>> -> memref<1x64xi32, #tpu.memory_space<vmem>>
    %dma_start3A_74 = tpu.memref_squeeze %dma_start3A_73 : memref<1x64xi32, #tpu.memory_space<vmem>> -> memref<64xi32, #tpu.memory_space<vmem>>
    %dma_start3A_75 = arith.constant 0 : i32
    %dma_start3A_76 = arith.constant 0 : i32
    %dma_start3A_77 = tpu.memref_slice %arg2[%dma_start3A_75, %dma_start3A_76] : memref<50000x128xf32, #tpu.memory_space<hbm>> -> memref<50000x128xf32, #tpu.memory_space<hbm>>
    %dma_start3A_78 = tpu.memref_slice %arg14[%dma_start3A_67] : memref<4x!tpu.dma_semaphore, #tpu.memory_space<semaphore_mem>> -> memref<1x!tpu.dma_semaphore, #tpu.memory_space<semaphore_mem>>
    %dma_start3A_79 = tpu.memref_squeeze %dma_start3A_78 : memref<1x!tpu.dma_semaphore, #tpu.memory_space<semaphore_mem>> -> memref<!tpu.dma_semaphore, #tpu.memory_space<semaphore_mem>>
    tpu.enqueue_indirect_dma source(%dma_start3A_77 : memref<50000x128xf32, #tpu.memory_space<hbm>>) target(%dma_start3A_71 : memref<64x128xf32, #tpu.memory_space<vmem>>) offsets(%dma_start3A_74 : memref<64xi32, #tpu.memory_space<vmem>>) semaphore(%dma_start3A_79 : memref<!tpu.dma_semaphore, #tpu.memory_space<semaphore_mem>>)
    %dma_start3A_80 = arith.constant 3 : i32
    %dma_start3A_81 = arith.constant 3 : i32
    %dma_start3A_82 = arith.constant 3 : i32
    %dma_start3A_83 = arith.constant 0 : i32
    %dma_start3A_84 = arith.constant 0 : i32
    %dma_start3A_85 = tpu.memref_slice %arg9[%dma_start3A_81, %dma_start3A_83, %dma_start3A_84] : memref<4x64x128xf32, #tpu.memory_space<vmem>> -> memref<1x64x128xf32, #tpu.memory_space<vmem>>
    %dma_start3A_86 = tpu.memref_squeeze %dma_start3A_85 : memref<1x64x128xf32, #tpu.memory_space<vmem>> -> memref<64x128xf32, #tpu.memory_space<vmem>>
    %dma_start3A_87 = arith.constant 0 : i32
    %dma_start3A_88 = tpu.memref_slice %arg8[%dma_start3A_80, %dma_start3A_87] : memref<5x64xi32, #tpu.memory_space<vmem>> -> memref<1x64xi32, #tpu.memory_space<vmem>>
    %dma_start3A_89 = tpu.memref_squeeze %dma_start3A_88 : memref<1x64xi32, #tpu.memory_space<vmem>> -> memref<64xi32, #tpu.memory_space<vmem>>
    %dma_start3A_90 = arith.constant 0 : i32
    %dma_start3A_91 = arith.constant 0 : i32
    %dma_start3A_92 = tpu.memref_slice %arg2[%dma_start3A_90, %dma_start3A_91] : memref<50000x128xf32, #tpu.memory_space<hbm>> -> memref<50000x128xf32, #tpu.memory_space<hbm>>
    %dma_start3A_93 = tpu.memref_slice %arg14[%dma_start3A_82] : memref<4x!tpu.dma_semaphore, #tpu.memory_space<semaphore_mem>> -> memref<1x!tpu.dma_semaphore, #tpu.memory_space<semaphore_mem>>
    %dma_start3A_94 = tpu.memref_squeeze %dma_start3A_93 : memref<1x!tpu.dma_semaphore, #tpu.memory_space<semaphore_mem>> -> memref<!tpu.dma_semaphore, #tpu.memory_space<semaphore_mem>>
    tpu.enqueue_indirect_dma source(%dma_start3A_92 : memref<50000x128xf32, #tpu.memory_space<hbm>>) target(%dma_start3A_86 : memref<64x128xf32, #tpu.memory_space<vmem>>) offsets(%dma_start3A_89 : memref<64xi32, #tpu.memory_space<vmem>>) semaphore(%dma_start3A_94 : memref<!tpu.dma_semaphore, #tpu.memory_space<semaphore_mem>>)
    %dma_wait3A = arith.constant 0 : i32
    %dma_wait3A_95 = arith.constant 0 : i32
    %dma_wait3A_96 = arith.constant 0 : i32
    %dma_wait3A_97 = arith.constant 0 : i32
    %dma_wait3A_98 = arith.constant 0 : i32
    %dma_wait3A_99 = tpu.memref_slice %arg9[%dma_wait3A_95, %dma_wait3A_97, %dma_wait3A_98] : memref<4x64x128xf32, #tpu.memory_space<vmem>> -> memref<1x64x128xf32, #tpu.memory_space<vmem>>
    %dma_wait3A_100 = tpu.memref_squeeze %dma_wait3A_99 : memref<1x64x128xf32, #tpu.memory_space<vmem>> -> memref<64x128xf32, #tpu.memory_space<vmem>>
    %dma_wait3A_101 = arith.constant 0 : i32
    %dma_wait3A_102 = tpu.memref_slice %arg8[%dma_wait3A, %dma_wait3A_101] : memref<5x64xi32, #tpu.memory_space<vmem>> -> memref<1x64xi32, #tpu.memory_space<vmem>>
    %dma_wait3A_103 = tpu.memref_squeeze %dma_wait3A_102 : memref<1x64xi32, #tpu.memory_space<vmem>> -> memref<64xi32, #tpu.memory_space<vmem>>
    %dma_wait3A_104 = arith.constant 0 : i32
    %dma_wait3A_105 = arith.constant 0 : i32
    %dma_wait3A_106 = tpu.memref_slice %arg2[%dma_wait3A_104, %dma_wait3A_105] : memref<50000x128xf32, #tpu.memory_space<hbm>> -> memref<50000x128xf32, #tpu.memory_space<hbm>>
    %dma_wait3A_107 = tpu.memref_slice %arg14[%dma_wait3A_96] : memref<4x!tpu.dma_semaphore, #tpu.memory_space<semaphore_mem>> -> memref<1x!tpu.dma_semaphore, #tpu.memory_space<semaphore_mem>>
    %dma_wait3A_108 = tpu.memref_squeeze %dma_wait3A_107 : memref<1x!tpu.dma_semaphore, #tpu.memory_space<semaphore_mem>> -> memref<!tpu.dma_semaphore, #tpu.memory_space<semaphore_mem>>
    tpu.wait_indirect_dma semaphore(%dma_wait3A_108 : memref<!tpu.dma_semaphore, #tpu.memory_space<semaphore_mem>>) src(%dma_wait3A_106 : memref<50000x128xf32, #tpu.memory_space<hbm>>) dst(%dma_wait3A_100 : memref<64x128xf32, #tpu.memory_space<vmem>>)
    %mul3A_109 = arith.constant 320 : i32
    %mul3A_110 = arith.muli %add3A, %mul3A_109 : i32
    %add3A_111 = arith.constant 0 : i32
    %add3A_112 = arith.addi %mul3A_110, %add3A_111 : i32
    %dma_start3A_113 = arith.constant 0 : i32
    %dma_start3A_114 = arith.constant 0 : i32
    %dma_start3A_115 = arith.constant 0 : i32
    %dma_start3A_116 = arith.constant 0 : i32
    %dma_start3A_117 = tpu.memref_slice %arg9[%dma_start3A_113, %dma_start3A_115, %dma_start3A_116] : memref<4x64x128xf32, #tpu.memory_space<vmem>> -> memref<1x64x128xf32, #tpu.memory_space<vmem>>
    %dma_start3A_118 = tpu.memref_squeeze %dma_start3A_117 : memref<1x64x128xf32, #tpu.memory_space<vmem>> -> memref<64x128xf32, #tpu.memory_space<vmem>>
    %dma_start3A_119 = arith.constant 0 : i32
    %dma_start3A_120 = tpu.memref_slice %arg6[%add3A_112, %dma_start3A_119] : memref<10240x128xf32, #tpu.memory_space<hbm>> -> memref<64x128xf32, #tpu.memory_space<hbm>>
    %dma_start3A_121 = tpu.memref_slice %arg15[%dma_start3A_114] : memref<4x!tpu.dma_semaphore, #tpu.memory_space<semaphore_mem>> -> memref<1x!tpu.dma_semaphore, #tpu.memory_space<semaphore_mem>>
    %dma_start3A_122 = tpu.memref_squeeze %dma_start3A_121 : memref<1x!tpu.dma_semaphore, #tpu.memory_space<semaphore_mem>> -> memref<!tpu.dma_semaphore, #tpu.memory_space<semaphore_mem>>
    %dma_start3A_123 = arith.constant 0 : i32
    %dma_start3A_124 = tpu.memref_slice %arg6[%add3A_112, %dma_start3A_123] : memref<10240x128xf32, #tpu.memory_space<hbm>> -> memref<64x128xf32, #tpu.memory_space<hbm>>
    %dma_start3A_125 = arith.constant 0 : i32
    %dma_start3A_126 = arith.constant 0 : i32
    %dma_start3A_127 = tpu.memref_slice %arg9[%dma_start3A_113, %dma_start3A_125, %dma_start3A_126] : memref<4x64x128xf32, #tpu.memory_space<vmem>> -> memref<1x64x128xf32, #tpu.memory_space<vmem>>
    %dma_start3A_128 = tpu.memref_squeeze %dma_start3A_127 : memref<1x64x128xf32, #tpu.memory_space<vmem>> -> memref<64x128xf32, #tpu.memory_space<vmem>>
    tpu.enqueue_dma source(%dma_start3A_128 : memref<64x128xf32, #tpu.memory_space<vmem>>) target(%dma_start3A_124 : memref<64x128xf32, #tpu.memory_space<hbm>>) target_semaphore(%dma_start3A_122 : memref<!tpu.dma_semaphore, #tpu.memory_space<semaphore_mem>>)
    %mul3A_129 = arith.constant 320 : i32
    %mul3A_130 = arith.muli %add3A, %mul3A_129 : i32
    %add3A_131 = arith.constant 0 : i32
    %add3A_132 = arith.addi %mul3A_130, %add3A_131 : i32
    %dma_wait3A_133 = arith.constant 0 : i32
    %dma_wait3A_134 = arith.constant 0 : i32
    %dma_wait3A_135 = arith.constant 0 : i32
    %dma_wait3A_136 = arith.constant 0 : i32
    %dma_wait3A_137 = tpu.memref_slice %arg9[%dma_wait3A_133, %dma_wait3A_135, %dma_wait3A_136] : memref<4x64x128xf32, #tpu.memory_space<vmem>> -> memref<1x64x128xf32, #tpu.memory_space<vmem>>
    %dma_wait3A_138 = tpu.memref_squeeze %dma_wait3A_137 : memref<1x64x128xf32, #tpu.memory_space<vmem>> -> memref<64x128xf32, #tpu.memory_space<vmem>>
    %dma_wait3A_139 = arith.constant 0 : i32
    %dma_wait3A_140 = tpu.memref_slice %arg6[%add3A_132, %dma_wait3A_139] : memref<10240x128xf32, #tpu.memory_space<hbm>> -> memref<64x128xf32, #tpu.memory_space<hbm>>
    %dma_wait3A_141 = tpu.memref_slice %arg15[%dma_wait3A_134] : memref<4x!tpu.dma_semaphore, #tpu.memory_space<semaphore_mem>> -> memref<1x!tpu.dma_semaphore, #tpu.memory_space<semaphore_mem>>
    %dma_wait3A_142 = tpu.memref_squeeze %dma_wait3A_141 : memref<1x!tpu.dma_semaphore, #tpu.memory_space<semaphore_mem>> -> memref<!tpu.dma_semaphore, #tpu.memory_space<semaphore_mem>>
    %dma_wait3A_143 = arith.constant 0 : i32
    %dma_wait3A_144 = tpu.memref_slice %arg6[%add3A_132, %dma_wait3A_143] : memref<10240x128xf32, #tpu.memory_space<hbm>> -> memref<64x128xf32, #tpu.memory_space<hbm>>
    %dma_wait3A_145 = arith.constant 0 : i32
    %dma_wait3A_146 = arith.constant 0 : i32
    %dma_wait3A_147 = tpu.memref_slice %arg9[%dma_wait3A_133, %dma_wait3A_145, %dma_wait3A_146] : memref<4x64x128xf32, #tpu.memory_space<vmem>> -> memref<1x64x128xf32, #tpu.memory_space<vmem>>
    %dma_wait3A_148 = tpu.memref_squeeze %dma_wait3A_147 : memref<1x64x128xf32, #tpu.memory_space<vmem>> -> memref<64x128xf32, #tpu.memory_space<vmem>>
    tpu.wait_dma2 semaphore(%dma_wait3A_142 : memref<!tpu.dma_semaphore, #tpu.memory_space<semaphore_mem>>) src(%dma_wait3A_148 : memref<64x128xf32, #tpu.memory_space<vmem>>) dst(%dma_wait3A_144 : memref<64x128xf32, #tpu.memory_space<hbm>>)
    %dma_start3A_149 = arith.constant 4 : i32
    %dma_start3A_150 = arith.constant 0 : i32
    %dma_start3A_151 = arith.constant 0 : i32
    %dma_start3A_152 = arith.constant 0 : i32
    %dma_start3A_153 = arith.constant 0 : i32
    %dma_start3A_154 = tpu.memref_slice %arg9[%dma_start3A_150, %dma_start3A_152, %dma_start3A_153] : memref<4x64x128xf32, #tpu.memory_space<vmem>> -> memref<1x64x128xf32, #tpu.memory_space<vmem>>
    %dma_start3A_155 = tpu.memref_squeeze %dma_start3A_154 : memref<1x64x128xf32, #tpu.memory_space<vmem>> -> memref<64x128xf32, #tpu.memory_space<vmem>>
    %dma_start3A_156 = arith.constant 0 : i32
    %dma_start3A_157 = tpu.memref_slice %arg8[%dma_start3A_149, %dma_start3A_156] : memref<5x64xi32, #tpu.memory_space<vmem>> -> memref<1x64xi32, #tpu.memory_space<vmem>>
    %dma_start3A_158 = tpu.memref_squeeze %dma_start3A_157 : memref<1x64xi32, #tpu.memory_space<vmem>> -> memref<64xi32, #tpu.memory_space<vmem>>
    %dma_start3A_159 = arith.constant 0 : i32
    %dma_start3A_160 = arith.constant 0 : i32
    %dma_start3A_161 = tpu.memref_slice %arg2[%dma_start3A_159, %dma_start3A_160] : memref<50000x128xf32, #tpu.memory_space<hbm>> -> memref<50000x128xf32, #tpu.memory_space<hbm>>
    %dma_start3A_162 = tpu.memref_slice %arg14[%dma_start3A_151] : memref<4x!tpu.dma_semaphore, #tpu.memory_space<semaphore_mem>> -> memref<1x!tpu.dma_semaphore, #tpu.memory_space<semaphore_mem>>
    %dma_start3A_163 = tpu.memref_squeeze %dma_start3A_162 : memref<1x!tpu.dma_semaphore, #tpu.memory_space<semaphore_mem>> -> memref<!tpu.dma_semaphore, #tpu.memory_space<semaphore_mem>>
    tpu.enqueue_indirect_dma source(%dma_start3A_161 : memref<50000x128xf32, #tpu.memory_space<hbm>>) target(%dma_start3A_155 : memref<64x128xf32, #tpu.memory_space<vmem>>) offsets(%dma_start3A_158 : memref<64xi32, #tpu.memory_space<vmem>>) semaphore(%dma_start3A_163 : memref<!tpu.dma_semaphore, #tpu.memory_space<semaphore_mem>>)
    %dma_wait3A_164 = arith.constant 1 : i32
    %dma_wait3A_165 = arith.constant 1 : i32
    %dma_wait3A_166 = arith.constant 1 : i32
    %dma_wait3A_167 = arith.constant 0 : i32
    %dma_wait3A_168 = arith.constant 0 : i32
    %dma_wait3A_169 = tpu.memref_slice %arg9[%dma_wait3A_165, %dma_wait3A_167, %dma_wait3A_168] : memref<4x64x128xf32, #tpu.memory_space<vmem>> -> memref<1x64x128xf32, #tpu.memory_space<vmem>>
    %dma_wait3A_170 = tpu.memref_squeeze %dma_wait3A_169 : memref<1x64x128xf32, #tpu.memory_space<vmem>> -> memref<64x128xf32, #tpu.memory_space<vmem>>
    %dma_wait3A_171 = arith.constant 0 : i32
    %dma_wait3A_172 = tpu.memref_slice %arg8[%dma_wait3A_164, %dma_wait3A_171] : memref<5x64xi32, #tpu.memory_space<vmem>> -> memref<1x64xi32, #tpu.memory_space<vmem>>
    %dma_wait3A_173 = tpu.memref_squeeze %dma_wait3A_172 : memref<1x64xi32, #tpu.memory_space<vmem>> -> memref<64xi32, #tpu.memory_space<vmem>>
    %dma_wait3A_174 = arith.constant 0 : i32
    %dma_wait3A_175 = arith.constant 0 : i32
    %dma_wait3A_176 = tpu.memref_slice %arg2[%dma_wait3A_174, %dma_wait3A_175] : memref<50000x128xf32, #tpu.memory_space<hbm>> -> memref<50000x128xf32, #tpu.memory_space<hbm>>
    %dma_wait3A_177 = tpu.memref_slice %arg14[%dma_wait3A_166] : memref<4x!tpu.dma_semaphore, #tpu.memory_space<semaphore_mem>> -> memref<1x!tpu.dma_semaphore, #tpu.memory_space<semaphore_mem>>
    %dma_wait3A_178 = tpu.memref_squeeze %dma_wait3A_177 : memref<1x!tpu.dma_semaphore, #tpu.memory_space<semaphore_mem>> -> memref<!tpu.dma_semaphore, #tpu.memory_space<semaphore_mem>>
    tpu.wait_indirect_dma semaphore(%dma_wait3A_178 : memref<!tpu.dma_semaphore, #tpu.memory_space<semaphore_mem>>) src(%dma_wait3A_176 : memref<50000x128xf32, #tpu.memory_space<hbm>>) dst(%dma_wait3A_170 : memref<64x128xf32, #tpu.memory_space<vmem>>)
    %mul3A_179 = arith.constant 320 : i32
    %mul3A_180 = arith.muli %add3A, %mul3A_179 : i32
    %add3A_181 = arith.constant 64 : i32
    %add3A_182 = arith.addi %mul3A_180, %add3A_181 : i32
    %dma_start3A_183 = arith.constant 1 : i32
    %dma_start3A_184 = arith.constant 1 : i32
    %dma_start3A_185 = arith.constant 0 : i32
    %dma_start3A_186 = arith.constant 0 : i32
    %dma_start3A_187 = tpu.memref_slice %arg9[%dma_start3A_183, %dma_start3A_185, %dma_start3A_186] : memref<4x64x128xf32, #tpu.memory_space<vmem>> -> memref<1x64x128xf32, #tpu.memory_space<vmem>>
    %dma_start3A_188 = tpu.memref_squeeze %dma_start3A_187 : memref<1x64x128xf32, #tpu.memory_space<vmem>> -> memref<64x128xf32, #tpu.memory_space<vmem>>
    %dma_start3A_189 = arith.constant 0 : i32
    %dma_start3A_190 = tpu.memref_slice %arg6[%add3A_182, %dma_start3A_189] : memref<10240x128xf32, #tpu.memory_space<hbm>> -> memref<64x128xf32, #tpu.memory_space<hbm>>
    %dma_start3A_191 = tpu.memref_slice %arg15[%dma_start3A_184] : memref<4x!tpu.dma_semaphore, #tpu.memory_space<semaphore_mem>> -> memref<1x!tpu.dma_semaphore, #tpu.memory_space<semaphore_mem>>
    %dma_start3A_192 = tpu.memref_squeeze %dma_start3A_191 : memref<1x!tpu.dma_semaphore, #tpu.memory_space<semaphore_mem>> -> memref<!tpu.dma_semaphore, #tpu.memory_space<semaphore_mem>>
    %dma_start3A_193 = arith.constant 0 : i32
    %dma_start3A_194 = tpu.memref_slice %arg6[%add3A_182, %dma_start3A_193] : memref<10240x128xf32, #tpu.memory_space<hbm>> -> memref<64x128xf32, #tpu.memory_space<hbm>>
    %dma_start3A_195 = arith.constant 0 : i32
    %dma_start3A_196 = arith.constant 0 : i32
    %dma_start3A_197 = tpu.memref_slice %arg9[%dma_start3A_183, %dma_start3A_195, %dma_start3A_196] : memref<4x64x128xf32, #tpu.memory_space<vmem>> -> memref<1x64x128xf32, #tpu.memory_space<vmem>>
    %dma_start3A_198 = tpu.memref_squeeze %dma_start3A_197 : memref<1x64x128xf32, #tpu.memory_space<vmem>> -> memref<64x128xf32, #tpu.memory_space<vmem>>
    tpu.enqueue_dma source(%dma_start3A_198 : memref<64x128xf32, #tpu.memory_space<vmem>>) target(%dma_start3A_194 : memref<64x128xf32, #tpu.memory_space<hbm>>) target_semaphore(%dma_start3A_192 : memref<!tpu.dma_semaphore, #tpu.memory_space<semaphore_mem>>)
    %dma_wait3A_199 = arith.constant 2 : i32
    %dma_wait3A_200 = arith.constant 2 : i32
    %dma_wait3A_201 = arith.constant 2 : i32
    %dma_wait3A_202 = arith.constant 0 : i32
    %dma_wait3A_203 = arith.constant 0 : i32
    %dma_wait3A_204 = tpu.memref_slice %arg9[%dma_wait3A_200, %dma_wait3A_202, %dma_wait3A_203] : memref<4x64x128xf32, #tpu.memory_space<vmem>> -> memref<1x64x128xf32, #tpu.memory_space<vmem>>
    %dma_wait3A_205 = tpu.memref_squeeze %dma_wait3A_204 : memref<1x64x128xf32, #tpu.memory_space<vmem>> -> memref<64x128xf32, #tpu.memory_space<vmem>>
    %dma_wait3A_206 = arith.constant 0 : i32
    %dma_wait3A_207 = tpu.memref_slice %arg8[%dma_wait3A_199, %dma_wait3A_206] : memref<5x64xi32, #tpu.memory_space<vmem>> -> memref<1x64xi32, #tpu.memory_space<vmem>>
    %dma_wait3A_208 = tpu.memref_squeeze %dma_wait3A_207 : memref<1x64xi32, #tpu.memory_space<vmem>> -> memref<64xi32, #tpu.memory_space<vmem>>
    %dma_wait3A_209 = arith.constant 0 : i32
    %dma_wait3A_210 = arith.constant 0 : i32
    %dma_wait3A_211 = tpu.memref_slice %arg2[%dma_wait3A_209, %dma_wait3A_210] : memref<50000x128xf32, #tpu.memory_space<hbm>> -> memref<50000x128xf32, #tpu.memory_space<hbm>>
    %dma_wait3A_212 = tpu.memref_slice %arg14[%dma_wait3A_201] : memref<4x!tpu.dma_semaphore, #tpu.memory_space<semaphore_mem>> -> memref<1x!tpu.dma_semaphore, #tpu.memory_space<semaphore_mem>>
    %dma_wait3A_213 = tpu.memref_squeeze %dma_wait3A_212 : memref<1x!tpu.dma_semaphore, #tpu.memory_space<semaphore_mem>> -> memref<!tpu.dma_semaphore, #tpu.memory_space<semaphore_mem>>
    tpu.wait_indirect_dma semaphore(%dma_wait3A_213 : memref<!tpu.dma_semaphore, #tpu.memory_space<semaphore_mem>>) src(%dma_wait3A_211 : memref<50000x128xf32, #tpu.memory_space<hbm>>) dst(%dma_wait3A_205 : memref<64x128xf32, #tpu.memory_space<vmem>>)
    %mul3A_214 = arith.constant 320 : i32
    %mul3A_215 = arith.muli %add3A, %mul3A_214 : i32
    %add3A_216 = arith.constant 128 : i32
    %add3A_217 = arith.addi %mul3A_215, %add3A_216 : i32
    %dma_start3A_218 = arith.constant 2 : i32
    %dma_start3A_219 = arith.constant 2 : i32
    %dma_start3A_220 = arith.constant 0 : i32
    %dma_start3A_221 = arith.constant 0 : i32
    %dma_start3A_222 = tpu.memref_slice %arg9[%dma_start3A_218, %dma_start3A_220, %dma_start3A_221] : memref<4x64x128xf32, #tpu.memory_space<vmem>> -> memref<1x64x128xf32, #tpu.memory_space<vmem>>
    %dma_start3A_223 = tpu.memref_squeeze %dma_start3A_222 : memref<1x64x128xf32, #tpu.memory_space<vmem>> -> memref<64x128xf32, #tpu.memory_space<vmem>>
    %dma_start3A_224 = arith.constant 0 : i32
    %dma_start3A_225 = tpu.memref_slice %arg6[%add3A_217, %dma_start3A_224] : memref<10240x128xf32, #tpu.memory_space<hbm>> -> memref<64x128xf32, #tpu.memory_space<hbm>>
    %dma_start3A_226 = tpu.memref_slice %arg15[%dma_start3A_219] : memref<4x!tpu.dma_semaphore, #tpu.memory_space<semaphore_mem>> -> memref<1x!tpu.dma_semaphore, #tpu.memory_space<semaphore_mem>>
    %dma_start3A_227 = tpu.memref_squeeze %dma_start3A_226 : memref<1x!tpu.dma_semaphore, #tpu.memory_space<semaphore_mem>> -> memref<!tpu.dma_semaphore, #tpu.memory_space<semaphore_mem>>
    %dma_start3A_228 = arith.constant 0 : i32
    %dma_start3A_229 = tpu.memref_slice %arg6[%add3A_217, %dma_start3A_228] : memref<10240x128xf32, #tpu.memory_space<hbm>> -> memref<64x128xf32, #tpu.memory_space<hbm>>
    %dma_start3A_230 = arith.constant 0 : i32
    %dma_start3A_231 = arith.constant 0 : i32
    %dma_start3A_232 = tpu.memref_slice %arg9[%dma_start3A_218, %dma_start3A_230, %dma_start3A_231] : memref<4x64x128xf32, #tpu.memory_space<vmem>> -> memref<1x64x128xf32, #tpu.memory_space<vmem>>
    %dma_start3A_233 = tpu.memref_squeeze %dma_start3A_232 : memref<1x64x128xf32, #tpu.memory_space<vmem>> -> memref<64x128xf32, #tpu.memory_space<vmem>>
    tpu.enqueue_dma source(%dma_start3A_233 : memref<64x128xf32, #tpu.memory_space<vmem>>) target(%dma_start3A_229 : memref<64x128xf32, #tpu.memory_space<hbm>>) target_semaphore(%dma_start3A_227 : memref<!tpu.dma_semaphore, #tpu.memory_space<semaphore_mem>>)
    %dma_wait3A_234 = arith.constant 3 : i32
    %dma_wait3A_235 = arith.constant 3 : i32
    %dma_wait3A_236 = arith.constant 3 : i32
    %dma_wait3A_237 = arith.constant 0 : i32
    %dma_wait3A_238 = arith.constant 0 : i32
    %dma_wait3A_239 = tpu.memref_slice %arg9[%dma_wait3A_235, %dma_wait3A_237, %dma_wait3A_238] : memref<4x64x128xf32, #tpu.memory_space<vmem>> -> memref<1x64x128xf32, #tpu.memory_space<vmem>>
    %dma_wait3A_240 = tpu.memref_squeeze %dma_wait3A_239 : memref<1x64x128xf32, #tpu.memory_space<vmem>> -> memref<64x128xf32, #tpu.memory_space<vmem>>
    %dma_wait3A_241 = arith.constant 0 : i32
    %dma_wait3A_242 = tpu.memref_slice %arg8[%dma_wait3A_234, %dma_wait3A_241] : memref<5x64xi32, #tpu.memory_space<vmem>> -> memref<1x64xi32, #tpu.memory_space<vmem>>
    %dma_wait3A_243 = tpu.memref_squeeze %dma_wait3A_242 : memref<1x64xi32, #tpu.memory_space<vmem>> -> memref<64xi32, #tpu.memory_space<vmem>>
    %dma_wait3A_244 = arith.constant 0 : i32
    %dma_wait3A_245 = arith.constant 0 : i32
    %dma_wait3A_246 = tpu.memref_slice %arg2[%dma_wait3A_244, %dma_wait3A_245] : memref<50000x128xf32, #tpu.memory_space<hbm>> -> memref<50000x128xf32, #tpu.memory_space<hbm>>
    %dma_wait3A_247 = tpu.memref_slice %arg14[%dma_wait3A_236] : memref<4x!tpu.dma_semaphore, #tpu.memory_space<semaphore_mem>> -> memref<1x!tpu.dma_semaphore, #tpu.memory_space<semaphore_mem>>
    %dma_wait3A_248 = tpu.memref_squeeze %dma_wait3A_247 : memref<1x!tpu.dma_semaphore, #tpu.memory_space<semaphore_mem>> -> memref<!tpu.dma_semaphore, #tpu.memory_space<semaphore_mem>>
    tpu.wait_indirect_dma semaphore(%dma_wait3A_248 : memref<!tpu.dma_semaphore, #tpu.memory_space<semaphore_mem>>) src(%dma_wait3A_246 : memref<50000x128xf32, #tpu.memory_space<hbm>>) dst(%dma_wait3A_240 : memref<64x128xf32, #tpu.memory_space<vmem>>)
    %mul3A_249 = arith.constant 320 : i32
    %mul3A_250 = arith.muli %add3A, %mul3A_249 : i32
    %add3A_251 = arith.constant 192 : i32
    %add3A_252 = arith.addi %mul3A_250, %add3A_251 : i32
    %dma_start3A_253 = arith.constant 3 : i32
    %dma_start3A_254 = arith.constant 3 : i32
    %dma_start3A_255 = arith.constant 0 : i32
    %dma_start3A_256 = arith.constant 0 : i32
    %dma_start3A_257 = tpu.memref_slice %arg9[%dma_start3A_253, %dma_start3A_255, %dma_start3A_256] : memref<4x64x128xf32, #tpu.memory_space<vmem>> -> memref<1x64x128xf32, #tpu.memory_space<vmem>>
    %dma_start3A_258 = tpu.memref_squeeze %dma_start3A_257 : memref<1x64x128xf32, #tpu.memory_space<vmem>> -> memref<64x128xf32, #tpu.memory_space<vmem>>
    %dma_start3A_259 = arith.constant 0 : i32
    %dma_start3A_260 = tpu.memref_slice %arg6[%add3A_252, %dma_start3A_259] : memref<10240x128xf32, #tpu.memory_space<hbm>> -> memref<64x128xf32, #tpu.memory_space<hbm>>
    %dma_start3A_261 = tpu.memref_slice %arg15[%dma_start3A_254] : memref<4x!tpu.dma_semaphore, #tpu.memory_space<semaphore_mem>> -> memref<1x!tpu.dma_semaphore, #tpu.memory_space<semaphore_mem>>
    %dma_start3A_262 = tpu.memref_squeeze %dma_start3A_261 : memref<1x!tpu.dma_semaphore, #tpu.memory_space<semaphore_mem>> -> memref<!tpu.dma_semaphore, #tpu.memory_space<semaphore_mem>>
    %dma_start3A_263 = arith.constant 0 : i32
    %dma_start3A_264 = tpu.memref_slice %arg6[%add3A_252, %dma_start3A_263] : memref<10240x128xf32, #tpu.memory_space<hbm>> -> memref<64x128xf32, #tpu.memory_space<hbm>>
    %dma_start3A_265 = arith.constant 0 : i32
    %dma_start3A_266 = arith.constant 0 : i32
    %dma_start3A_267 = tpu.memref_slice %arg9[%dma_start3A_253, %dma_start3A_265, %dma_start3A_266] : memref<4x64x128xf32, #tpu.memory_space<vmem>> -> memref<1x64x128xf32, #tpu.memory_space<vmem>>
    %dma_start3A_268 = tpu.memref_squeeze %dma_start3A_267 : memref<1x64x128xf32, #tpu.memory_space<vmem>> -> memref<64x128xf32, #tpu.memory_space<vmem>>
    tpu.enqueue_dma source(%dma_start3A_268 : memref<64x128xf32, #tpu.memory_space<vmem>>) target(%dma_start3A_264 : memref<64x128xf32, #tpu.memory_space<hbm>>) target_semaphore(%dma_start3A_262 : memref<!tpu.dma_semaphore, #tpu.memory_space<semaphore_mem>>)
    %dma_wait3A_269 = arith.constant 4 : i32
    %dma_wait3A_270 = arith.constant 0 : i32
    %dma_wait3A_271 = arith.constant 0 : i32
    %dma_wait3A_272 = arith.constant 0 : i32
    %dma_wait3A_273 = arith.constant 0 : i32
    %dma_wait3A_274 = tpu.memref_slice %arg9[%dma_wait3A_270, %dma_wait3A_272, %dma_wait3A_273] : memref<4x64x128xf32, #tpu.memory_space<vmem>> -> memref<1x64x128xf32, #tpu.memory_space<vmem>>
    %dma_wait3A_275 = tpu.memref_squeeze %dma_wait3A_274 : memref<1x64x128xf32, #tpu.memory_space<vmem>> -> memref<64x128xf32, #tpu.memory_space<vmem>>
    %dma_wait3A_276 = arith.constant 0 : i32
    %dma_wait3A_277 = tpu.memref_slice %arg8[%dma_wait3A_269, %dma_wait3A_276] : memref<5x64xi32, #tpu.memory_space<vmem>> -> memref<1x64xi32, #tpu.memory_space<vmem>>
    %dma_wait3A_278 = tpu.memref_squeeze %dma_wait3A_277 : memref<1x64xi32, #tpu.memory_space<vmem>> -> memref<64xi32, #tpu.memory_space<vmem>>
    %dma_wait3A_279 = arith.constant 0 : i32
    %dma_wait3A_280 = arith.constant 0 : i32
    %dma_wait3A_281 = tpu.memref_slice %arg2[%dma_wait3A_279, %dma_wait3A_280] : memref<50000x128xf32, #tpu.memory_space<hbm>> -> memref<50000x128xf32, #tpu.memory_space<hbm>>
    %dma_wait3A_282 = tpu.memref_slice %arg14[%dma_wait3A_271] : memref<4x!tpu.dma_semaphore, #tpu.memory_space<semaphore_mem>> -> memref<1x!tpu.dma_semaphore, #tpu.memory_space<semaphore_mem>>
    %dma_wait3A_283 = tpu.memref_squeeze %dma_wait3A_282 : memref<1x!tpu.dma_semaphore, #tpu.memory_space<semaphore_mem>> -> memref<!tpu.dma_semaphore, #tpu.memory_space<semaphore_mem>>
    tpu.wait_indirect_dma semaphore(%dma_wait3A_283 : memref<!tpu.dma_semaphore, #tpu.memory_space<semaphore_mem>>) src(%dma_wait3A_281 : memref<50000x128xf32, #tpu.memory_space<hbm>>) dst(%dma_wait3A_275 : memref<64x128xf32, #tpu.memory_space<vmem>>)
    %mul3A_284 = arith.constant 320 : i32
    %mul3A_285 = arith.muli %add3A, %mul3A_284 : i32
    %add3A_286 = arith.constant 256 : i32
    %add3A_287 = arith.addi %mul3A_285, %add3A_286 : i32
    %dma_start3A_288 = arith.constant 0 : i32
    %dma_start3A_289 = arith.constant 0 : i32
    %dma_start3A_290 = arith.constant 0 : i32
    %dma_start3A_291 = arith.constant 0 : i32
    %dma_start3A_292 = tpu.memref_slice %arg9[%dma_start3A_288, %dma_start3A_290, %dma_start3A_291] : memref<4x64x128xf32, #tpu.memory_space<vmem>> -> memref<1x64x128xf32, #tpu.memory_space<vmem>>
    %dma_start3A_293 = tpu.memref_squeeze %dma_start3A_292 : memref<1x64x128xf32, #tpu.memory_space<vmem>> -> memref<64x128xf32, #tpu.memory_space<vmem>>
    %dma_start3A_294 = arith.constant 0 : i32
    %dma_start3A_295 = tpu.memref_slice %arg6[%add3A_287, %dma_start3A_294] : memref<10240x128xf32, #tpu.memory_space<hbm>> -> memref<64x128xf32, #tpu.memory_space<hbm>>
    %dma_start3A_296 = tpu.memref_slice %arg15[%dma_start3A_289] : memref<4x!tpu.dma_semaphore, #tpu.memory_space<semaphore_mem>> -> memref<1x!tpu.dma_semaphore, #tpu.memory_space<semaphore_mem>>
    %dma_start3A_297 = tpu.memref_squeeze %dma_start3A_296 : memref<1x!tpu.dma_semaphore, #tpu.memory_space<semaphore_mem>> -> memref<!tpu.dma_semaphore, #tpu.memory_space<semaphore_mem>>
    %dma_start3A_298 = arith.constant 0 : i32
    %dma_start3A_299 = tpu.memref_slice %arg6[%add3A_287, %dma_start3A_298] : memref<10240x128xf32, #tpu.memory_space<hbm>> -> memref<64x128xf32, #tpu.memory_space<hbm>>
    %dma_start3A_300 = arith.constant 0 : i32
    %dma_start3A_301 = arith.constant 0 : i32
    %dma_start3A_302 = tpu.memref_slice %arg9[%dma_start3A_288, %dma_start3A_300, %dma_start3A_301] : memref<4x64x128xf32, #tpu.memory_space<vmem>> -> memref<1x64x128xf32, #tpu.memory_space<vmem>>
    %dma_start3A_303 = tpu.memref_squeeze %dma_start3A_302 : memref<1x64x128xf32, #tpu.memory_space<vmem>> -> memref<64x128xf32, #tpu.memory_space<vmem>>
    tpu.enqueue_dma source(%dma_start3A_303 : memref<64x128xf32, #tpu.memory_space<vmem>>) target(%dma_start3A_299 : memref<64x128xf32, #tpu.memory_space<hbm>>) target_semaphore(%dma_start3A_297 : memref<!tpu.dma_semaphore, #tpu.memory_space<semaphore_mem>>)
    %mul3A_304 = arith.constant 320 : i32
    %mul3A_305 = arith.muli %add3A, %mul3A_304 : i32
    %add3A_306 = arith.constant 64 : i32
    %add3A_307 = arith.addi %mul3A_305, %add3A_306 : i32
    %dma_wait3A_308 = arith.constant 1 : i32
    %dma_wait3A_309 = arith.constant 1 : i32
    %dma_wait3A_310 = arith.constant 0 : i32
    %dma_wait3A_311 = arith.constant 0 : i32
    %dma_wait3A_312 = tpu.memref_slice %arg9[%dma_wait3A_308, %dma_wait3A_310, %dma_wait3A_311] : memref<4x64x128xf32, #tpu.memory_space<vmem>> -> memref<1x64x128xf32, #tpu.memory_space<vmem>>
    %dma_wait3A_313 = tpu.memref_squeeze %dma_wait3A_312 : memref<1x64x128xf32, #tpu.memory_space<vmem>> -> memref<64x128xf32, #tpu.memory_space<vmem>>
    %dma_wait3A_314 = arith.constant 0 : i32
    %dma_wait3A_315 = tpu.memref_slice %arg6[%add3A_307, %dma_wait3A_314] : memref<10240x128xf32, #tpu.memory_space<hbm>> -> memref<64x128xf32, #tpu.memory_space<hbm>>
    %dma_wait3A_316 = tpu.memref_slice %arg15[%dma_wait3A_309] : memref<4x!tpu.dma_semaphore, #tpu.memory_space<semaphore_mem>> -> memref<1x!tpu.dma_semaphore, #tpu.memory_space<semaphore_mem>>
    %dma_wait3A_317 = tpu.memref_squeeze %dma_wait3A_316 : memref<1x!tpu.dma_semaphore, #tpu.memory_space<semaphore_mem>> -> memref<!tpu.dma_semaphore, #tpu.memory_space<semaphore_mem>>
    %dma_wait3A_318 = arith.constant 0 : i32
    %dma_wait3A_319 = tpu.memref_slice %arg6[%add3A_307, %dma_wait3A_318] : memref<10240x128xf32, #tpu.memory_space<hbm>> -> memref<64x128xf32, #tpu.memory_space<hbm>>
    %dma_wait3A_320 = arith.constant 0 : i32
    %dma_wait3A_321 = arith.constant 0 : i32
    %dma_wait3A_322 = tpu.memref_slice %arg9[%dma_wait3A_308, %dma_wait3A_320, %dma_wait3A_321] : memref<4x64x128xf32, #tpu.memory_space<vmem>> -> memref<1x64x128xf32, #tpu.memory_space<vmem>>
    %dma_wait3A_323 = tpu.memref_squeeze %dma_wait3A_322 : memref<1x64x128xf32, #tpu.memory_space<vmem>> -> memref<64x128xf32, #tpu.memory_space<vmem>>
    tpu.wait_dma2 semaphore(%dma_wait3A_317 : memref<!tpu.dma_semaphore, #tpu.memory_space<semaphore_mem>>) src(%dma_wait3A_323 : memref<64x128xf32, #tpu.memory_space<vmem>>) dst(%dma_wait3A_319 : memref<64x128xf32, #tpu.memory_space<hbm>>)
    %mul3A_324 = arith.constant 320 : i32
    %mul3A_325 = arith.muli %add3A, %mul3A_324 : i32
    %add3A_326 = arith.constant 128 : i32
    %add3A_327 = arith.addi %mul3A_325, %add3A_326 : i32
    %dma_wait3A_328 = arith.constant 2 : i32
    %dma_wait3A_329 = arith.constant 2 : i32
    %dma_wait3A_330 = arith.constant 0 : i32
    %dma_wait3A_331 = arith.constant 0 : i32
    %dma_wait3A_332 = tpu.memref_slice %arg9[%dma_wait3A_328, %dma_wait3A_330, %dma_wait3A_331] : memref<4x64x128xf32, #tpu.memory_space<vmem>> -> memref<1x64x128xf32, #tpu.memory_space<vmem>>
    %dma_wait3A_333 = tpu.memref_squeeze %dma_wait3A_332 : memref<1x64x128xf32, #tpu.memory_space<vmem>> -> memref<64x128xf32, #tpu.memory_space<vmem>>
    %dma_wait3A_334 = arith.constant 0 : i32
    %dma_wait3A_335 = tpu.memref_slice %arg6[%add3A_327, %dma_wait3A_334] : memref<10240x128xf32, #tpu.memory_space<hbm>> -> memref<64x128xf32, #tpu.memory_space<hbm>>
    %dma_wait3A_336 = tpu.memref_slice %arg15[%dma_wait3A_329] : memref<4x!tpu.dma_semaphore, #tpu.memory_space<semaphore_mem>> -> memref<1x!tpu.dma_semaphore, #tpu.memory_space<semaphore_mem>>
    %dma_wait3A_337 = tpu.memref_squeeze %dma_wait3A_336 : memref<1x!tpu.dma_semaphore, #tpu.memory_space<semaphore_mem>> -> memref<!tpu.dma_semaphore, #tpu.memory_space<semaphore_mem>>
    %dma_wait3A_338 = arith.constant 0 : i32
    %dma_wait3A_339 = tpu.memref_slice %arg6[%add3A_327, %dma_wait3A_338] : memref<10240x128xf32, #tpu.memory_space<hbm>> -> memref<64x128xf32, #tpu.memory_space<hbm>>
    %dma_wait3A_340 = arith.constant 0 : i32
    %dma_wait3A_341 = arith.constant 0 : i32
    %dma_wait3A_342 = tpu.memref_slice %arg9[%dma_wait3A_328, %dma_wait3A_340, %dma_wait3A_341] : memref<4x64x128xf32, #tpu.memory_space<vmem>> -> memref<1x64x128xf32, #tpu.memory_space<vmem>>
    %dma_wait3A_343 = tpu.memref_squeeze %dma_wait3A_342 : memref<1x64x128xf32, #tpu.memory_space<vmem>> -> memref<64x128xf32, #tpu.memory_space<vmem>>
    tpu.wait_dma2 semaphore(%dma_wait3A_337 : memref<!tpu.dma_semaphore, #tpu.memory_space<semaphore_mem>>) src(%dma_wait3A_343 : memref<64x128xf32, #tpu.memory_space<vmem>>) dst(%dma_wait3A_339 : memref<64x128xf32, #tpu.memory_space<hbm>>)
    %mul3A_344 = arith.constant 320 : i32
    %mul3A_345 = arith.muli %add3A, %mul3A_344 : i32
    %add3A_346 = arith.constant 192 : i32
    %add3A_347 = arith.addi %mul3A_345, %add3A_346 : i32
    %dma_wait3A_348 = arith.constant 3 : i32
    %dma_wait3A_349 = arith.constant 3 : i32
    %dma_wait3A_350 = arith.constant 0 : i32
    %dma_wait3A_351 = arith.constant 0 : i32
    %dma_wait3A_352 = tpu.memref_slice %arg9[%dma_wait3A_348, %dma_wait3A_350, %dma_wait3A_351] : memref<4x64x128xf32, #tpu.memory_space<vmem>> -> memref<1x64x128xf32, #tpu.memory_space<vmem>>
    %dma_wait3A_353 = tpu.memref_squeeze %dma_wait3A_352 : memref<1x64x128xf32, #tpu.memory_space<vmem>> -> memref<64x128xf32, #tpu.memory_space<vmem>>
    %dma_wait3A_354 = arith.constant 0 : i32
    %dma_wait3A_355 = tpu.memref_slice %arg6[%add3A_347, %dma_wait3A_354] : memref<10240x128xf32, #tpu.memory_space<hbm>> -> memref<64x128xf32, #tpu.memory_space<hbm>>
    %dma_wait3A_356 = tpu.memref_slice %arg15[%dma_wait3A_349] : memref<4x!tpu.dma_semaphore, #tpu.memory_space<semaphore_mem>> -> memref<1x!tpu.dma_semaphore, #tpu.memory_space<semaphore_mem>>
    %dma_wait3A_357 = tpu.memref_squeeze %dma_wait3A_356 : memref<1x!tpu.dma_semaphore, #tpu.memory_space<semaphore_mem>> -> memref<!tpu.dma_semaphore, #tpu.memory_space<semaphore_mem>>
    %dma_wait3A_358 = arith.constant 0 : i32
    %dma_wait3A_359 = tpu.memref_slice %arg6[%add3A_347, %dma_wait3A_358] : memref<10240x128xf32, #tpu.memory_space<hbm>> -> memref<64x128xf32, #tpu.memory_space<hbm>>
    %dma_wait3A_360 = arith.constant 0 : i32
    %dma_wait3A_361 = arith.constant 0 : i32
    %dma_wait3A_362 = tpu.memref_slice %arg9[%dma_wait3A_348, %dma_wait3A_360, %dma_wait3A_361] : memref<4x64x128xf32, #tpu.memory_space<vmem>> -> memref<1x64x128xf32, #tpu.memory_space<vmem>>
    %dma_wait3A_363 = tpu.memref_squeeze %dma_wait3A_362 : memref<1x64x128xf32, #tpu.memory_space<vmem>> -> memref<64x128xf32, #tpu.memory_space<vmem>>
    tpu.wait_dma2 semaphore(%dma_wait3A_357 : memref<!tpu.dma_semaphore, #tpu.memory_space<semaphore_mem>>) src(%dma_wait3A_363 : memref<64x128xf32, #tpu.memory_space<vmem>>) dst(%dma_wait3A_359 : memref<64x128xf32, #tpu.memory_space<hbm>>)
    %mul3A_364 = arith.constant 320 : i32
    %mul3A_365 = arith.muli %add3A, %mul3A_364 : i32
    %add3A_366 = arith.constant 256 : i32
    %add3A_367 = arith.addi %mul3A_365, %add3A_366 : i32
    %dma_wait3A_368 = arith.constant 0 : i32
    %dma_wait3A_369 = arith.constant 0 : i32
    %dma_wait3A_370 = arith.constant 0 : i32
    %dma_wait3A_371 = arith.constant 0 : i32
    %dma_wait3A_372 = tpu.memref_slice %arg9[%dma_wait3A_368, %dma_wait3A_370, %dma_wait3A_371] : memref<4x64x128xf32, #tpu.memory_space<vmem>> -> memref<1x64x128xf32, #tpu.memory_space<vmem>>
    %dma_wait3A_373 = tpu.memref_squeeze %dma_wait3A_372 : memref<1x64x128xf32, #tpu.memory_space<vmem>> -> memref<64x128xf32, #tpu.memory_space<vmem>>
    %dma_wait3A_374 = arith.constant 0 : i32
    %dma_wait3A_375 = tpu.memref_slice %arg6[%add3A_367, %dma_wait3A_374] : memref<10240x128xf32, #tpu.memory_space<hbm>> -> memref<64x128xf32, #tpu.memory_space<hbm>>
    %dma_wait3A_376 = tpu.memref_slice %arg15[%dma_wait3A_369] : memref<4x!tpu.dma_semaphore, #tpu.memory_space<semaphore_mem>> -> memref<1x!tpu.dma_semaphore, #tpu.memory_space<semaphore_mem>>
    %dma_wait3A_377 = tpu.memref_squeeze %dma_wait3A_376 : memref<1x!tpu.dma_semaphore, #tpu.memory_space<semaphore_mem>> -> memref<!tpu.dma_semaphore, #tpu.memory_space<semaphore_mem>>
    %dma_wait3A_378 = arith.constant 0 : i32
    %dma_wait3A_379 = tpu.memref_slice %arg6[%add3A_367, %dma_wait3A_378] : memref<10240x128xf32, #tpu.memory_space<hbm>> -> memref<64x128xf32, #tpu.memory_space<hbm>>
    %dma_wait3A_380 = arith.constant 0 : i32
    %dma_wait3A_381 = arith.constant 0 : i32
    %dma_wait3A_382 = tpu.memref_slice %arg9[%dma_wait3A_368, %dma_wait3A_380, %dma_wait3A_381] : memref<4x64x128xf32, #tpu.memory_space<vmem>> -> memref<1x64x128xf32, #tpu.memory_space<vmem>>
    %dma_wait3A_383 = tpu.memref_squeeze %dma_wait3A_382 : memref<1x64x128xf32, #tpu.memory_space<vmem>> -> memref<64x128xf32, #tpu.memory_space<vmem>>
    tpu.wait_dma2 semaphore(%dma_wait3A_377 : memref<!tpu.dma_semaphore, #tpu.memory_space<semaphore_mem>>) src(%dma_wait3A_383 : memref<64x128xf32, #tpu.memory_space<vmem>>) dst(%dma_wait3A_379 : memref<64x128xf32, #tpu.memory_space<hbm>>)
    %add3A_384 = arith.constant 0 : i32
    %add3A_385 = arith.addi %select_n3A, %add3A_384 : i32
    %dma_wait3A_386 = arith.constant 0 : i32
    %dma_wait3A_387 = arith.constant 0 : i32
    %dma_wait3A_388 = arith.constant 0 : i32
    %dma_wait3A_389 = arith.constant 0 : i32
    %dma_wait3A_390 = tpu.memref_slice %arg10[%dma_wait3A_386, %dma_wait3A_388, %dma_wait3A_389] : memref<2x6x128xi32, #tpu.memory_space<vmem>> -> memref<1x6x128xi32, #tpu.memory_space<vmem>>
    %dma_wait3A_391 = tpu.memref_squeeze %dma_wait3A_390 : memref<1x6x128xi32, #tpu.memory_space<vmem>> -> memref<6x128xi32, #tpu.memory_space<vmem>>
    %dma_wait3A_392 = arith.constant 0 : i32
    %dma_wait3A_393 = arith.constant 0 : i32
    %dma_wait3A_394 = tpu.memref_slice %arg4[%add3A_385, %dma_wait3A_392, %dma_wait3A_393] : memref<1264x6x128xi32, #tpu.memory_space<hbm>> -> memref<1x6x128xi32, #tpu.memory_space<hbm>>
    %dma_wait3A_395 = tpu.memref_squeeze %dma_wait3A_394 : memref<1x6x128xi32, #tpu.memory_space<hbm>> -> memref<6x128xi32, #tpu.memory_space<hbm>>
    %dma_wait3A_396 = tpu.memref_slice %arg16[%dma_wait3A_387] : memref<2x!tpu.dma_semaphore, #tpu.memory_space<semaphore_mem>> -> memref<1x!tpu.dma_semaphore, #tpu.memory_space<semaphore_mem>>
    %dma_wait3A_397 = tpu.memref_squeeze %dma_wait3A_396 : memref<1x!tpu.dma_semaphore, #tpu.memory_space<semaphore_mem>> -> memref<!tpu.dma_semaphore, #tpu.memory_space<semaphore_mem>>
    %dma_wait3A_398 = arith.constant 0 : i32
    %dma_wait3A_399 = arith.constant 0 : i32
    %dma_wait3A_400 = tpu.memref_slice %arg10[%dma_wait3A_386, %dma_wait3A_398, %dma_wait3A_399] : memref<2x6x128xi32, #tpu.memory_space<vmem>> -> memref<1x6x128xi32, #tpu.memory_space<vmem>>
    %dma_wait3A_401 = tpu.memref_squeeze %dma_wait3A_400 : memref<1x6x128xi32, #tpu.memory_space<vmem>> -> memref<6x128xi32, #tpu.memory_space<vmem>>
    %dma_wait3A_402 = arith.constant 0 : i32
    %dma_wait3A_403 = arith.constant 0 : i32
    %dma_wait3A_404 = tpu.memref_slice %arg4[%add3A_385, %dma_wait3A_402, %dma_wait3A_403] : memref<1264x6x128xi32, #tpu.memory_space<hbm>> -> memref<1x6x128xi32, #tpu.memory_space<hbm>>
    %dma_wait3A_405 = tpu.memref_squeeze %dma_wait3A_404 : memref<1x6x128xi32, #tpu.memory_space<hbm>> -> memref<6x128xi32, #tpu.memory_space<hbm>>
    tpu.wait_dma2 semaphore(%dma_wait3A_397 : memref<!tpu.dma_semaphore, #tpu.memory_space<semaphore_mem>>) src(%dma_wait3A_405 : memref<6x128xi32, #tpu.memory_space<hbm>>) dst(%dma_wait3A_401 : memref<6x128xi32, #tpu.memory_space<vmem>>)
    %barrier3A = arith.constant 0 : index
    tpu.barrier barrier_id(%barrier3A)
    %while3A = arith.constant 0 : i32
    %while3A_406 = arith.constant 0 : i32
    %while3A_407 = arith.subi %select_n3A_11, %while3A_406 : i32
    %while3A_408 = arith.addi %while3A_406, %while3A_407 : i32
    %while3A_409 = arith.constant 1 : i32
    %while3A_410 = arith.divsi %while3A_407, %while3A_409 : i32
    %while3A_411 = arith.muli %while3A_410, %while3A_409 : i32
    %while3A_412 = arith.addi %while3A_406, %while3A_411 : i32
    %while3A_413 = arith.constant 1 : i32
    scf.for %while3A_416 = %while3A_406 to %while3A_412 step %while3A_413  : i32 {
      %and3A = arith.constant 1 : i32
      %and3A_417 = arith.andi %while3A_416, %and3A : i32
      %sub3A = arith.constant 1 : i32
      %sub3A_418 = arith.subi %sub3A, %and3A_417 : i32
      %add3A_419 = arith.constant 1 : i32
      %add3A_420 = arith.addi %while3A_416, %add3A_419 : i32
      %lt3A = arith.cmpi slt, %add3A_420, %select_n3A_11 : i32
      %convert_element_type3A = arith.extui %lt3A : i1 to i32
      %cond3A = arith.constant 0 : i32
      %cond3A_421 = arith.cmpi ne, %convert_element_type3A, %cond3A : i32
      scf.if %cond3A_421 {
        %add3A_472 = arith.constant 1 : i32
        %add3A_473 = arith.addi %while3A_416, %add3A_472 : i32
        %add3A_474 = arith.addi %select_n3A, %add3A_473 : i32
        %dma_start3A_475 = arith.constant 0 : i32
        %dma_start3A_476 = arith.constant 0 : i32
        %dma_start3A_477 = tpu.memref_slice %arg10[%sub3A_418, %dma_start3A_475, %dma_start3A_476] : memref<2x6x128xi32, #tpu.memory_space<vmem>> -> memref<1x6x128xi32, #tpu.memory_space<vmem>>
        %dma_start3A_478 = tpu.memref_squeeze %dma_start3A_477 : memref<1x6x128xi32, #tpu.memory_space<vmem>> -> memref<6x128xi32, #tpu.memory_space<vmem>>
        %dma_start3A_479 = arith.constant 0 : i32
        %dma_start3A_480 = arith.constant 0 : i32
        %dma_start3A_481 = tpu.memref_slice %arg4[%add3A_474, %dma_start3A_479, %dma_start3A_480] : memref<1264x6x128xi32, #tpu.memory_space<hbm>> -> memref<1x6x128xi32, #tpu.memory_space<hbm>>
        %dma_start3A_482 = tpu.memref_squeeze %dma_start3A_481 : memref<1x6x128xi32, #tpu.memory_space<hbm>> -> memref<6x128xi32, #tpu.memory_space<hbm>>
        %dma_start3A_483 = tpu.memref_slice %arg16[%sub3A_418] : memref<2x!tpu.dma_semaphore, #tpu.memory_space<semaphore_mem>> -> memref<1x!tpu.dma_semaphore, #tpu.memory_space<semaphore_mem>>
        %dma_start3A_484 = tpu.memref_squeeze %dma_start3A_483 : memref<1x!tpu.dma_semaphore, #tpu.memory_space<semaphore_mem>> -> memref<!tpu.dma_semaphore, #tpu.memory_space<semaphore_mem>>
        %dma_start3A_485 = arith.constant 0 : i32
        %dma_start3A_486 = arith.constant 0 : i32
        %dma_start3A_487 = tpu.memref_slice %arg10[%sub3A_418, %dma_start3A_485, %dma_start3A_486] : memref<2x6x128xi32, #tpu.memory_space<vmem>> -> memref<1x6x128xi32, #tpu.memory_space<vmem>>
        %dma_start3A_488 = tpu.memref_squeeze %dma_start3A_487 : memref<1x6x128xi32, #tpu.memory_space<vmem>> -> memref<6x128xi32, #tpu.memory_space<vmem>>
        %dma_start3A_489 = arith.constant 0 : i32
        %dma_start3A_490 = arith.constant 0 : i32
        %dma_start3A_491 = tpu.memref_slice %arg4[%add3A_474, %dma_start3A_489, %dma_start3A_490] : memref<1264x6x128xi32, #tpu.memory_space<hbm>> -> memref<1x6x128xi32, #tpu.memory_space<hbm>>
        %dma_start3A_492 = tpu.memref_squeeze %dma_start3A_491 : memref<1x6x128xi32, #tpu.memory_space<hbm>> -> memref<6x128xi32, #tpu.memory_space<hbm>>
        tpu.enqueue_dma source(%dma_start3A_492 : memref<6x128xi32, #tpu.memory_space<hbm>>) target(%dma_start3A_488 : memref<6x128xi32, #tpu.memory_space<vmem>>) target_semaphore(%dma_start3A_484 : memref<!tpu.dma_semaphore, #tpu.memory_space<semaphore_mem>>)
      } else {
      }
      %broadcast_in_dim3A = vector.broadcast %and3A_417 : i32 to vector<16xi32>
      %broadcast_in_dim3A_422 = arith.constant 4 : i32
      %broadcast_in_dim3A_423 = vector.broadcast %broadcast_in_dim3A_422 : i32 to vector<16xi32>
      %scan3A = arith.constant 0 : i32
      %scan3A_424 = arith.constant 0 : i32
      %scan3A_425 = arith.constant 128 : i32
      %scan3A_426 = arith.addi %scan3A_424, %scan3A_425 : i32
      %scan3A_427 = arith.constant 4 : i32
      scf.for %scan3A_472 = %scan3A_424 to %scan3A_426 step %scan3A_427  : i32 {
        %broadcast_in_dim3A_473 = vector.broadcast %scan3A_472 : i32 to vector<16xi32>
        %gather3A = tpu.vector_load_idx %arg10[%broadcast_in_dim3A, %broadcast_in_dim3A_423, %broadcast_in_dim3A_473] : memref<2x6x128xi32, #tpu.memory_space<vmem>>[vector<16xi32>, vector<16xi32>, vector<16xi32>], vector<16xi32>,
        %bitcast3A = vector.bitcast %gather3A : vector<16xi32> to vector<16xf32>
        %swap3A = arith.index_cast %scan3A_472 : i32 to index
        %swap3A_474 = arith.constant 0 : index
        %swap3A_475 = tpu.vector_load %arg11[%swap3A, %swap3A_474] {strides = array<i32>} : memref<128x16xf32, #tpu.memory_space<vmem>>, vector<16xf32>,
        tpu.vector_store %arg11[%swap3A, %swap3A_474], %bitcast3A {strides = array<i32>} : memref<128x16xf32, #tpu.memory_space<vmem>>, vector<16xf32>,
        %scan3A_476 = arith.constant 1 : i32
        %scan3A_477 = arith.addi %scan3A_472, %scan3A_476 : i32
        %broadcast_in_dim3A_478 = vector.broadcast %scan3A_477 : i32 to vector<16xi32>
        %gather3A_479 = tpu.vector_load_idx %arg10[%broadcast_in_dim3A, %broadcast_in_dim3A_423, %broadcast_in_dim3A_478] : memref<2x6x128xi32, #tpu.memory_space<vmem>>[vector<16xi32>, vector<16xi32>, vector<16xi32>], vector<16xi32>,
        %bitcast3A_480 = vector.bitcast %gather3A_479 : vector<16xi32> to vector<16xf32>
        %swap3A_481 = arith.index_cast %scan3A_477 : i32 to index
        %swap3A_482 = arith.constant 0 : index
        %swap3A_483 = tpu.vector_load %arg11[%swap3A_481, %swap3A_482] {strides = array<i32>} : memref<128x16xf32, #tpu.memory_space<vmem>>, vector<16xf32>,
        tpu.vector_store %arg11[%swap3A_481, %swap3A_482], %bitcast3A_480 {strides = array<i32>} : memref<128x16xf32, #tpu.memory_space<vmem>>, vector<16xf32>,
        %scan3A_484 = arith.constant 2 : i32
        %scan3A_485 = arith.addi %scan3A_472, %scan3A_484 : i32
        %broadcast_in_dim3A_486 = vector.broadcast %scan3A_485 : i32 to vector<16xi32>
        %gather3A_487 = tpu.vector_load_idx %arg10[%broadcast_in_dim3A, %broadcast_in_dim3A_423, %broadcast_in_dim3A_486] : memref<2x6x128xi32, #tpu.memory_space<vmem>>[vector<16xi32>, vector<16xi32>, vector<16xi32>], vector<16xi32>,
        %bitcast3A_488 = vector.bitcast %gather3A_487 : vector<16xi32> to vector<16xf32>
        %swap3A_489 = arith.index_cast %scan3A_485 : i32 to index
        %swap3A_490 = arith.constant 0 : index
        %swap3A_491 = tpu.vector_load %arg11[%swap3A_489, %swap3A_490] {strides = array<i32>} : memref<128x16xf32, #tpu.memory_space<vmem>>, vector<16xf32>,
        tpu.vector_store %arg11[%swap3A_489, %swap3A_490], %bitcast3A_488 {strides = array<i32>} : memref<128x16xf32, #tpu.memory_space<vmem>>, vector<16xf32>,
        %scan3A_492 = arith.constant 3 : i32
        %scan3A_493 = arith.addi %scan3A_472, %scan3A_492 : i32
        %broadcast_in_dim3A_494 = vector.broadcast %scan3A_493 : i32 to vector<16xi32>
        %gather3A_495 = tpu.vector_load_idx %arg10[%broadcast_in_dim3A, %broadcast_in_dim3A_423, %broadcast_in_dim3A_494] : memref<2x6x128xi32, #tpu.memory_space<vmem>>[vector<16xi32>, vector<16xi32>, vector<16xi32>], vector<16xi32>,
        %bitcast3A_496 = vector.bitcast %gather3A_495 : vector<16xi32> to vector<16xf32>
        %swap3A_497 = arith.index_cast %scan3A_493 : i32 to index
        %swap3A_498 = arith.constant 0 : index
        %swap3A_499 = tpu.vector_load %arg11[%swap3A_497, %swap3A_498] {strides = array<i32>} : memref<128x16xf32, #tpu.memory_space<vmem>>, vector<16xf32>,
        tpu.vector_store %arg11[%swap3A_497, %swap3A_498], %bitcast3A_496 {strides = array<i32>} : memref<128x16xf32, #tpu.memory_space<vmem>>, vector<16xf32>,
      }
      %scan3A_428 = arith.constant 128 : i32
      %dma_start3A_429 = arith.constant 2 : i32
      %dma_start3A_430 = arith.constant 0 : i32
      %dma_start3A_431 = tpu.memref_slice %arg10[%and3A_417, %dma_start3A_429, %dma_start3A_430] : memref<2x6x128xi32, #tpu.memory_space<vmem>> -> memref<1x1x128xi32, #tpu.memory_space<vmem>>
      %dma_start3A_432 = tpu.memref_squeeze %dma_start3A_431 : memref<1x1x128xi32, #tpu.memory_space<vmem>> -> memref<128xi32, #tpu.memory_space<vmem>>
      %dma_start3A_433 = arith.constant 0 : i32
      %dma_start3A_434 = arith.constant 0 : i32
      %dma_start3A_435 = tpu.memref_slice %arg13[%dma_start3A_433, %dma_start3A_434] : memref<10240x16xf32, #tpu.memory_space<vmem_shared>> -> memref<10240x16xf32, #tpu.memory_space<vmem_shared>>
      tpu.enqueue_indirect_dma source(%arg11 : memref<128x16xf32, #tpu.memory_space<vmem>>) target(%dma_start3A_435 : memref<10240x16xf32, #tpu.memory_space<vmem_shared>>) offsets(%dma_start3A_432 : memref<128xi32, #tpu.memory_space<vmem>>) semaphore(%arg17 : memref<!tpu.dma_semaphore, #tpu.memory_space<semaphore_mem>>) {add = true}
      %broadcast_in_dim3A_436 = vector.broadcast %and3A_417 : i32 to vector<16xi32>
      %broadcast_in_dim3A_437 = arith.constant 5 : i32
      %broadcast_in_dim3A_438 = vector.broadcast %broadcast_in_dim3A_437 : i32 to vector<16xi32>
      %scan3A_439 = arith.constant 0 : i32
      %scan3A_440 = arith.constant 0 : i32
      %scan3A_441 = arith.constant 128 : i32
      %scan3A_442 = arith.addi %scan3A_440, %scan3A_441 : i32
      %scan3A_443 = arith.constant 4 : i32
      scf.for %scan3A_472 = %scan3A_440 to %scan3A_442 step %scan3A_443  : i32 {
        %broadcast_in_dim3A_473 = vector.broadcast %scan3A_472 : i32 to vector<16xi32>
        %gather3A = tpu.vector_load_idx %arg10[%broadcast_in_dim3A_436, %broadcast_in_dim3A_438, %broadcast_in_dim3A_473] : memref<2x6x128xi32, #tpu.memory_space<vmem>>[vector<16xi32>, vector<16xi32>, vector<16xi32>], vector<16xi32>,
        %bitcast3A = vector.bitcast %gather3A : vector<16xi32> to vector<16xf32>
        %swap3A = arith.index_cast %scan3A_472 : i32 to index
        %swap3A_474 = arith.constant 0 : index
        %swap3A_475 = tpu.vector_load %arg12[%swap3A, %swap3A_474] {strides = array<i32>} : memref<128x16xf32, #tpu.memory_space<vmem>>, vector<16xf32>,
        tpu.vector_store %arg12[%swap3A, %swap3A_474], %bitcast3A {strides = array<i32>} : memref<128x16xf32, #tpu.memory_space<vmem>>, vector<16xf32>,
        %scan3A_476 = arith.constant 1 : i32
        %scan3A_477 = arith.addi %scan3A_472, %scan3A_476 : i32
        %broadcast_in_dim3A_478 = vector.broadcast %scan3A_477 : i32 to vector<16xi32>
        %gather3A_479 = tpu.vector_load_idx %arg10[%broadcast_in_dim3A_436, %broadcast_in_dim3A_438, %broadcast_in_dim3A_478] : memref<2x6x128xi32, #tpu.memory_space<vmem>>[vector<16xi32>, vector<16xi32>, vector<16xi32>], vector<16xi32>,
        %bitcast3A_480 = vector.bitcast %gather3A_479 : vector<16xi32> to vector<16xf32>
        %swap3A_481 = arith.index_cast %scan3A_477 : i32 to index
        %swap3A_482 = arith.constant 0 : index
        %swap3A_483 = tpu.vector_load %arg12[%swap3A_481, %swap3A_482] {strides = array<i32>} : memref<128x16xf32, #tpu.memory_space<vmem>>, vector<16xf32>,
        tpu.vector_store %arg12[%swap3A_481, %swap3A_482], %bitcast3A_480 {strides = array<i32>} : memref<128x16xf32, #tpu.memory_space<vmem>>, vector<16xf32>,
        %scan3A_484 = arith.constant 2 : i32
        %scan3A_485 = arith.addi %scan3A_472, %scan3A_484 : i32
        %broadcast_in_dim3A_486 = vector.broadcast %scan3A_485 : i32 to vector<16xi32>
        %gather3A_487 = tpu.vector_load_idx %arg10[%broadcast_in_dim3A_436, %broadcast_in_dim3A_438, %broadcast_in_dim3A_486] : memref<2x6x128xi32, #tpu.memory_space<vmem>>[vector<16xi32>, vector<16xi32>, vector<16xi32>], vector<16xi32>,
        %bitcast3A_488 = vector.bitcast %gather3A_487 : vector<16xi32> to vector<16xf32>
        %swap3A_489 = arith.index_cast %scan3A_485 : i32 to index
        %swap3A_490 = arith.constant 0 : index
        %swap3A_491 = tpu.vector_load %arg12[%swap3A_489, %swap3A_490] {strides = array<i32>} : memref<128x16xf32, #tpu.memory_space<vmem>>, vector<16xf32>,
        tpu.vector_store %arg12[%swap3A_489, %swap3A_490], %bitcast3A_488 {strides = array<i32>} : memref<128x16xf32, #tpu.memory_space<vmem>>, vector<16xf32>,
        %scan3A_492 = arith.constant 3 : i32
        %scan3A_493 = arith.addi %scan3A_472, %scan3A_492 : i32
        %broadcast_in_dim3A_494 = vector.broadcast %scan3A_493 : i32 to vector<16xi32>
        %gather3A_495 = tpu.vector_load_idx %arg10[%broadcast_in_dim3A_436, %broadcast_in_dim3A_438, %broadcast_in_dim3A_494] : memref<2x6x128xi32, #tpu.memory_space<vmem>>[vector<16xi32>, vector<16xi32>, vector<16xi32>], vector<16xi32>,
        %bitcast3A_496 = vector.bitcast %gather3A_495 : vector<16xi32> to vector<16xf32>
        %swap3A_497 = arith.index_cast %scan3A_493 : i32 to index
        %swap3A_498 = arith.constant 0 : index
        %swap3A_499 = tpu.vector_load %arg12[%swap3A_497, %swap3A_498] {strides = array<i32>} : memref<128x16xf32, #tpu.memory_space<vmem>>, vector<16xf32>,
        tpu.vector_store %arg12[%swap3A_497, %swap3A_498], %bitcast3A_496 {strides = array<i32>} : memref<128x16xf32, #tpu.memory_space<vmem>>, vector<16xf32>,
      }
      %scan3A_444 = arith.constant 128 : i32
      %dma_start3A_445 = arith.constant 3 : i32
      %dma_start3A_446 = arith.constant 0 : i32
      %dma_start3A_447 = tpu.memref_slice %arg10[%and3A_417, %dma_start3A_445, %dma_start3A_446] : memref<2x6x128xi32, #tpu.memory_space<vmem>> -> memref<1x1x128xi32, #tpu.memory_space<vmem>>
      %dma_start3A_448 = tpu.memref_squeeze %dma_start3A_447 : memref<1x1x128xi32, #tpu.memory_space<vmem>> -> memref<128xi32, #tpu.memory_space<vmem>>
      %dma_start3A_449 = arith.constant 0 : i32
      %dma_start3A_450 = arith.constant 0 : i32
      %dma_start3A_451 = tpu.memref_slice %arg13[%dma_start3A_449, %dma_start3A_450] : memref<10240x16xf32, #tpu.memory_space<vmem_shared>> -> memref<10240x16xf32, #tpu.memory_space<vmem_shared>>
      tpu.enqueue_indirect_dma source(%arg12 : memref<128x16xf32, #tpu.memory_space<vmem>>) target(%dma_start3A_451 : memref<10240x16xf32, #tpu.memory_space<vmem_shared>>) offsets(%dma_start3A_448 : memref<128xi32, #tpu.memory_space<vmem>>) semaphore(%arg18 : memref<!tpu.dma_semaphore, #tpu.memory_space<semaphore_mem>>) {add = true}
      %add3A_452 = arith.constant 1 : i32
      %add3A_453 = arith.addi %while3A_416, %add3A_452 : i32
      %lt3A_454 = arith.cmpi slt, %add3A_453, %select_n3A_11 : i32
      %convert_element_type3A_455 = arith.extui %lt3A_454 : i1 to i32
      %cond3A_456 = arith.constant 0 : i32
      %cond3A_457 = arith.cmpi ne, %convert_element_type3A_455, %cond3A_456 : i32
      scf.if %cond3A_457 {
        %add3A_472 = arith.constant 1 : i32
        %add3A_473 = arith.addi %while3A_416, %add3A_472 : i32
        %add3A_474 = arith.addi %select_n3A, %add3A_473 : i32
        %dma_wait3A_475 = arith.constant 0 : i32
        %dma_wait3A_476 = arith.constant 0 : i32
        %dma_wait3A_477 = tpu.memref_slice %arg10[%sub3A_418, %dma_wait3A_475, %dma_wait3A_476] : memref<2x6x128xi32, #tpu.memory_space<vmem>> -> memref<1x6x128xi32, #tpu.memory_space<vmem>>
        %dma_wait3A_478 = tpu.memref_squeeze %dma_wait3A_477 : memref<1x6x128xi32, #tpu.memory_space<vmem>> -> memref<6x128xi32, #tpu.memory_space<vmem>>
        %dma_wait3A_479 = arith.constant 0 : i32
        %dma_wait3A_480 = arith.constant 0 : i32
        %dma_wait3A_481 = tpu.memref_slice %arg4[%add3A_474, %dma_wait3A_479, %dma_wait3A_480] : memref<1264x6x128xi32, #tpu.memory_space<hbm>> -> memref<1x6x128xi32, #tpu.memory_space<hbm>>
        %dma_wait3A_482 = tpu.memref_squeeze %dma_wait3A_481 : memref<1x6x128xi32, #tpu.memory_space<hbm>> -> memref<6x128xi32, #tpu.memory_space<hbm>>
        %dma_wait3A_483 = tpu.memref_slice %arg16[%sub3A_418] : memref<2x!tpu.dma_semaphore, #tpu.memory_space<semaphore_mem>> -> memref<1x!tpu.dma_semaphore, #tpu.memory_space<semaphore_mem>>
        %dma_wait3A_484 = tpu.memref_squeeze %dma_wait3A_483 : memref<1x!tpu.dma_semaphore, #tpu.memory_space<semaphore_mem>> -> memref<!tpu.dma_semaphore, #tpu.memory_space<semaphore_mem>>
        %dma_wait3A_485 = arith.constant 0 : i32
        %dma_wait3A_486 = arith.constant 0 : i32
        %dma_wait3A_487 = tpu.memref_slice %arg10[%sub3A_418, %dma_wait3A_485, %dma_wait3A_486] : memref<2x6x128xi32, #tpu.memory_space<vmem>> -> memref<1x6x128xi32, #tpu.memory_space<vmem>>
        %dma_wait3A_488 = tpu.memref_squeeze %dma_wait3A_487 : memref<1x6x128xi32, #tpu.memory_space<vmem>> -> memref<6x128xi32, #tpu.memory_space<vmem>>
        %dma_wait3A_489 = arith.constant 0 : i32
        %dma_wait3A_490 = arith.constant 0 : i32
        %dma_wait3A_491 = tpu.memref_slice %arg4[%add3A_474, %dma_wait3A_489, %dma_wait3A_490] : memref<1264x6x128xi32, #tpu.memory_space<hbm>> -> memref<1x6x128xi32, #tpu.memory_space<hbm>>
        %dma_wait3A_492 = tpu.memref_squeeze %dma_wait3A_491 : memref<1x6x128xi32, #tpu.memory_space<hbm>> -> memref<6x128xi32, #tpu.memory_space<hbm>>
        tpu.wait_dma2 semaphore(%dma_wait3A_484 : memref<!tpu.dma_semaphore, #tpu.memory_space<semaphore_mem>>) src(%dma_wait3A_492 : memref<6x128xi32, #tpu.memory_space<hbm>>) dst(%dma_wait3A_488 : memref<6x128xi32, #tpu.memory_space<vmem>>)
      } else {
      }
      %dma_wait3A_458 = arith.constant 2 : i32
      %dma_wait3A_459 = arith.constant 0 : i32
      %dma_wait3A_460 = tpu.memref_slice %arg10[%and3A_417, %dma_wait3A_458, %dma_wait3A_459] : memref<2x6x128xi32, #tpu.memory_space<vmem>> -> memref<1x1x128xi32, #tpu.memory_space<vmem>>
      %dma_wait3A_461 = tpu.memref_squeeze %dma_wait3A_460 : memref<1x1x128xi32, #tpu.memory_space<vmem>> -> memref<128xi32, #tpu.memory_space<vmem>>
      %dma_wait3A_462 = arith.constant 0 : i32
      %dma_wait3A_463 = arith.constant 0 : i32
      %dma_wait3A_464 = tpu.memref_slice %arg13[%dma_wait3A_462, %dma_wait3A_463] : memref<10240x16xf32, #tpu.memory_space<vmem_shared>> -> memref<10240x16xf32, #tpu.memory_space<vmem_shared>>
      tpu.wait_indirect_dma semaphore(%arg17 : memref<!tpu.dma_semaphore, #tpu.memory_space<semaphore_mem>>) src(%arg11 : memref<128x16xf32, #tpu.memory_space<vmem>>) dst(%dma_wait3A_464 : memref<10240x16xf32, #tpu.memory_space<vmem_shared>>)
      %dma_wait3A_465 = arith.constant 3 : i32
      %dma_wait3A_466 = arith.constant 0 : i32
      %dma_wait3A_467 = tpu.memref_slice %arg10[%and3A_417, %dma_wait3A_465, %dma_wait3A_466] : memref<2x6x128xi32, #tpu.memory_space<vmem>> -> memref<1x1x128xi32, #tpu.memory_space<vmem>>
      %dma_wait3A_468 = tpu.memref_squeeze %dma_wait3A_467 : memref<1x1x128xi32, #tpu.memory_space<vmem>> -> memref<128xi32, #tpu.memory_space<vmem>>
      %dma_wait3A_469 = arith.constant 0 : i32
      %dma_wait3A_470 = arith.constant 0 : i32
      %dma_wait3A_471 = tpu.memref_slice %arg13[%dma_wait3A_469, %dma_wait3A_470] : memref<10240x16xf32, #tpu.memory_space<vmem_shared>> -> memref<10240x16xf32, #tpu.memory_space<vmem_shared>>
      tpu.wait_indirect_dma semaphore(%arg18 : memref<!tpu.dma_semaphore, #tpu.memory_space<semaphore_mem>>) src(%arg12 : memref<128x16xf32, #tpu.memory_space<vmem>>) dst(%dma_wait3A_471 : memref<10240x16xf32, #tpu.memory_space<vmem_shared>>)
    }
    %while3A_414 = arith.constant 1 : i32
    scf.for %while3A_416 = %while3A_412 to %while3A_408 step %while3A_414  : i32 {
      %and3A = arith.constant 1 : i32
      %and3A_417 = arith.andi %while3A_416, %and3A : i32
      %sub3A = arith.constant 1 : i32
      %sub3A_418 = arith.subi %sub3A, %and3A_417 : i32
      %add3A_419 = arith.constant 1 : i32
      %add3A_420 = arith.addi %while3A_416, %add3A_419 : i32
      %lt3A = arith.cmpi slt, %add3A_420, %select_n3A_11 : i32
      %convert_element_type3A = arith.extui %lt3A : i1 to i32
      %cond3A = arith.constant 0 : i32
      %cond3A_421 = arith.cmpi ne, %convert_element_type3A, %cond3A : i32
      scf.if %cond3A_421 {
        %add3A_472 = arith.constant 1 : i32
        %add3A_473 = arith.addi %while3A_416, %add3A_472 : i32
        %add3A_474 = arith.addi %select_n3A, %add3A_473 : i32
        %dma_start3A_475 = arith.constant 0 : i32
        %dma_start3A_476 = arith.constant 0 : i32
        %dma_start3A_477 = tpu.memref_slice %arg10[%sub3A_418, %dma_start3A_475, %dma_start3A_476] : memref<2x6x128xi32, #tpu.memory_space<vmem>> -> memref<1x6x128xi32, #tpu.memory_space<vmem>>
        %dma_start3A_478 = tpu.memref_squeeze %dma_start3A_477 : memref<1x6x128xi32, #tpu.memory_space<vmem>> -> memref<6x128xi32, #tpu.memory_space<vmem>>
        %dma_start3A_479 = arith.constant 0 : i32
        %dma_start3A_480 = arith.constant 0 : i32
        %dma_start3A_481 = tpu.memref_slice %arg4[%add3A_474, %dma_start3A_479, %dma_start3A_480] : memref<1264x6x128xi32, #tpu.memory_space<hbm>> -> memref<1x6x128xi32, #tpu.memory_space<hbm>>
        %dma_start3A_482 = tpu.memref_squeeze %dma_start3A_481 : memref<1x6x128xi32, #tpu.memory_space<hbm>> -> memref<6x128xi32, #tpu.memory_space<hbm>>
        %dma_start3A_483 = tpu.memref_slice %arg16[%sub3A_418] : memref<2x!tpu.dma_semaphore, #tpu.memory_space<semaphore_mem>> -> memref<1x!tpu.dma_semaphore, #tpu.memory_space<semaphore_mem>>
        %dma_start3A_484 = tpu.memref_squeeze %dma_start3A_483 : memref<1x!tpu.dma_semaphore, #tpu.memory_space<semaphore_mem>> -> memref<!tpu.dma_semaphore, #tpu.memory_space<semaphore_mem>>
        %dma_start3A_485 = arith.constant 0 : i32
        %dma_start3A_486 = arith.constant 0 : i32
        %dma_start3A_487 = tpu.memref_slice %arg10[%sub3A_418, %dma_start3A_485, %dma_start3A_486] : memref<2x6x128xi32, #tpu.memory_space<vmem>> -> memref<1x6x128xi32, #tpu.memory_space<vmem>>
        %dma_start3A_488 = tpu.memref_squeeze %dma_start3A_487 : memref<1x6x128xi32, #tpu.memory_space<vmem>> -> memref<6x128xi32, #tpu.memory_space<vmem>>
        %dma_start3A_489 = arith.constant 0 : i32
        %dma_start3A_490 = arith.constant 0 : i32
        %dma_start3A_491 = tpu.memref_slice %arg4[%add3A_474, %dma_start3A_489, %dma_start3A_490] : memref<1264x6x128xi32, #tpu.memory_space<hbm>> -> memref<1x6x128xi32, #tpu.memory_space<hbm>>
        %dma_start3A_492 = tpu.memref_squeeze %dma_start3A_491 : memref<1x6x128xi32, #tpu.memory_space<hbm>> -> memref<6x128xi32, #tpu.memory_space<hbm>>
        tpu.enqueue_dma source(%dma_start3A_492 : memref<6x128xi32, #tpu.memory_space<hbm>>) target(%dma_start3A_488 : memref<6x128xi32, #tpu.memory_space<vmem>>) target_semaphore(%dma_start3A_484 : memref<!tpu.dma_semaphore, #tpu.memory_space<semaphore_mem>>)
      } else {
      }
      %broadcast_in_dim3A = vector.broadcast %and3A_417 : i32 to vector<16xi32>
      %broadcast_in_dim3A_422 = arith.constant 4 : i32
      %broadcast_in_dim3A_423 = vector.broadcast %broadcast_in_dim3A_422 : i32 to vector<16xi32>
      %scan3A = arith.constant 0 : i32
      %scan3A_424 = arith.constant 0 : i32
      %scan3A_425 = arith.constant 128 : i32
      %scan3A_426 = arith.addi %scan3A_424, %scan3A_425 : i32
      %scan3A_427 = arith.constant 4 : i32
      scf.for %scan3A_472 = %scan3A_424 to %scan3A_426 step %scan3A_427  : i32 {
        %broadcast_in_dim3A_473 = vector.broadcast %scan3A_472 : i32 to vector<16xi32>
        %gather3A = tpu.vector_load_idx %arg10[%broadcast_in_dim3A, %broadcast_in_dim3A_423, %broadcast_in_dim3A_473] : memref<2x6x128xi32, #tpu.memory_space<vmem>>[vector<16xi32>, vector<16xi32>, vector<16xi32>], vector<16xi32>,
        %bitcast3A = vector.bitcast %gather3A : vector<16xi32> to vector<16xf32>
        %swap3A = arith.index_cast %scan3A_472 : i32 to index
        %swap3A_474 = arith.constant 0 : index
        %swap3A_475 = tpu.vector_load %arg11[%swap3A, %swap3A_474] {strides = array<i32>} : memref<128x16xf32, #tpu.memory_space<vmem>>, vector<16xf32>,
        tpu.vector_store %arg11[%swap3A, %swap3A_474], %bitcast3A {strides = array<i32>} : memref<128x16xf32, #tpu.memory_space<vmem>>, vector<16xf32>,
        %scan3A_476 = arith.constant 1 : i32
        %scan3A_477 = arith.addi %scan3A_472, %scan3A_476 : i32
        %broadcast_in_dim3A_478 = vector.broadcast %scan3A_477 : i32 to vector<16xi32>
        %gather3A_479 = tpu.vector_load_idx %arg10[%broadcast_in_dim3A, %broadcast_in_dim3A_423, %broadcast_in_dim3A_478] : memref<2x6x128xi32, #tpu.memory_space<vmem>>[vector<16xi32>, vector<16xi32>, vector<16xi32>], vector<16xi32>,
        %bitcast3A_480 = vector.bitcast %gather3A_479 : vector<16xi32> to vector<16xf32>
        %swap3A_481 = arith.index_cast %scan3A_477 : i32 to index
        %swap3A_482 = arith.constant 0 : index
        %swap3A_483 = tpu.vector_load %arg11[%swap3A_481, %swap3A_482] {strides = array<i32>} : memref<128x16xf32, #tpu.memory_space<vmem>>, vector<16xf32>,
        tpu.vector_store %arg11[%swap3A_481, %swap3A_482], %bitcast3A_480 {strides = array<i32>} : memref<128x16xf32, #tpu.memory_space<vmem>>, vector<16xf32>,
        %scan3A_484 = arith.constant 2 : i32
        %scan3A_485 = arith.addi %scan3A_472, %scan3A_484 : i32
        %broadcast_in_dim3A_486 = vector.broadcast %scan3A_485 : i32 to vector<16xi32>
        %gather3A_487 = tpu.vector_load_idx %arg10[%broadcast_in_dim3A, %broadcast_in_dim3A_423, %broadcast_in_dim3A_486] : memref<2x6x128xi32, #tpu.memory_space<vmem>>[vector<16xi32>, vector<16xi32>, vector<16xi32>], vector<16xi32>,
        %bitcast3A_488 = vector.bitcast %gather3A_487 : vector<16xi32> to vector<16xf32>
        %swap3A_489 = arith.index_cast %scan3A_485 : i32 to index
        %swap3A_490 = arith.constant 0 : index
        %swap3A_491 = tpu.vector_load %arg11[%swap3A_489, %swap3A_490] {strides = array<i32>} : memref<128x16xf32, #tpu.memory_space<vmem>>, vector<16xf32>,
        tpu.vector_store %arg11[%swap3A_489, %swap3A_490], %bitcast3A_488 {strides = array<i32>} : memref<128x16xf32, #tpu.memory_space<vmem>>, vector<16xf32>,
        %scan3A_492 = arith.constant 3 : i32
        %scan3A_493 = arith.addi %scan3A_472, %scan3A_492 : i32
        %broadcast_in_dim3A_494 = vector.broadcast %scan3A_493 : i32 to vector<16xi32>
        %gather3A_495 = tpu.vector_load_idx %arg10[%broadcast_in_dim3A, %broadcast_in_dim3A_423, %broadcast_in_dim3A_494] : memref<2x6x128xi32, #tpu.memory_space<vmem>>[vector<16xi32>, vector<16xi32>, vector<16xi32>], vector<16xi32>,
        %bitcast3A_496 = vector.bitcast %gather3A_495 : vector<16xi32> to vector<16xf32>
        %swap3A_497 = arith.index_cast %scan3A_493 : i32 to index
        %swap3A_498 = arith.constant 0 : index
        %swap3A_499 = tpu.vector_load %arg11[%swap3A_497, %swap3A_498] {strides = array<i32>} : memref<128x16xf32, #tpu.memory_space<vmem>>, vector<16xf32>,
        tpu.vector_store %arg11[%swap3A_497, %swap3A_498], %bitcast3A_496 {strides = array<i32>} : memref<128x16xf32, #tpu.memory_space<vmem>>, vector<16xf32>,
      }
      %scan3A_428 = arith.constant 128 : i32
      %dma_start3A_429 = arith.constant 2 : i32
      %dma_start3A_430 = arith.constant 0 : i32
      %dma_start3A_431 = tpu.memref_slice %arg10[%and3A_417, %dma_start3A_429, %dma_start3A_430] : memref<2x6x128xi32, #tpu.memory_space<vmem>> -> memref<1x1x128xi32, #tpu.memory_space<vmem>>
      %dma_start3A_432 = tpu.memref_squeeze %dma_start3A_431 : memref<1x1x128xi32, #tpu.memory_space<vmem>> -> memref<128xi32, #tpu.memory_space<vmem>>
      %dma_start3A_433 = arith.constant 0 : i32
      %dma_start3A_434 = arith.constant 0 : i32
      %dma_start3A_435 = tpu.memref_slice %arg13[%dma_start3A_433, %dma_start3A_434] : memref<10240x16xf32, #tpu.memory_space<vmem_shared>> -> memref<10240x16xf32, #tpu.memory_space<vmem_shared>>
      tpu.enqueue_indirect_dma source(%arg11 : memref<128x16xf32, #tpu.memory_space<vmem>>) target(%dma_start3A_435 : memref<10240x16xf32, #tpu.memory_space<vmem_shared>>) offsets(%dma_start3A_432 : memref<128xi32, #tpu.memory_space<vmem>>) semaphore(%arg17 : memref<!tpu.dma_semaphore, #tpu.memory_space<semaphore_mem>>) {add = true}
      %broadcast_in_dim3A_436 = vector.broadcast %and3A_417 : i32 to vector<16xi32>
      %broadcast_in_dim3A_437 = arith.constant 5 : i32
      %broadcast_in_dim3A_438 = vector.broadcast %broadcast_in_dim3A_437 : i32 to vector<16xi32>
      %scan3A_439 = arith.constant 0 : i32
      %scan3A_440 = arith.constant 0 : i32
      %scan3A_441 = arith.constant 128 : i32
      %scan3A_442 = arith.addi %scan3A_440, %scan3A_441 : i32
      %scan3A_443 = arith.constant 4 : i32
      scf.for %scan3A_472 = %scan3A_440 to %scan3A_442 step %scan3A_443  : i32 {
        %broadcast_in_dim3A_473 = vector.broadcast %scan3A_472 : i32 to vector<16xi32>
        %gather3A = tpu.vector_load_idx %arg10[%broadcast_in_dim3A_436, %broadcast_in_dim3A_438, %broadcast_in_dim3A_473] : memref<2x6x128xi32, #tpu.memory_space<vmem>>[vector<16xi32>, vector<16xi32>, vector<16xi32>], vector<16xi32>,
        %bitcast3A = vector.bitcast %gather3A : vector<16xi32> to vector<16xf32>
        %swap3A = arith.index_cast %scan3A_472 : i32 to index
        %swap3A_474 = arith.constant 0 : index
        %swap3A_475 = tpu.vector_load %arg12[%swap3A, %swap3A_474] {strides = array<i32>} : memref<128x16xf32, #tpu.memory_space<vmem>>, vector<16xf32>,
        tpu.vector_store %arg12[%swap3A, %swap3A_474], %bitcast3A {strides = array<i32>} : memref<128x16xf32, #tpu.memory_space<vmem>>, vector<16xf32>,
        %scan3A_476 = arith.constant 1 : i32
        %scan3A_477 = arith.addi %scan3A_472, %scan3A_476 : i32
        %broadcast_in_dim3A_478 = vector.broadcast %scan3A_477 : i32 to vector<16xi32>
        %gather3A_479 = tpu.vector_load_idx %arg10[%broadcast_in_dim3A_436, %broadcast_in_dim3A_438, %broadcast_in_dim3A_478] : memref<2x6x128xi32, #tpu.memory_space<vmem>>[vector<16xi32>, vector<16xi32>, vector<16xi32>], vector<16xi32>,
        %bitcast3A_480 = vector.bitcast %gather3A_479 : vector<16xi32> to vector<16xf32>
        %swap3A_481 = arith.index_cast %scan3A_477 : i32 to index
        %swap3A_482 = arith.constant 0 : index
        %swap3A_483 = tpu.vector_load %arg12[%swap3A_481, %swap3A_482] {strides = array<i32>} : memref<128x16xf32, #tpu.memory_space<vmem>>, vector<16xf32>,
        tpu.vector_store %arg12[%swap3A_481, %swap3A_482], %bitcast3A_480 {strides = array<i32>} : memref<128x16xf32, #tpu.memory_space<vmem>>, vector<16xf32>,
        %scan3A_484 = arith.constant 2 : i32
        %scan3A_485 = arith.addi %scan3A_472, %scan3A_484 : i32
        %broadcast_in_dim3A_486 = vector.broadcast %scan3A_485 : i32 to vector<16xi32>
        %gather3A_487 = tpu.vector_load_idx %arg10[%broadcast_in_dim3A_436, %broadcast_in_dim3A_438, %broadcast_in_dim3A_486] : memref<2x6x128xi32, #tpu.memory_space<vmem>>[vector<16xi32>, vector<16xi32>, vector<16xi32>], vector<16xi32>,
        %bitcast3A_488 = vector.bitcast %gather3A_487 : vector<16xi32> to vector<16xf32>
        %swap3A_489 = arith.index_cast %scan3A_485 : i32 to index
        %swap3A_490 = arith.constant 0 : index
        %swap3A_491 = tpu.vector_load %arg12[%swap3A_489, %swap3A_490] {strides = array<i32>} : memref<128x16xf32, #tpu.memory_space<vmem>>, vector<16xf32>,
        tpu.vector_store %arg12[%swap3A_489, %swap3A_490], %bitcast3A_488 {strides = array<i32>} : memref<128x16xf32, #tpu.memory_space<vmem>>, vector<16xf32>,
        %scan3A_492 = arith.constant 3 : i32
        %scan3A_493 = arith.addi %scan3A_472, %scan3A_492 : i32
        %broadcast_in_dim3A_494 = vector.broadcast %scan3A_493 : i32 to vector<16xi32>
        %gather3A_495 = tpu.vector_load_idx %arg10[%broadcast_in_dim3A_436, %broadcast_in_dim3A_438, %broadcast_in_dim3A_494] : memref<2x6x128xi32, #tpu.memory_space<vmem>>[vector<16xi32>, vector<16xi32>, vector<16xi32>], vector<16xi32>,
        %bitcast3A_496 = vector.bitcast %gather3A_495 : vector<16xi32> to vector<16xf32>
        %swap3A_497 = arith.index_cast %scan3A_493 : i32 to index
        %swap3A_498 = arith.constant 0 : index
        %swap3A_499 = tpu.vector_load %arg12[%swap3A_497, %swap3A_498] {strides = array<i32>} : memref<128x16xf32, #tpu.memory_space<vmem>>, vector<16xf32>,
        tpu.vector_store %arg12[%swap3A_497, %swap3A_498], %bitcast3A_496 {strides = array<i32>} : memref<128x16xf32, #tpu.memory_space<vmem>>, vector<16xf32>,
      }
      %scan3A_444 = arith.constant 128 : i32
      %dma_start3A_445 = arith.constant 3 : i32
      %dma_start3A_446 = arith.constant 0 : i32
      %dma_start3A_447 = tpu.memref_slice %arg10[%and3A_417, %dma_start3A_445, %dma_start3A_446] : memref<2x6x128xi32, #tpu.memory_space<vmem>> -> memref<1x1x128xi32, #tpu.memory_space<vmem>>
      %dma_start3A_448 = tpu.memref_squeeze %dma_start3A_447 : memref<1x1x128xi32, #tpu.memory_space<vmem>> -> memref<128xi32, #tpu.memory_space<vmem>>
      %dma_start3A_449 = arith.constant 0 : i32
      %dma_start3A_450 = arith.constant 0 : i32
      %dma_start3A_451 = tpu.memref_slice %arg13[%dma_start3A_449, %dma_start3A_450] : memref<10240x16xf32, #tpu.memory_space<vmem_shared>> -> memref<10240x16xf32, #tpu.memory_space<vmem_shared>>
      tpu.enqueue_indirect_dma source(%arg12 : memref<128x16xf32, #tpu.memory_space<vmem>>) target(%dma_start3A_451 : memref<10240x16xf32, #tpu.memory_space<vmem_shared>>) offsets(%dma_start3A_448 : memref<128xi32, #tpu.memory_space<vmem>>) semaphore(%arg18 : memref<!tpu.dma_semaphore, #tpu.memory_space<semaphore_mem>>) {add = true}
      %add3A_452 = arith.constant 1 : i32
      %add3A_453 = arith.addi %while3A_416, %add3A_452 : i32
      %lt3A_454 = arith.cmpi slt, %add3A_453, %select_n3A_11 : i32
      %convert_element_type3A_455 = arith.extui %lt3A_454 : i1 to i32
      %cond3A_456 = arith.constant 0 : i32
      %cond3A_457 = arith.cmpi ne, %convert_element_type3A_455, %cond3A_456 : i32
      scf.if %cond3A_457 {
        %add3A_472 = arith.constant 1 : i32
        %add3A_473 = arith.addi %while3A_416, %add3A_472 : i32
        %add3A_474 = arith.addi %select_n3A, %add3A_473 : i32
        %dma_wait3A_475 = arith.constant 0 : i32
        %dma_wait3A_476 = arith.constant 0 : i32
        %dma_wait3A_477 = tpu.memref_slice %arg10[%sub3A_418, %dma_wait3A_475, %dma_wait3A_476] : memref<2x6x128xi32, #tpu.memory_space<vmem>> -> memref<1x6x128xi32, #tpu.memory_space<vmem>>
        %dma_wait3A_478 = tpu.memref_squeeze %dma_wait3A_477 : memref<1x6x128xi32, #tpu.memory_space<vmem>> -> memref<6x128xi32, #tpu.memory_space<vmem>>
        %dma_wait3A_479 = arith.constant 0 : i32
        %dma_wait3A_480 = arith.constant 0 : i32
        %dma_wait3A_481 = tpu.memref_slice %arg4[%add3A_474, %dma_wait3A_479, %dma_wait3A_480] : memref<1264x6x128xi32, #tpu.memory_space<hbm>> -> memref<1x6x128xi32, #tpu.memory_space<hbm>>
        %dma_wait3A_482 = tpu.memref_squeeze %dma_wait3A_481 : memref<1x6x128xi32, #tpu.memory_space<hbm>> -> memref<6x128xi32, #tpu.memory_space<hbm>>
        %dma_wait3A_483 = tpu.memref_slice %arg16[%sub3A_418] : memref<2x!tpu.dma_semaphore, #tpu.memory_space<semaphore_mem>> -> memref<1x!tpu.dma_semaphore, #tpu.memory_space<semaphore_mem>>
        %dma_wait3A_484 = tpu.memref_squeeze %dma_wait3A_483 : memref<1x!tpu.dma_semaphore, #tpu.memory_space<semaphore_mem>> -> memref<!tpu.dma_semaphore, #tpu.memory_space<semaphore_mem>>
        %dma_wait3A_485 = arith.constant 0 : i32
        %dma_wait3A_486 = arith.constant 0 : i32
        %dma_wait3A_487 = tpu.memref_slice %arg10[%sub3A_418, %dma_wait3A_485, %dma_wait3A_486] : memref<2x6x128xi32, #tpu.memory_space<vmem>> -> memref<1x6x128xi32, #tpu.memory_space<vmem>>
        %dma_wait3A_488 = tpu.memref_squeeze %dma_wait3A_487 : memref<1x6x128xi32, #tpu.memory_space<vmem>> -> memref<6x128xi32, #tpu.memory_space<vmem>>
        %dma_wait3A_489 = arith.constant 0 : i32
        %dma_wait3A_490 = arith.constant 0 : i32
        %dma_wait3A_491 = tpu.memref_slice %arg4[%add3A_474, %dma_wait3A_489, %dma_wait3A_490] : memref<1264x6x128xi32, #tpu.memory_space<hbm>> -> memref<1x6x128xi32, #tpu.memory_space<hbm>>
        %dma_wait3A_492 = tpu.memref_squeeze %dma_wait3A_491 : memref<1x6x128xi32, #tpu.memory_space<hbm>> -> memref<6x128xi32, #tpu.memory_space<hbm>>
        tpu.wait_dma2 semaphore(%dma_wait3A_484 : memref<!tpu.dma_semaphore, #tpu.memory_space<semaphore_mem>>) src(%dma_wait3A_492 : memref<6x128xi32, #tpu.memory_space<hbm>>) dst(%dma_wait3A_488 : memref<6x128xi32, #tpu.memory_space<vmem>>)
      } else {
      }
      %dma_wait3A_458 = arith.constant 2 : i32
      %dma_wait3A_459 = arith.constant 0 : i32
      %dma_wait3A_460 = tpu.memref_slice %arg10[%and3A_417, %dma_wait3A_458, %dma_wait3A_459] : memref<2x6x128xi32, #tpu.memory_space<vmem>> -> memref<1x1x128xi32, #tpu.memory_space<vmem>>
      %dma_wait3A_461 = tpu.memref_squeeze %dma_wait3A_460 : memref<1x1x128xi32, #tpu.memory_space<vmem>> -> memref<128xi32, #tpu.memory_space<vmem>>
      %dma_wait3A_462 = arith.constant 0 : i32
      %dma_wait3A_463 = arith.constant 0 : i32
      %dma_wait3A_464 = tpu.memref_slice %arg13[%dma_wait3A_462, %dma_wait3A_463] : memref<10240x16xf32, #tpu.memory_space<vmem_shared>> -> memref<10240x16xf32, #tpu.memory_space<vmem_shared>>
      tpu.wait_indirect_dma semaphore(%arg17 : memref<!tpu.dma_semaphore, #tpu.memory_space<semaphore_mem>>) src(%arg11 : memref<128x16xf32, #tpu.memory_space<vmem>>) dst(%dma_wait3A_464 : memref<10240x16xf32, #tpu.memory_space<vmem_shared>>)
      %dma_wait3A_465 = arith.constant 3 : i32
      %dma_wait3A_466 = arith.constant 0 : i32
      %dma_wait3A_467 = tpu.memref_slice %arg10[%and3A_417, %dma_wait3A_465, %dma_wait3A_466] : memref<2x6x128xi32, #tpu.memory_space<vmem>> -> memref<1x1x128xi32, #tpu.memory_space<vmem>>
      %dma_wait3A_468 = tpu.memref_squeeze %dma_wait3A_467 : memref<1x1x128xi32, #tpu.memory_space<vmem>> -> memref<128xi32, #tpu.memory_space<vmem>>
      %dma_wait3A_469 = arith.constant 0 : i32
      %dma_wait3A_470 = arith.constant 0 : i32
      %dma_wait3A_471 = tpu.memref_slice %arg13[%dma_wait3A_469, %dma_wait3A_470] : memref<10240x16xf32, #tpu.memory_space<vmem_shared>> -> memref<10240x16xf32, #tpu.memory_space<vmem_shared>>
      tpu.wait_indirect_dma semaphore(%arg18 : memref<!tpu.dma_semaphore, #tpu.memory_space<semaphore_mem>>) src(%arg12 : memref<128x16xf32, #tpu.memory_space<vmem>>) dst(%dma_wait3A_471 : memref<10240x16xf32, #tpu.memory_space<vmem_shared>>)
    }
    %barrier3A_415 = arith.constant 0 : index
    tpu.barrier barrier_id(%barrier3A_415)
    "tpu.region"() ({
      %run_scoped3A = tpu.sem_alloc : memref<!tpu.dma_semaphore, #tpu.memory_space<semaphore_mem>>
      %dma_start3A_416 = arith.constant 0 : i32
      %dma_start3A_417 = arith.constant 0 : i32
      %dma_start3A_418 = tpu.memref_slice %arg7[%arg0, %dma_start3A_416, %dma_start3A_417] : memref<2x10240x16xf32, #tpu.memory_space<hbm>> -> memref<1x10240x16xf32, #tpu.memory_space<hbm>>
      %dma_start3A_419 = tpu.memref_squeeze %dma_start3A_418 : memref<1x10240x16xf32, #tpu.memory_space<hbm>> -> memref<10240x16xf32, #tpu.memory_space<hbm>>
      %dma_start3A_420 = arith.constant 0 : i32
      %dma_start3A_421 = tpu.memref_slice %dma_start3A_419[%mul3A_13, %dma_start3A_420] : memref<10240x16xf32, #tpu.memory_space<hbm>> -> memref<640x16xf32, #tpu.memory_space<hbm>>
      %dma_start3A_422 = arith.constant 0 : i32
      %dma_start3A_423 = tpu.memref_slice %arg13[%mul3A_13, %dma_start3A_422] : memref<10240x16xf32, #tpu.memory_space<vmem_shared>> -> memref<640x16xf32, #tpu.memory_space<vmem_shared>>
      tpu.enqueue_dma source(%dma_start3A_423 : memref<640x16xf32, #tpu.memory_space<vmem_shared>>) target(%dma_start3A_421 : memref<640x16xf32, #tpu.memory_space<hbm>>) target_semaphore(%run_scoped3A : memref<!tpu.dma_semaphore, #tpu.memory_space<semaphore_mem>>)
      %dma_wait3A_424 = arith.constant 0 : i32
      %dma_wait3A_425 = arith.constant 0 : i32
      %dma_wait3A_426 = tpu.memref_slice %arg7[%arg0, %dma_wait3A_424, %dma_wait3A_425] : memref<2x10240x16xf32, #tpu.memory_space<hbm>> -> memref<1x10240x16xf32, #tpu.memory_space<hbm>>
      %dma_wait3A_427 = tpu.memref_squeeze %dma_wait3A_426 : memref<1x10240x16xf32, #tpu.memory_space<hbm>> -> memref<10240x16xf32, #tpu.memory_space<hbm>>
      %dma_wait3A_428 = arith.constant 0 : i32
      %dma_wait3A_429 = tpu.memref_slice %dma_wait3A_427[%mul3A_13, %dma_wait3A_428] : memref<10240x16xf32, #tpu.memory_space<hbm>> -> memref<640x16xf32, #tpu.memory_space<hbm>>
      %dma_wait3A_430 = arith.constant 0 : i32
      %dma_wait3A_431 = tpu.memref_slice %arg13[%mul3A_13, %dma_wait3A_430] : memref<10240x16xf32, #tpu.memory_space<vmem_shared>> -> memref<640x16xf32, #tpu.memory_space<vmem_shared>>
      tpu.wait_dma2 semaphore(%run_scoped3A : memref<!tpu.dma_semaphore, #tpu.memory_space<semaphore_mem>>) src(%dma_wait3A_431 : memref<640x16xf32, #tpu.memory_space<vmem_shared>>) dst(%dma_wait3A_429 : memref<640x16xf32, #tpu.memory_space<hbm>>)
      tpu.yield
    }) : () -> ()
    return
  }
}

#map = affine_map<(d0, d1) -> (0, 0)>
#map1 = affine_map<(d0, d1) -> (0, 0, 0)>
module attributes {stable_mosaic.version = 14 : i64} {
  func.func @k(%arg0: i32, %arg1: i32, %arg2: memref<10240x128xf32, #tpu.memory_space<hbm>>, %arg3: memref<1264x6x128xi32, #tpu.memory_space<hbm>>, %arg4: memref<2x10240x128xf32, #tpu.memory_space<hbm>>, %arg5: memref<2x6x128xi32, #tpu.memory_space<vmem>>, %arg6: memref<128x128xf32, #tpu.memory_space<vmem>>, %arg7: memref<128x128xf32, #tpu.memory_space<vmem>>, %arg8: memref<10240x128xf32, #tpu.memory_space<vmem_shared>>, %arg9: memref<2x!tpu.dma_semaphore, #tpu.memory_space<semaphore_mem>>, %arg10: memref<!tpu.dma_semaphore, #tpu.memory_space<semaphore_mem>>, %arg11: memref<!tpu.dma_semaphore, #tpu.memory_space<semaphore_mem>>, %arg12: memref<!tpu.dma_semaphore, #tpu.memory_space<semaphore_mem>>, %arg13: memref<!tpu.dma_semaphore, #tpu.memory_space<semaphore_mem>>) attributes {dimension_semantics = [#tpu.dimension_semantics<core_parallel>, #tpu.dimension_semantics<subcore_parallel>], iteration_bounds = array<i64: 2, 16>, scalar_prefetch = 0 : i64, scratch_operands = 9 : i64, tpu.core_type = #tpu.core_type<sc_vector_subcore>, window_params = [{transform_indices = #map}, {transform_indices = #map1}, {transform_indices = #map1}]} {
    %eq3A = arith.constant 0 : i32
    %eq3A_0 = arith.cmpi eq, %arg0, %eq3A : i32
    %mul3A = arith.constant 59 : i32
    %mul3A_1 = arith.muli %arg1, %mul3A : i32
    %mul3A_2 = arith.constant 20 : i32
    %mul3A_3 = arith.muli %arg1, %mul3A_2 : i32
    %add3A = arith.constant 944 : i32
    %add3A_4 = arith.addi %add3A, %mul3A_3 : i32
    %select_n3A = arith.select %eq3A_0, %mul3A_1, %add3A_4 : i32
    %eq3A_5 = arith.constant 0 : i32
    %eq3A_6 = arith.cmpi eq, %arg0, %eq3A_5 : i32
    %jit3A = arith.constant 59 : i32
    %jit3A_7 = arith.constant 20 : i32
    %select_n3A_8 = arith.select %eq3A_6, %jit3A, %jit3A_7 : i32
    %mul3A_9 = arith.constant 640 : i32
    %mul3A_10 = arith.muli %arg1, %mul3A_9 : i32
    "tpu.region"() ({
      %run_scoped3A = tpu.sem_alloc : memref<!tpu.dma_semaphore, #tpu.memory_space<semaphore_mem>>
      %dma_start3A_79 = arith.constant 0 : i32
      %dma_start3A_80 = tpu.memref_slice %arg8[%mul3A_10, %dma_start3A_79] : memref<10240x128xf32, #tpu.memory_space<vmem_shared>> -> memref<640x128xf32, #tpu.memory_space<vmem_shared>>
      %dma_start3A_81 = arith.constant 0 : i32
      %dma_start3A_82 = tpu.memref_slice %arg2[%mul3A_10, %dma_start3A_81] : memref<10240x128xf32, #tpu.memory_space<hbm>> -> memref<640x128xf32, #tpu.memory_space<hbm>>
      tpu.enqueue_dma source(%dma_start3A_82 : memref<640x128xf32, #tpu.memory_space<hbm>>) target(%dma_start3A_80 : memref<640x128xf32, #tpu.memory_space<vmem_shared>>) target_semaphore(%run_scoped3A : memref<!tpu.dma_semaphore, #tpu.memory_space<semaphore_mem>>)
      %dma_wait3A_83 = arith.constant 0 : i32
      %dma_wait3A_84 = tpu.memref_slice %arg8[%mul3A_10, %dma_wait3A_83] : memref<10240x128xf32, #tpu.memory_space<vmem_shared>> -> memref<640x128xf32, #tpu.memory_space<vmem_shared>>
      %dma_wait3A_85 = arith.constant 0 : i32
      %dma_wait3A_86 = tpu.memref_slice %arg2[%mul3A_10, %dma_wait3A_85] : memref<10240x128xf32, #tpu.memory_space<hbm>> -> memref<640x128xf32, #tpu.memory_space<hbm>>
      tpu.wait_dma2 semaphore(%run_scoped3A : memref<!tpu.dma_semaphore, #tpu.memory_space<semaphore_mem>>) src(%dma_wait3A_86 : memref<640x128xf32, #tpu.memory_space<hbm>>) dst(%dma_wait3A_84 : memref<640x128xf32, #tpu.memory_space<vmem_shared>>)
      tpu.yield
    }) : () -> ()
    %barrier3A = arith.constant 0 : index
    tpu.barrier barrier_id(%barrier3A)
    %add3A_11 = arith.constant 0 : i32
    %add3A_12 = arith.addi %select_n3A, %add3A_11 : i32
    %dma_start3A = arith.constant 0 : i32
    %dma_start3A_13 = arith.constant 0 : i32
    %dma_start3A_14 = arith.constant 0 : i32
    %dma_start3A_15 = arith.constant 0 : i32
    %dma_start3A_16 = tpu.memref_slice %arg5[%dma_start3A, %dma_start3A_14, %dma_start3A_15] : memref<2x6x128xi32, #tpu.memory_space<vmem>> -> memref<1x6x128xi32, #tpu.memory_space<vmem>>
    %dma_start3A_17 = tpu.memref_squeeze %dma_start3A_16 : memref<1x6x128xi32, #tpu.memory_space<vmem>> -> memref<6x128xi32, #tpu.memory_space<vmem>>
    %dma_start3A_18 = arith.constant 0 : i32
    %dma_start3A_19 = arith.constant 0 : i32
    %dma_start3A_20 = tpu.memref_slice %arg3[%add3A_12, %dma_start3A_18, %dma_start3A_19] : memref<1264x6x128xi32, #tpu.memory_space<hbm>> -> memref<1x6x128xi32, #tpu.memory_space<hbm>>
    %dma_start3A_21 = tpu.memref_squeeze %dma_start3A_20 : memref<1x6x128xi32, #tpu.memory_space<hbm>> -> memref<6x128xi32, #tpu.memory_space<hbm>>
    %dma_start3A_22 = tpu.memref_slice %arg9[%dma_start3A_13] : memref<2x!tpu.dma_semaphore, #tpu.memory_space<semaphore_mem>> -> memref<1x!tpu.dma_semaphore, #tpu.memory_space<semaphore_mem>>
    %dma_start3A_23 = tpu.memref_squeeze %dma_start3A_22 : memref<1x!tpu.dma_semaphore, #tpu.memory_space<semaphore_mem>> -> memref<!tpu.dma_semaphore, #tpu.memory_space<semaphore_mem>>
    %dma_start3A_24 = arith.constant 0 : i32
    %dma_start3A_25 = arith.constant 0 : i32
    %dma_start3A_26 = tpu.memref_slice %arg5[%dma_start3A, %dma_start3A_24, %dma_start3A_25] : memref<2x6x128xi32, #tpu.memory_space<vmem>> -> memref<1x6x128xi32, #tpu.memory_space<vmem>>
    %dma_start3A_27 = tpu.memref_squeeze %dma_start3A_26 : memref<1x6x128xi32, #tpu.memory_space<vmem>> -> memref<6x128xi32, #tpu.memory_space<vmem>>
    %dma_start3A_28 = arith.constant 0 : i32
    %dma_start3A_29 = arith.constant 0 : i32
    %dma_start3A_30 = tpu.memref_slice %arg3[%add3A_12, %dma_start3A_28, %dma_start3A_29] : memref<1264x6x128xi32, #tpu.memory_space<hbm>> -> memref<1x6x128xi32, #tpu.memory_space<hbm>>
    %dma_start3A_31 = tpu.memref_squeeze %dma_start3A_30 : memref<1x6x128xi32, #tpu.memory_space<hbm>> -> memref<6x128xi32, #tpu.memory_space<hbm>>
    tpu.enqueue_dma source(%dma_start3A_31 : memref<6x128xi32, #tpu.memory_space<hbm>>) target(%dma_start3A_27 : memref<6x128xi32, #tpu.memory_space<vmem>>) target_semaphore(%dma_start3A_23 : memref<!tpu.dma_semaphore, #tpu.memory_space<semaphore_mem>>)
    %add3A_32 = arith.constant 0 : i32
    %add3A_33 = arith.addi %select_n3A, %add3A_32 : i32
    %dma_wait3A = arith.constant 0 : i32
    %dma_wait3A_34 = arith.constant 0 : i32
    %dma_wait3A_35 = arith.constant 0 : i32
    %dma_wait3A_36 = arith.constant 0 : i32
    %dma_wait3A_37 = tpu.memref_slice %arg5[%dma_wait3A, %dma_wait3A_35, %dma_wait3A_36] : memref<2x6x128xi32, #tpu.memory_space<vmem>> -> memref<1x6x128xi32, #tpu.memory_space<vmem>>
    %dma_wait3A_38 = tpu.memref_squeeze %dma_wait3A_37 : memref<1x6x128xi32, #tpu.memory_space<vmem>> -> memref<6x128xi32, #tpu.memory_space<vmem>>
    %dma_wait3A_39 = arith.constant 0 : i32
    %dma_wait3A_40 = arith.constant 0 : i32
    %dma_wait3A_41 = tpu.memref_slice %arg3[%add3A_33, %dma_wait3A_39, %dma_wait3A_40] : memref<1264x6x128xi32, #tpu.memory_space<hbm>> -> memref<1x6x128xi32, #tpu.memory_space<hbm>>
    %dma_wait3A_42 = tpu.memref_squeeze %dma_wait3A_41 : memref<1x6x128xi32, #tpu.memory_space<hbm>> -> memref<6x128xi32, #tpu.memory_space<hbm>>
    %dma_wait3A_43 = tpu.memref_slice %arg9[%dma_wait3A_34] : memref<2x!tpu.dma_semaphore, #tpu.memory_space<semaphore_mem>> -> memref<1x!tpu.dma_semaphore, #tpu.memory_space<semaphore_mem>>
    %dma_wait3A_44 = tpu.memref_squeeze %dma_wait3A_43 : memref<1x!tpu.dma_semaphore, #tpu.memory_space<semaphore_mem>> -> memref<!tpu.dma_semaphore, #tpu.memory_space<semaphore_mem>>
    %dma_wait3A_45 = arith.constant 0 : i32
    %dma_wait3A_46 = arith.constant 0 : i32
    %dma_wait3A_47 = tpu.memref_slice %arg5[%dma_wait3A, %dma_wait3A_45, %dma_wait3A_46] : memref<2x6x128xi32, #tpu.memory_space<vmem>> -> memref<1x6x128xi32, #tpu.memory_space<vmem>>
    %dma_wait3A_48 = tpu.memref_squeeze %dma_wait3A_47 : memref<1x6x128xi32, #tpu.memory_space<vmem>> -> memref<6x128xi32, #tpu.memory_space<vmem>>
    %dma_wait3A_49 = arith.constant 0 : i32
    %dma_wait3A_50 = arith.constant 0 : i32
    %dma_wait3A_51 = tpu.memref_slice %arg3[%add3A_33, %dma_wait3A_49, %dma_wait3A_50] : memref<1264x6x128xi32, #tpu.memory_space<hbm>> -> memref<1x6x128xi32, #tpu.memory_space<hbm>>
    %dma_wait3A_52 = tpu.memref_squeeze %dma_wait3A_51 : memref<1x6x128xi32, #tpu.memory_space<hbm>> -> memref<6x128xi32, #tpu.memory_space<hbm>>
    tpu.wait_dma2 semaphore(%dma_wait3A_44 : memref<!tpu.dma_semaphore, #tpu.memory_space<semaphore_mem>>) src(%dma_wait3A_52 : memref<6x128xi32, #tpu.memory_space<hbm>>) dst(%dma_wait3A_48 : memref<6x128xi32, #tpu.memory_space<vmem>>)
    %dma_start3A_53 = arith.constant 0 : i32
    %dma_start3A_54 = arith.constant 0 : i32
    %dma_start3A_55 = arith.constant 0 : i32
    %dma_start3A_56 = tpu.memref_slice %arg5[%dma_start3A_53, %dma_start3A_54, %dma_start3A_55] : memref<2x6x128xi32, #tpu.memory_space<vmem>> -> memref<1x1x128xi32, #tpu.memory_space<vmem>>
    %dma_start3A_57 = tpu.memref_squeeze %dma_start3A_56 : memref<1x1x128xi32, #tpu.memory_space<vmem>> -> memref<128xi32, #tpu.memory_space<vmem>>
    %dma_start3A_58 = arith.constant 0 : i32
    %dma_start3A_59 = arith.constant 0 : i32
    %dma_start3A_60 = tpu.memref_slice %arg2[%dma_start3A_58, %dma_start3A_59] : memref<10240x128xf32, #tpu.memory_space<hbm>> -> memref<10240x128xf32, #tpu.memory_space<hbm>>
    tpu.enqueue_indirect_dma source(%dma_start3A_60 : memref<10240x128xf32, #tpu.memory_space<hbm>>) target(%arg6 : memref<128x128xf32, #tpu.memory_space<vmem>>) offsets(%dma_start3A_57 : memref<128xi32, #tpu.memory_space<vmem>>) semaphore(%arg10 : memref<!tpu.dma_semaphore, #tpu.memory_space<semaphore_mem>>)
    %dma_start3A_61 = arith.constant 0 : i32
    %dma_start3A_62 = arith.constant 1 : i32
    %dma_start3A_63 = arith.constant 0 : i32
    %dma_start3A_64 = tpu.memref_slice %arg5[%dma_start3A_61, %dma_start3A_62, %dma_start3A_63] : memref<2x6x128xi32, #tpu.memory_space<vmem>> -> memref<1x1x128xi32, #tpu.memory_space<vmem>>
    %dma_start3A_65 = tpu.memref_squeeze %dma_start3A_64 : memref<1x1x128xi32, #tpu.memory_space<vmem>> -> memref<128xi32, #tpu.memory_space<vmem>>
    %dma_start3A_66 = arith.constant 0 : i32
    %dma_start3A_67 = arith.constant 0 : i32
    %dma_start3A_68 = tpu.memref_slice %arg2[%dma_start3A_66, %dma_start3A_67] : memref<10240x128xf32, #tpu.memory_space<hbm>> -> memref<10240x128xf32, #tpu.memory_space<hbm>>
    tpu.enqueue_indirect_dma source(%dma_start3A_68 : memref<10240x128xf32, #tpu.memory_space<hbm>>) target(%arg7 : memref<128x128xf32, #tpu.memory_space<vmem>>) offsets(%dma_start3A_65 : memref<128xi32, #tpu.memory_space<vmem>>) semaphore(%arg11 : memref<!tpu.dma_semaphore, #tpu.memory_space<semaphore_mem>>)
    %while3A = arith.constant 0 : i32
    %while3A_69 = arith.constant 0 : i32
    %while3A_70 = arith.subi %select_n3A_8, %while3A_69 : i32
    %while3A_71 = arith.addi %while3A_69, %while3A_70 : i32
    %while3A_72 = arith.constant 1 : i32
    %while3A_73 = arith.divsi %while3A_70, %while3A_72 : i32
    %while3A_74 = arith.muli %while3A_73, %while3A_72 : i32
    %while3A_75 = arith.addi %while3A_69, %while3A_74 : i32
    %while3A_76 = arith.constant 1 : i32
    scf.for %while3A_79 = %while3A_69 to %while3A_75 step %while3A_76  : i32 {
      %and3A = arith.constant 1 : i32
      %and3A_80 = arith.andi %while3A_79, %and3A : i32
      %sub3A = arith.constant 1 : i32
      %sub3A_81 = arith.subi %sub3A, %and3A_80 : i32
      %add3A_82 = arith.constant 1 : i32
      %add3A_83 = arith.addi %while3A_79, %add3A_82 : i32
      %lt3A = arith.cmpi slt, %add3A_83, %select_n3A_8 : i32
      %convert_element_type3A = arith.extui %lt3A : i1 to i32
      %cond3A = arith.constant 0 : i32
      %cond3A_84 = arith.cmpi ne, %convert_element_type3A, %cond3A : i32
      scf.if %cond3A_84 {
        %add3A_140 = arith.constant 1 : i32
        %add3A_141 = arith.addi %while3A_79, %add3A_140 : i32
        %add3A_142 = arith.addi %select_n3A, %add3A_141 : i32
        %dma_start3A_143 = arith.constant 0 : i32
        %dma_start3A_144 = arith.constant 0 : i32
        %dma_start3A_145 = tpu.memref_slice %arg5[%sub3A_81, %dma_start3A_143, %dma_start3A_144] : memref<2x6x128xi32, #tpu.memory_space<vmem>> -> memref<1x6x128xi32, #tpu.memory_space<vmem>>
        %dma_start3A_146 = tpu.memref_squeeze %dma_start3A_145 : memref<1x6x128xi32, #tpu.memory_space<vmem>> -> memref<6x128xi32, #tpu.memory_space<vmem>>
        %dma_start3A_147 = arith.constant 0 : i32
        %dma_start3A_148 = arith.constant 0 : i32
        %dma_start3A_149 = tpu.memref_slice %arg3[%add3A_142, %dma_start3A_147, %dma_start3A_148] : memref<1264x6x128xi32, #tpu.memory_space<hbm>> -> memref<1x6x128xi32, #tpu.memory_space<hbm>>
        %dma_start3A_150 = tpu.memref_squeeze %dma_start3A_149 : memref<1x6x128xi32, #tpu.memory_space<hbm>> -> memref<6x128xi32, #tpu.memory_space<hbm>>
        %dma_start3A_151 = tpu.memref_slice %arg9[%sub3A_81] : memref<2x!tpu.dma_semaphore, #tpu.memory_space<semaphore_mem>> -> memref<1x!tpu.dma_semaphore, #tpu.memory_space<semaphore_mem>>
        %dma_start3A_152 = tpu.memref_squeeze %dma_start3A_151 : memref<1x!tpu.dma_semaphore, #tpu.memory_space<semaphore_mem>> -> memref<!tpu.dma_semaphore, #tpu.memory_space<semaphore_mem>>
        %dma_start3A_153 = arith.constant 0 : i32
        %dma_start3A_154 = arith.constant 0 : i32
        %dma_start3A_155 = tpu.memref_slice %arg5[%sub3A_81, %dma_start3A_153, %dma_start3A_154] : memref<2x6x128xi32, #tpu.memory_space<vmem>> -> memref<1x6x128xi32, #tpu.memory_space<vmem>>
        %dma_start3A_156 = tpu.memref_squeeze %dma_start3A_155 : memref<1x6x128xi32, #tpu.memory_space<vmem>> -> memref<6x128xi32, #tpu.memory_space<vmem>>
        %dma_start3A_157 = arith.constant 0 : i32
        %dma_start3A_158 = arith.constant 0 : i32
        %dma_start3A_159 = tpu.memref_slice %arg3[%add3A_142, %dma_start3A_157, %dma_start3A_158] : memref<1264x6x128xi32, #tpu.memory_space<hbm>> -> memref<1x6x128xi32, #tpu.memory_space<hbm>>
        %dma_start3A_160 = tpu.memref_squeeze %dma_start3A_159 : memref<1x6x128xi32, #tpu.memory_space<hbm>> -> memref<6x128xi32, #tpu.memory_space<hbm>>
        tpu.enqueue_dma source(%dma_start3A_160 : memref<6x128xi32, #tpu.memory_space<hbm>>) target(%dma_start3A_156 : memref<6x128xi32, #tpu.memory_space<vmem>>) target_semaphore(%dma_start3A_152 : memref<!tpu.dma_semaphore, #tpu.memory_space<semaphore_mem>>)
      } else {
      }
      %dma_wait3A_85 = arith.constant 0 : i32
      %dma_wait3A_86 = arith.constant 0 : i32
      %dma_wait3A_87 = tpu.memref_slice %arg5[%and3A_80, %dma_wait3A_85, %dma_wait3A_86] : memref<2x6x128xi32, #tpu.memory_space<vmem>> -> memref<1x1x128xi32, #tpu.memory_space<vmem>>
      %dma_wait3A_88 = tpu.memref_squeeze %dma_wait3A_87 : memref<1x1x128xi32, #tpu.memory_space<vmem>> -> memref<128xi32, #tpu.memory_space<vmem>>
      %dma_wait3A_89 = arith.constant 0 : i32
      %dma_wait3A_90 = arith.constant 0 : i32
      %dma_wait3A_91 = tpu.memref_slice %arg2[%dma_wait3A_89, %dma_wait3A_90] : memref<10240x128xf32, #tpu.memory_space<hbm>> -> memref<10240x128xf32, #tpu.memory_space<hbm>>
      tpu.wait_indirect_dma semaphore(%arg10 : memref<!tpu.dma_semaphore, #tpu.memory_space<semaphore_mem>>) src(%dma_wait3A_91 : memref<10240x128xf32, #tpu.memory_space<hbm>>) dst(%arg6 : memref<128x128xf32, #tpu.memory_space<vmem>>)
      %broadcast_in_dim3A = vector.broadcast %and3A_80 : i32 to vector<16xi32>
      %broadcast_in_dim3A_92 = arith.constant 4 : i32
      %broadcast_in_dim3A_93 = vector.broadcast %broadcast_in_dim3A_92 : i32 to vector<16xi32>
      %scan3A = arith.constant 0 : i32
      %scan3A_94 = arith.constant 0 : i32
      %scan3A_95 = arith.constant 128 : i32
      %scan3A_96 = arith.addi %scan3A_94, %scan3A_95 : i32
      %scan3A_97 = arith.constant 4 : i32
      scf.for %scan3A_140 = %scan3A_94 to %scan3A_96 step %scan3A_97  : i32 {
        %broadcast_in_dim3A_141 = vector.broadcast %scan3A_140 : i32 to vector<16xi32>
        %gather3A = tpu.vector_load_idx %arg5[%broadcast_in_dim3A, %broadcast_in_dim3A_93, %broadcast_in_dim3A_141] : memref<2x6x128xi32, #tpu.memory_space<vmem>>[vector<16xi32>, vector<16xi32>, vector<16xi32>], vector<16xi32>,
        %bitcast3A = vector.bitcast %gather3A : vector<16xi32> to vector<16xf32>
        %get3A = arith.index_cast %scan3A_140 : i32 to index
        %get3A_142 = arith.constant 0 : index
        %get3A_143 = tpu.vector_load %arg6[%get3A, %get3A_142] {strides = array<i32>} : memref<128x128xf32, #tpu.memory_space<vmem>>, vector<16xf32>,
        %mul3A_144 = arith.mulf %get3A_143, %bitcast3A : vector<16xf32>
        %swap3A = arith.index_cast %scan3A_140 : i32 to index
        %swap3A_145 = arith.constant 0 : index
        %swap3A_146 = tpu.vector_load %arg6[%swap3A, %swap3A_145] {strides = array<i32>} : memref<128x128xf32, #tpu.memory_space<vmem>>, vector<16xf32>,
        tpu.vector_store %arg6[%swap3A, %swap3A_145], %mul3A_144 {strides = array<i32>} : memref<128x128xf32, #tpu.memory_space<vmem>>, vector<16xf32>,
        %get3A_147 = arith.index_cast %scan3A_140 : i32 to index
        %get3A_148 = arith.constant 16 : index
        %get3A_149 = tpu.vector_load %arg6[%get3A_147, %get3A_148] {strides = array<i32>} : memref<128x128xf32, #tpu.memory_space<vmem>>, vector<16xf32>,
        %mul3A_150 = arith.mulf %get3A_149, %bitcast3A : vector<16xf32>
        %swap3A_151 = arith.index_cast %scan3A_140 : i32 to index
        %swap3A_152 = arith.constant 16 : index
        %swap3A_153 = tpu.vector_load %arg6[%swap3A_151, %swap3A_152] {strides = array<i32>} : memref<128x128xf32, #tpu.memory_space<vmem>>, vector<16xf32>,
        tpu.vector_store %arg6[%swap3A_151, %swap3A_152], %mul3A_150 {strides = array<i32>} : memref<128x128xf32, #tpu.memory_space<vmem>>, vector<16xf32>,
        %get3A_154 = arith.index_cast %scan3A_140 : i32 to index
        %get3A_155 = arith.constant 32 : index
        %get3A_156 = tpu.vector_load %arg6[%get3A_154, %get3A_155] {strides = array<i32>} : memref<128x128xf32, #tpu.memory_space<vmem>>, vector<16xf32>,
        %mul3A_157 = arith.mulf %get3A_156, %bitcast3A : vector<16xf32>
        %swap3A_158 = arith.index_cast %scan3A_140 : i32 to index
        %swap3A_159 = arith.constant 32 : index
        %swap3A_160 = tpu.vector_load %arg6[%swap3A_158, %swap3A_159] {strides = array<i32>} : memref<128x128xf32, #tpu.memory_space<vmem>>, vector<16xf32>,
        tpu.vector_store %arg6[%swap3A_158, %swap3A_159], %mul3A_157 {strides = array<i32>} : memref<128x128xf32, #tpu.memory_space<vmem>>, vector<16xf32>,
        %get3A_161 = arith.index_cast %scan3A_140 : i32 to index
        %get3A_162 = arith.constant 48 : index
        %get3A_163 = tpu.vector_load %arg6[%get3A_161, %get3A_162] {strides = array<i32>} : memref<128x128xf32, #tpu.memory_space<vmem>>, vector<16xf32>,
        %mul3A_164 = arith.mulf %get3A_163, %bitcast3A : vector<16xf32>
        %swap3A_165 = arith.index_cast %scan3A_140 : i32 to index
        %swap3A_166 = arith.constant 48 : index
        %swap3A_167 = tpu.vector_load %arg6[%swap3A_165, %swap3A_166] {strides = array<i32>} : memref<128x128xf32, #tpu.memory_space<vmem>>, vector<16xf32>,
        tpu.vector_store %arg6[%swap3A_165, %swap3A_166], %mul3A_164 {strides = array<i32>} : memref<128x128xf32, #tpu.memory_space<vmem>>, vector<16xf32>,
        %get3A_168 = arith.index_cast %scan3A_140 : i32 to index
        %get3A_169 = arith.constant 64 : index
        %get3A_170 = tpu.vector_load %arg6[%get3A_168, %get3A_169] {strides = array<i32>} : memref<128x128xf32, #tpu.memory_space<vmem>>, vector<16xf32>,
        %mul3A_171 = arith.mulf %get3A_170, %bitcast3A : vector<16xf32>
        %swap3A_172 = arith.index_cast %scan3A_140 : i32 to index
        %swap3A_173 = arith.constant 64 : index
        %swap3A_174 = tpu.vector_load %arg6[%swap3A_172, %swap3A_173] {strides = array<i32>} : memref<128x128xf32, #tpu.memory_space<vmem>>, vector<16xf32>,
        tpu.vector_store %arg6[%swap3A_172, %swap3A_173], %mul3A_171 {strides = array<i32>} : memref<128x128xf32, #tpu.memory_space<vmem>>, vector<16xf32>,
        %get3A_175 = arith.index_cast %scan3A_140 : i32 to index
        %get3A_176 = arith.constant 80 : index
        %get3A_177 = tpu.vector_load %arg6[%get3A_175, %get3A_176] {strides = array<i32>} : memref<128x128xf32, #tpu.memory_space<vmem>>, vector<16xf32>,
        %mul3A_178 = arith.mulf %get3A_177, %bitcast3A : vector<16xf32>
        %swap3A_179 = arith.index_cast %scan3A_140 : i32 to index
        %swap3A_180 = arith.constant 80 : index
        %swap3A_181 = tpu.vector_load %arg6[%swap3A_179, %swap3A_180] {strides = array<i32>} : memref<128x128xf32, #tpu.memory_space<vmem>>, vector<16xf32>,
        tpu.vector_store %arg6[%swap3A_179, %swap3A_180], %mul3A_178 {strides = array<i32>} : memref<128x128xf32, #tpu.memory_space<vmem>>, vector<16xf32>,
        %get3A_182 = arith.index_cast %scan3A_140 : i32 to index
        %get3A_183 = arith.constant 96 : index
        %get3A_184 = tpu.vector_load %arg6[%get3A_182, %get3A_183] {strides = array<i32>} : memref<128x128xf32, #tpu.memory_space<vmem>>, vector<16xf32>,
        %mul3A_185 = arith.mulf %get3A_184, %bitcast3A : vector<16xf32>
        %swap3A_186 = arith.index_cast %scan3A_140 : i32 to index
        %swap3A_187 = arith.constant 96 : index
        %swap3A_188 = tpu.vector_load %arg6[%swap3A_186, %swap3A_187] {strides = array<i32>} : memref<128x128xf32, #tpu.memory_space<vmem>>, vector<16xf32>,
        tpu.vector_store %arg6[%swap3A_186, %swap3A_187], %mul3A_185 {strides = array<i32>} : memref<128x128xf32, #tpu.memory_space<vmem>>, vector<16xf32>,
        %get3A_189 = arith.index_cast %scan3A_140 : i32 to index
        %get3A_190 = arith.constant 112 : index
        %get3A_191 = tpu.vector_load %arg6[%get3A_189, %get3A_190] {strides = array<i32>} : memref<128x128xf32, #tpu.memory_space<vmem>>, vector<16xf32>,
        %mul3A_192 = arith.mulf %get3A_191, %bitcast3A : vector<16xf32>
        %swap3A_193 = arith.index_cast %scan3A_140 : i32 to index
        %swap3A_194 = arith.constant 112 : index
        %swap3A_195 = tpu.vector_load %arg6[%swap3A_193, %swap3A_194] {strides = array<i32>} : memref<128x128xf32, #tpu.memory_space<vmem>>, vector<16xf32>,
        tpu.vector_store %arg6[%swap3A_193, %swap3A_194], %mul3A_192 {strides = array<i32>} : memref<128x128xf32, #tpu.memory_space<vmem>>, vector<16xf32>,
        %scan3A_196 = arith.constant 1 : i32
        %scan3A_197 = arith.addi %scan3A_140, %scan3A_196 : i32
        %broadcast_in_dim3A_198 = vector.broadcast %scan3A_197 : i32 to vector<16xi32>
        %gather3A_199 = tpu.vector_load_idx %arg5[%broadcast_in_dim3A, %broadcast_in_dim3A_93, %broadcast_in_dim3A_198] : memref<2x6x128xi32, #tpu.memory_space<vmem>>[vector<16xi32>, vector<16xi32>, vector<16xi32>], vector<16xi32>,
        %bitcast3A_200 = vector.bitcast %gather3A_199 : vector<16xi32> to vector<16xf32>
        %get3A_201 = arith.index_cast %scan3A_197 : i32 to index
        %get3A_202 = arith.constant 0 : index
        %get3A_203 = tpu.vector_load %arg6[%get3A_201, %get3A_202] {strides = array<i32>} : memref<128x128xf32, #tpu.memory_space<vmem>>, vector<16xf32>,
        %mul3A_204 = arith.mulf %get3A_203, %bitcast3A_200 : vector<16xf32>
        %swap3A_205 = arith.index_cast %scan3A_197 : i32 to index
        %swap3A_206 = arith.constant 0 : index
        %swap3A_207 = tpu.vector_load %arg6[%swap3A_205, %swap3A_206] {strides = array<i32>} : memref<128x128xf32, #tpu.memory_space<vmem>>, vector<16xf32>,
        tpu.vector_store %arg6[%swap3A_205, %swap3A_206], %mul3A_204 {strides = array<i32>} : memref<128x128xf32, #tpu.memory_space<vmem>>, vector<16xf32>,
        %get3A_208 = arith.index_cast %scan3A_197 : i32 to index
        %get3A_209 = arith.constant 16 : index
        %get3A_210 = tpu.vector_load %arg6[%get3A_208, %get3A_209] {strides = array<i32>} : memref<128x128xf32, #tpu.memory_space<vmem>>, vector<16xf32>,
        %mul3A_211 = arith.mulf %get3A_210, %bitcast3A_200 : vector<16xf32>
        %swap3A_212 = arith.index_cast %scan3A_197 : i32 to index
        %swap3A_213 = arith.constant 16 : index
        %swap3A_214 = tpu.vector_load %arg6[%swap3A_212, %swap3A_213] {strides = array<i32>} : memref<128x128xf32, #tpu.memory_space<vmem>>, vector<16xf32>,
        tpu.vector_store %arg6[%swap3A_212, %swap3A_213], %mul3A_211 {strides = array<i32>} : memref<128x128xf32, #tpu.memory_space<vmem>>, vector<16xf32>,
        %get3A_215 = arith.index_cast %scan3A_197 : i32 to index
        %get3A_216 = arith.constant 32 : index
        %get3A_217 = tpu.vector_load %arg6[%get3A_215, %get3A_216] {strides = array<i32>} : memref<128x128xf32, #tpu.memory_space<vmem>>, vector<16xf32>,
        %mul3A_218 = arith.mulf %get3A_217, %bitcast3A_200 : vector<16xf32>
        %swap3A_219 = arith.index_cast %scan3A_197 : i32 to index
        %swap3A_220 = arith.constant 32 : index
        %swap3A_221 = tpu.vector_load %arg6[%swap3A_219, %swap3A_220] {strides = array<i32>} : memref<128x128xf32, #tpu.memory_space<vmem>>, vector<16xf32>,
        tpu.vector_store %arg6[%swap3A_219, %swap3A_220], %mul3A_218 {strides = array<i32>} : memref<128x128xf32, #tpu.memory_space<vmem>>, vector<16xf32>,
        %get3A_222 = arith.index_cast %scan3A_197 : i32 to index
        %get3A_223 = arith.constant 48 : index
        %get3A_224 = tpu.vector_load %arg6[%get3A_222, %get3A_223] {strides = array<i32>} : memref<128x128xf32, #tpu.memory_space<vmem>>, vector<16xf32>,
        %mul3A_225 = arith.mulf %get3A_224, %bitcast3A_200 : vector<16xf32>
        %swap3A_226 = arith.index_cast %scan3A_197 : i32 to index
        %swap3A_227 = arith.constant 48 : index
        %swap3A_228 = tpu.vector_load %arg6[%swap3A_226, %swap3A_227] {strides = array<i32>} : memref<128x128xf32, #tpu.memory_space<vmem>>, vector<16xf32>,
        tpu.vector_store %arg6[%swap3A_226, %swap3A_227], %mul3A_225 {strides = array<i32>} : memref<128x128xf32, #tpu.memory_space<vmem>>, vector<16xf32>,
        %get3A_229 = arith.index_cast %scan3A_197 : i32 to index
        %get3A_230 = arith.constant 64 : index
        %get3A_231 = tpu.vector_load %arg6[%get3A_229, %get3A_230] {strides = array<i32>} : memref<128x128xf32, #tpu.memory_space<vmem>>, vector<16xf32>,
        %mul3A_232 = arith.mulf %get3A_231, %bitcast3A_200 : vector<16xf32>
        %swap3A_233 = arith.index_cast %scan3A_197 : i32 to index
        %swap3A_234 = arith.constant 64 : index
        %swap3A_235 = tpu.vector_load %arg6[%swap3A_233, %swap3A_234] {strides = array<i32>} : memref<128x128xf32, #tpu.memory_space<vmem>>, vector<16xf32>,
        tpu.vector_store %arg6[%swap3A_233, %swap3A_234], %mul3A_232 {strides = array<i32>} : memref<128x128xf32, #tpu.memory_space<vmem>>, vector<16xf32>,
        %get3A_236 = arith.index_cast %scan3A_197 : i32 to index
        %get3A_237 = arith.constant 80 : index
        %get3A_238 = tpu.vector_load %arg6[%get3A_236, %get3A_237] {strides = array<i32>} : memref<128x128xf32, #tpu.memory_space<vmem>>, vector<16xf32>,
        %mul3A_239 = arith.mulf %get3A_238, %bitcast3A_200 : vector<16xf32>
        %swap3A_240 = arith.index_cast %scan3A_197 : i32 to index
        %swap3A_241 = arith.constant 80 : index
        %swap3A_242 = tpu.vector_load %arg6[%swap3A_240, %swap3A_241] {strides = array<i32>} : memref<128x128xf32, #tpu.memory_space<vmem>>, vector<16xf32>,
        tpu.vector_store %arg6[%swap3A_240, %swap3A_241], %mul3A_239 {strides = array<i32>} : memref<128x128xf32, #tpu.memory_space<vmem>>, vector<16xf32>,
        %get3A_243 = arith.index_cast %scan3A_197 : i32 to index
        %get3A_244 = arith.constant 96 : index
        %get3A_245 = tpu.vector_load %arg6[%get3A_243, %get3A_244] {strides = array<i32>} : memref<128x128xf32, #tpu.memory_space<vmem>>, vector<16xf32>,
        %mul3A_246 = arith.mulf %get3A_245, %bitcast3A_200 : vector<16xf32>
        %swap3A_247 = arith.index_cast %scan3A_197 : i32 to index
        %swap3A_248 = arith.constant 96 : index
        %swap3A_249 = tpu.vector_load %arg6[%swap3A_247, %swap3A_248] {strides = array<i32>} : memref<128x128xf32, #tpu.memory_space<vmem>>, vector<16xf32>,
        tpu.vector_store %arg6[%swap3A_247, %swap3A_248], %mul3A_246 {strides = array<i32>} : memref<128x128xf32, #tpu.memory_space<vmem>>, vector<16xf32>,
        %get3A_250 = arith.index_cast %scan3A_197 : i32 to index
        %get3A_251 = arith.constant 112 : index
        %get3A_252 = tpu.vector_load %arg6[%get3A_250, %get3A_251] {strides = array<i32>} : memref<128x128xf32, #tpu.memory_space<vmem>>, vector<16xf32>,
        %mul3A_253 = arith.mulf %get3A_252, %bitcast3A_200 : vector<16xf32>
        %swap3A_254 = arith.index_cast %scan3A_197 : i32 to index
        %swap3A_255 = arith.constant 112 : index
        %swap3A_256 = tpu.vector_load %arg6[%swap3A_254, %swap3A_255] {strides = array<i32>} : memref<128x128xf32, #tpu.memory_space<vmem>>, vector<16xf32>,
        tpu.vector_store %arg6[%swap3A_254, %swap3A_255], %mul3A_253 {strides = array<i32>} : memref<128x128xf32, #tpu.memory_space<vmem>>, vector<16xf32>,
        %scan3A_257 = arith.constant 2 : i32
        %scan3A_258 = arith.addi %scan3A_140, %scan3A_257 : i32
        %broadcast_in_dim3A_259 = vector.broadcast %scan3A_258 : i32 to vector<16xi32>
        %gather3A_260 = tpu.vector_load_idx %arg5[%broadcast_in_dim3A, %broadcast_in_dim3A_93, %broadcast_in_dim3A_259] : memref<2x6x128xi32, #tpu.memory_space<vmem>>[vector<16xi32>, vector<16xi32>, vector<16xi32>], vector<16xi32>,
        %bitcast3A_261 = vector.bitcast %gather3A_260 : vector<16xi32> to vector<16xf32>
        %get3A_262 = arith.index_cast %scan3A_258 : i32 to index
        %get3A_263 = arith.constant 0 : index
        %get3A_264 = tpu.vector_load %arg6[%get3A_262, %get3A_263] {strides = array<i32>} : memref<128x128xf32, #tpu.memory_space<vmem>>, vector<16xf32>,
        %mul3A_265 = arith.mulf %get3A_264, %bitcast3A_261 : vector<16xf32>
        %swap3A_266 = arith.index_cast %scan3A_258 : i32 to index
        %swap3A_267 = arith.constant 0 : index
        %swap3A_268 = tpu.vector_load %arg6[%swap3A_266, %swap3A_267] {strides = array<i32>} : memref<128x128xf32, #tpu.memory_space<vmem>>, vector<16xf32>,
        tpu.vector_store %arg6[%swap3A_266, %swap3A_267], %mul3A_265 {strides = array<i32>} : memref<128x128xf32, #tpu.memory_space<vmem>>, vector<16xf32>,
        %get3A_269 = arith.index_cast %scan3A_258 : i32 to index
        %get3A_270 = arith.constant 16 : index
        %get3A_271 = tpu.vector_load %arg6[%get3A_269, %get3A_270] {strides = array<i32>} : memref<128x128xf32, #tpu.memory_space<vmem>>, vector<16xf32>,
        %mul3A_272 = arith.mulf %get3A_271, %bitcast3A_261 : vector<16xf32>
        %swap3A_273 = arith.index_cast %scan3A_258 : i32 to index
        %swap3A_274 = arith.constant 16 : index
        %swap3A_275 = tpu.vector_load %arg6[%swap3A_273, %swap3A_274] {strides = array<i32>} : memref<128x128xf32, #tpu.memory_space<vmem>>, vector<16xf32>,
        tpu.vector_store %arg6[%swap3A_273, %swap3A_274], %mul3A_272 {strides = array<i32>} : memref<128x128xf32, #tpu.memory_space<vmem>>, vector<16xf32>,
        %get3A_276 = arith.index_cast %scan3A_258 : i32 to index
        %get3A_277 = arith.constant 32 : index
        %get3A_278 = tpu.vector_load %arg6[%get3A_276, %get3A_277] {strides = array<i32>} : memref<128x128xf32, #tpu.memory_space<vmem>>, vector<16xf32>,
        %mul3A_279 = arith.mulf %get3A_278, %bitcast3A_261 : vector<16xf32>
        %swap3A_280 = arith.index_cast %scan3A_258 : i32 to index
        %swap3A_281 = arith.constant 32 : index
        %swap3A_282 = tpu.vector_load %arg6[%swap3A_280, %swap3A_281] {strides = array<i32>} : memref<128x128xf32, #tpu.memory_space<vmem>>, vector<16xf32>,
        tpu.vector_store %arg6[%swap3A_280, %swap3A_281], %mul3A_279 {strides = array<i32>} : memref<128x128xf32, #tpu.memory_space<vmem>>, vector<16xf32>,
        %get3A_283 = arith.index_cast %scan3A_258 : i32 to index
        %get3A_284 = arith.constant 48 : index
        %get3A_285 = tpu.vector_load %arg6[%get3A_283, %get3A_284] {strides = array<i32>} : memref<128x128xf32, #tpu.memory_space<vmem>>, vector<16xf32>,
        %mul3A_286 = arith.mulf %get3A_285, %bitcast3A_261 : vector<16xf32>
        %swap3A_287 = arith.index_cast %scan3A_258 : i32 to index
        %swap3A_288 = arith.constant 48 : index
        %swap3A_289 = tpu.vector_load %arg6[%swap3A_287, %swap3A_288] {strides = array<i32>} : memref<128x128xf32, #tpu.memory_space<vmem>>, vector<16xf32>,
        tpu.vector_store %arg6[%swap3A_287, %swap3A_288], %mul3A_286 {strides = array<i32>} : memref<128x128xf32, #tpu.memory_space<vmem>>, vector<16xf32>,
        %get3A_290 = arith.index_cast %scan3A_258 : i32 to index
        %get3A_291 = arith.constant 64 : index
        %get3A_292 = tpu.vector_load %arg6[%get3A_290, %get3A_291] {strides = array<i32>} : memref<128x128xf32, #tpu.memory_space<vmem>>, vector<16xf32>,
        %mul3A_293 = arith.mulf %get3A_292, %bitcast3A_261 : vector<16xf32>
        %swap3A_294 = arith.index_cast %scan3A_258 : i32 to index
        %swap3A_295 = arith.constant 64 : index
        %swap3A_296 = tpu.vector_load %arg6[%swap3A_294, %swap3A_295] {strides = array<i32>} : memref<128x128xf32, #tpu.memory_space<vmem>>, vector<16xf32>,
        tpu.vector_store %arg6[%swap3A_294, %swap3A_295], %mul3A_293 {strides = array<i32>} : memref<128x128xf32, #tpu.memory_space<vmem>>, vector<16xf32>,
        %get3A_297 = arith.index_cast %scan3A_258 : i32 to index
        %get3A_298 = arith.constant 80 : index
        %get3A_299 = tpu.vector_load %arg6[%get3A_297, %get3A_298] {strides = array<i32>} : memref<128x128xf32, #tpu.memory_space<vmem>>, vector<16xf32>,
        %mul3A_300 = arith.mulf %get3A_299, %bitcast3A_261 : vector<16xf32>
        %swap3A_301 = arith.index_cast %scan3A_258 : i32 to index
        %swap3A_302 = arith.constant 80 : index
        %swap3A_303 = tpu.vector_load %arg6[%swap3A_301, %swap3A_302] {strides = array<i32>} : memref<128x128xf32, #tpu.memory_space<vmem>>, vector<16xf32>,
        tpu.vector_store %arg6[%swap3A_301, %swap3A_302], %mul3A_300 {strides = array<i32>} : memref<128x128xf32, #tpu.memory_space<vmem>>, vector<16xf32>,
        %get3A_304 = arith.index_cast %scan3A_258 : i32 to index
        %get3A_305 = arith.constant 96 : index
        %get3A_306 = tpu.vector_load %arg6[%get3A_304, %get3A_305] {strides = array<i32>} : memref<128x128xf32, #tpu.memory_space<vmem>>, vector<16xf32>,
        %mul3A_307 = arith.mulf %get3A_306, %bitcast3A_261 : vector<16xf32>
        %swap3A_308 = arith.index_cast %scan3A_258 : i32 to index
        %swap3A_309 = arith.constant 96 : index
        %swap3A_310 = tpu.vector_load %arg6[%swap3A_308, %swap3A_309] {strides = array<i32>} : memref<128x128xf32, #tpu.memory_space<vmem>>, vector<16xf32>,
        tpu.vector_store %arg6[%swap3A_308, %swap3A_309], %mul3A_307 {strides = array<i32>} : memref<128x128xf32, #tpu.memory_space<vmem>>, vector<16xf32>,
        %get3A_311 = arith.index_cast %scan3A_258 : i32 to index
        %get3A_312 = arith.constant 112 : index
        %get3A_313 = tpu.vector_load %arg6[%get3A_311, %get3A_312] {strides = array<i32>} : memref<128x128xf32, #tpu.memory_space<vmem>>, vector<16xf32>,
        %mul3A_314 = arith.mulf %get3A_313, %bitcast3A_261 : vector<16xf32>
        %swap3A_315 = arith.index_cast %scan3A_258 : i32 to index
        %swap3A_316 = arith.constant 112 : index
        %swap3A_317 = tpu.vector_load %arg6[%swap3A_315, %swap3A_316] {strides = array<i32>} : memref<128x128xf32, #tpu.memory_space<vmem>>, vector<16xf32>,
        tpu.vector_store %arg6[%swap3A_315, %swap3A_316], %mul3A_314 {strides = array<i32>} : memref<128x128xf32, #tpu.memory_space<vmem>>, vector<16xf32>,
        %scan3A_318 = arith.constant 3 : i32
        %scan3A_319 = arith.addi %scan3A_140, %scan3A_318 : i32
        %broadcast_in_dim3A_320 = vector.broadcast %scan3A_319 : i32 to vector<16xi32>
        %gather3A_321 = tpu.vector_load_idx %arg5[%broadcast_in_dim3A, %broadcast_in_dim3A_93, %broadcast_in_dim3A_320] : memref<2x6x128xi32, #tpu.memory_space<vmem>>[vector<16xi32>, vector<16xi32>, vector<16xi32>], vector<16xi32>,
        %bitcast3A_322 = vector.bitcast %gather3A_321 : vector<16xi32> to vector<16xf32>
        %get3A_323 = arith.index_cast %scan3A_319 : i32 to index
        %get3A_324 = arith.constant 0 : index
        %get3A_325 = tpu.vector_load %arg6[%get3A_323, %get3A_324] {strides = array<i32>} : memref<128x128xf32, #tpu.memory_space<vmem>>, vector<16xf32>,
        %mul3A_326 = arith.mulf %get3A_325, %bitcast3A_322 : vector<16xf32>
        %swap3A_327 = arith.index_cast %scan3A_319 : i32 to index
        %swap3A_328 = arith.constant 0 : index
        %swap3A_329 = tpu.vector_load %arg6[%swap3A_327, %swap3A_328] {strides = array<i32>} : memref<128x128xf32, #tpu.memory_space<vmem>>, vector<16xf32>,
        tpu.vector_store %arg6[%swap3A_327, %swap3A_328], %mul3A_326 {strides = array<i32>} : memref<128x128xf32, #tpu.memory_space<vmem>>, vector<16xf32>,
        %get3A_330 = arith.index_cast %scan3A_319 : i32 to index
        %get3A_331 = arith.constant 16 : index
        %get3A_332 = tpu.vector_load %arg6[%get3A_330, %get3A_331] {strides = array<i32>} : memref<128x128xf32, #tpu.memory_space<vmem>>, vector<16xf32>,
        %mul3A_333 = arith.mulf %get3A_332, %bitcast3A_322 : vector<16xf32>
        %swap3A_334 = arith.index_cast %scan3A_319 : i32 to index
        %swap3A_335 = arith.constant 16 : index
        %swap3A_336 = tpu.vector_load %arg6[%swap3A_334, %swap3A_335] {strides = array<i32>} : memref<128x128xf32, #tpu.memory_space<vmem>>, vector<16xf32>,
        tpu.vector_store %arg6[%swap3A_334, %swap3A_335], %mul3A_333 {strides = array<i32>} : memref<128x128xf32, #tpu.memory_space<vmem>>, vector<16xf32>,
        %get3A_337 = arith.index_cast %scan3A_319 : i32 to index
        %get3A_338 = arith.constant 32 : index
        %get3A_339 = tpu.vector_load %arg6[%get3A_337, %get3A_338] {strides = array<i32>} : memref<128x128xf32, #tpu.memory_space<vmem>>, vector<16xf32>,
        %mul3A_340 = arith.mulf %get3A_339, %bitcast3A_322 : vector<16xf32>
        %swap3A_341 = arith.index_cast %scan3A_319 : i32 to index
        %swap3A_342 = arith.constant 32 : index
        %swap3A_343 = tpu.vector_load %arg6[%swap3A_341, %swap3A_342] {strides = array<i32>} : memref<128x128xf32, #tpu.memory_space<vmem>>, vector<16xf32>,
        tpu.vector_store %arg6[%swap3A_341, %swap3A_342], %mul3A_340 {strides = array<i32>} : memref<128x128xf32, #tpu.memory_space<vmem>>, vector<16xf32>,
        %get3A_344 = arith.index_cast %scan3A_319 : i32 to index
        %get3A_345 = arith.constant 48 : index
        %get3A_346 = tpu.vector_load %arg6[%get3A_344, %get3A_345] {strides = array<i32>} : memref<128x128xf32, #tpu.memory_space<vmem>>, vector<16xf32>,
        %mul3A_347 = arith.mulf %get3A_346, %bitcast3A_322 : vector<16xf32>
        %swap3A_348 = arith.index_cast %scan3A_319 : i32 to index
        %swap3A_349 = arith.constant 48 : index
        %swap3A_350 = tpu.vector_load %arg6[%swap3A_348, %swap3A_349] {strides = array<i32>} : memref<128x128xf32, #tpu.memory_space<vmem>>, vector<16xf32>,
        tpu.vector_store %arg6[%swap3A_348, %swap3A_349], %mul3A_347 {strides = array<i32>} : memref<128x128xf32, #tpu.memory_space<vmem>>, vector<16xf32>,
        %get3A_351 = arith.index_cast %scan3A_319 : i32 to index
        %get3A_352 = arith.constant 64 : index
        %get3A_353 = tpu.vector_load %arg6[%get3A_351, %get3A_352] {strides = array<i32>} : memref<128x128xf32, #tpu.memory_space<vmem>>, vector<16xf32>,
        %mul3A_354 = arith.mulf %get3A_353, %bitcast3A_322 : vector<16xf32>
        %swap3A_355 = arith.index_cast %scan3A_319 : i32 to index
        %swap3A_356 = arith.constant 64 : index
        %swap3A_357 = tpu.vector_load %arg6[%swap3A_355, %swap3A_356] {strides = array<i32>} : memref<128x128xf32, #tpu.memory_space<vmem>>, vector<16xf32>,
        tpu.vector_store %arg6[%swap3A_355, %swap3A_356], %mul3A_354 {strides = array<i32>} : memref<128x128xf32, #tpu.memory_space<vmem>>, vector<16xf32>,
        %get3A_358 = arith.index_cast %scan3A_319 : i32 to index
        %get3A_359 = arith.constant 80 : index
        %get3A_360 = tpu.vector_load %arg6[%get3A_358, %get3A_359] {strides = array<i32>} : memref<128x128xf32, #tpu.memory_space<vmem>>, vector<16xf32>,
        %mul3A_361 = arith.mulf %get3A_360, %bitcast3A_322 : vector<16xf32>
        %swap3A_362 = arith.index_cast %scan3A_319 : i32 to index
        %swap3A_363 = arith.constant 80 : index
        %swap3A_364 = tpu.vector_load %arg6[%swap3A_362, %swap3A_363] {strides = array<i32>} : memref<128x128xf32, #tpu.memory_space<vmem>>, vector<16xf32>,
        tpu.vector_store %arg6[%swap3A_362, %swap3A_363], %mul3A_361 {strides = array<i32>} : memref<128x128xf32, #tpu.memory_space<vmem>>, vector<16xf32>,
        %get3A_365 = arith.index_cast %scan3A_319 : i32 to index
        %get3A_366 = arith.constant 96 : index
        %get3A_367 = tpu.vector_load %arg6[%get3A_365, %get3A_366] {strides = array<i32>} : memref<128x128xf32, #tpu.memory_space<vmem>>, vector<16xf32>,
        %mul3A_368 = arith.mulf %get3A_367, %bitcast3A_322 : vector<16xf32>
        %swap3A_369 = arith.index_cast %scan3A_319 : i32 to index
        %swap3A_370 = arith.constant 96 : index
        %swap3A_371 = tpu.vector_load %arg6[%swap3A_369, %swap3A_370] {strides = array<i32>} : memref<128x128xf32, #tpu.memory_space<vmem>>, vector<16xf32>,
        tpu.vector_store %arg6[%swap3A_369, %swap3A_370], %mul3A_368 {strides = array<i32>} : memref<128x128xf32, #tpu.memory_space<vmem>>, vector<16xf32>,
        %get3A_372 = arith.index_cast %scan3A_319 : i32 to index
        %get3A_373 = arith.constant 112 : index
        %get3A_374 = tpu.vector_load %arg6[%get3A_372, %get3A_373] {strides = array<i32>} : memref<128x128xf32, #tpu.memory_space<vmem>>, vector<16xf32>,
        %mul3A_375 = arith.mulf %get3A_374, %bitcast3A_322 : vector<16xf32>
        %swap3A_376 = arith.index_cast %scan3A_319 : i32 to index
        %swap3A_377 = arith.constant 112 : index
        %swap3A_378 = tpu.vector_load %arg6[%swap3A_376, %swap3A_377] {strides = array<i32>} : memref<128x128xf32, #tpu.memory_space<vmem>>, vector<16xf32>,
        tpu.vector_store %arg6[%swap3A_376, %swap3A_377], %mul3A_375 {strides = array<i32>} : memref<128x128xf32, #tpu.memory_space<vmem>>, vector<16xf32>,
      }
      %scan3A_98 = arith.constant 128 : i32
      %dma_start3A_99 = arith.constant 2 : i32
      %dma_start3A_100 = arith.constant 0 : i32
      %dma_start3A_101 = tpu.memref_slice %arg5[%and3A_80, %dma_start3A_99, %dma_start3A_100] : memref<2x6x128xi32, #tpu.memory_space<vmem>> -> memref<1x1x128xi32, #tpu.memory_space<vmem>>
      %dma_start3A_102 = tpu.memref_squeeze %dma_start3A_101 : memref<1x1x128xi32, #tpu.memory_space<vmem>> -> memref<128xi32, #tpu.memory_space<vmem>>
      %dma_start3A_103 = arith.constant 0 : i32
      %dma_start3A_104 = arith.constant 0 : i32
      %dma_start3A_105 = tpu.memref_slice %arg8[%dma_start3A_103, %dma_start3A_104] : memref<10240x128xf32, #tpu.memory_space<vmem_shared>> -> memref<10240x128xf32, #tpu.memory_space<vmem_shared>>
      tpu.enqueue_indirect_dma source(%arg6 : memref<128x128xf32, #tpu.memory_space<vmem>>) target(%dma_start3A_105 : memref<10240x128xf32, #tpu.memory_space<vmem_shared>>) offsets(%dma_start3A_102 : memref<128xi32, #tpu.memory_space<vmem>>) semaphore(%arg12 : memref<!tpu.dma_semaphore, #tpu.memory_space<semaphore_mem>>) {add = true}
      %dma_wait3A_106 = arith.constant 1 : i32
      %dma_wait3A_107 = arith.constant 0 : i32
      %dma_wait3A_108 = tpu.memref_slice %arg5[%and3A_80, %dma_wait3A_106, %dma_wait3A_107] : memref<2x6x128xi32, #tpu.memory_space<vmem>> -> memref<1x1x128xi32, #tpu.memory_space<vmem>>
      %dma_wait3A_109 = tpu.memref_squeeze %dma_wait3A_108 : memref<1x1x128xi32, #tpu.memory_space<vmem>> -> memref<128xi32, #tpu.memory_space<vmem>>
      %dma_wait3A_110 = arith.constant 0 : i32
      %dma_wait3A_111 = arith.constant 0 : i32
      %dma_wait3A_112 = tpu.memref_slice %arg2[%dma_wait3A_110, %dma_wait3A_111] : memref<10240x128xf32, #tpu.memory_space<hbm>> -> memref<10240x128xf32, #tpu.memory_space<hbm>>
      tpu.wait_indirect_dma semaphore(%arg11 : memref<!tpu.dma_semaphore, #tpu.memory_space<semaphore_mem>>) src(%dma_wait3A_112 : memref<10240x128xf32, #tpu.memory_space<hbm>>) dst(%arg7 : memref<128x128xf32, #tpu.memory_space<vmem>>)
      %broadcast_in_dim3A_113 = vector.broadcast %and3A_80 : i32 to vector<16xi32>
      %broadcast_in_dim3A_114 = arith.constant 5 : i32
      %broadcast_in_dim3A_115 = vector.broadcast %broadcast_in_dim3A_114 : i32 to vector<16xi32>
      %scan3A_116 = arith.constant 0 : i32
      %scan3A_117 = arith.constant 0 : i32
      %scan3A_118 = arith.constant 128 : i32
      %scan3A_119 = arith.addi %scan3A_117, %scan3A_118 : i32
      %scan3A_120 = arith.constant 4 : i32
      scf.for %scan3A_140 = %scan3A_117 to %scan3A_119 step %scan3A_120  : i32 {
        %broadcast_in_dim3A_141 = vector.broadcast %scan3A_140 : i32 to vector<16xi32>
        %gather3A = tpu.vector_load_idx %arg5[%broadcast_in_dim3A_113, %broadcast_in_dim3A_115, %broadcast_in_dim3A_141] : memref<2x6x128xi32, #tpu.memory_space<vmem>>[vector<16xi32>, vector<16xi32>, vector<16xi32>], vector<16xi32>,
        %bitcast3A = vector.bitcast %gather3A : vector<16xi32> to vector<16xf32>
        %get3A = arith.index_cast %scan3A_140 : i32 to index
        %get3A_142 = arith.constant 0 : index
        %get3A_143 = tpu.vector_load %arg7[%get3A, %get3A_142] {strides = array<i32>} : memref<128x128xf32, #tpu.memory_space<vmem>>, vector<16xf32>,
        %mul3A_144 = arith.mulf %get3A_143, %bitcast3A : vector<16xf32>
        %swap3A = arith.index_cast %scan3A_140 : i32 to index
        %swap3A_145 = arith.constant 0 : index
        %swap3A_146 = tpu.vector_load %arg7[%swap3A, %swap3A_145] {strides = array<i32>} : memref<128x128xf32, #tpu.memory_space<vmem>>, vector<16xf32>,
        tpu.vector_store %arg7[%swap3A, %swap3A_145], %mul3A_144 {strides = array<i32>} : memref<128x128xf32, #tpu.memory_space<vmem>>, vector<16xf32>,
        %get3A_147 = arith.index_cast %scan3A_140 : i32 to index
        %get3A_148 = arith.constant 16 : index
        %get3A_149 = tpu.vector_load %arg7[%get3A_147, %get3A_148] {strides = array<i32>} : memref<128x128xf32, #tpu.memory_space<vmem>>, vector<16xf32>,
        %mul3A_150 = arith.mulf %get3A_149, %bitcast3A : vector<16xf32>
        %swap3A_151 = arith.index_cast %scan3A_140 : i32 to index
        %swap3A_152 = arith.constant 16 : index
        %swap3A_153 = tpu.vector_load %arg7[%swap3A_151, %swap3A_152] {strides = array<i32>} : memref<128x128xf32, #tpu.memory_space<vmem>>, vector<16xf32>,
        tpu.vector_store %arg7[%swap3A_151, %swap3A_152], %mul3A_150 {strides = array<i32>} : memref<128x128xf32, #tpu.memory_space<vmem>>, vector<16xf32>,
        %get3A_154 = arith.index_cast %scan3A_140 : i32 to index
        %get3A_155 = arith.constant 32 : index
        %get3A_156 = tpu.vector_load %arg7[%get3A_154, %get3A_155] {strides = array<i32>} : memref<128x128xf32, #tpu.memory_space<vmem>>, vector<16xf32>,
        %mul3A_157 = arith.mulf %get3A_156, %bitcast3A : vector<16xf32>
        %swap3A_158 = arith.index_cast %scan3A_140 : i32 to index
        %swap3A_159 = arith.constant 32 : index
        %swap3A_160 = tpu.vector_load %arg7[%swap3A_158, %swap3A_159] {strides = array<i32>} : memref<128x128xf32, #tpu.memory_space<vmem>>, vector<16xf32>,
        tpu.vector_store %arg7[%swap3A_158, %swap3A_159], %mul3A_157 {strides = array<i32>} : memref<128x128xf32, #tpu.memory_space<vmem>>, vector<16xf32>,
        %get3A_161 = arith.index_cast %scan3A_140 : i32 to index
        %get3A_162 = arith.constant 48 : index
        %get3A_163 = tpu.vector_load %arg7[%get3A_161, %get3A_162] {strides = array<i32>} : memref<128x128xf32, #tpu.memory_space<vmem>>, vector<16xf32>,
        %mul3A_164 = arith.mulf %get3A_163, %bitcast3A : vector<16xf32>
        %swap3A_165 = arith.index_cast %scan3A_140 : i32 to index
        %swap3A_166 = arith.constant 48 : index
        %swap3A_167 = tpu.vector_load %arg7[%swap3A_165, %swap3A_166] {strides = array<i32>} : memref<128x128xf32, #tpu.memory_space<vmem>>, vector<16xf32>,
        tpu.vector_store %arg7[%swap3A_165, %swap3A_166], %mul3A_164 {strides = array<i32>} : memref<128x128xf32, #tpu.memory_space<vmem>>, vector<16xf32>,
        %get3A_168 = arith.index_cast %scan3A_140 : i32 to index
        %get3A_169 = arith.constant 64 : index
        %get3A_170 = tpu.vector_load %arg7[%get3A_168, %get3A_169] {strides = array<i32>} : memref<128x128xf32, #tpu.memory_space<vmem>>, vector<16xf32>,
        %mul3A_171 = arith.mulf %get3A_170, %bitcast3A : vector<16xf32>
        %swap3A_172 = arith.index_cast %scan3A_140 : i32 to index
        %swap3A_173 = arith.constant 64 : index
        %swap3A_174 = tpu.vector_load %arg7[%swap3A_172, %swap3A_173] {strides = array<i32>} : memref<128x128xf32, #tpu.memory_space<vmem>>, vector<16xf32>,
        tpu.vector_store %arg7[%swap3A_172, %swap3A_173], %mul3A_171 {strides = array<i32>} : memref<128x128xf32, #tpu.memory_space<vmem>>, vector<16xf32>,
        %get3A_175 = arith.index_cast %scan3A_140 : i32 to index
        %get3A_176 = arith.constant 80 : index
        %get3A_177 = tpu.vector_load %arg7[%get3A_175, %get3A_176] {strides = array<i32>} : memref<128x128xf32, #tpu.memory_space<vmem>>, vector<16xf32>,
        %mul3A_178 = arith.mulf %get3A_177, %bitcast3A : vector<16xf32>
        %swap3A_179 = arith.index_cast %scan3A_140 : i32 to index
        %swap3A_180 = arith.constant 80 : index
        %swap3A_181 = tpu.vector_load %arg7[%swap3A_179, %swap3A_180] {strides = array<i32>} : memref<128x128xf32, #tpu.memory_space<vmem>>, vector<16xf32>,
        tpu.vector_store %arg7[%swap3A_179, %swap3A_180], %mul3A_178 {strides = array<i32>} : memref<128x128xf32, #tpu.memory_space<vmem>>, vector<16xf32>,
        %get3A_182 = arith.index_cast %scan3A_140 : i32 to index
        %get3A_183 = arith.constant 96 : index
        %get3A_184 = tpu.vector_load %arg7[%get3A_182, %get3A_183] {strides = array<i32>} : memref<128x128xf32, #tpu.memory_space<vmem>>, vector<16xf32>,
        %mul3A_185 = arith.mulf %get3A_184, %bitcast3A : vector<16xf32>
        %swap3A_186 = arith.index_cast %scan3A_140 : i32 to index
        %swap3A_187 = arith.constant 96 : index
        %swap3A_188 = tpu.vector_load %arg7[%swap3A_186, %swap3A_187] {strides = array<i32>} : memref<128x128xf32, #tpu.memory_space<vmem>>, vector<16xf32>,
        tpu.vector_store %arg7[%swap3A_186, %swap3A_187], %mul3A_185 {strides = array<i32>} : memref<128x128xf32, #tpu.memory_space<vmem>>, vector<16xf32>,
        %get3A_189 = arith.index_cast %scan3A_140 : i32 to index
        %get3A_190 = arith.constant 112 : index
        %get3A_191 = tpu.vector_load %arg7[%get3A_189, %get3A_190] {strides = array<i32>} : memref<128x128xf32, #tpu.memory_space<vmem>>, vector<16xf32>,
        %mul3A_192 = arith.mulf %get3A_191, %bitcast3A : vector<16xf32>
        %swap3A_193 = arith.index_cast %scan3A_140 : i32 to index
        %swap3A_194 = arith.constant 112 : index
        %swap3A_195 = tpu.vector_load %arg7[%swap3A_193, %swap3A_194] {strides = array<i32>} : memref<128x128xf32, #tpu.memory_space<vmem>>, vector<16xf32>,
        tpu.vector_store %arg7[%swap3A_193, %swap3A_194], %mul3A_192 {strides = array<i32>} : memref<128x128xf32, #tpu.memory_space<vmem>>, vector<16xf32>,
        %scan3A_196 = arith.constant 1 : i32
        %scan3A_197 = arith.addi %scan3A_140, %scan3A_196 : i32
        %broadcast_in_dim3A_198 = vector.broadcast %scan3A_197 : i32 to vector<16xi32>
        %gather3A_199 = tpu.vector_load_idx %arg5[%broadcast_in_dim3A_113, %broadcast_in_dim3A_115, %broadcast_in_dim3A_198] : memref<2x6x128xi32, #tpu.memory_space<vmem>>[vector<16xi32>, vector<16xi32>, vector<16xi32>], vector<16xi32>,
        %bitcast3A_200 = vector.bitcast %gather3A_199 : vector<16xi32> to vector<16xf32>
        %get3A_201 = arith.index_cast %scan3A_197 : i32 to index
        %get3A_202 = arith.constant 0 : index
        %get3A_203 = tpu.vector_load %arg7[%get3A_201, %get3A_202] {strides = array<i32>} : memref<128x128xf32, #tpu.memory_space<vmem>>, vector<16xf32>,
        %mul3A_204 = arith.mulf %get3A_203, %bitcast3A_200 : vector<16xf32>
        %swap3A_205 = arith.index_cast %scan3A_197 : i32 to index
        %swap3A_206 = arith.constant 0 : index
        %swap3A_207 = tpu.vector_load %arg7[%swap3A_205, %swap3A_206] {strides = array<i32>} : memref<128x128xf32, #tpu.memory_space<vmem>>, vector<16xf32>,
        tpu.vector_store %arg7[%swap3A_205, %swap3A_206], %mul3A_204 {strides = array<i32>} : memref<128x128xf32, #tpu.memory_space<vmem>>, vector<16xf32>,
        %get3A_208 = arith.index_cast %scan3A_197 : i32 to index
        %get3A_209 = arith.constant 16 : index
        %get3A_210 = tpu.vector_load %arg7[%get3A_208, %get3A_209] {strides = array<i32>} : memref<128x128xf32, #tpu.memory_space<vmem>>, vector<16xf32>,
        %mul3A_211 = arith.mulf %get3A_210, %bitcast3A_200 : vector<16xf32>
        %swap3A_212 = arith.index_cast %scan3A_197 : i32 to index
        %swap3A_213 = arith.constant 16 : index
        %swap3A_214 = tpu.vector_load %arg7[%swap3A_212, %swap3A_213] {strides = array<i32>} : memref<128x128xf32, #tpu.memory_space<vmem>>, vector<16xf32>,
        tpu.vector_store %arg7[%swap3A_212, %swap3A_213], %mul3A_211 {strides = array<i32>} : memref<128x128xf32, #tpu.memory_space<vmem>>, vector<16xf32>,
        %get3A_215 = arith.index_cast %scan3A_197 : i32 to index
        %get3A_216 = arith.constant 32 : index
        %get3A_217 = tpu.vector_load %arg7[%get3A_215, %get3A_216] {strides = array<i32>} : memref<128x128xf32, #tpu.memory_space<vmem>>, vector<16xf32>,
        %mul3A_218 = arith.mulf %get3A_217, %bitcast3A_200 : vector<16xf32>
        %swap3A_219 = arith.index_cast %scan3A_197 : i32 to index
        %swap3A_220 = arith.constant 32 : index
        %swap3A_221 = tpu.vector_load %arg7[%swap3A_219, %swap3A_220] {strides = array<i32>} : memref<128x128xf32, #tpu.memory_space<vmem>>, vector<16xf32>,
        tpu.vector_store %arg7[%swap3A_219, %swap3A_220], %mul3A_218 {strides = array<i32>} : memref<128x128xf32, #tpu.memory_space<vmem>>, vector<16xf32>,
        %get3A_222 = arith.index_cast %scan3A_197 : i32 to index
        %get3A_223 = arith.constant 48 : index
        %get3A_224 = tpu.vector_load %arg7[%get3A_222, %get3A_223] {strides = array<i32>} : memref<128x128xf32, #tpu.memory_space<vmem>>, vector<16xf32>,
        %mul3A_225 = arith.mulf %get3A_224, %bitcast3A_200 : vector<16xf32>
        %swap3A_226 = arith.index_cast %scan3A_197 : i32 to index
        %swap3A_227 = arith.constant 48 : index
        %swap3A_228 = tpu.vector_load %arg7[%swap3A_226, %swap3A_227] {strides = array<i32>} : memref<128x128xf32, #tpu.memory_space<vmem>>, vector<16xf32>,
        tpu.vector_store %arg7[%swap3A_226, %swap3A_227], %mul3A_225 {strides = array<i32>} : memref<128x128xf32, #tpu.memory_space<vmem>>, vector<16xf32>,
        %get3A_229 = arith.index_cast %scan3A_197 : i32 to index
        %get3A_230 = arith.constant 64 : index
        %get3A_231 = tpu.vector_load %arg7[%get3A_229, %get3A_230] {strides = array<i32>} : memref<128x128xf32, #tpu.memory_space<vmem>>, vector<16xf32>,
        %mul3A_232 = arith.mulf %get3A_231, %bitcast3A_200 : vector<16xf32>
        %swap3A_233 = arith.index_cast %scan3A_197 : i32 to index
        %swap3A_234 = arith.constant 64 : index
        %swap3A_235 = tpu.vector_load %arg7[%swap3A_233, %swap3A_234] {strides = array<i32>} : memref<128x128xf32, #tpu.memory_space<vmem>>, vector<16xf32>,
        tpu.vector_store %arg7[%swap3A_233, %swap3A_234], %mul3A_232 {strides = array<i32>} : memref<128x128xf32, #tpu.memory_space<vmem>>, vector<16xf32>,
        %get3A_236 = arith.index_cast %scan3A_197 : i32 to index
        %get3A_237 = arith.constant 80 : index
        %get3A_238 = tpu.vector_load %arg7[%get3A_236, %get3A_237] {strides = array<i32>} : memref<128x128xf32, #tpu.memory_space<vmem>>, vector<16xf32>,
        %mul3A_239 = arith.mulf %get3A_238, %bitcast3A_200 : vector<16xf32>
        %swap3A_240 = arith.index_cast %scan3A_197 : i32 to index
        %swap3A_241 = arith.constant 80 : index
        %swap3A_242 = tpu.vector_load %arg7[%swap3A_240, %swap3A_241] {strides = array<i32>} : memref<128x128xf32, #tpu.memory_space<vmem>>, vector<16xf32>,
        tpu.vector_store %arg7[%swap3A_240, %swap3A_241], %mul3A_239 {strides = array<i32>} : memref<128x128xf32, #tpu.memory_space<vmem>>, vector<16xf32>,
        %get3A_243 = arith.index_cast %scan3A_197 : i32 to index
        %get3A_244 = arith.constant 96 : index
        %get3A_245 = tpu.vector_load %arg7[%get3A_243, %get3A_244] {strides = array<i32>} : memref<128x128xf32, #tpu.memory_space<vmem>>, vector<16xf32>,
        %mul3A_246 = arith.mulf %get3A_245, %bitcast3A_200 : vector<16xf32>
        %swap3A_247 = arith.index_cast %scan3A_197 : i32 to index
        %swap3A_248 = arith.constant 96 : index
        %swap3A_249 = tpu.vector_load %arg7[%swap3A_247, %swap3A_248] {strides = array<i32>} : memref<128x128xf32, #tpu.memory_space<vmem>>, vector<16xf32>,
        tpu.vector_store %arg7[%swap3A_247, %swap3A_248], %mul3A_246 {strides = array<i32>} : memref<128x128xf32, #tpu.memory_space<vmem>>, vector<16xf32>,
        %get3A_250 = arith.index_cast %scan3A_197 : i32 to index
        %get3A_251 = arith.constant 112 : index
        %get3A_252 = tpu.vector_load %arg7[%get3A_250, %get3A_251] {strides = array<i32>} : memref<128x128xf32, #tpu.memory_space<vmem>>, vector<16xf32>,
        %mul3A_253 = arith.mulf %get3A_252, %bitcast3A_200 : vector<16xf32>
        %swap3A_254 = arith.index_cast %scan3A_197 : i32 to index
        %swap3A_255 = arith.constant 112 : index
        %swap3A_256 = tpu.vector_load %arg7[%swap3A_254, %swap3A_255] {strides = array<i32>} : memref<128x128xf32, #tpu.memory_space<vmem>>, vector<16xf32>,
        tpu.vector_store %arg7[%swap3A_254, %swap3A_255], %mul3A_253 {strides = array<i32>} : memref<128x128xf32, #tpu.memory_space<vmem>>, vector<16xf32>,
        %scan3A_257 = arith.constant 2 : i32
        %scan3A_258 = arith.addi %scan3A_140, %scan3A_257 : i32
        %broadcast_in_dim3A_259 = vector.broadcast %scan3A_258 : i32 to vector<16xi32>
        %gather3A_260 = tpu.vector_load_idx %arg5[%broadcast_in_dim3A_113, %broadcast_in_dim3A_115, %broadcast_in_dim3A_259] : memref<2x6x128xi32, #tpu.memory_space<vmem>>[vector<16xi32>, vector<16xi32>, vector<16xi32>], vector<16xi32>,
        %bitcast3A_261 = vector.bitcast %gather3A_260 : vector<16xi32> to vector<16xf32>
        %get3A_262 = arith.index_cast %scan3A_258 : i32 to index
        %get3A_263 = arith.constant 0 : index
        %get3A_264 = tpu.vector_load %arg7[%get3A_262, %get3A_263] {strides = array<i32>} : memref<128x128xf32, #tpu.memory_space<vmem>>, vector<16xf32>,
        %mul3A_265 = arith.mulf %get3A_264, %bitcast3A_261 : vector<16xf32>
        %swap3A_266 = arith.index_cast %scan3A_258 : i32 to index
        %swap3A_267 = arith.constant 0 : index
        %swap3A_268 = tpu.vector_load %arg7[%swap3A_266, %swap3A_267] {strides = array<i32>} : memref<128x128xf32, #tpu.memory_space<vmem>>, vector<16xf32>,
        tpu.vector_store %arg7[%swap3A_266, %swap3A_267], %mul3A_265 {strides = array<i32>} : memref<128x128xf32, #tpu.memory_space<vmem>>, vector<16xf32>,
        %get3A_269 = arith.index_cast %scan3A_258 : i32 to index
        %get3A_270 = arith.constant 16 : index
        %get3A_271 = tpu.vector_load %arg7[%get3A_269, %get3A_270] {strides = array<i32>} : memref<128x128xf32, #tpu.memory_space<vmem>>, vector<16xf32>,
        %mul3A_272 = arith.mulf %get3A_271, %bitcast3A_261 : vector<16xf32>
        %swap3A_273 = arith.index_cast %scan3A_258 : i32 to index
        %swap3A_274 = arith.constant 16 : index
        %swap3A_275 = tpu.vector_load %arg7[%swap3A_273, %swap3A_274] {strides = array<i32>} : memref<128x128xf32, #tpu.memory_space<vmem>>, vector<16xf32>,
        tpu.vector_store %arg7[%swap3A_273, %swap3A_274], %mul3A_272 {strides = array<i32>} : memref<128x128xf32, #tpu.memory_space<vmem>>, vector<16xf32>,
        %get3A_276 = arith.index_cast %scan3A_258 : i32 to index
        %get3A_277 = arith.constant 32 : index
        %get3A_278 = tpu.vector_load %arg7[%get3A_276, %get3A_277] {strides = array<i32>} : memref<128x128xf32, #tpu.memory_space<vmem>>, vector<16xf32>,
        %mul3A_279 = arith.mulf %get3A_278, %bitcast3A_261 : vector<16xf32>
        %swap3A_280 = arith.index_cast %scan3A_258 : i32 to index
        %swap3A_281 = arith.constant 32 : index
        %swap3A_282 = tpu.vector_load %arg7[%swap3A_280, %swap3A_281] {strides = array<i32>} : memref<128x128xf32, #tpu.memory_space<vmem>>, vector<16xf32>,
        tpu.vector_store %arg7[%swap3A_280, %swap3A_281], %mul3A_279 {strides = array<i32>} : memref<128x128xf32, #tpu.memory_space<vmem>>, vector<16xf32>,
        %get3A_283 = arith.index_cast %scan3A_258 : i32 to index
        %get3A_284 = arith.constant 48 : index
        %get3A_285 = tpu.vector_load %arg7[%get3A_283, %get3A_284] {strides = array<i32>} : memref<128x128xf32, #tpu.memory_space<vmem>>, vector<16xf32>,
        %mul3A_286 = arith.mulf %get3A_285, %bitcast3A_261 : vector<16xf32>
        %swap3A_287 = arith.index_cast %scan3A_258 : i32 to index
        %swap3A_288 = arith.constant 48 : index
        %swap3A_289 = tpu.vector_load %arg7[%swap3A_287, %swap3A_288] {strides = array<i32>} : memref<128x128xf32, #tpu.memory_space<vmem>>, vector<16xf32>,
        tpu.vector_store %arg7[%swap3A_287, %swap3A_288], %mul3A_286 {strides = array<i32>} : memref<128x128xf32, #tpu.memory_space<vmem>>, vector<16xf32>,
        %get3A_290 = arith.index_cast %scan3A_258 : i32 to index
        %get3A_291 = arith.constant 64 : index
        %get3A_292 = tpu.vector_load %arg7[%get3A_290, %get3A_291] {strides = array<i32>} : memref<128x128xf32, #tpu.memory_space<vmem>>, vector<16xf32>,
        %mul3A_293 = arith.mulf %get3A_292, %bitcast3A_261 : vector<16xf32>
        %swap3A_294 = arith.index_cast %scan3A_258 : i32 to index
        %swap3A_295 = arith.constant 64 : index
        %swap3A_296 = tpu.vector_load %arg7[%swap3A_294, %swap3A_295] {strides = array<i32>} : memref<128x128xf32, #tpu.memory_space<vmem>>, vector<16xf32>,
        tpu.vector_store %arg7[%swap3A_294, %swap3A_295], %mul3A_293 {strides = array<i32>} : memref<128x128xf32, #tpu.memory_space<vmem>>, vector<16xf32>,
        %get3A_297 = arith.index_cast %scan3A_258 : i32 to index
        %get3A_298 = arith.constant 80 : index
        %get3A_299 = tpu.vector_load %arg7[%get3A_297, %get3A_298] {strides = array<i32>} : memref<128x128xf32, #tpu.memory_space<vmem>>, vector<16xf32>,
        %mul3A_300 = arith.mulf %get3A_299, %bitcast3A_261 : vector<16xf32>
        %swap3A_301 = arith.index_cast %scan3A_258 : i32 to index
        %swap3A_302 = arith.constant 80 : index
        %swap3A_303 = tpu.vector_load %arg7[%swap3A_301, %swap3A_302] {strides = array<i32>} : memref<128x128xf32, #tpu.memory_space<vmem>>, vector<16xf32>,
        tpu.vector_store %arg7[%swap3A_301, %swap3A_302], %mul3A_300 {strides = array<i32>} : memref<128x128xf32, #tpu.memory_space<vmem>>, vector<16xf32>,
        %get3A_304 = arith.index_cast %scan3A_258 : i32 to index
        %get3A_305 = arith.constant 96 : index
        %get3A_306 = tpu.vector_load %arg7[%get3A_304, %get3A_305] {strides = array<i32>} : memref<128x128xf32, #tpu.memory_space<vmem>>, vector<16xf32>,
        %mul3A_307 = arith.mulf %get3A_306, %bitcast3A_261 : vector<16xf32>
        %swap3A_308 = arith.index_cast %scan3A_258 : i32 to index
        %swap3A_309 = arith.constant 96 : index
        %swap3A_310 = tpu.vector_load %arg7[%swap3A_308, %swap3A_309] {strides = array<i32>} : memref<128x128xf32, #tpu.memory_space<vmem>>, vector<16xf32>,
        tpu.vector_store %arg7[%swap3A_308, %swap3A_309], %mul3A_307 {strides = array<i32>} : memref<128x128xf32, #tpu.memory_space<vmem>>, vector<16xf32>,
        %get3A_311 = arith.index_cast %scan3A_258 : i32 to index
        %get3A_312 = arith.constant 112 : index
        %get3A_313 = tpu.vector_load %arg7[%get3A_311, %get3A_312] {strides = array<i32>} : memref<128x128xf32, #tpu.memory_space<vmem>>, vector<16xf32>,
        %mul3A_314 = arith.mulf %get3A_313, %bitcast3A_261 : vector<16xf32>
        %swap3A_315 = arith.index_cast %scan3A_258 : i32 to index
        %swap3A_316 = arith.constant 112 : index
        %swap3A_317 = tpu.vector_load %arg7[%swap3A_315, %swap3A_316] {strides = array<i32>} : memref<128x128xf32, #tpu.memory_space<vmem>>, vector<16xf32>,
        tpu.vector_store %arg7[%swap3A_315, %swap3A_316], %mul3A_314 {strides = array<i32>} : memref<128x128xf32, #tpu.memory_space<vmem>>, vector<16xf32>,
        %scan3A_318 = arith.constant 3 : i32
        %scan3A_319 = arith.addi %scan3A_140, %scan3A_318 : i32
        %broadcast_in_dim3A_320 = vector.broadcast %scan3A_319 : i32 to vector<16xi32>
        %gather3A_321 = tpu.vector_load_idx %arg5[%broadcast_in_dim3A_113, %broadcast_in_dim3A_115, %broadcast_in_dim3A_320] : memref<2x6x128xi32, #tpu.memory_space<vmem>>[vector<16xi32>, vector<16xi32>, vector<16xi32>], vector<16xi32>,
        %bitcast3A_322 = vector.bitcast %gather3A_321 : vector<16xi32> to vector<16xf32>
        %get3A_323 = arith.index_cast %scan3A_319 : i32 to index
        %get3A_324 = arith.constant 0 : index
        %get3A_325 = tpu.vector_load %arg7[%get3A_323, %get3A_324] {strides = array<i32>} : memref<128x128xf32, #tpu.memory_space<vmem>>, vector<16xf32>,
        %mul3A_326 = arith.mulf %get3A_325, %bitcast3A_322 : vector<16xf32>
        %swap3A_327 = arith.index_cast %scan3A_319 : i32 to index
        %swap3A_328 = arith.constant 0 : index
        %swap3A_329 = tpu.vector_load %arg7[%swap3A_327, %swap3A_328] {strides = array<i32>} : memref<128x128xf32, #tpu.memory_space<vmem>>, vector<16xf32>,
        tpu.vector_store %arg7[%swap3A_327, %swap3A_328], %mul3A_326 {strides = array<i32>} : memref<128x128xf32, #tpu.memory_space<vmem>>, vector<16xf32>,
        %get3A_330 = arith.index_cast %scan3A_319 : i32 to index
        %get3A_331 = arith.constant 16 : index
        %get3A_332 = tpu.vector_load %arg7[%get3A_330, %get3A_331] {strides = array<i32>} : memref<128x128xf32, #tpu.memory_space<vmem>>, vector<16xf32>,
        %mul3A_333 = arith.mulf %get3A_332, %bitcast3A_322 : vector<16xf32>
        %swap3A_334 = arith.index_cast %scan3A_319 : i32 to index
        %swap3A_335 = arith.constant 16 : index
        %swap3A_336 = tpu.vector_load %arg7[%swap3A_334, %swap3A_335] {strides = array<i32>} : memref<128x128xf32, #tpu.memory_space<vmem>>, vector<16xf32>,
        tpu.vector_store %arg7[%swap3A_334, %swap3A_335], %mul3A_333 {strides = array<i32>} : memref<128x128xf32, #tpu.memory_space<vmem>>, vector<16xf32>,
        %get3A_337 = arith.index_cast %scan3A_319 : i32 to index
        %get3A_338 = arith.constant 32 : index
        %get3A_339 = tpu.vector_load %arg7[%get3A_337, %get3A_338] {strides = array<i32>} : memref<128x128xf32, #tpu.memory_space<vmem>>, vector<16xf32>,
        %mul3A_340 = arith.mulf %get3A_339, %bitcast3A_322 : vector<16xf32>
        %swap3A_341 = arith.index_cast %scan3A_319 : i32 to index
        %swap3A_342 = arith.constant 32 : index
        %swap3A_343 = tpu.vector_load %arg7[%swap3A_341, %swap3A_342] {strides = array<i32>} : memref<128x128xf32, #tpu.memory_space<vmem>>, vector<16xf32>,
        tpu.vector_store %arg7[%swap3A_341, %swap3A_342], %mul3A_340 {strides = array<i32>} : memref<128x128xf32, #tpu.memory_space<vmem>>, vector<16xf32>,
        %get3A_344 = arith.index_cast %scan3A_319 : i32 to index
        %get3A_345 = arith.constant 48 : index
        %get3A_346 = tpu.vector_load %arg7[%get3A_344, %get3A_345] {strides = array<i32>} : memref<128x128xf32, #tpu.memory_space<vmem>>, vector<16xf32>,
        %mul3A_347 = arith.mulf %get3A_346, %bitcast3A_322 : vector<16xf32>
        %swap3A_348 = arith.index_cast %scan3A_319 : i32 to index
        %swap3A_349 = arith.constant 48 : index
        %swap3A_350 = tpu.vector_load %arg7[%swap3A_348, %swap3A_349] {strides = array<i32>} : memref<128x128xf32, #tpu.memory_space<vmem>>, vector<16xf32>,
        tpu.vector_store %arg7[%swap3A_348, %swap3A_349], %mul3A_347 {strides = array<i32>} : memref<128x128xf32, #tpu.memory_space<vmem>>, vector<16xf32>,
        %get3A_351 = arith.index_cast %scan3A_319 : i32 to index
        %get3A_352 = arith.constant 64 : index
        %get3A_353 = tpu.vector_load %arg7[%get3A_351, %get3A_352] {strides = array<i32>} : memref<128x128xf32, #tpu.memory_space<vmem>>, vector<16xf32>,
        %mul3A_354 = arith.mulf %get3A_353, %bitcast3A_322 : vector<16xf32>
        %swap3A_355 = arith.index_cast %scan3A_319 : i32 to index
        %swap3A_356 = arith.constant 64 : index
        %swap3A_357 = tpu.vector_load %arg7[%swap3A_355, %swap3A_356] {strides = array<i32>} : memref<128x128xf32, #tpu.memory_space<vmem>>, vector<16xf32>,
        tpu.vector_store %arg7[%swap3A_355, %swap3A_356], %mul3A_354 {strides = array<i32>} : memref<128x128xf32, #tpu.memory_space<vmem>>, vector<16xf32>,
        %get3A_358 = arith.index_cast %scan3A_319 : i32 to index
        %get3A_359 = arith.constant 80 : index
        %get3A_360 = tpu.vector_load %arg7[%get3A_358, %get3A_359] {strides = array<i32>} : memref<128x128xf32, #tpu.memory_space<vmem>>, vector<16xf32>,
        %mul3A_361 = arith.mulf %get3A_360, %bitcast3A_322 : vector<16xf32>
        %swap3A_362 = arith.index_cast %scan3A_319 : i32 to index
        %swap3A_363 = arith.constant 80 : index
        %swap3A_364 = tpu.vector_load %arg7[%swap3A_362, %swap3A_363] {strides = array<i32>} : memref<128x128xf32, #tpu.memory_space<vmem>>, vector<16xf32>,
        tpu.vector_store %arg7[%swap3A_362, %swap3A_363], %mul3A_361 {strides = array<i32>} : memref<128x128xf32, #tpu.memory_space<vmem>>, vector<16xf32>,
        %get3A_365 = arith.index_cast %scan3A_319 : i32 to index
        %get3A_366 = arith.constant 96 : index
        %get3A_367 = tpu.vector_load %arg7[%get3A_365, %get3A_366] {strides = array<i32>} : memref<128x128xf32, #tpu.memory_space<vmem>>, vector<16xf32>,
        %mul3A_368 = arith.mulf %get3A_367, %bitcast3A_322 : vector<16xf32>
        %swap3A_369 = arith.index_cast %scan3A_319 : i32 to index
        %swap3A_370 = arith.constant 96 : index
        %swap3A_371 = tpu.vector_load %arg7[%swap3A_369, %swap3A_370] {strides = array<i32>} : memref<128x128xf32, #tpu.memory_space<vmem>>, vector<16xf32>,
        tpu.vector_store %arg7[%swap3A_369, %swap3A_370], %mul3A_368 {strides = array<i32>} : memref<128x128xf32, #tpu.memory_space<vmem>>, vector<16xf32>,
        %get3A_372 = arith.index_cast %scan3A_319 : i32 to index
        %get3A_373 = arith.constant 112 : index
        %get3A_374 = tpu.vector_load %arg7[%get3A_372, %get3A_373] {strides = array<i32>} : memref<128x128xf32, #tpu.memory_space<vmem>>, vector<16xf32>,
        %mul3A_375 = arith.mulf %get3A_374, %bitcast3A_322 : vector<16xf32>
        %swap3A_376 = arith.index_cast %scan3A_319 : i32 to index
        %swap3A_377 = arith.constant 112 : index
        %swap3A_378 = tpu.vector_load %arg7[%swap3A_376, %swap3A_377] {strides = array<i32>} : memref<128x128xf32, #tpu.memory_space<vmem>>, vector<16xf32>,
        tpu.vector_store %arg7[%swap3A_376, %swap3A_377], %mul3A_375 {strides = array<i32>} : memref<128x128xf32, #tpu.memory_space<vmem>>, vector<16xf32>,
      }
      %scan3A_121 = arith.constant 128 : i32
      %dma_start3A_122 = arith.constant 3 : i32
      %dma_start3A_123 = arith.constant 0 : i32
      %dma_start3A_124 = tpu.memref_slice %arg5[%and3A_80, %dma_start3A_122, %dma_start3A_123] : memref<2x6x128xi32, #tpu.memory_space<vmem>> -> memref<1x1x128xi32, #tpu.memory_space<vmem>>
      %dma_start3A_125 = tpu.memref_squeeze %dma_start3A_124 : memref<1x1x128xi32, #tpu.memory_space<vmem>> -> memref<128xi32, #tpu.memory_space<vmem>>
      %dma_start3A_126 = arith.constant 0 : i32
      %dma_start3A_127 = arith.constant 0 : i32
      %dma_start3A_128 = tpu.memref_slice %arg8[%dma_start3A_126, %dma_start3A_127] : memref<10240x128xf32, #tpu.memory_space<vmem_shared>> -> memref<10240x128xf32, #tpu.memory_space<vmem_shared>>
      tpu.enqueue_indirect_dma source(%arg7 : memref<128x128xf32, #tpu.memory_space<vmem>>) target(%dma_start3A_128 : memref<10240x128xf32, #tpu.memory_space<vmem_shared>>) offsets(%dma_start3A_125 : memref<128xi32, #tpu.memory_space<vmem>>) semaphore(%arg13 : memref<!tpu.dma_semaphore, #tpu.memory_space<semaphore_mem>>) {add = true}
      %add3A_129 = arith.constant 1 : i32
      %add3A_130 = arith.addi %while3A_79, %add3A_129 : i32
      %lt3A_131 = arith.cmpi slt, %add3A_130, %select_n3A_8 : i32
      %convert_element_type3A_132 = arith.extui %lt3A_131 : i1 to i32
      %cond3A_133 = arith.constant 0 : i32
      %cond3A_134 = arith.cmpi ne, %convert_element_type3A_132, %cond3A_133 : i32
      scf.if %cond3A_134 {
        %add3A_140 = arith.constant 1 : i32
        %add3A_141 = arith.addi %while3A_79, %add3A_140 : i32
        %add3A_142 = arith.addi %select_n3A, %add3A_141 : i32
        %dma_wait3A_143 = arith.constant 0 : i32
        %dma_wait3A_144 = arith.constant 0 : i32
        %dma_wait3A_145 = tpu.memref_slice %arg5[%sub3A_81, %dma_wait3A_143, %dma_wait3A_144] : memref<2x6x128xi32, #tpu.memory_space<vmem>> -> memref<1x6x128xi32, #tpu.memory_space<vmem>>
        %dma_wait3A_146 = tpu.memref_squeeze %dma_wait3A_145 : memref<1x6x128xi32, #tpu.memory_space<vmem>> -> memref<6x128xi32, #tpu.memory_space<vmem>>
        %dma_wait3A_147 = arith.constant 0 : i32
        %dma_wait3A_148 = arith.constant 0 : i32
        %dma_wait3A_149 = tpu.memref_slice %arg3[%add3A_142, %dma_wait3A_147, %dma_wait3A_148] : memref<1264x6x128xi32, #tpu.memory_space<hbm>> -> memref<1x6x128xi32, #tpu.memory_space<hbm>>
        %dma_wait3A_150 = tpu.memref_squeeze %dma_wait3A_149 : memref<1x6x128xi32, #tpu.memory_space<hbm>> -> memref<6x128xi32, #tpu.memory_space<hbm>>
        %dma_wait3A_151 = tpu.memref_slice %arg9[%sub3A_81] : memref<2x!tpu.dma_semaphore, #tpu.memory_space<semaphore_mem>> -> memref<1x!tpu.dma_semaphore, #tpu.memory_space<semaphore_mem>>
        %dma_wait3A_152 = tpu.memref_squeeze %dma_wait3A_151 : memref<1x!tpu.dma_semaphore, #tpu.memory_space<semaphore_mem>> -> memref<!tpu.dma_semaphore, #tpu.memory_space<semaphore_mem>>
        %dma_wait3A_153 = arith.constant 0 : i32
        %dma_wait3A_154 = arith.constant 0 : i32
        %dma_wait3A_155 = tpu.memref_slice %arg5[%sub3A_81, %dma_wait3A_153, %dma_wait3A_154] : memref<2x6x128xi32, #tpu.memory_space<vmem>> -> memref<1x6x128xi32, #tpu.memory_space<vmem>>
        %dma_wait3A_156 = tpu.memref_squeeze %dma_wait3A_155 : memref<1x6x128xi32, #tpu.memory_space<vmem>> -> memref<6x128xi32, #tpu.memory_space<vmem>>
        %dma_wait3A_157 = arith.constant 0 : i32
        %dma_wait3A_158 = arith.constant 0 : i32
        %dma_wait3A_159 = tpu.memref_slice %arg3[%add3A_142, %dma_wait3A_157, %dma_wait3A_158] : memref<1264x6x128xi32, #tpu.memory_space<hbm>> -> memref<1x6x128xi32, #tpu.memory_space<hbm>>
        %dma_wait3A_160 = tpu.memref_squeeze %dma_wait3A_159 : memref<1x6x128xi32, #tpu.memory_space<hbm>> -> memref<6x128xi32, #tpu.memory_space<hbm>>
        tpu.wait_dma2 semaphore(%dma_wait3A_152 : memref<!tpu.dma_semaphore, #tpu.memory_space<semaphore_mem>>) src(%dma_wait3A_160 : memref<6x128xi32, #tpu.memory_space<hbm>>) dst(%dma_wait3A_156 : memref<6x128xi32, #tpu.memory_space<vmem>>)
        %dma_wait3A_161 = arith.constant 2 : i32
        %dma_wait3A_162 = arith.constant 0 : i32
        %dma_wait3A_163 = tpu.memref_slice %arg5[%and3A_80, %dma_wait3A_161, %dma_wait3A_162] : memref<2x6x128xi32, #tpu.memory_space<vmem>> -> memref<1x1x128xi32, #tpu.memory_space<vmem>>
        %dma_wait3A_164 = tpu.memref_squeeze %dma_wait3A_163 : memref<1x1x128xi32, #tpu.memory_space<vmem>> -> memref<128xi32, #tpu.memory_space<vmem>>
        %dma_wait3A_165 = arith.constant 0 : i32
        %dma_wait3A_166 = arith.constant 0 : i32
        %dma_wait3A_167 = tpu.memref_slice %arg8[%dma_wait3A_165, %dma_wait3A_166] : memref<10240x128xf32, #tpu.memory_space<vmem_shared>> -> memref<10240x128xf32, #tpu.memory_space<vmem_shared>>
        tpu.wait_indirect_dma semaphore(%arg12 : memref<!tpu.dma_semaphore, #tpu.memory_space<semaphore_mem>>) src(%arg6 : memref<128x128xf32, #tpu.memory_space<vmem>>) dst(%dma_wait3A_167 : memref<10240x128xf32, #tpu.memory_space<vmem_shared>>)
        %dma_start3A_168 = arith.constant 0 : i32
        %dma_start3A_169 = arith.constant 0 : i32
        %dma_start3A_170 = tpu.memref_slice %arg5[%sub3A_81, %dma_start3A_168, %dma_start3A_169] : memref<2x6x128xi32, #tpu.memory_space<vmem>> -> memref<1x1x128xi32, #tpu.memory_space<vmem>>
        %dma_start3A_171 = tpu.memref_squeeze %dma_start3A_170 : memref<1x1x128xi32, #tpu.memory_space<vmem>> -> memref<128xi32, #tpu.memory_space<vmem>>
        %dma_start3A_172 = arith.constant 0 : i32
        %dma_start3A_173 = arith.constant 0 : i32
        %dma_start3A_174 = tpu.memref_slice %arg2[%dma_start3A_172, %dma_start3A_173] : memref<10240x128xf32, #tpu.memory_space<hbm>> -> memref<10240x128xf32, #tpu.memory_space<hbm>>
        tpu.enqueue_indirect_dma source(%dma_start3A_174 : memref<10240x128xf32, #tpu.memory_space<hbm>>) target(%arg6 : memref<128x128xf32, #tpu.memory_space<vmem>>) offsets(%dma_start3A_171 : memref<128xi32, #tpu.memory_space<vmem>>) semaphore(%arg10 : memref<!tpu.dma_semaphore, #tpu.memory_space<semaphore_mem>>)
        %dma_wait3A_175 = arith.constant 3 : i32
        %dma_wait3A_176 = arith.constant 0 : i32
        %dma_wait3A_177 = tpu.memref_slice %arg5[%and3A_80, %dma_wait3A_175, %dma_wait3A_176] : memref<2x6x128xi32, #tpu.memory_space<vmem>> -> memref<1x1x128xi32, #tpu.memory_space<vmem>>
        %dma_wait3A_178 = tpu.memref_squeeze %dma_wait3A_177 : memref<1x1x128xi32, #tpu.memory_space<vmem>> -> memref<128xi32, #tpu.memory_space<vmem>>
        %dma_wait3A_179 = arith.constant 0 : i32
        %dma_wait3A_180 = arith.constant 0 : i32
        %dma_wait3A_181 = tpu.memref_slice %arg8[%dma_wait3A_179, %dma_wait3A_180] : memref<10240x128xf32, #tpu.memory_space<vmem_shared>> -> memref<10240x128xf32, #tpu.memory_space<vmem_shared>>
        tpu.wait_indirect_dma semaphore(%arg13 : memref<!tpu.dma_semaphore, #tpu.memory_space<semaphore_mem>>) src(%arg7 : memref<128x128xf32, #tpu.memory_space<vmem>>) dst(%dma_wait3A_181 : memref<10240x128xf32, #tpu.memory_space<vmem_shared>>)
        %dma_start3A_182 = arith.constant 1 : i32
        %dma_start3A_183 = arith.constant 0 : i32
        %dma_start3A_184 = tpu.memref_slice %arg5[%sub3A_81, %dma_start3A_182, %dma_start3A_183] : memref<2x6x128xi32, #tpu.memory_space<vmem>> -> memref<1x1x128xi32, #tpu.memory_space<vmem>>
        %dma_start3A_185 = tpu.memref_squeeze %dma_start3A_184 : memref<1x1x128xi32, #tpu.memory_space<vmem>> -> memref<128xi32, #tpu.memory_space<vmem>>
        %dma_start3A_186 = arith.constant 0 : i32
        %dma_start3A_187 = arith.constant 0 : i32
        %dma_start3A_188 = tpu.memref_slice %arg2[%dma_start3A_186, %dma_start3A_187] : memref<10240x128xf32, #tpu.memory_space<hbm>> -> memref<10240x128xf32, #tpu.memory_space<hbm>>
        tpu.enqueue_indirect_dma source(%dma_start3A_188 : memref<10240x128xf32, #tpu.memory_space<hbm>>) target(%arg7 : memref<128x128xf32, #tpu.memory_space<vmem>>) offsets(%dma_start3A_185 : memref<128xi32, #tpu.memory_space<vmem>>) semaphore(%arg11 : memref<!tpu.dma_semaphore, #tpu.memory_space<semaphore_mem>>)
      } else {
      }
      %add3A_135 = arith.constant 1 : i32
      %add3A_136 = arith.addi %while3A_79, %add3A_135 : i32
      %ge3A = arith.cmpi sge, %add3A_136, %select_n3A_8 : i32
      %convert_element_type3A_137 = arith.extui %ge3A : i1 to i32
      %cond3A_138 = arith.constant 0 : i32
      %cond3A_139 = arith.cmpi ne, %convert_element_type3A_137, %cond3A_138 : i32
      scf.if %cond3A_139 {
        %dma_wait3A_140 = arith.constant 2 : i32
        %dma_wait3A_141 = arith.constant 0 : i32
        %dma_wait3A_142 = tpu.memref_slice %arg5[%and3A_80, %dma_wait3A_140, %dma_wait3A_141] : memref<2x6x128xi32, #tpu.memory_space<vmem>> -> memref<1x1x128xi32, #tpu.memory_space<vmem>>
        %dma_wait3A_143 = tpu.memref_squeeze %dma_wait3A_142 : memref<1x1x128xi32, #tpu.memory_space<vmem>> -> memref<128xi32, #tpu.memory_space<vmem>>
        %dma_wait3A_144 = arith.constant 0 : i32
        %dma_wait3A_145 = arith.constant 0 : i32
        %dma_wait3A_146 = tpu.memref_slice %arg8[%dma_wait3A_144, %dma_wait3A_145] : memref<10240x128xf32, #tpu.memory_space<vmem_shared>> -> memref<10240x128xf32, #tpu.memory_space<vmem_shared>>
        tpu.wait_indirect_dma semaphore(%arg12 : memref<!tpu.dma_semaphore, #tpu.memory_space<semaphore_mem>>) src(%arg6 : memref<128x128xf32, #tpu.memory_space<vmem>>) dst(%dma_wait3A_146 : memref<10240x128xf32, #tpu.memory_space<vmem_shared>>)
        %dma_wait3A_147 = arith.constant 3 : i32
        %dma_wait3A_148 = arith.constant 0 : i32
        %dma_wait3A_149 = tpu.memref_slice %arg5[%and3A_80, %dma_wait3A_147, %dma_wait3A_148] : memref<2x6x128xi32, #tpu.memory_space<vmem>> -> memref<1x1x128xi32, #tpu.memory_space<vmem>>
        %dma_wait3A_150 = tpu.memref_squeeze %dma_wait3A_149 : memref<1x1x128xi32, #tpu.memory_space<vmem>> -> memref<128xi32, #tpu.memory_space<vmem>>
        %dma_wait3A_151 = arith.constant 0 : i32
        %dma_wait3A_152 = arith.constant 0 : i32
        %dma_wait3A_153 = tpu.memref_slice %arg8[%dma_wait3A_151, %dma_wait3A_152] : memref<10240x128xf32, #tpu.memory_space<vmem_shared>> -> memref<10240x128xf32, #tpu.memory_space<vmem_shared>>
        tpu.wait_indirect_dma semaphore(%arg13 : memref<!tpu.dma_semaphore, #tpu.memory_space<semaphore_mem>>) src(%arg7 : memref<128x128xf32, #tpu.memory_space<vmem>>) dst(%dma_wait3A_153 : memref<10240x128xf32, #tpu.memory_space<vmem_shared>>)
      } else {
      }
    }
    %while3A_77 = arith.constant 1 : i32
    scf.for %while3A_79 = %while3A_75 to %while3A_71 step %while3A_77  : i32 {
      %and3A = arith.constant 1 : i32
      %and3A_80 = arith.andi %while3A_79, %and3A : i32
      %sub3A = arith.constant 1 : i32
      %sub3A_81 = arith.subi %sub3A, %and3A_80 : i32
      %add3A_82 = arith.constant 1 : i32
      %add3A_83 = arith.addi %while3A_79, %add3A_82 : i32
      %lt3A = arith.cmpi slt, %add3A_83, %select_n3A_8 : i32
      %convert_element_type3A = arith.extui %lt3A : i1 to i32
      %cond3A = arith.constant 0 : i32
      %cond3A_84 = arith.cmpi ne, %convert_element_type3A, %cond3A : i32
      scf.if %cond3A_84 {
        %add3A_140 = arith.constant 1 : i32
        %add3A_141 = arith.addi %while3A_79, %add3A_140 : i32
        %add3A_142 = arith.addi %select_n3A, %add3A_141 : i32
        %dma_start3A_143 = arith.constant 0 : i32
        %dma_start3A_144 = arith.constant 0 : i32
        %dma_start3A_145 = tpu.memref_slice %arg5[%sub3A_81, %dma_start3A_143, %dma_start3A_144] : memref<2x6x128xi32, #tpu.memory_space<vmem>> -> memref<1x6x128xi32, #tpu.memory_space<vmem>>
        %dma_start3A_146 = tpu.memref_squeeze %dma_start3A_145 : memref<1x6x128xi32, #tpu.memory_space<vmem>> -> memref<6x128xi32, #tpu.memory_space<vmem>>
        %dma_start3A_147 = arith.constant 0 : i32
        %dma_start3A_148 = arith.constant 0 : i32
        %dma_start3A_149 = tpu.memref_slice %arg3[%add3A_142, %dma_start3A_147, %dma_start3A_148] : memref<1264x6x128xi32, #tpu.memory_space<hbm>> -> memref<1x6x128xi32, #tpu.memory_space<hbm>>
        %dma_start3A_150 = tpu.memref_squeeze %dma_start3A_149 : memref<1x6x128xi32, #tpu.memory_space<hbm>> -> memref<6x128xi32, #tpu.memory_space<hbm>>
        %dma_start3A_151 = tpu.memref_slice %arg9[%sub3A_81] : memref<2x!tpu.dma_semaphore, #tpu.memory_space<semaphore_mem>> -> memref<1x!tpu.dma_semaphore, #tpu.memory_space<semaphore_mem>>
        %dma_start3A_152 = tpu.memref_squeeze %dma_start3A_151 : memref<1x!tpu.dma_semaphore, #tpu.memory_space<semaphore_mem>> -> memref<!tpu.dma_semaphore, #tpu.memory_space<semaphore_mem>>
        %dma_start3A_153 = arith.constant 0 : i32
        %dma_start3A_154 = arith.constant 0 : i32
        %dma_start3A_155 = tpu.memref_slice %arg5[%sub3A_81, %dma_start3A_153, %dma_start3A_154] : memref<2x6x128xi32, #tpu.memory_space<vmem>> -> memref<1x6x128xi32, #tpu.memory_space<vmem>>
        %dma_start3A_156 = tpu.memref_squeeze %dma_start3A_155 : memref<1x6x128xi32, #tpu.memory_space<vmem>> -> memref<6x128xi32, #tpu.memory_space<vmem>>
        %dma_start3A_157 = arith.constant 0 : i32
        %dma_start3A_158 = arith.constant 0 : i32
        %dma_start3A_159 = tpu.memref_slice %arg3[%add3A_142, %dma_start3A_157, %dma_start3A_158] : memref<1264x6x128xi32, #tpu.memory_space<hbm>> -> memref<1x6x128xi32, #tpu.memory_space<hbm>>
        %dma_start3A_160 = tpu.memref_squeeze %dma_start3A_159 : memref<1x6x128xi32, #tpu.memory_space<hbm>> -> memref<6x128xi32, #tpu.memory_space<hbm>>
        tpu.enqueue_dma source(%dma_start3A_160 : memref<6x128xi32, #tpu.memory_space<hbm>>) target(%dma_start3A_156 : memref<6x128xi32, #tpu.memory_space<vmem>>) target_semaphore(%dma_start3A_152 : memref<!tpu.dma_semaphore, #tpu.memory_space<semaphore_mem>>)
      } else {
      }
      %dma_wait3A_85 = arith.constant 0 : i32
      %dma_wait3A_86 = arith.constant 0 : i32
      %dma_wait3A_87 = tpu.memref_slice %arg5[%and3A_80, %dma_wait3A_85, %dma_wait3A_86] : memref<2x6x128xi32, #tpu.memory_space<vmem>> -> memref<1x1x128xi32, #tpu.memory_space<vmem>>
      %dma_wait3A_88 = tpu.memref_squeeze %dma_wait3A_87 : memref<1x1x128xi32, #tpu.memory_space<vmem>> -> memref<128xi32, #tpu.memory_space<vmem>>
      %dma_wait3A_89 = arith.constant 0 : i32
      %dma_wait3A_90 = arith.constant 0 : i32
      %dma_wait3A_91 = tpu.memref_slice %arg2[%dma_wait3A_89, %dma_wait3A_90] : memref<10240x128xf32, #tpu.memory_space<hbm>> -> memref<10240x128xf32, #tpu.memory_space<hbm>>
      tpu.wait_indirect_dma semaphore(%arg10 : memref<!tpu.dma_semaphore, #tpu.memory_space<semaphore_mem>>) src(%dma_wait3A_91 : memref<10240x128xf32, #tpu.memory_space<hbm>>) dst(%arg6 : memref<128x128xf32, #tpu.memory_space<vmem>>)
      %broadcast_in_dim3A = vector.broadcast %and3A_80 : i32 to vector<16xi32>
      %broadcast_in_dim3A_92 = arith.constant 4 : i32
      %broadcast_in_dim3A_93 = vector.broadcast %broadcast_in_dim3A_92 : i32 to vector<16xi32>
      %scan3A = arith.constant 0 : i32
      %scan3A_94 = arith.constant 0 : i32
      %scan3A_95 = arith.constant 128 : i32
      %scan3A_96 = arith.addi %scan3A_94, %scan3A_95 : i32
      %scan3A_97 = arith.constant 4 : i32
      scf.for %scan3A_140 = %scan3A_94 to %scan3A_96 step %scan3A_97  : i32 {
        %broadcast_in_dim3A_141 = vector.broadcast %scan3A_140 : i32 to vector<16xi32>
        %gather3A = tpu.vector_load_idx %arg5[%broadcast_in_dim3A, %broadcast_in_dim3A_93, %broadcast_in_dim3A_141] : memref<2x6x128xi32, #tpu.memory_space<vmem>>[vector<16xi32>, vector<16xi32>, vector<16xi32>], vector<16xi32>,
        %bitcast3A = vector.bitcast %gather3A : vector<16xi32> to vector<16xf32>
        %get3A = arith.index_cast %scan3A_140 : i32 to index
        %get3A_142 = arith.constant 0 : index
        %get3A_143 = tpu.vector_load %arg6[%get3A, %get3A_142] {strides = array<i32>} : memref<128x128xf32, #tpu.memory_space<vmem>>, vector<16xf32>,
        %mul3A_144 = arith.mulf %get3A_143, %bitcast3A : vector<16xf32>
        %swap3A = arith.index_cast %scan3A_140 : i32 to index
        %swap3A_145 = arith.constant 0 : index
        %swap3A_146 = tpu.vector_load %arg6[%swap3A, %swap3A_145] {strides = array<i32>} : memref<128x128xf32, #tpu.memory_space<vmem>>, vector<16xf32>,
        tpu.vector_store %arg6[%swap3A, %swap3A_145], %mul3A_144 {strides = array<i32>} : memref<128x128xf32, #tpu.memory_space<vmem>>, vector<16xf32>,
        %get3A_147 = arith.index_cast %scan3A_140 : i32 to index
        %get3A_148 = arith.constant 16 : index
        %get3A_149 = tpu.vector_load %arg6[%get3A_147, %get3A_148] {strides = array<i32>} : memref<128x128xf32, #tpu.memory_space<vmem>>, vector<16xf32>,
        %mul3A_150 = arith.mulf %get3A_149, %bitcast3A : vector<16xf32>
        %swap3A_151 = arith.index_cast %scan3A_140 : i32 to index
        %swap3A_152 = arith.constant 16 : index
        %swap3A_153 = tpu.vector_load %arg6[%swap3A_151, %swap3A_152] {strides = array<i32>} : memref<128x128xf32, #tpu.memory_space<vmem>>, vector<16xf32>,
        tpu.vector_store %arg6[%swap3A_151, %swap3A_152], %mul3A_150 {strides = array<i32>} : memref<128x128xf32, #tpu.memory_space<vmem>>, vector<16xf32>,
        %get3A_154 = arith.index_cast %scan3A_140 : i32 to index
        %get3A_155 = arith.constant 32 : index
        %get3A_156 = tpu.vector_load %arg6[%get3A_154, %get3A_155] {strides = array<i32>} : memref<128x128xf32, #tpu.memory_space<vmem>>, vector<16xf32>,
        %mul3A_157 = arith.mulf %get3A_156, %bitcast3A : vector<16xf32>
        %swap3A_158 = arith.index_cast %scan3A_140 : i32 to index
        %swap3A_159 = arith.constant 32 : index
        %swap3A_160 = tpu.vector_load %arg6[%swap3A_158, %swap3A_159] {strides = array<i32>} : memref<128x128xf32, #tpu.memory_space<vmem>>, vector<16xf32>,
        tpu.vector_store %arg6[%swap3A_158, %swap3A_159], %mul3A_157 {strides = array<i32>} : memref<128x128xf32, #tpu.memory_space<vmem>>, vector<16xf32>,
        %get3A_161 = arith.index_cast %scan3A_140 : i32 to index
        %get3A_162 = arith.constant 48 : index
        %get3A_163 = tpu.vector_load %arg6[%get3A_161, %get3A_162] {strides = array<i32>} : memref<128x128xf32, #tpu.memory_space<vmem>>, vector<16xf32>,
        %mul3A_164 = arith.mulf %get3A_163, %bitcast3A : vector<16xf32>
        %swap3A_165 = arith.index_cast %scan3A_140 : i32 to index
        %swap3A_166 = arith.constant 48 : index
        %swap3A_167 = tpu.vector_load %arg6[%swap3A_165, %swap3A_166] {strides = array<i32>} : memref<128x128xf32, #tpu.memory_space<vmem>>, vector<16xf32>,
        tpu.vector_store %arg6[%swap3A_165, %swap3A_166], %mul3A_164 {strides = array<i32>} : memref<128x128xf32, #tpu.memory_space<vmem>>, vector<16xf32>,
        %get3A_168 = arith.index_cast %scan3A_140 : i32 to index
        %get3A_169 = arith.constant 64 : index
        %get3A_170 = tpu.vector_load %arg6[%get3A_168, %get3A_169] {strides = array<i32>} : memref<128x128xf32, #tpu.memory_space<vmem>>, vector<16xf32>,
        %mul3A_171 = arith.mulf %get3A_170, %bitcast3A : vector<16xf32>
        %swap3A_172 = arith.index_cast %scan3A_140 : i32 to index
        %swap3A_173 = arith.constant 64 : index
        %swap3A_174 = tpu.vector_load %arg6[%swap3A_172, %swap3A_173] {strides = array<i32>} : memref<128x128xf32, #tpu.memory_space<vmem>>, vector<16xf32>,
        tpu.vector_store %arg6[%swap3A_172, %swap3A_173], %mul3A_171 {strides = array<i32>} : memref<128x128xf32, #tpu.memory_space<vmem>>, vector<16xf32>,
        %get3A_175 = arith.index_cast %scan3A_140 : i32 to index
        %get3A_176 = arith.constant 80 : index
        %get3A_177 = tpu.vector_load %arg6[%get3A_175, %get3A_176] {strides = array<i32>} : memref<128x128xf32, #tpu.memory_space<vmem>>, vector<16xf32>,
        %mul3A_178 = arith.mulf %get3A_177, %bitcast3A : vector<16xf32>
        %swap3A_179 = arith.index_cast %scan3A_140 : i32 to index
        %swap3A_180 = arith.constant 80 : index
        %swap3A_181 = tpu.vector_load %arg6[%swap3A_179, %swap3A_180] {strides = array<i32>} : memref<128x128xf32, #tpu.memory_space<vmem>>, vector<16xf32>,
        tpu.vector_store %arg6[%swap3A_179, %swap3A_180], %mul3A_178 {strides = array<i32>} : memref<128x128xf32, #tpu.memory_space<vmem>>, vector<16xf32>,
        %get3A_182 = arith.index_cast %scan3A_140 : i32 to index
        %get3A_183 = arith.constant 96 : index
        %get3A_184 = tpu.vector_load %arg6[%get3A_182, %get3A_183] {strides = array<i32>} : memref<128x128xf32, #tpu.memory_space<vmem>>, vector<16xf32>,
        %mul3A_185 = arith.mulf %get3A_184, %bitcast3A : vector<16xf32>
        %swap3A_186 = arith.index_cast %scan3A_140 : i32 to index
        %swap3A_187 = arith.constant 96 : index
        %swap3A_188 = tpu.vector_load %arg6[%swap3A_186, %swap3A_187] {strides = array<i32>} : memref<128x128xf32, #tpu.memory_space<vmem>>, vector<16xf32>,
        tpu.vector_store %arg6[%swap3A_186, %swap3A_187], %mul3A_185 {strides = array<i32>} : memref<128x128xf32, #tpu.memory_space<vmem>>, vector<16xf32>,
        %get3A_189 = arith.index_cast %scan3A_140 : i32 to index
        %get3A_190 = arith.constant 112 : index
        %get3A_191 = tpu.vector_load %arg6[%get3A_189, %get3A_190] {strides = array<i32>} : memref<128x128xf32, #tpu.memory_space<vmem>>, vector<16xf32>,
        %mul3A_192 = arith.mulf %get3A_191, %bitcast3A : vector<16xf32>
        %swap3A_193 = arith.index_cast %scan3A_140 : i32 to index
        %swap3A_194 = arith.constant 112 : index
        %swap3A_195 = tpu.vector_load %arg6[%swap3A_193, %swap3A_194] {strides = array<i32>} : memref<128x128xf32, #tpu.memory_space<vmem>>, vector<16xf32>,
        tpu.vector_store %arg6[%swap3A_193, %swap3A_194], %mul3A_192 {strides = array<i32>} : memref<128x128xf32, #tpu.memory_space<vmem>>, vector<16xf32>,
        %scan3A_196 = arith.constant 1 : i32
        %scan3A_197 = arith.addi %scan3A_140, %scan3A_196 : i32
        %broadcast_in_dim3A_198 = vector.broadcast %scan3A_197 : i32 to vector<16xi32>
        %gather3A_199 = tpu.vector_load_idx %arg5[%broadcast_in_dim3A, %broadcast_in_dim3A_93, %broadcast_in_dim3A_198] : memref<2x6x128xi32, #tpu.memory_space<vmem>>[vector<16xi32>, vector<16xi32>, vector<16xi32>], vector<16xi32>,
        %bitcast3A_200 = vector.bitcast %gather3A_199 : vector<16xi32> to vector<16xf32>
        %get3A_201 = arith.index_cast %scan3A_197 : i32 to index
        %get3A_202 = arith.constant 0 : index
        %get3A_203 = tpu.vector_load %arg6[%get3A_201, %get3A_202] {strides = array<i32>} : memref<128x128xf32, #tpu.memory_space<vmem>>, vector<16xf32>,
        %mul3A_204 = arith.mulf %get3A_203, %bitcast3A_200 : vector<16xf32>
        %swap3A_205 = arith.index_cast %scan3A_197 : i32 to index
        %swap3A_206 = arith.constant 0 : index
        %swap3A_207 = tpu.vector_load %arg6[%swap3A_205, %swap3A_206] {strides = array<i32>} : memref<128x128xf32, #tpu.memory_space<vmem>>, vector<16xf32>,
        tpu.vector_store %arg6[%swap3A_205, %swap3A_206], %mul3A_204 {strides = array<i32>} : memref<128x128xf32, #tpu.memory_space<vmem>>, vector<16xf32>,
        %get3A_208 = arith.index_cast %scan3A_197 : i32 to index
        %get3A_209 = arith.constant 16 : index
        %get3A_210 = tpu.vector_load %arg6[%get3A_208, %get3A_209] {strides = array<i32>} : memref<128x128xf32, #tpu.memory_space<vmem>>, vector<16xf32>,
        %mul3A_211 = arith.mulf %get3A_210, %bitcast3A_200 : vector<16xf32>
        %swap3A_212 = arith.index_cast %scan3A_197 : i32 to index
        %swap3A_213 = arith.constant 16 : index
        %swap3A_214 = tpu.vector_load %arg6[%swap3A_212, %swap3A_213] {strides = array<i32>} : memref<128x128xf32, #tpu.memory_space<vmem>>, vector<16xf32>,
        tpu.vector_store %arg6[%swap3A_212, %swap3A_213], %mul3A_211 {strides = array<i32>} : memref<128x128xf32, #tpu.memory_space<vmem>>, vector<16xf32>,
        %get3A_215 = arith.index_cast %scan3A_197 : i32 to index
        %get3A_216 = arith.constant 32 : index
        %get3A_217 = tpu.vector_load %arg6[%get3A_215, %get3A_216] {strides = array<i32>} : memref<128x128xf32, #tpu.memory_space<vmem>>, vector<16xf32>,
        %mul3A_218 = arith.mulf %get3A_217, %bitcast3A_200 : vector<16xf32>
        %swap3A_219 = arith.index_cast %scan3A_197 : i32 to index
        %swap3A_220 = arith.constant 32 : index
        %swap3A_221 = tpu.vector_load %arg6[%swap3A_219, %swap3A_220] {strides = array<i32>} : memref<128x128xf32, #tpu.memory_space<vmem>>, vector<16xf32>,
        tpu.vector_store %arg6[%swap3A_219, %swap3A_220], %mul3A_218 {strides = array<i32>} : memref<128x128xf32, #tpu.memory_space<vmem>>, vector<16xf32>,
        %get3A_222 = arith.index_cast %scan3A_197 : i32 to index
        %get3A_223 = arith.constant 48 : index
        %get3A_224 = tpu.vector_load %arg6[%get3A_222, %get3A_223] {strides = array<i32>} : memref<128x128xf32, #tpu.memory_space<vmem>>, vector<16xf32>,
        %mul3A_225 = arith.mulf %get3A_224, %bitcast3A_200 : vector<16xf32>
        %swap3A_226 = arith.index_cast %scan3A_197 : i32 to index
        %swap3A_227 = arith.constant 48 : index
        %swap3A_228 = tpu.vector_load %arg6[%swap3A_226, %swap3A_227] {strides = array<i32>} : memref<128x128xf32, #tpu.memory_space<vmem>>, vector<16xf32>,
        tpu.vector_store %arg6[%swap3A_226, %swap3A_227], %mul3A_225 {strides = array<i32>} : memref<128x128xf32, #tpu.memory_space<vmem>>, vector<16xf32>,
        %get3A_229 = arith.index_cast %scan3A_197 : i32 to index
        %get3A_230 = arith.constant 64 : index
        %get3A_231 = tpu.vector_load %arg6[%get3A_229, %get3A_230] {strides = array<i32>} : memref<128x128xf32, #tpu.memory_space<vmem>>, vector<16xf32>,
        %mul3A_232 = arith.mulf %get3A_231, %bitcast3A_200 : vector<16xf32>
        %swap3A_233 = arith.index_cast %scan3A_197 : i32 to index
        %swap3A_234 = arith.constant 64 : index
        %swap3A_235 = tpu.vector_load %arg6[%swap3A_233, %swap3A_234] {strides = array<i32>} : memref<128x128xf32, #tpu.memory_space<vmem>>, vector<16xf32>,
        tpu.vector_store %arg6[%swap3A_233, %swap3A_234], %mul3A_232 {strides = array<i32>} : memref<128x128xf32, #tpu.memory_space<vmem>>, vector<16xf32>,
        %get3A_236 = arith.index_cast %scan3A_197 : i32 to index
        %get3A_237 = arith.constant 80 : index
        %get3A_238 = tpu.vector_load %arg6[%get3A_236, %get3A_237] {strides = array<i32>} : memref<128x128xf32, #tpu.memory_space<vmem>>, vector<16xf32>,
        %mul3A_239 = arith.mulf %get3A_238, %bitcast3A_200 : vector<16xf32>
        %swap3A_240 = arith.index_cast %scan3A_197 : i32 to index
        %swap3A_241 = arith.constant 80 : index
        %swap3A_242 = tpu.vector_load %arg6[%swap3A_240, %swap3A_241] {strides = array<i32>} : memref<128x128xf32, #tpu.memory_space<vmem>>, vector<16xf32>,
        tpu.vector_store %arg6[%swap3A_240, %swap3A_241], %mul3A_239 {strides = array<i32>} : memref<128x128xf32, #tpu.memory_space<vmem>>, vector<16xf32>,
        %get3A_243 = arith.index_cast %scan3A_197 : i32 to index
        %get3A_244 = arith.constant 96 : index
        %get3A_245 = tpu.vector_load %arg6[%get3A_243, %get3A_244] {strides = array<i32>} : memref<128x128xf32, #tpu.memory_space<vmem>>, vector<16xf32>,
        %mul3A_246 = arith.mulf %get3A_245, %bitcast3A_200 : vector<16xf32>
        %swap3A_247 = arith.index_cast %scan3A_197 : i32 to index
        %swap3A_248 = arith.constant 96 : index
        %swap3A_249 = tpu.vector_load %arg6[%swap3A_247, %swap3A_248] {strides = array<i32>} : memref<128x128xf32, #tpu.memory_space<vmem>>, vector<16xf32>,
        tpu.vector_store %arg6[%swap3A_247, %swap3A_248], %mul3A_246 {strides = array<i32>} : memref<128x128xf32, #tpu.memory_space<vmem>>, vector<16xf32>,
        %get3A_250 = arith.index_cast %scan3A_197 : i32 to index
        %get3A_251 = arith.constant 112 : index
        %get3A_252 = tpu.vector_load %arg6[%get3A_250, %get3A_251] {strides = array<i32>} : memref<128x128xf32, #tpu.memory_space<vmem>>, vector<16xf32>,
        %mul3A_253 = arith.mulf %get3A_252, %bitcast3A_200 : vector<16xf32>
        %swap3A_254 = arith.index_cast %scan3A_197 : i32 to index
        %swap3A_255 = arith.constant 112 : index
        %swap3A_256 = tpu.vector_load %arg6[%swap3A_254, %swap3A_255] {strides = array<i32>} : memref<128x128xf32, #tpu.memory_space<vmem>>, vector<16xf32>,
        tpu.vector_store %arg6[%swap3A_254, %swap3A_255], %mul3A_253 {strides = array<i32>} : memref<128x128xf32, #tpu.memory_space<vmem>>, vector<16xf32>,
        %scan3A_257 = arith.constant 2 : i32
        %scan3A_258 = arith.addi %scan3A_140, %scan3A_257 : i32
        %broadcast_in_dim3A_259 = vector.broadcast %scan3A_258 : i32 to vector<16xi32>
        %gather3A_260 = tpu.vector_load_idx %arg5[%broadcast_in_dim3A, %broadcast_in_dim3A_93, %broadcast_in_dim3A_259] : memref<2x6x128xi32, #tpu.memory_space<vmem>>[vector<16xi32>, vector<16xi32>, vector<16xi32>], vector<16xi32>,
        %bitcast3A_261 = vector.bitcast %gather3A_260 : vector<16xi32> to vector<16xf32>
        %get3A_262 = arith.index_cast %scan3A_258 : i32 to index
        %get3A_263 = arith.constant 0 : index
        %get3A_264 = tpu.vector_load %arg6[%get3A_262, %get3A_263] {strides = array<i32>} : memref<128x128xf32, #tpu.memory_space<vmem>>, vector<16xf32>,
        %mul3A_265 = arith.mulf %get3A_264, %bitcast3A_261 : vector<16xf32>
        %swap3A_266 = arith.index_cast %scan3A_258 : i32 to index
        %swap3A_267 = arith.constant 0 : index
        %swap3A_268 = tpu.vector_load %arg6[%swap3A_266, %swap3A_267] {strides = array<i32>} : memref<128x128xf32, #tpu.memory_space<vmem>>, vector<16xf32>,
        tpu.vector_store %arg6[%swap3A_266, %swap3A_267], %mul3A_265 {strides = array<i32>} : memref<128x128xf32, #tpu.memory_space<vmem>>, vector<16xf32>,
        %get3A_269 = arith.index_cast %scan3A_258 : i32 to index
        %get3A_270 = arith.constant 16 : index
        %get3A_271 = tpu.vector_load %arg6[%get3A_269, %get3A_270] {strides = array<i32>} : memref<128x128xf32, #tpu.memory_space<vmem>>, vector<16xf32>,
        %mul3A_272 = arith.mulf %get3A_271, %bitcast3A_261 : vector<16xf32>
        %swap3A_273 = arith.index_cast %scan3A_258 : i32 to index
        %swap3A_274 = arith.constant 16 : index
        %swap3A_275 = tpu.vector_load %arg6[%swap3A_273, %swap3A_274] {strides = array<i32>} : memref<128x128xf32, #tpu.memory_space<vmem>>, vector<16xf32>,
        tpu.vector_store %arg6[%swap3A_273, %swap3A_274], %mul3A_272 {strides = array<i32>} : memref<128x128xf32, #tpu.memory_space<vmem>>, vector<16xf32>,
        %get3A_276 = arith.index_cast %scan3A_258 : i32 to index
        %get3A_277 = arith.constant 32 : index
        %get3A_278 = tpu.vector_load %arg6[%get3A_276, %get3A_277] {strides = array<i32>} : memref<128x128xf32, #tpu.memory_space<vmem>>, vector<16xf32>,
        %mul3A_279 = arith.mulf %get3A_278, %bitcast3A_261 : vector<16xf32>
        %swap3A_280 = arith.index_cast %scan3A_258 : i32 to index
        %swap3A_281 = arith.constant 32 : index
        %swap3A_282 = tpu.vector_load %arg6[%swap3A_280, %swap3A_281] {strides = array<i32>} : memref<128x128xf32, #tpu.memory_space<vmem>>, vector<16xf32>,
        tpu.vector_store %arg6[%swap3A_280, %swap3A_281], %mul3A_279 {strides = array<i32>} : memref<128x128xf32, #tpu.memory_space<vmem>>, vector<16xf32>,
        %get3A_283 = arith.index_cast %scan3A_258 : i32 to index
        %get3A_284 = arith.constant 48 : index
        %get3A_285 = tpu.vector_load %arg6[%get3A_283, %get3A_284] {strides = array<i32>} : memref<128x128xf32, #tpu.memory_space<vmem>>, vector<16xf32>,
        %mul3A_286 = arith.mulf %get3A_285, %bitcast3A_261 : vector<16xf32>
        %swap3A_287 = arith.index_cast %scan3A_258 : i32 to index
        %swap3A_288 = arith.constant 48 : index
        %swap3A_289 = tpu.vector_load %arg6[%swap3A_287, %swap3A_288] {strides = array<i32>} : memref<128x128xf32, #tpu.memory_space<vmem>>, vector<16xf32>,
        tpu.vector_store %arg6[%swap3A_287, %swap3A_288], %mul3A_286 {strides = array<i32>} : memref<128x128xf32, #tpu.memory_space<vmem>>, vector<16xf32>,
        %get3A_290 = arith.index_cast %scan3A_258 : i32 to index
        %get3A_291 = arith.constant 64 : index
        %get3A_292 = tpu.vector_load %arg6[%get3A_290, %get3A_291] {strides = array<i32>} : memref<128x128xf32, #tpu.memory_space<vmem>>, vector<16xf32>,
        %mul3A_293 = arith.mulf %get3A_292, %bitcast3A_261 : vector<16xf32>
        %swap3A_294 = arith.index_cast %scan3A_258 : i32 to index
        %swap3A_295 = arith.constant 64 : index
        %swap3A_296 = tpu.vector_load %arg6[%swap3A_294, %swap3A_295] {strides = array<i32>} : memref<128x128xf32, #tpu.memory_space<vmem>>, vector<16xf32>,
        tpu.vector_store %arg6[%swap3A_294, %swap3A_295], %mul3A_293 {strides = array<i32>} : memref<128x128xf32, #tpu.memory_space<vmem>>, vector<16xf32>,
        %get3A_297 = arith.index_cast %scan3A_258 : i32 to index
        %get3A_298 = arith.constant 80 : index
        %get3A_299 = tpu.vector_load %arg6[%get3A_297, %get3A_298] {strides = array<i32>} : memref<128x128xf32, #tpu.memory_space<vmem>>, vector<16xf32>,
        %mul3A_300 = arith.mulf %get3A_299, %bitcast3A_261 : vector<16xf32>
        %swap3A_301 = arith.index_cast %scan3A_258 : i32 to index
        %swap3A_302 = arith.constant 80 : index
        %swap3A_303 = tpu.vector_load %arg6[%swap3A_301, %swap3A_302] {strides = array<i32>} : memref<128x128xf32, #tpu.memory_space<vmem>>, vector<16xf32>,
        tpu.vector_store %arg6[%swap3A_301, %swap3A_302], %mul3A_300 {strides = array<i32>} : memref<128x128xf32, #tpu.memory_space<vmem>>, vector<16xf32>,
        %get3A_304 = arith.index_cast %scan3A_258 : i32 to index
        %get3A_305 = arith.constant 96 : index
        %get3A_306 = tpu.vector_load %arg6[%get3A_304, %get3A_305] {strides = array<i32>} : memref<128x128xf32, #tpu.memory_space<vmem>>, vector<16xf32>,
        %mul3A_307 = arith.mulf %get3A_306, %bitcast3A_261 : vector<16xf32>
        %swap3A_308 = arith.index_cast %scan3A_258 : i32 to index
        %swap3A_309 = arith.constant 96 : index
        %swap3A_310 = tpu.vector_load %arg6[%swap3A_308, %swap3A_309] {strides = array<i32>} : memref<128x128xf32, #tpu.memory_space<vmem>>, vector<16xf32>,
        tpu.vector_store %arg6[%swap3A_308, %swap3A_309], %mul3A_307 {strides = array<i32>} : memref<128x128xf32, #tpu.memory_space<vmem>>, vector<16xf32>,
        %get3A_311 = arith.index_cast %scan3A_258 : i32 to index
        %get3A_312 = arith.constant 112 : index
        %get3A_313 = tpu.vector_load %arg6[%get3A_311, %get3A_312] {strides = array<i32>} : memref<128x128xf32, #tpu.memory_space<vmem>>, vector<16xf32>,
        %mul3A_314 = arith.mulf %get3A_313, %bitcast3A_261 : vector<16xf32>
        %swap3A_315 = arith.index_cast %scan3A_258 : i32 to index
        %swap3A_316 = arith.constant 112 : index
        %swap3A_317 = tpu.vector_load %arg6[%swap3A_315, %swap3A_316] {strides = array<i32>} : memref<128x128xf32, #tpu.memory_space<vmem>>, vector<16xf32>,
        tpu.vector_store %arg6[%swap3A_315, %swap3A_316], %mul3A_314 {strides = array<i32>} : memref<128x128xf32, #tpu.memory_space<vmem>>, vector<16xf32>,
        %scan3A_318 = arith.constant 3 : i32
        %scan3A_319 = arith.addi %scan3A_140, %scan3A_318 : i32
        %broadcast_in_dim3A_320 = vector.broadcast %scan3A_319 : i32 to vector<16xi32>
        %gather3A_321 = tpu.vector_load_idx %arg5[%broadcast_in_dim3A, %broadcast_in_dim3A_93, %broadcast_in_dim3A_320] : memref<2x6x128xi32, #tpu.memory_space<vmem>>[vector<16xi32>, vector<16xi32>, vector<16xi32>], vector<16xi32>,
        %bitcast3A_322 = vector.bitcast %gather3A_321 : vector<16xi32> to vector<16xf32>
        %get3A_323 = arith.index_cast %scan3A_319 : i32 to index
        %get3A_324 = arith.constant 0 : index
        %get3A_325 = tpu.vector_load %arg6[%get3A_323, %get3A_324] {strides = array<i32>} : memref<128x128xf32, #tpu.memory_space<vmem>>, vector<16xf32>,
        %mul3A_326 = arith.mulf %get3A_325, %bitcast3A_322 : vector<16xf32>
        %swap3A_327 = arith.index_cast %scan3A_319 : i32 to index
        %swap3A_328 = arith.constant 0 : index
        %swap3A_329 = tpu.vector_load %arg6[%swap3A_327, %swap3A_328] {strides = array<i32>} : memref<128x128xf32, #tpu.memory_space<vmem>>, vector<16xf32>,
        tpu.vector_store %arg6[%swap3A_327, %swap3A_328], %mul3A_326 {strides = array<i32>} : memref<128x128xf32, #tpu.memory_space<vmem>>, vector<16xf32>,
        %get3A_330 = arith.index_cast %scan3A_319 : i32 to index
        %get3A_331 = arith.constant 16 : index
        %get3A_332 = tpu.vector_load %arg6[%get3A_330, %get3A_331] {strides = array<i32>} : memref<128x128xf32, #tpu.memory_space<vmem>>, vector<16xf32>,
        %mul3A_333 = arith.mulf %get3A_332, %bitcast3A_322 : vector<16xf32>
        %swap3A_334 = arith.index_cast %scan3A_319 : i32 to index
        %swap3A_335 = arith.constant 16 : index
        %swap3A_336 = tpu.vector_load %arg6[%swap3A_334, %swap3A_335] {strides = array<i32>} : memref<128x128xf32, #tpu.memory_space<vmem>>, vector<16xf32>,
        tpu.vector_store %arg6[%swap3A_334, %swap3A_335], %mul3A_333 {strides = array<i32>} : memref<128x128xf32, #tpu.memory_space<vmem>>, vector<16xf32>,
        %get3A_337 = arith.index_cast %scan3A_319 : i32 to index
        %get3A_338 = arith.constant 32 : index
        %get3A_339 = tpu.vector_load %arg6[%get3A_337, %get3A_338] {strides = array<i32>} : memref<128x128xf32, #tpu.memory_space<vmem>>, vector<16xf32>,
        %mul3A_340 = arith.mulf %get3A_339, %bitcast3A_322 : vector<16xf32>
        %swap3A_341 = arith.index_cast %scan3A_319 : i32 to index
        %swap3A_342 = arith.constant 32 : index
        %swap3A_343 = tpu.vector_load %arg6[%swap3A_341, %swap3A_342] {strides = array<i32>} : memref<128x128xf32, #tpu.memory_space<vmem>>, vector<16xf32>,
        tpu.vector_store %arg6[%swap3A_341, %swap3A_342], %mul3A_340 {strides = array<i32>} : memref<128x128xf32, #tpu.memory_space<vmem>>, vector<16xf32>,
        %get3A_344 = arith.index_cast %scan3A_319 : i32 to index
        %get3A_345 = arith.constant 48 : index
        %get3A_346 = tpu.vector_load %arg6[%get3A_344, %get3A_345] {strides = array<i32>} : memref<128x128xf32, #tpu.memory_space<vmem>>, vector<16xf32>,
        %mul3A_347 = arith.mulf %get3A_346, %bitcast3A_322 : vector<16xf32>
        %swap3A_348 = arith.index_cast %scan3A_319 : i32 to index
        %swap3A_349 = arith.constant 48 : index
        %swap3A_350 = tpu.vector_load %arg6[%swap3A_348, %swap3A_349] {strides = array<i32>} : memref<128x128xf32, #tpu.memory_space<vmem>>, vector<16xf32>,
        tpu.vector_store %arg6[%swap3A_348, %swap3A_349], %mul3A_347 {strides = array<i32>} : memref<128x128xf32, #tpu.memory_space<vmem>>, vector<16xf32>,
        %get3A_351 = arith.index_cast %scan3A_319 : i32 to index
        %get3A_352 = arith.constant 64 : index
        %get3A_353 = tpu.vector_load %arg6[%get3A_351, %get3A_352] {strides = array<i32>} : memref<128x128xf32, #tpu.memory_space<vmem>>, vector<16xf32>,
        %mul3A_354 = arith.mulf %get3A_353, %bitcast3A_322 : vector<16xf32>
        %swap3A_355 = arith.index_cast %scan3A_319 : i32 to index
        %swap3A_356 = arith.constant 64 : index
        %swap3A_357 = tpu.vector_load %arg6[%swap3A_355, %swap3A_356] {strides = array<i32>} : memref<128x128xf32, #tpu.memory_space<vmem>>, vector<16xf32>,
        tpu.vector_store %arg6[%swap3A_355, %swap3A_356], %mul3A_354 {strides = array<i32>} : memref<128x128xf32, #tpu.memory_space<vmem>>, vector<16xf32>,
        %get3A_358 = arith.index_cast %scan3A_319 : i32 to index
        %get3A_359 = arith.constant 80 : index
        %get3A_360 = tpu.vector_load %arg6[%get3A_358, %get3A_359] {strides = array<i32>} : memref<128x128xf32, #tpu.memory_space<vmem>>, vector<16xf32>,
        %mul3A_361 = arith.mulf %get3A_360, %bitcast3A_322 : vector<16xf32>
        %swap3A_362 = arith.index_cast %scan3A_319 : i32 to index
        %swap3A_363 = arith.constant 80 : index
        %swap3A_364 = tpu.vector_load %arg6[%swap3A_362, %swap3A_363] {strides = array<i32>} : memref<128x128xf32, #tpu.memory_space<vmem>>, vector<16xf32>,
        tpu.vector_store %arg6[%swap3A_362, %swap3A_363], %mul3A_361 {strides = array<i32>} : memref<128x128xf32, #tpu.memory_space<vmem>>, vector<16xf32>,
        %get3A_365 = arith.index_cast %scan3A_319 : i32 to index
        %get3A_366 = arith.constant 96 : index
        %get3A_367 = tpu.vector_load %arg6[%get3A_365, %get3A_366] {strides = array<i32>} : memref<128x128xf32, #tpu.memory_space<vmem>>, vector<16xf32>,
        %mul3A_368 = arith.mulf %get3A_367, %bitcast3A_322 : vector<16xf32>
        %swap3A_369 = arith.index_cast %scan3A_319 : i32 to index
        %swap3A_370 = arith.constant 96 : index
        %swap3A_371 = tpu.vector_load %arg6[%swap3A_369, %swap3A_370] {strides = array<i32>} : memref<128x128xf32, #tpu.memory_space<vmem>>, vector<16xf32>,
        tpu.vector_store %arg6[%swap3A_369, %swap3A_370], %mul3A_368 {strides = array<i32>} : memref<128x128xf32, #tpu.memory_space<vmem>>, vector<16xf32>,
        %get3A_372 = arith.index_cast %scan3A_319 : i32 to index
        %get3A_373 = arith.constant 112 : index
        %get3A_374 = tpu.vector_load %arg6[%get3A_372, %get3A_373] {strides = array<i32>} : memref<128x128xf32, #tpu.memory_space<vmem>>, vector<16xf32>,
        %mul3A_375 = arith.mulf %get3A_374, %bitcast3A_322 : vector<16xf32>
        %swap3A_376 = arith.index_cast %scan3A_319 : i32 to index
        %swap3A_377 = arith.constant 112 : index
        %swap3A_378 = tpu.vector_load %arg6[%swap3A_376, %swap3A_377] {strides = array<i32>} : memref<128x128xf32, #tpu.memory_space<vmem>>, vector<16xf32>,
        tpu.vector_store %arg6[%swap3A_376, %swap3A_377], %mul3A_375 {strides = array<i32>} : memref<128x128xf32, #tpu.memory_space<vmem>>, vector<16xf32>,
      }
      %scan3A_98 = arith.constant 128 : i32
      %dma_start3A_99 = arith.constant 2 : i32
      %dma_start3A_100 = arith.constant 0 : i32
      %dma_start3A_101 = tpu.memref_slice %arg5[%and3A_80, %dma_start3A_99, %dma_start3A_100] : memref<2x6x128xi32, #tpu.memory_space<vmem>> -> memref<1x1x128xi32, #tpu.memory_space<vmem>>
      %dma_start3A_102 = tpu.memref_squeeze %dma_start3A_101 : memref<1x1x128xi32, #tpu.memory_space<vmem>> -> memref<128xi32, #tpu.memory_space<vmem>>
      %dma_start3A_103 = arith.constant 0 : i32
      %dma_start3A_104 = arith.constant 0 : i32
      %dma_start3A_105 = tpu.memref_slice %arg8[%dma_start3A_103, %dma_start3A_104] : memref<10240x128xf32, #tpu.memory_space<vmem_shared>> -> memref<10240x128xf32, #tpu.memory_space<vmem_shared>>
      tpu.enqueue_indirect_dma source(%arg6 : memref<128x128xf32, #tpu.memory_space<vmem>>) target(%dma_start3A_105 : memref<10240x128xf32, #tpu.memory_space<vmem_shared>>) offsets(%dma_start3A_102 : memref<128xi32, #tpu.memory_space<vmem>>) semaphore(%arg12 : memref<!tpu.dma_semaphore, #tpu.memory_space<semaphore_mem>>) {add = true}
      %dma_wait3A_106 = arith.constant 1 : i32
      %dma_wait3A_107 = arith.constant 0 : i32
      %dma_wait3A_108 = tpu.memref_slice %arg5[%and3A_80, %dma_wait3A_106, %dma_wait3A_107] : memref<2x6x128xi32, #tpu.memory_space<vmem>> -> memref<1x1x128xi32, #tpu.memory_space<vmem>>
      %dma_wait3A_109 = tpu.memref_squeeze %dma_wait3A_108 : memref<1x1x128xi32, #tpu.memory_space<vmem>> -> memref<128xi32, #tpu.memory_space<vmem>>
      %dma_wait3A_110 = arith.constant 0 : i32
      %dma_wait3A_111 = arith.constant 0 : i32
      %dma_wait3A_112 = tpu.memref_slice %arg2[%dma_wait3A_110, %dma_wait3A_111] : memref<10240x128xf32, #tpu.memory_space<hbm>> -> memref<10240x128xf32, #tpu.memory_space<hbm>>
      tpu.wait_indirect_dma semaphore(%arg11 : memref<!tpu.dma_semaphore, #tpu.memory_space<semaphore_mem>>) src(%dma_wait3A_112 : memref<10240x128xf32, #tpu.memory_space<hbm>>) dst(%arg7 : memref<128x128xf32, #tpu.memory_space<vmem>>)
      %broadcast_in_dim3A_113 = vector.broadcast %and3A_80 : i32 to vector<16xi32>
      %broadcast_in_dim3A_114 = arith.constant 5 : i32
      %broadcast_in_dim3A_115 = vector.broadcast %broadcast_in_dim3A_114 : i32 to vector<16xi32>
      %scan3A_116 = arith.constant 0 : i32
      %scan3A_117 = arith.constant 0 : i32
      %scan3A_118 = arith.constant 128 : i32
      %scan3A_119 = arith.addi %scan3A_117, %scan3A_118 : i32
      %scan3A_120 = arith.constant 4 : i32
      scf.for %scan3A_140 = %scan3A_117 to %scan3A_119 step %scan3A_120  : i32 {
        %broadcast_in_dim3A_141 = vector.broadcast %scan3A_140 : i32 to vector<16xi32>
        %gather3A = tpu.vector_load_idx %arg5[%broadcast_in_dim3A_113, %broadcast_in_dim3A_115, %broadcast_in_dim3A_141] : memref<2x6x128xi32, #tpu.memory_space<vmem>>[vector<16xi32>, vector<16xi32>, vector<16xi32>], vector<16xi32>,
        %bitcast3A = vector.bitcast %gather3A : vector<16xi32> to vector<16xf32>
        %get3A = arith.index_cast %scan3A_140 : i32 to index
        %get3A_142 = arith.constant 0 : index
        %get3A_143 = tpu.vector_load %arg7[%get3A, %get3A_142] {strides = array<i32>} : memref<128x128xf32, #tpu.memory_space<vmem>>, vector<16xf32>,
        %mul3A_144 = arith.mulf %get3A_143, %bitcast3A : vector<16xf32>
        %swap3A = arith.index_cast %scan3A_140 : i32 to index
        %swap3A_145 = arith.constant 0 : index
        %swap3A_146 = tpu.vector_load %arg7[%swap3A, %swap3A_145] {strides = array<i32>} : memref<128x128xf32, #tpu.memory_space<vmem>>, vector<16xf32>,
        tpu.vector_store %arg7[%swap3A, %swap3A_145], %mul3A_144 {strides = array<i32>} : memref<128x128xf32, #tpu.memory_space<vmem>>, vector<16xf32>,
        %get3A_147 = arith.index_cast %scan3A_140 : i32 to index
        %get3A_148 = arith.constant 16 : index
        %get3A_149 = tpu.vector_load %arg7[%get3A_147, %get3A_148] {strides = array<i32>} : memref<128x128xf32, #tpu.memory_space<vmem>>, vector<16xf32>,
        %mul3A_150 = arith.mulf %get3A_149, %bitcast3A : vector<16xf32>
        %swap3A_151 = arith.index_cast %scan3A_140 : i32 to index
        %swap3A_152 = arith.constant 16 : index
        %swap3A_153 = tpu.vector_load %arg7[%swap3A_151, %swap3A_152] {strides = array<i32>} : memref<128x128xf32, #tpu.memory_space<vmem>>, vector<16xf32>,
        tpu.vector_store %arg7[%swap3A_151, %swap3A_152], %mul3A_150 {strides = array<i32>} : memref<128x128xf32, #tpu.memory_space<vmem>>, vector<16xf32>,
        %get3A_154 = arith.index_cast %scan3A_140 : i32 to index
        %get3A_155 = arith.constant 32 : index
        %get3A_156 = tpu.vector_load %arg7[%get3A_154, %get3A_155] {strides = array<i32>} : memref<128x128xf32, #tpu.memory_space<vmem>>, vector<16xf32>,
        %mul3A_157 = arith.mulf %get3A_156, %bitcast3A : vector<16xf32>
        %swap3A_158 = arith.index_cast %scan3A_140 : i32 to index
        %swap3A_159 = arith.constant 32 : index
        %swap3A_160 = tpu.vector_load %arg7[%swap3A_158, %swap3A_159] {strides = array<i32>} : memref<128x128xf32, #tpu.memory_space<vmem>>, vector<16xf32>,
        tpu.vector_store %arg7[%swap3A_158, %swap3A_159], %mul3A_157 {strides = array<i32>} : memref<128x128xf32, #tpu.memory_space<vmem>>, vector<16xf32>,
        %get3A_161 = arith.index_cast %scan3A_140 : i32 to index
        %get3A_162 = arith.constant 48 : index
        %get3A_163 = tpu.vector_load %arg7[%get3A_161, %get3A_162] {strides = array<i32>} : memref<128x128xf32, #tpu.memory_space<vmem>>, vector<16xf32>,
        %mul3A_164 = arith.mulf %get3A_163, %bitcast3A : vector<16xf32>
        %swap3A_165 = arith.index_cast %scan3A_140 : i32 to index
        %swap3A_166 = arith.constant 48 : index
        %swap3A_167 = tpu.vector_load %arg7[%swap3A_165, %swap3A_166] {strides = array<i32>} : memref<128x128xf32, #tpu.memory_space<vmem>>, vector<16xf32>,
        tpu.vector_store %arg7[%swap3A_165, %swap3A_166], %mul3A_164 {strides = array<i32>} : memref<128x128xf32, #tpu.memory_space<vmem>>, vector<16xf32>,
        %get3A_168 = arith.index_cast %scan3A_140 : i32 to index
        %get3A_169 = arith.constant 64 : index
        %get3A_170 = tpu.vector_load %arg7[%get3A_168, %get3A_169] {strides = array<i32>} : memref<128x128xf32, #tpu.memory_space<vmem>>, vector<16xf32>,
        %mul3A_171 = arith.mulf %get3A_170, %bitcast3A : vector<16xf32>
        %swap3A_172 = arith.index_cast %scan3A_140 : i32 to index
        %swap3A_173 = arith.constant 64 : index
        %swap3A_174 = tpu.vector_load %arg7[%swap3A_172, %swap3A_173] {strides = array<i32>} : memref<128x128xf32, #tpu.memory_space<vmem>>, vector<16xf32>,
        tpu.vector_store %arg7[%swap3A_172, %swap3A_173], %mul3A_171 {strides = array<i32>} : memref<128x128xf32, #tpu.memory_space<vmem>>, vector<16xf32>,
        %get3A_175 = arith.index_cast %scan3A_140 : i32 to index
        %get3A_176 = arith.constant 80 : index
        %get3A_177 = tpu.vector_load %arg7[%get3A_175, %get3A_176] {strides = array<i32>} : memref<128x128xf32, #tpu.memory_space<vmem>>, vector<16xf32>,
        %mul3A_178 = arith.mulf %get3A_177, %bitcast3A : vector<16xf32>
        %swap3A_179 = arith.index_cast %scan3A_140 : i32 to index
        %swap3A_180 = arith.constant 80 : index
        %swap3A_181 = tpu.vector_load %arg7[%swap3A_179, %swap3A_180] {strides = array<i32>} : memref<128x128xf32, #tpu.memory_space<vmem>>, vector<16xf32>,
        tpu.vector_store %arg7[%swap3A_179, %swap3A_180], %mul3A_178 {strides = array<i32>} : memref<128x128xf32, #tpu.memory_space<vmem>>, vector<16xf32>,
        %get3A_182 = arith.index_cast %scan3A_140 : i32 to index
        %get3A_183 = arith.constant 96 : index
        %get3A_184 = tpu.vector_load %arg7[%get3A_182, %get3A_183] {strides = array<i32>} : memref<128x128xf32, #tpu.memory_space<vmem>>, vector<16xf32>,
        %mul3A_185 = arith.mulf %get3A_184, %bitcast3A : vector<16xf32>
        %swap3A_186 = arith.index_cast %scan3A_140 : i32 to index
        %swap3A_187 = arith.constant 96 : index
        %swap3A_188 = tpu.vector_load %arg7[%swap3A_186, %swap3A_187] {strides = array<i32>} : memref<128x128xf32, #tpu.memory_space<vmem>>, vector<16xf32>,
        tpu.vector_store %arg7[%swap3A_186, %swap3A_187], %mul3A_185 {strides = array<i32>} : memref<128x128xf32, #tpu.memory_space<vmem>>, vector<16xf32>,
        %get3A_189 = arith.index_cast %scan3A_140 : i32 to index
        %get3A_190 = arith.constant 112 : index
        %get3A_191 = tpu.vector_load %arg7[%get3A_189, %get3A_190] {strides = array<i32>} : memref<128x128xf32, #tpu.memory_space<vmem>>, vector<16xf32>,
        %mul3A_192 = arith.mulf %get3A_191, %bitcast3A : vector<16xf32>
        %swap3A_193 = arith.index_cast %scan3A_140 : i32 to index
        %swap3A_194 = arith.constant 112 : index
        %swap3A_195 = tpu.vector_load %arg7[%swap3A_193, %swap3A_194] {strides = array<i32>} : memref<128x128xf32, #tpu.memory_space<vmem>>, vector<16xf32>,
        tpu.vector_store %arg7[%swap3A_193, %swap3A_194], %mul3A_192 {strides = array<i32>} : memref<128x128xf32, #tpu.memory_space<vmem>>, vector<16xf32>,
        %scan3A_196 = arith.constant 1 : i32
        %scan3A_197 = arith.addi %scan3A_140, %scan3A_196 : i32
        %broadcast_in_dim3A_198 = vector.broadcast %scan3A_197 : i32 to vector<16xi32>
        %gather3A_199 = tpu.vector_load_idx %arg5[%broadcast_in_dim3A_113, %broadcast_in_dim3A_115, %broadcast_in_dim3A_198] : memref<2x6x128xi32, #tpu.memory_space<vmem>>[vector<16xi32>, vector<16xi32>, vector<16xi32>], vector<16xi32>,
        %bitcast3A_200 = vector.bitcast %gather3A_199 : vector<16xi32> to vector<16xf32>
        %get3A_201 = arith.index_cast %scan3A_197 : i32 to index
        %get3A_202 = arith.constant 0 : index
        %get3A_203 = tpu.vector_load %arg7[%get3A_201, %get3A_202] {strides = array<i32>} : memref<128x128xf32, #tpu.memory_space<vmem>>, vector<16xf32>,
        %mul3A_204 = arith.mulf %get3A_203, %bitcast3A_200 : vector<16xf32>
        %swap3A_205 = arith.index_cast %scan3A_197 : i32 to index
        %swap3A_206 = arith.constant 0 : index
        %swap3A_207 = tpu.vector_load %arg7[%swap3A_205, %swap3A_206] {strides = array<i32>} : memref<128x128xf32, #tpu.memory_space<vmem>>, vector<16xf32>,
        tpu.vector_store %arg7[%swap3A_205, %swap3A_206], %mul3A_204 {strides = array<i32>} : memref<128x128xf32, #tpu.memory_space<vmem>>, vector<16xf32>,
        %get3A_208 = arith.index_cast %scan3A_197 : i32 to index
        %get3A_209 = arith.constant 16 : index
        %get3A_210 = tpu.vector_load %arg7[%get3A_208, %get3A_209] {strides = array<i32>} : memref<128x128xf32, #tpu.memory_space<vmem>>, vector<16xf32>,
        %mul3A_211 = arith.mulf %get3A_210, %bitcast3A_200 : vector<16xf32>
        %swap3A_212 = arith.index_cast %scan3A_197 : i32 to index
        %swap3A_213 = arith.constant 16 : index
        %swap3A_214 = tpu.vector_load %arg7[%swap3A_212, %swap3A_213] {strides = array<i32>} : memref<128x128xf32, #tpu.memory_space<vmem>>, vector<16xf32>,
        tpu.vector_store %arg7[%swap3A_212, %swap3A_213], %mul3A_211 {strides = array<i32>} : memref<128x128xf32, #tpu.memory_space<vmem>>, vector<16xf32>,
        %get3A_215 = arith.index_cast %scan3A_197 : i32 to index
        %get3A_216 = arith.constant 32 : index
        %get3A_217 = tpu.vector_load %arg7[%get3A_215, %get3A_216] {strides = array<i32>} : memref<128x128xf32, #tpu.memory_space<vmem>>, vector<16xf32>,
        %mul3A_218 = arith.mulf %get3A_217, %bitcast3A_200 : vector<16xf32>
        %swap3A_219 = arith.index_cast %scan3A_197 : i32 to index
        %swap3A_220 = arith.constant 32 : index
        %swap3A_221 = tpu.vector_load %arg7[%swap3A_219, %swap3A_220] {strides = array<i32>} : memref<128x128xf32, #tpu.memory_space<vmem>>, vector<16xf32>,
        tpu.vector_store %arg7[%swap3A_219, %swap3A_220], %mul3A_218 {strides = array<i32>} : memref<128x128xf32, #tpu.memory_space<vmem>>, vector<16xf32>,
        %get3A_222 = arith.index_cast %scan3A_197 : i32 to index
        %get3A_223 = arith.constant 48 : index
        %get3A_224 = tpu.vector_load %arg7[%get3A_222, %get3A_223] {strides = array<i32>} : memref<128x128xf32, #tpu.memory_space<vmem>>, vector<16xf32>,
        %mul3A_225 = arith.mulf %get3A_224, %bitcast3A_200 : vector<16xf32>
        %swap3A_226 = arith.index_cast %scan3A_197 : i32 to index
        %swap3A_227 = arith.constant 48 : index
        %swap3A_228 = tpu.vector_load %arg7[%swap3A_226, %swap3A_227] {strides = array<i32>} : memref<128x128xf32, #tpu.memory_space<vmem>>, vector<16xf32>,
        tpu.vector_store %arg7[%swap3A_226, %swap3A_227], %mul3A_225 {strides = array<i32>} : memref<128x128xf32, #tpu.memory_space<vmem>>, vector<16xf32>,
        %get3A_229 = arith.index_cast %scan3A_197 : i32 to index
        %get3A_230 = arith.constant 64 : index
        %get3A_231 = tpu.vector_load %arg7[%get3A_229, %get3A_230] {strides = array<i32>} : memref<128x128xf32, #tpu.memory_space<vmem>>, vector<16xf32>,
        %mul3A_232 = arith.mulf %get3A_231, %bitcast3A_200 : vector<16xf32>
        %swap3A_233 = arith.index_cast %scan3A_197 : i32 to index
        %swap3A_234 = arith.constant 64 : index
        %swap3A_235 = tpu.vector_load %arg7[%swap3A_233, %swap3A_234] {strides = array<i32>} : memref<128x128xf32, #tpu.memory_space<vmem>>, vector<16xf32>,
        tpu.vector_store %arg7[%swap3A_233, %swap3A_234], %mul3A_232 {strides = array<i32>} : memref<128x128xf32, #tpu.memory_space<vmem>>, vector<16xf32>,
        %get3A_236 = arith.index_cast %scan3A_197 : i32 to index
        %get3A_237 = arith.constant 80 : index
        %get3A_238 = tpu.vector_load %arg7[%get3A_236, %get3A_237] {strides = array<i32>} : memref<128x128xf32, #tpu.memory_space<vmem>>, vector<16xf32>,
        %mul3A_239 = arith.mulf %get3A_238, %bitcast3A_200 : vector<16xf32>
        %swap3A_240 = arith.index_cast %scan3A_197 : i32 to index
        %swap3A_241 = arith.constant 80 : index
        %swap3A_242 = tpu.vector_load %arg7[%swap3A_240, %swap3A_241] {strides = array<i32>} : memref<128x128xf32, #tpu.memory_space<vmem>>, vector<16xf32>,
        tpu.vector_store %arg7[%swap3A_240, %swap3A_241], %mul3A_239 {strides = array<i32>} : memref<128x128xf32, #tpu.memory_space<vmem>>, vector<16xf32>,
        %get3A_243 = arith.index_cast %scan3A_197 : i32 to index
        %get3A_244 = arith.constant 96 : index
        %get3A_245 = tpu.vector_load %arg7[%get3A_243, %get3A_244] {strides = array<i32>} : memref<128x128xf32, #tpu.memory_space<vmem>>, vector<16xf32>,
        %mul3A_246 = arith.mulf %get3A_245, %bitcast3A_200 : vector<16xf32>
        %swap3A_247 = arith.index_cast %scan3A_197 : i32 to index
        %swap3A_248 = arith.constant 96 : index
        %swap3A_249 = tpu.vector_load %arg7[%swap3A_247, %swap3A_248] {strides = array<i32>} : memref<128x128xf32, #tpu.memory_space<vmem>>, vector<16xf32>,
        tpu.vector_store %arg7[%swap3A_247, %swap3A_248], %mul3A_246 {strides = array<i32>} : memref<128x128xf32, #tpu.memory_space<vmem>>, vector<16xf32>,
        %get3A_250 = arith.index_cast %scan3A_197 : i32 to index
        %get3A_251 = arith.constant 112 : index
        %get3A_252 = tpu.vector_load %arg7[%get3A_250, %get3A_251] {strides = array<i32>} : memref<128x128xf32, #tpu.memory_space<vmem>>, vector<16xf32>,
        %mul3A_253 = arith.mulf %get3A_252, %bitcast3A_200 : vector<16xf32>
        %swap3A_254 = arith.index_cast %scan3A_197 : i32 to index
        %swap3A_255 = arith.constant 112 : index
        %swap3A_256 = tpu.vector_load %arg7[%swap3A_254, %swap3A_255] {strides = array<i32>} : memref<128x128xf32, #tpu.memory_space<vmem>>, vector<16xf32>,
        tpu.vector_store %arg7[%swap3A_254, %swap3A_255], %mul3A_253 {strides = array<i32>} : memref<128x128xf32, #tpu.memory_space<vmem>>, vector<16xf32>,
        %scan3A_257 = arith.constant 2 : i32
        %scan3A_258 = arith.addi %scan3A_140, %scan3A_257 : i32
        %broadcast_in_dim3A_259 = vector.broadcast %scan3A_258 : i32 to vector<16xi32>
        %gather3A_260 = tpu.vector_load_idx %arg5[%broadcast_in_dim3A_113, %broadcast_in_dim3A_115, %broadcast_in_dim3A_259] : memref<2x6x128xi32, #tpu.memory_space<vmem>>[vector<16xi32>, vector<16xi32>, vector<16xi32>], vector<16xi32>,
        %bitcast3A_261 = vector.bitcast %gather3A_260 : vector<16xi32> to vector<16xf32>
        %get3A_262 = arith.index_cast %scan3A_258 : i32 to index
        %get3A_263 = arith.constant 0 : index
        %get3A_264 = tpu.vector_load %arg7[%get3A_262, %get3A_263] {strides = array<i32>} : memref<128x128xf32, #tpu.memory_space<vmem>>, vector<16xf32>,
        %mul3A_265 = arith.mulf %get3A_264, %bitcast3A_261 : vector<16xf32>
        %swap3A_266 = arith.index_cast %scan3A_258 : i32 to index
        %swap3A_267 = arith.constant 0 : index
        %swap3A_268 = tpu.vector_load %arg7[%swap3A_266, %swap3A_267] {strides = array<i32>} : memref<128x128xf32, #tpu.memory_space<vmem>>, vector<16xf32>,
        tpu.vector_store %arg7[%swap3A_266, %swap3A_267], %mul3A_265 {strides = array<i32>} : memref<128x128xf32, #tpu.memory_space<vmem>>, vector<16xf32>,
        %get3A_269 = arith.index_cast %scan3A_258 : i32 to index
        %get3A_270 = arith.constant 16 : index
        %get3A_271 = tpu.vector_load %arg7[%get3A_269, %get3A_270] {strides = array<i32>} : memref<128x128xf32, #tpu.memory_space<vmem>>, vector<16xf32>,
        %mul3A_272 = arith.mulf %get3A_271, %bitcast3A_261 : vector<16xf32>
        %swap3A_273 = arith.index_cast %scan3A_258 : i32 to index
        %swap3A_274 = arith.constant 16 : index
        %swap3A_275 = tpu.vector_load %arg7[%swap3A_273, %swap3A_274] {strides = array<i32>} : memref<128x128xf32, #tpu.memory_space<vmem>>, vector<16xf32>,
        tpu.vector_store %arg7[%swap3A_273, %swap3A_274], %mul3A_272 {strides = array<i32>} : memref<128x128xf32, #tpu.memory_space<vmem>>, vector<16xf32>,
        %get3A_276 = arith.index_cast %scan3A_258 : i32 to index
        %get3A_277 = arith.constant 32 : index
        %get3A_278 = tpu.vector_load %arg7[%get3A_276, %get3A_277] {strides = array<i32>} : memref<128x128xf32, #tpu.memory_space<vmem>>, vector<16xf32>,
        %mul3A_279 = arith.mulf %get3A_278, %bitcast3A_261 : vector<16xf32>
        %swap3A_280 = arith.index_cast %scan3A_258 : i32 to index
        %swap3A_281 = arith.constant 32 : index
        %swap3A_282 = tpu.vector_load %arg7[%swap3A_280, %swap3A_281] {strides = array<i32>} : memref<128x128xf32, #tpu.memory_space<vmem>>, vector<16xf32>,
        tpu.vector_store %arg7[%swap3A_280, %swap3A_281], %mul3A_279 {strides = array<i32>} : memref<128x128xf32, #tpu.memory_space<vmem>>, vector<16xf32>,
        %get3A_283 = arith.index_cast %scan3A_258 : i32 to index
        %get3A_284 = arith.constant 48 : index
        %get3A_285 = tpu.vector_load %arg7[%get3A_283, %get3A_284] {strides = array<i32>} : memref<128x128xf32, #tpu.memory_space<vmem>>, vector<16xf32>,
        %mul3A_286 = arith.mulf %get3A_285, %bitcast3A_261 : vector<16xf32>
        %swap3A_287 = arith.index_cast %scan3A_258 : i32 to index
        %swap3A_288 = arith.constant 48 : index
        %swap3A_289 = tpu.vector_load %arg7[%swap3A_287, %swap3A_288] {strides = array<i32>} : memref<128x128xf32, #tpu.memory_space<vmem>>, vector<16xf32>,
        tpu.vector_store %arg7[%swap3A_287, %swap3A_288], %mul3A_286 {strides = array<i32>} : memref<128x128xf32, #tpu.memory_space<vmem>>, vector<16xf32>,
        %get3A_290 = arith.index_cast %scan3A_258 : i32 to index
        %get3A_291 = arith.constant 64 : index
        %get3A_292 = tpu.vector_load %arg7[%get3A_290, %get3A_291] {strides = array<i32>} : memref<128x128xf32, #tpu.memory_space<vmem>>, vector<16xf32>,
        %mul3A_293 = arith.mulf %get3A_292, %bitcast3A_261 : vector<16xf32>
        %swap3A_294 = arith.index_cast %scan3A_258 : i32 to index
        %swap3A_295 = arith.constant 64 : index
        %swap3A_296 = tpu.vector_load %arg7[%swap3A_294, %swap3A_295] {strides = array<i32>} : memref<128x128xf32, #tpu.memory_space<vmem>>, vector<16xf32>,
        tpu.vector_store %arg7[%swap3A_294, %swap3A_295], %mul3A_293 {strides = array<i32>} : memref<128x128xf32, #tpu.memory_space<vmem>>, vector<16xf32>,
        %get3A_297 = arith.index_cast %scan3A_258 : i32 to index
        %get3A_298 = arith.constant 80 : index
        %get3A_299 = tpu.vector_load %arg7[%get3A_297, %get3A_298] {strides = array<i32>} : memref<128x128xf32, #tpu.memory_space<vmem>>, vector<16xf32>,
        %mul3A_300 = arith.mulf %get3A_299, %bitcast3A_261 : vector<16xf32>
        %swap3A_301 = arith.index_cast %scan3A_258 : i32 to index
        %swap3A_302 = arith.constant 80 : index
        %swap3A_303 = tpu.vector_load %arg7[%swap3A_301, %swap3A_302] {strides = array<i32>} : memref<128x128xf32, #tpu.memory_space<vmem>>, vector<16xf32>,
        tpu.vector_store %arg7[%swap3A_301, %swap3A_302], %mul3A_300 {strides = array<i32>} : memref<128x128xf32, #tpu.memory_space<vmem>>, vector<16xf32>,
        %get3A_304 = arith.index_cast %scan3A_258 : i32 to index
        %get3A_305 = arith.constant 96 : index
        %get3A_306 = tpu.vector_load %arg7[%get3A_304, %get3A_305] {strides = array<i32>} : memref<128x128xf32, #tpu.memory_space<vmem>>, vector<16xf32>,
        %mul3A_307 = arith.mulf %get3A_306, %bitcast3A_261 : vector<16xf32>
        %swap3A_308 = arith.index_cast %scan3A_258 : i32 to index
        %swap3A_309 = arith.constant 96 : index
        %swap3A_310 = tpu.vector_load %arg7[%swap3A_308, %swap3A_309] {strides = array<i32>} : memref<128x128xf32, #tpu.memory_space<vmem>>, vector<16xf32>,
        tpu.vector_store %arg7[%swap3A_308, %swap3A_309], %mul3A_307 {strides = array<i32>} : memref<128x128xf32, #tpu.memory_space<vmem>>, vector<16xf32>,
        %get3A_311 = arith.index_cast %scan3A_258 : i32 to index
        %get3A_312 = arith.constant 112 : index
        %get3A_313 = tpu.vector_load %arg7[%get3A_311, %get3A_312] {strides = array<i32>} : memref<128x128xf32, #tpu.memory_space<vmem>>, vector<16xf32>,
        %mul3A_314 = arith.mulf %get3A_313, %bitcast3A_261 : vector<16xf32>
        %swap3A_315 = arith.index_cast %scan3A_258 : i32 to index
        %swap3A_316 = arith.constant 112 : index
        %swap3A_317 = tpu.vector_load %arg7[%swap3A_315, %swap3A_316] {strides = array<i32>} : memref<128x128xf32, #tpu.memory_space<vmem>>, vector<16xf32>,
        tpu.vector_store %arg7[%swap3A_315, %swap3A_316], %mul3A_314 {strides = array<i32>} : memref<128x128xf32, #tpu.memory_space<vmem>>, vector<16xf32>,
        %scan3A_318 = arith.constant 3 : i32
        %scan3A_319 = arith.addi %scan3A_140, %scan3A_318 : i32
        %broadcast_in_dim3A_320 = vector.broadcast %scan3A_319 : i32 to vector<16xi32>
        %gather3A_321 = tpu.vector_load_idx %arg5[%broadcast_in_dim3A_113, %broadcast_in_dim3A_115, %broadcast_in_dim3A_320] : memref<2x6x128xi32, #tpu.memory_space<vmem>>[vector<16xi32>, vector<16xi32>, vector<16xi32>], vector<16xi32>,
        %bitcast3A_322 = vector.bitcast %gather3A_321 : vector<16xi32> to vector<16xf32>
        %get3A_323 = arith.index_cast %scan3A_319 : i32 to index
        %get3A_324 = arith.constant 0 : index
        %get3A_325 = tpu.vector_load %arg7[%get3A_323, %get3A_324] {strides = array<i32>} : memref<128x128xf32, #tpu.memory_space<vmem>>, vector<16xf32>,
        %mul3A_326 = arith.mulf %get3A_325, %bitcast3A_322 : vector<16xf32>
        %swap3A_327 = arith.index_cast %scan3A_319 : i32 to index
        %swap3A_328 = arith.constant 0 : index
        %swap3A_329 = tpu.vector_load %arg7[%swap3A_327, %swap3A_328] {strides = array<i32>} : memref<128x128xf32, #tpu.memory_space<vmem>>, vector<16xf32>,
        tpu.vector_store %arg7[%swap3A_327, %swap3A_328], %mul3A_326 {strides = array<i32>} : memref<128x128xf32, #tpu.memory_space<vmem>>, vector<16xf32>,
        %get3A_330 = arith.index_cast %scan3A_319 : i32 to index
        %get3A_331 = arith.constant 16 : index
        %get3A_332 = tpu.vector_load %arg7[%get3A_330, %get3A_331] {strides = array<i32>} : memref<128x128xf32, #tpu.memory_space<vmem>>, vector<16xf32>,
        %mul3A_333 = arith.mulf %get3A_332, %bitcast3A_322 : vector<16xf32>
        %swap3A_334 = arith.index_cast %scan3A_319 : i32 to index
        %swap3A_335 = arith.constant 16 : index
        %swap3A_336 = tpu.vector_load %arg7[%swap3A_334, %swap3A_335] {strides = array<i32>} : memref<128x128xf32, #tpu.memory_space<vmem>>, vector<16xf32>,
        tpu.vector_store %arg7[%swap3A_334, %swap3A_335], %mul3A_333 {strides = array<i32>} : memref<128x128xf32, #tpu.memory_space<vmem>>, vector<16xf32>,
        %get3A_337 = arith.index_cast %scan3A_319 : i32 to index
        %get3A_338 = arith.constant 32 : index
        %get3A_339 = tpu.vector_load %arg7[%get3A_337, %get3A_338] {strides = array<i32>} : memref<128x128xf32, #tpu.memory_space<vmem>>, vector<16xf32>,
        %mul3A_340 = arith.mulf %get3A_339, %bitcast3A_322 : vector<16xf32>
        %swap3A_341 = arith.index_cast %scan3A_319 : i32 to index
        %swap3A_342 = arith.constant 32 : index
        %swap3A_343 = tpu.vector_load %arg7[%swap3A_341, %swap3A_342] {strides = array<i32>} : memref<128x128xf32, #tpu.memory_space<vmem>>, vector<16xf32>,
        tpu.vector_store %arg7[%swap3A_341, %swap3A_342], %mul3A_340 {strides = array<i32>} : memref<128x128xf32, #tpu.memory_space<vmem>>, vector<16xf32>,
        %get3A_344 = arith.index_cast %scan3A_319 : i32 to index
        %get3A_345 = arith.constant 48 : index
        %get3A_346 = tpu.vector_load %arg7[%get3A_344, %get3A_345] {strides = array<i32>} : memref<128x128xf32, #tpu.memory_space<vmem>>, vector<16xf32>,
        %mul3A_347 = arith.mulf %get3A_346, %bitcast3A_322 : vector<16xf32>
        %swap3A_348 = arith.index_cast %scan3A_319 : i32 to index
        %swap3A_349 = arith.constant 48 : index
        %swap3A_350 = tpu.vector_load %arg7[%swap3A_348, %swap3A_349] {strides = array<i32>} : memref<128x128xf32, #tpu.memory_space<vmem>>, vector<16xf32>,
        tpu.vector_store %arg7[%swap3A_348, %swap3A_349], %mul3A_347 {strides = array<i32>} : memref<128x128xf32, #tpu.memory_space<vmem>>, vector<16xf32>,
        %get3A_351 = arith.index_cast %scan3A_319 : i32 to index
        %get3A_352 = arith.constant 64 : index
        %get3A_353 = tpu.vector_load %arg7[%get3A_351, %get3A_352] {strides = array<i32>} : memref<128x128xf32, #tpu.memory_space<vmem>>, vector<16xf32>,
        %mul3A_354 = arith.mulf %get3A_353, %bitcast3A_322 : vector<16xf32>
        %swap3A_355 = arith.index_cast %scan3A_319 : i32 to index
        %swap3A_356 = arith.constant 64 : index
        %swap3A_357 = tpu.vector_load %arg7[%swap3A_355, %swap3A_356] {strides = array<i32>} : memref<128x128xf32, #tpu.memory_space<vmem>>, vector<16xf32>,
        tpu.vector_store %arg7[%swap3A_355, %swap3A_356], %mul3A_354 {strides = array<i32>} : memref<128x128xf32, #tpu.memory_space<vmem>>, vector<16xf32>,
        %get3A_358 = arith.index_cast %scan3A_319 : i32 to index
        %get3A_359 = arith.constant 80 : index
        %get3A_360 = tpu.vector_load %arg7[%get3A_358, %get3A_359] {strides = array<i32>} : memref<128x128xf32, #tpu.memory_space<vmem>>, vector<16xf32>,
        %mul3A_361 = arith.mulf %get3A_360, %bitcast3A_322 : vector<16xf32>
        %swap3A_362 = arith.index_cast %scan3A_319 : i32 to index
        %swap3A_363 = arith.constant 80 : index
        %swap3A_364 = tpu.vector_load %arg7[%swap3A_362, %swap3A_363] {strides = array<i32>} : memref<128x128xf32, #tpu.memory_space<vmem>>, vector<16xf32>,
        tpu.vector_store %arg7[%swap3A_362, %swap3A_363], %mul3A_361 {strides = array<i32>} : memref<128x128xf32, #tpu.memory_space<vmem>>, vector<16xf32>,
        %get3A_365 = arith.index_cast %scan3A_319 : i32 to index
        %get3A_366 = arith.constant 96 : index
        %get3A_367 = tpu.vector_load %arg7[%get3A_365, %get3A_366] {strides = array<i32>} : memref<128x128xf32, #tpu.memory_space<vmem>>, vector<16xf32>,
        %mul3A_368 = arith.mulf %get3A_367, %bitcast3A_322 : vector<16xf32>
        %swap3A_369 = arith.index_cast %scan3A_319 : i32 to index
        %swap3A_370 = arith.constant 96 : index
        %swap3A_371 = tpu.vector_load %arg7[%swap3A_369, %swap3A_370] {strides = array<i32>} : memref<128x128xf32, #tpu.memory_space<vmem>>, vector<16xf32>,
        tpu.vector_store %arg7[%swap3A_369, %swap3A_370], %mul3A_368 {strides = array<i32>} : memref<128x128xf32, #tpu.memory_space<vmem>>, vector<16xf32>,
        %get3A_372 = arith.index_cast %scan3A_319 : i32 to index
        %get3A_373 = arith.constant 112 : index
        %get3A_374 = tpu.vector_load %arg7[%get3A_372, %get3A_373] {strides = array<i32>} : memref<128x128xf32, #tpu.memory_space<vmem>>, vector<16xf32>,
        %mul3A_375 = arith.mulf %get3A_374, %bitcast3A_322 : vector<16xf32>
        %swap3A_376 = arith.index_cast %scan3A_319 : i32 to index
        %swap3A_377 = arith.constant 112 : index
        %swap3A_378 = tpu.vector_load %arg7[%swap3A_376, %swap3A_377] {strides = array<i32>} : memref<128x128xf32, #tpu.memory_space<vmem>>, vector<16xf32>,
        tpu.vector_store %arg7[%swap3A_376, %swap3A_377], %mul3A_375 {strides = array<i32>} : memref<128x128xf32, #tpu.memory_space<vmem>>, vector<16xf32>,
      }
      %scan3A_121 = arith.constant 128 : i32
      %dma_start3A_122 = arith.constant 3 : i32
      %dma_start3A_123 = arith.constant 0 : i32
      %dma_start3A_124 = tpu.memref_slice %arg5[%and3A_80, %dma_start3A_122, %dma_start3A_123] : memref<2x6x128xi32, #tpu.memory_space<vmem>> -> memref<1x1x128xi32, #tpu.memory_space<vmem>>
      %dma_start3A_125 = tpu.memref_squeeze %dma_start3A_124 : memref<1x1x128xi32, #tpu.memory_space<vmem>> -> memref<128xi32, #tpu.memory_space<vmem>>
      %dma_start3A_126 = arith.constant 0 : i32
      %dma_start3A_127 = arith.constant 0 : i32
      %dma_start3A_128 = tpu.memref_slice %arg8[%dma_start3A_126, %dma_start3A_127] : memref<10240x128xf32, #tpu.memory_space<vmem_shared>> -> memref<10240x128xf32, #tpu.memory_space<vmem_shared>>
      tpu.enqueue_indirect_dma source(%arg7 : memref<128x128xf32, #tpu.memory_space<vmem>>) target(%dma_start3A_128 : memref<10240x128xf32, #tpu.memory_space<vmem_shared>>) offsets(%dma_start3A_125 : memref<128xi32, #tpu.memory_space<vmem>>) semaphore(%arg13 : memref<!tpu.dma_semaphore, #tpu.memory_space<semaphore_mem>>) {add = true}
      %add3A_129 = arith.constant 1 : i32
      %add3A_130 = arith.addi %while3A_79, %add3A_129 : i32
      %lt3A_131 = arith.cmpi slt, %add3A_130, %select_n3A_8 : i32
      %convert_element_type3A_132 = arith.extui %lt3A_131 : i1 to i32
      %cond3A_133 = arith.constant 0 : i32
      %cond3A_134 = arith.cmpi ne, %convert_element_type3A_132, %cond3A_133 : i32
      scf.if %cond3A_134 {
        %add3A_140 = arith.constant 1 : i32
        %add3A_141 = arith.addi %while3A_79, %add3A_140 : i32
        %add3A_142 = arith.addi %select_n3A, %add3A_141 : i32
        %dma_wait3A_143 = arith.constant 0 : i32
        %dma_wait3A_144 = arith.constant 0 : i32
        %dma_wait3A_145 = tpu.memref_slice %arg5[%sub3A_81, %dma_wait3A_143, %dma_wait3A_144] : memref<2x6x128xi32, #tpu.memory_space<vmem>> -> memref<1x6x128xi32, #tpu.memory_space<vmem>>
        %dma_wait3A_146 = tpu.memref_squeeze %dma_wait3A_145 : memref<1x6x128xi32, #tpu.memory_space<vmem>> -> memref<6x128xi32, #tpu.memory_space<vmem>>
        %dma_wait3A_147 = arith.constant 0 : i32
        %dma_wait3A_148 = arith.constant 0 : i32
        %dma_wait3A_149 = tpu.memref_slice %arg3[%add3A_142, %dma_wait3A_147, %dma_wait3A_148] : memref<1264x6x128xi32, #tpu.memory_space<hbm>> -> memref<1x6x128xi32, #tpu.memory_space<hbm>>
        %dma_wait3A_150 = tpu.memref_squeeze %dma_wait3A_149 : memref<1x6x128xi32, #tpu.memory_space<hbm>> -> memref<6x128xi32, #tpu.memory_space<hbm>>
        %dma_wait3A_151 = tpu.memref_slice %arg9[%sub3A_81] : memref<2x!tpu.dma_semaphore, #tpu.memory_space<semaphore_mem>> -> memref<1x!tpu.dma_semaphore, #tpu.memory_space<semaphore_mem>>
        %dma_wait3A_152 = tpu.memref_squeeze %dma_wait3A_151 : memref<1x!tpu.dma_semaphore, #tpu.memory_space<semaphore_mem>> -> memref<!tpu.dma_semaphore, #tpu.memory_space<semaphore_mem>>
        %dma_wait3A_153 = arith.constant 0 : i32
        %dma_wait3A_154 = arith.constant 0 : i32
        %dma_wait3A_155 = tpu.memref_slice %arg5[%sub3A_81, %dma_wait3A_153, %dma_wait3A_154] : memref<2x6x128xi32, #tpu.memory_space<vmem>> -> memref<1x6x128xi32, #tpu.memory_space<vmem>>
        %dma_wait3A_156 = tpu.memref_squeeze %dma_wait3A_155 : memref<1x6x128xi32, #tpu.memory_space<vmem>> -> memref<6x128xi32, #tpu.memory_space<vmem>>
        %dma_wait3A_157 = arith.constant 0 : i32
        %dma_wait3A_158 = arith.constant 0 : i32
        %dma_wait3A_159 = tpu.memref_slice %arg3[%add3A_142, %dma_wait3A_157, %dma_wait3A_158] : memref<1264x6x128xi32, #tpu.memory_space<hbm>> -> memref<1x6x128xi32, #tpu.memory_space<hbm>>
        %dma_wait3A_160 = tpu.memref_squeeze %dma_wait3A_159 : memref<1x6x128xi32, #tpu.memory_space<hbm>> -> memref<6x128xi32, #tpu.memory_space<hbm>>
        tpu.wait_dma2 semaphore(%dma_wait3A_152 : memref<!tpu.dma_semaphore, #tpu.memory_space<semaphore_mem>>) src(%dma_wait3A_160 : memref<6x128xi32, #tpu.memory_space<hbm>>) dst(%dma_wait3A_156 : memref<6x128xi32, #tpu.memory_space<vmem>>)
        %dma_wait3A_161 = arith.constant 2 : i32
        %dma_wait3A_162 = arith.constant 0 : i32
        %dma_wait3A_163 = tpu.memref_slice %arg5[%and3A_80, %dma_wait3A_161, %dma_wait3A_162] : memref<2x6x128xi32, #tpu.memory_space<vmem>> -> memref<1x1x128xi32, #tpu.memory_space<vmem>>
        %dma_wait3A_164 = tpu.memref_squeeze %dma_wait3A_163 : memref<1x1x128xi32, #tpu.memory_space<vmem>> -> memref<128xi32, #tpu.memory_space<vmem>>
        %dma_wait3A_165 = arith.constant 0 : i32
        %dma_wait3A_166 = arith.constant 0 : i32
        %dma_wait3A_167 = tpu.memref_slice %arg8[%dma_wait3A_165, %dma_wait3A_166] : memref<10240x128xf32, #tpu.memory_space<vmem_shared>> -> memref<10240x128xf32, #tpu.memory_space<vmem_shared>>
        tpu.wait_indirect_dma semaphore(%arg12 : memref<!tpu.dma_semaphore, #tpu.memory_space<semaphore_mem>>) src(%arg6 : memref<128x128xf32, #tpu.memory_space<vmem>>) dst(%dma_wait3A_167 : memref<10240x128xf32, #tpu.memory_space<vmem_shared>>)
        %dma_start3A_168 = arith.constant 0 : i32
        %dma_start3A_169 = arith.constant 0 : i32
        %dma_start3A_170 = tpu.memref_slice %arg5[%sub3A_81, %dma_start3A_168, %dma_start3A_169] : memref<2x6x128xi32, #tpu.memory_space<vmem>> -> memref<1x1x128xi32, #tpu.memory_space<vmem>>
        %dma_start3A_171 = tpu.memref_squeeze %dma_start3A_170 : memref<1x1x128xi32, #tpu.memory_space<vmem>> -> memref<128xi32, #tpu.memory_space<vmem>>
        %dma_start3A_172 = arith.constant 0 : i32
        %dma_start3A_173 = arith.constant 0 : i32
        %dma_start3A_174 = tpu.memref_slice %arg2[%dma_start3A_172, %dma_start3A_173] : memref<10240x128xf32, #tpu.memory_space<hbm>> -> memref<10240x128xf32, #tpu.memory_space<hbm>>
        tpu.enqueue_indirect_dma source(%dma_start3A_174 : memref<10240x128xf32, #tpu.memory_space<hbm>>) target(%arg6 : memref<128x128xf32, #tpu.memory_space<vmem>>) offsets(%dma_start3A_171 : memref<128xi32, #tpu.memory_space<vmem>>) semaphore(%arg10 : memref<!tpu.dma_semaphore, #tpu.memory_space<semaphore_mem>>)
        %dma_wait3A_175 = arith.constant 3 : i32
        %dma_wait3A_176 = arith.constant 0 : i32
        %dma_wait3A_177 = tpu.memref_slice %arg5[%and3A_80, %dma_wait3A_175, %dma_wait3A_176] : memref<2x6x128xi32, #tpu.memory_space<vmem>> -> memref<1x1x128xi32, #tpu.memory_space<vmem>>
        %dma_wait3A_178 = tpu.memref_squeeze %dma_wait3A_177 : memref<1x1x128xi32, #tpu.memory_space<vmem>> -> memref<128xi32, #tpu.memory_space<vmem>>
        %dma_wait3A_179 = arith.constant 0 : i32
        %dma_wait3A_180 = arith.constant 0 : i32
        %dma_wait3A_181 = tpu.memref_slice %arg8[%dma_wait3A_179, %dma_wait3A_180] : memref<10240x128xf32, #tpu.memory_space<vmem_shared>> -> memref<10240x128xf32, #tpu.memory_space<vmem_shared>>
        tpu.wait_indirect_dma semaphore(%arg13 : memref<!tpu.dma_semaphore, #tpu.memory_space<semaphore_mem>>) src(%arg7 : memref<128x128xf32, #tpu.memory_space<vmem>>) dst(%dma_wait3A_181 : memref<10240x128xf32, #tpu.memory_space<vmem_shared>>)
        %dma_start3A_182 = arith.constant 1 : i32
        %dma_start3A_183 = arith.constant 0 : i32
        %dma_start3A_184 = tpu.memref_slice %arg5[%sub3A_81, %dma_start3A_182, %dma_start3A_183] : memref<2x6x128xi32, #tpu.memory_space<vmem>> -> memref<1x1x128xi32, #tpu.memory_space<vmem>>
        %dma_start3A_185 = tpu.memref_squeeze %dma_start3A_184 : memref<1x1x128xi32, #tpu.memory_space<vmem>> -> memref<128xi32, #tpu.memory_space<vmem>>
        %dma_start3A_186 = arith.constant 0 : i32
        %dma_start3A_187 = arith.constant 0 : i32
        %dma_start3A_188 = tpu.memref_slice %arg2[%dma_start3A_186, %dma_start3A_187] : memref<10240x128xf32, #tpu.memory_space<hbm>> -> memref<10240x128xf32, #tpu.memory_space<hbm>>
        tpu.enqueue_indirect_dma source(%dma_start3A_188 : memref<10240x128xf32, #tpu.memory_space<hbm>>) target(%arg7 : memref<128x128xf32, #tpu.memory_space<vmem>>) offsets(%dma_start3A_185 : memref<128xi32, #tpu.memory_space<vmem>>) semaphore(%arg11 : memref<!tpu.dma_semaphore, #tpu.memory_space<semaphore_mem>>)
      } else {
      }
      %add3A_135 = arith.constant 1 : i32
      %add3A_136 = arith.addi %while3A_79, %add3A_135 : i32
      %ge3A = arith.cmpi sge, %add3A_136, %select_n3A_8 : i32
      %convert_element_type3A_137 = arith.extui %ge3A : i1 to i32
      %cond3A_138 = arith.constant 0 : i32
      %cond3A_139 = arith.cmpi ne, %convert_element_type3A_137, %cond3A_138 : i32
      scf.if %cond3A_139 {
        %dma_wait3A_140 = arith.constant 2 : i32
        %dma_wait3A_141 = arith.constant 0 : i32
        %dma_wait3A_142 = tpu.memref_slice %arg5[%and3A_80, %dma_wait3A_140, %dma_wait3A_141] : memref<2x6x128xi32, #tpu.memory_space<vmem>> -> memref<1x1x128xi32, #tpu.memory_space<vmem>>
        %dma_wait3A_143 = tpu.memref_squeeze %dma_wait3A_142 : memref<1x1x128xi32, #tpu.memory_space<vmem>> -> memref<128xi32, #tpu.memory_space<vmem>>
        %dma_wait3A_144 = arith.constant 0 : i32
        %dma_wait3A_145 = arith.constant 0 : i32
        %dma_wait3A_146 = tpu.memref_slice %arg8[%dma_wait3A_144, %dma_wait3A_145] : memref<10240x128xf32, #tpu.memory_space<vmem_shared>> -> memref<10240x128xf32, #tpu.memory_space<vmem_shared>>
        tpu.wait_indirect_dma semaphore(%arg12 : memref<!tpu.dma_semaphore, #tpu.memory_space<semaphore_mem>>) src(%arg6 : memref<128x128xf32, #tpu.memory_space<vmem>>) dst(%dma_wait3A_146 : memref<10240x128xf32, #tpu.memory_space<vmem_shared>>)
        %dma_wait3A_147 = arith.constant 3 : i32
        %dma_wait3A_148 = arith.constant 0 : i32
        %dma_wait3A_149 = tpu.memref_slice %arg5[%and3A_80, %dma_wait3A_147, %dma_wait3A_148] : memref<2x6x128xi32, #tpu.memory_space<vmem>> -> memref<1x1x128xi32, #tpu.memory_space<vmem>>
        %dma_wait3A_150 = tpu.memref_squeeze %dma_wait3A_149 : memref<1x1x128xi32, #tpu.memory_space<vmem>> -> memref<128xi32, #tpu.memory_space<vmem>>
        %dma_wait3A_151 = arith.constant 0 : i32
        %dma_wait3A_152 = arith.constant 0 : i32
        %dma_wait3A_153 = tpu.memref_slice %arg8[%dma_wait3A_151, %dma_wait3A_152] : memref<10240x128xf32, #tpu.memory_space<vmem_shared>> -> memref<10240x128xf32, #tpu.memory_space<vmem_shared>>
        tpu.wait_indirect_dma semaphore(%arg13 : memref<!tpu.dma_semaphore, #tpu.memory_space<semaphore_mem>>) src(%arg7 : memref<128x128xf32, #tpu.memory_space<vmem>>) dst(%dma_wait3A_153 : memref<10240x128xf32, #tpu.memory_space<vmem_shared>>)
      } else {
      }
    }
    %barrier3A_78 = arith.constant 0 : index
    tpu.barrier barrier_id(%barrier3A_78)
    "tpu.region"() ({
      %run_scoped3A = tpu.sem_alloc : memref<!tpu.dma_semaphore, #tpu.memory_space<semaphore_mem>>
      %dma_start3A_79 = arith.constant 0 : i32
      %dma_start3A_80 = arith.constant 0 : i32
      %dma_start3A_81 = tpu.memref_slice %arg4[%arg0, %dma_start3A_79, %dma_start3A_80] : memref<2x10240x128xf32, #tpu.memory_space<hbm>> -> memref<1x10240x128xf32, #tpu.memory_space<hbm>>
      %dma_start3A_82 = tpu.memref_squeeze %dma_start3A_81 : memref<1x10240x128xf32, #tpu.memory_space<hbm>> -> memref<10240x128xf32, #tpu.memory_space<hbm>>
      %dma_start3A_83 = arith.constant 0 : i32
      %dma_start3A_84 = tpu.memref_slice %dma_start3A_82[%mul3A_10, %dma_start3A_83] : memref<10240x128xf32, #tpu.memory_space<hbm>> -> memref<640x128xf32, #tpu.memory_space<hbm>>
      %dma_start3A_85 = arith.constant 0 : i32
      %dma_start3A_86 = tpu.memref_slice %arg8[%mul3A_10, %dma_start3A_85] : memref<10240x128xf32, #tpu.memory_space<vmem_shared>> -> memref<640x128xf32, #tpu.memory_space<vmem_shared>>
      tpu.enqueue_dma source(%dma_start3A_86 : memref<640x128xf32, #tpu.memory_space<vmem_shared>>) target(%dma_start3A_84 : memref<640x128xf32, #tpu.memory_space<hbm>>) target_semaphore(%run_scoped3A : memref<!tpu.dma_semaphore, #tpu.memory_space<semaphore_mem>>)
      %dma_wait3A_87 = arith.constant 0 : i32
      %dma_wait3A_88 = arith.constant 0 : i32
      %dma_wait3A_89 = tpu.memref_slice %arg4[%arg0, %dma_wait3A_87, %dma_wait3A_88] : memref<2x10240x128xf32, #tpu.memory_space<hbm>> -> memref<1x10240x128xf32, #tpu.memory_space<hbm>>
      %dma_wait3A_90 = tpu.memref_squeeze %dma_wait3A_89 : memref<1x10240x128xf32, #tpu.memory_space<hbm>> -> memref<10240x128xf32, #tpu.memory_space<hbm>>
      %dma_wait3A_91 = arith.constant 0 : i32
      %dma_wait3A_92 = tpu.memref_slice %dma_wait3A_90[%mul3A_10, %dma_wait3A_91] : memref<10240x128xf32, #tpu.memory_space<hbm>> -> memref<640x128xf32, #tpu.memory_space<hbm>>
      %dma_wait3A_93 = arith.constant 0 : i32
      %dma_wait3A_94 = tpu.memref_slice %arg8[%mul3A_10, %dma_wait3A_93] : memref<10240x128xf32, #tpu.memory_space<vmem_shared>> -> memref<640x128xf32, #tpu.memory_space<vmem_shared>>
      tpu.wait_dma2 semaphore(%run_scoped3A : memref<!tpu.dma_semaphore, #tpu.memory_space<semaphore_mem>>) src(%dma_wait3A_94 : memref<640x128xf32, #tpu.memory_space<vmem_shared>>) dst(%dma_wait3A_92 : memref<640x128xf32, #tpu.memory_space<hbm>>)
      tpu.yield
    }) : () -> ()
    return
  }
}

#map = affine_map<(d0, d1) -> (0, 0)>
#map1 = affine_map<(d0, d1) -> (0, 0, 0)>
module attributes {stable_mosaic.version = 14 : i64} {
  func.func @k(%arg0: i32, %arg1: i32, %arg2: memref<10240x48xf32, #tpu.memory_space<hbm>>, %arg3: memref<1264x6x128xi32, #tpu.memory_space<hbm>>, %arg4: memref<2x10240x48xf32, #tpu.memory_space<hbm>>, %arg5: memref<2x6x128xi32, #tpu.memory_space<vmem>>, %arg6: memref<128x48xf32, #tpu.memory_space<vmem>>, %arg7: memref<128x48xf32, #tpu.memory_space<vmem>>, %arg8: memref<10240x48xf32, #tpu.memory_space<vmem_shared>>, %arg9: memref<2x!tpu.dma_semaphore, #tpu.memory_space<semaphore_mem>>, %arg10: memref<!tpu.dma_semaphore, #tpu.memory_space<semaphore_mem>>, %arg11: memref<!tpu.dma_semaphore, #tpu.memory_space<semaphore_mem>>, %arg12: memref<!tpu.dma_semaphore, #tpu.memory_space<semaphore_mem>>, %arg13: memref<!tpu.dma_semaphore, #tpu.memory_space<semaphore_mem>>) attributes {dimension_semantics = [#tpu.dimension_semantics<core_parallel>, #tpu.dimension_semantics<subcore_parallel>], iteration_bounds = array<i64: 2, 16>, scalar_prefetch = 0 : i64, scratch_operands = 9 : i64, tpu.core_type = #tpu.core_type<sc_vector_subcore>, window_params = [{transform_indices = #map}, {transform_indices = #map1}, {transform_indices = #map1}]} {
    %eq3A = arith.constant 0 : i32
    %eq3A_0 = arith.cmpi eq, %arg0, %eq3A : i32
    %mul3A = arith.constant 50 : i32
    %mul3A_1 = arith.muli %arg1, %mul3A : i32
    %mul3A_2 = arith.constant 29 : i32
    %mul3A_3 = arith.muli %arg1, %mul3A_2 : i32
    %add3A = arith.constant 800 : i32
    %add3A_4 = arith.addi %add3A, %mul3A_3 : i32
    %select_n3A = arith.select %eq3A_0, %mul3A_1, %add3A_4 : i32
    %eq3A_5 = arith.constant 0 : i32
    %eq3A_6 = arith.cmpi eq, %arg0, %eq3A_5 : i32
    %jit3A = arith.constant 50 : i32
    %jit3A_7 = arith.constant 29 : i32
    %select_n3A_8 = arith.select %eq3A_6, %jit3A, %jit3A_7 : i32
    %mul3A_9 = arith.constant 640 : i32
    %mul3A_10 = arith.muli %arg1, %mul3A_9 : i32
    "tpu.region"() ({
      %run_scoped3A = tpu.sem_alloc : memref<!tpu.dma_semaphore, #tpu.memory_space<semaphore_mem>>
      %dma_start3A_79 = arith.constant 0 : i32
      %dma_start3A_80 = tpu.memref_slice %arg8[%mul3A_10, %dma_start3A_79] : memref<10240x48xf32, #tpu.memory_space<vmem_shared>> -> memref<640x48xf32, #tpu.memory_space<vmem_shared>>
      %dma_start3A_81 = arith.constant 0 : i32
      %dma_start3A_82 = tpu.memref_slice %arg2[%mul3A_10, %dma_start3A_81] : memref<10240x48xf32, #tpu.memory_space<hbm>> -> memref<640x48xf32, #tpu.memory_space<hbm>>
      tpu.enqueue_dma source(%dma_start3A_82 : memref<640x48xf32, #tpu.memory_space<hbm>>) target(%dma_start3A_80 : memref<640x48xf32, #tpu.memory_space<vmem_shared>>) target_semaphore(%run_scoped3A : memref<!tpu.dma_semaphore, #tpu.memory_space<semaphore_mem>>)
      %dma_wait3A_83 = arith.constant 0 : i32
      %dma_wait3A_84 = tpu.memref_slice %arg8[%mul3A_10, %dma_wait3A_83] : memref<10240x48xf32, #tpu.memory_space<vmem_shared>> -> memref<640x48xf32, #tpu.memory_space<vmem_shared>>
      %dma_wait3A_85 = arith.constant 0 : i32
      %dma_wait3A_86 = tpu.memref_slice %arg2[%mul3A_10, %dma_wait3A_85] : memref<10240x48xf32, #tpu.memory_space<hbm>> -> memref<640x48xf32, #tpu.memory_space<hbm>>
      tpu.wait_dma2 semaphore(%run_scoped3A : memref<!tpu.dma_semaphore, #tpu.memory_space<semaphore_mem>>) src(%dma_wait3A_86 : memref<640x48xf32, #tpu.memory_space<hbm>>) dst(%dma_wait3A_84 : memref<640x48xf32, #tpu.memory_space<vmem_shared>>)
      tpu.yield
    }) : () -> ()
    %barrier3A = arith.constant 0 : index
    tpu.barrier barrier_id(%barrier3A)
    %add3A_11 = arith.constant 0 : i32
    %add3A_12 = arith.addi %select_n3A, %add3A_11 : i32
    %dma_start3A = arith.constant 0 : i32
    %dma_start3A_13 = arith.constant 0 : i32
    %dma_start3A_14 = arith.constant 0 : i32
    %dma_start3A_15 = arith.constant 0 : i32
    %dma_start3A_16 = tpu.memref_slice %arg5[%dma_start3A, %dma_start3A_14, %dma_start3A_15] : memref<2x6x128xi32, #tpu.memory_space<vmem>> -> memref<1x6x128xi32, #tpu.memory_space<vmem>>
    %dma_start3A_17 = tpu.memref_squeeze %dma_start3A_16 : memref<1x6x128xi32, #tpu.memory_space<vmem>> -> memref<6x128xi32, #tpu.memory_space<vmem>>
    %dma_start3A_18 = arith.constant 0 : i32
    %dma_start3A_19 = arith.constant 0 : i32
    %dma_start3A_20 = tpu.memref_slice %arg3[%add3A_12, %dma_start3A_18, %dma_start3A_19] : memref<1264x6x128xi32, #tpu.memory_space<hbm>> -> memref<1x6x128xi32, #tpu.memory_space<hbm>>
    %dma_start3A_21 = tpu.memref_squeeze %dma_start3A_20 : memref<1x6x128xi32, #tpu.memory_space<hbm>> -> memref<6x128xi32, #tpu.memory_space<hbm>>
    %dma_start3A_22 = tpu.memref_slice %arg9[%dma_start3A_13] : memref<2x!tpu.dma_semaphore, #tpu.memory_space<semaphore_mem>> -> memref<1x!tpu.dma_semaphore, #tpu.memory_space<semaphore_mem>>
    %dma_start3A_23 = tpu.memref_squeeze %dma_start3A_22 : memref<1x!tpu.dma_semaphore, #tpu.memory_space<semaphore_mem>> -> memref<!tpu.dma_semaphore, #tpu.memory_space<semaphore_mem>>
    %dma_start3A_24 = arith.constant 0 : i32
    %dma_start3A_25 = arith.constant 0 : i32
    %dma_start3A_26 = tpu.memref_slice %arg5[%dma_start3A, %dma_start3A_24, %dma_start3A_25] : memref<2x6x128xi32, #tpu.memory_space<vmem>> -> memref<1x6x128xi32, #tpu.memory_space<vmem>>
    %dma_start3A_27 = tpu.memref_squeeze %dma_start3A_26 : memref<1x6x128xi32, #tpu.memory_space<vmem>> -> memref<6x128xi32, #tpu.memory_space<vmem>>
    %dma_start3A_28 = arith.constant 0 : i32
    %dma_start3A_29 = arith.constant 0 : i32
    %dma_start3A_30 = tpu.memref_slice %arg3[%add3A_12, %dma_start3A_28, %dma_start3A_29] : memref<1264x6x128xi32, #tpu.memory_space<hbm>> -> memref<1x6x128xi32, #tpu.memory_space<hbm>>
    %dma_start3A_31 = tpu.memref_squeeze %dma_start3A_30 : memref<1x6x128xi32, #tpu.memory_space<hbm>> -> memref<6x128xi32, #tpu.memory_space<hbm>>
    tpu.enqueue_dma source(%dma_start3A_31 : memref<6x128xi32, #tpu.memory_space<hbm>>) target(%dma_start3A_27 : memref<6x128xi32, #tpu.memory_space<vmem>>) target_semaphore(%dma_start3A_23 : memref<!tpu.dma_semaphore, #tpu.memory_space<semaphore_mem>>)
    %add3A_32 = arith.constant 0 : i32
    %add3A_33 = arith.addi %select_n3A, %add3A_32 : i32
    %dma_wait3A = arith.constant 0 : i32
    %dma_wait3A_34 = arith.constant 0 : i32
    %dma_wait3A_35 = arith.constant 0 : i32
    %dma_wait3A_36 = arith.constant 0 : i32
    %dma_wait3A_37 = tpu.memref_slice %arg5[%dma_wait3A, %dma_wait3A_35, %dma_wait3A_36] : memref<2x6x128xi32, #tpu.memory_space<vmem>> -> memref<1x6x128xi32, #tpu.memory_space<vmem>>
    %dma_wait3A_38 = tpu.memref_squeeze %dma_wait3A_37 : memref<1x6x128xi32, #tpu.memory_space<vmem>> -> memref<6x128xi32, #tpu.memory_space<vmem>>
    %dma_wait3A_39 = arith.constant 0 : i32
    %dma_wait3A_40 = arith.constant 0 : i32
    %dma_wait3A_41 = tpu.memref_slice %arg3[%add3A_33, %dma_wait3A_39, %dma_wait3A_40] : memref<1264x6x128xi32, #tpu.memory_space<hbm>> -> memref<1x6x128xi32, #tpu.memory_space<hbm>>
    %dma_wait3A_42 = tpu.memref_squeeze %dma_wait3A_41 : memref<1x6x128xi32, #tpu.memory_space<hbm>> -> memref<6x128xi32, #tpu.memory_space<hbm>>
    %dma_wait3A_43 = tpu.memref_slice %arg9[%dma_wait3A_34] : memref<2x!tpu.dma_semaphore, #tpu.memory_space<semaphore_mem>> -> memref<1x!tpu.dma_semaphore, #tpu.memory_space<semaphore_mem>>
    %dma_wait3A_44 = tpu.memref_squeeze %dma_wait3A_43 : memref<1x!tpu.dma_semaphore, #tpu.memory_space<semaphore_mem>> -> memref<!tpu.dma_semaphore, #tpu.memory_space<semaphore_mem>>
    %dma_wait3A_45 = arith.constant 0 : i32
    %dma_wait3A_46 = arith.constant 0 : i32
    %dma_wait3A_47 = tpu.memref_slice %arg5[%dma_wait3A, %dma_wait3A_45, %dma_wait3A_46] : memref<2x6x128xi32, #tpu.memory_space<vmem>> -> memref<1x6x128xi32, #tpu.memory_space<vmem>>
    %dma_wait3A_48 = tpu.memref_squeeze %dma_wait3A_47 : memref<1x6x128xi32, #tpu.memory_space<vmem>> -> memref<6x128xi32, #tpu.memory_space<vmem>>
    %dma_wait3A_49 = arith.constant 0 : i32
    %dma_wait3A_50 = arith.constant 0 : i32
    %dma_wait3A_51 = tpu.memref_slice %arg3[%add3A_33, %dma_wait3A_49, %dma_wait3A_50] : memref<1264x6x128xi32, #tpu.memory_space<hbm>> -> memref<1x6x128xi32, #tpu.memory_space<hbm>>
    %dma_wait3A_52 = tpu.memref_squeeze %dma_wait3A_51 : memref<1x6x128xi32, #tpu.memory_space<hbm>> -> memref<6x128xi32, #tpu.memory_space<hbm>>
    tpu.wait_dma2 semaphore(%dma_wait3A_44 : memref<!tpu.dma_semaphore, #tpu.memory_space<semaphore_mem>>) src(%dma_wait3A_52 : memref<6x128xi32, #tpu.memory_space<hbm>>) dst(%dma_wait3A_48 : memref<6x128xi32, #tpu.memory_space<vmem>>)
    %dma_start3A_53 = arith.constant 0 : i32
    %dma_start3A_54 = arith.constant 0 : i32
    %dma_start3A_55 = arith.constant 0 : i32
    %dma_start3A_56 = tpu.memref_slice %arg5[%dma_start3A_53, %dma_start3A_54, %dma_start3A_55] : memref<2x6x128xi32, #tpu.memory_space<vmem>> -> memref<1x1x128xi32, #tpu.memory_space<vmem>>
    %dma_start3A_57 = tpu.memref_squeeze %dma_start3A_56 : memref<1x1x128xi32, #tpu.memory_space<vmem>> -> memref<128xi32, #tpu.memory_space<vmem>>
    %dma_start3A_58 = arith.constant 0 : i32
    %dma_start3A_59 = arith.constant 0 : i32
    %dma_start3A_60 = tpu.memref_slice %arg2[%dma_start3A_58, %dma_start3A_59] : memref<10240x48xf32, #tpu.memory_space<hbm>> -> memref<10240x48xf32, #tpu.memory_space<hbm>>
    tpu.enqueue_indirect_dma source(%dma_start3A_60 : memref<10240x48xf32, #tpu.memory_space<hbm>>) target(%arg6 : memref<128x48xf32, #tpu.memory_space<vmem>>) offsets(%dma_start3A_57 : memref<128xi32, #tpu.memory_space<vmem>>) semaphore(%arg10 : memref<!tpu.dma_semaphore, #tpu.memory_space<semaphore_mem>>)
    %dma_start3A_61 = arith.constant 0 : i32
    %dma_start3A_62 = arith.constant 1 : i32
    %dma_start3A_63 = arith.constant 0 : i32
    %dma_start3A_64 = tpu.memref_slice %arg5[%dma_start3A_61, %dma_start3A_62, %dma_start3A_63] : memref<2x6x128xi32, #tpu.memory_space<vmem>> -> memref<1x1x128xi32, #tpu.memory_space<vmem>>
    %dma_start3A_65 = tpu.memref_squeeze %dma_start3A_64 : memref<1x1x128xi32, #tpu.memory_space<vmem>> -> memref<128xi32, #tpu.memory_space<vmem>>
    %dma_start3A_66 = arith.constant 0 : i32
    %dma_start3A_67 = arith.constant 0 : i32
    %dma_start3A_68 = tpu.memref_slice %arg2[%dma_start3A_66, %dma_start3A_67] : memref<10240x48xf32, #tpu.memory_space<hbm>> -> memref<10240x48xf32, #tpu.memory_space<hbm>>
    tpu.enqueue_indirect_dma source(%dma_start3A_68 : memref<10240x48xf32, #tpu.memory_space<hbm>>) target(%arg7 : memref<128x48xf32, #tpu.memory_space<vmem>>) offsets(%dma_start3A_65 : memref<128xi32, #tpu.memory_space<vmem>>) semaphore(%arg11 : memref<!tpu.dma_semaphore, #tpu.memory_space<semaphore_mem>>)
    %while3A = arith.constant 0 : i32
    %while3A_69 = arith.constant 0 : i32
    %while3A_70 = arith.subi %select_n3A_8, %while3A_69 : i32
    %while3A_71 = arith.addi %while3A_69, %while3A_70 : i32
    %while3A_72 = arith.constant 1 : i32
    %while3A_73 = arith.divsi %while3A_70, %while3A_72 : i32
    %while3A_74 = arith.muli %while3A_73, %while3A_72 : i32
    %while3A_75 = arith.addi %while3A_69, %while3A_74 : i32
    %while3A_76 = arith.constant 1 : i32
    scf.for %while3A_79 = %while3A_69 to %while3A_75 step %while3A_76  : i32 {
      %and3A = arith.constant 1 : i32
      %and3A_80 = arith.andi %while3A_79, %and3A : i32
      %sub3A = arith.constant 1 : i32
      %sub3A_81 = arith.subi %sub3A, %and3A_80 : i32
      %add3A_82 = arith.constant 1 : i32
      %add3A_83 = arith.addi %while3A_79, %add3A_82 : i32
      %lt3A = arith.cmpi slt, %add3A_83, %select_n3A_8 : i32
      %convert_element_type3A = arith.extui %lt3A : i1 to i32
      %cond3A = arith.constant 0 : i32
      %cond3A_84 = arith.cmpi ne, %convert_element_type3A, %cond3A : i32
      scf.if %cond3A_84 {
        %add3A_140 = arith.constant 1 : i32
        %add3A_141 = arith.addi %while3A_79, %add3A_140 : i32
        %add3A_142 = arith.addi %select_n3A, %add3A_141 : i32
        %dma_start3A_143 = arith.constant 0 : i32
        %dma_start3A_144 = arith.constant 0 : i32
        %dma_start3A_145 = tpu.memref_slice %arg5[%sub3A_81, %dma_start3A_143, %dma_start3A_144] : memref<2x6x128xi32, #tpu.memory_space<vmem>> -> memref<1x6x128xi32, #tpu.memory_space<vmem>>
        %dma_start3A_146 = tpu.memref_squeeze %dma_start3A_145 : memref<1x6x128xi32, #tpu.memory_space<vmem>> -> memref<6x128xi32, #tpu.memory_space<vmem>>
        %dma_start3A_147 = arith.constant 0 : i32
        %dma_start3A_148 = arith.constant 0 : i32
        %dma_start3A_149 = tpu.memref_slice %arg3[%add3A_142, %dma_start3A_147, %dma_start3A_148] : memref<1264x6x128xi32, #tpu.memory_space<hbm>> -> memref<1x6x128xi32, #tpu.memory_space<hbm>>
        %dma_start3A_150 = tpu.memref_squeeze %dma_start3A_149 : memref<1x6x128xi32, #tpu.memory_space<hbm>> -> memref<6x128xi32, #tpu.memory_space<hbm>>
        %dma_start3A_151 = tpu.memref_slice %arg9[%sub3A_81] : memref<2x!tpu.dma_semaphore, #tpu.memory_space<semaphore_mem>> -> memref<1x!tpu.dma_semaphore, #tpu.memory_space<semaphore_mem>>
        %dma_start3A_152 = tpu.memref_squeeze %dma_start3A_151 : memref<1x!tpu.dma_semaphore, #tpu.memory_space<semaphore_mem>> -> memref<!tpu.dma_semaphore, #tpu.memory_space<semaphore_mem>>
        %dma_start3A_153 = arith.constant 0 : i32
        %dma_start3A_154 = arith.constant 0 : i32
        %dma_start3A_155 = tpu.memref_slice %arg5[%sub3A_81, %dma_start3A_153, %dma_start3A_154] : memref<2x6x128xi32, #tpu.memory_space<vmem>> -> memref<1x6x128xi32, #tpu.memory_space<vmem>>
        %dma_start3A_156 = tpu.memref_squeeze %dma_start3A_155 : memref<1x6x128xi32, #tpu.memory_space<vmem>> -> memref<6x128xi32, #tpu.memory_space<vmem>>
        %dma_start3A_157 = arith.constant 0 : i32
        %dma_start3A_158 = arith.constant 0 : i32
        %dma_start3A_159 = tpu.memref_slice %arg3[%add3A_142, %dma_start3A_157, %dma_start3A_158] : memref<1264x6x128xi32, #tpu.memory_space<hbm>> -> memref<1x6x128xi32, #tpu.memory_space<hbm>>
        %dma_start3A_160 = tpu.memref_squeeze %dma_start3A_159 : memref<1x6x128xi32, #tpu.memory_space<hbm>> -> memref<6x128xi32, #tpu.memory_space<hbm>>
        tpu.enqueue_dma source(%dma_start3A_160 : memref<6x128xi32, #tpu.memory_space<hbm>>) target(%dma_start3A_156 : memref<6x128xi32, #tpu.memory_space<vmem>>) target_semaphore(%dma_start3A_152 : memref<!tpu.dma_semaphore, #tpu.memory_space<semaphore_mem>>)
      } else {
      }
      %dma_wait3A_85 = arith.constant 0 : i32
      %dma_wait3A_86 = arith.constant 0 : i32
      %dma_wait3A_87 = tpu.memref_slice %arg5[%and3A_80, %dma_wait3A_85, %dma_wait3A_86] : memref<2x6x128xi32, #tpu.memory_space<vmem>> -> memref<1x1x128xi32, #tpu.memory_space<vmem>>
      %dma_wait3A_88 = tpu.memref_squeeze %dma_wait3A_87 : memref<1x1x128xi32, #tpu.memory_space<vmem>> -> memref<128xi32, #tpu.memory_space<vmem>>
      %dma_wait3A_89 = arith.constant 0 : i32
      %dma_wait3A_90 = arith.constant 0 : i32
      %dma_wait3A_91 = tpu.memref_slice %arg2[%dma_wait3A_89, %dma_wait3A_90] : memref<10240x48xf32, #tpu.memory_space<hbm>> -> memref<10240x48xf32, #tpu.memory_space<hbm>>
      tpu.wait_indirect_dma semaphore(%arg10 : memref<!tpu.dma_semaphore, #tpu.memory_space<semaphore_mem>>) src(%dma_wait3A_91 : memref<10240x48xf32, #tpu.memory_space<hbm>>) dst(%arg6 : memref<128x48xf32, #tpu.memory_space<vmem>>)
      %broadcast_in_dim3A = vector.broadcast %and3A_80 : i32 to vector<16xi32>
      %broadcast_in_dim3A_92 = arith.constant 4 : i32
      %broadcast_in_dim3A_93 = vector.broadcast %broadcast_in_dim3A_92 : i32 to vector<16xi32>
      %scan3A = arith.constant 0 : i32
      %scan3A_94 = arith.constant 0 : i32
      %scan3A_95 = arith.constant 128 : i32
      %scan3A_96 = arith.addi %scan3A_94, %scan3A_95 : i32
      %scan3A_97 = arith.constant 4 : i32
      scf.for %scan3A_140 = %scan3A_94 to %scan3A_96 step %scan3A_97  : i32 {
        %broadcast_in_dim3A_141 = vector.broadcast %scan3A_140 : i32 to vector<16xi32>
        %gather3A = tpu.vector_load_idx %arg5[%broadcast_in_dim3A, %broadcast_in_dim3A_93, %broadcast_in_dim3A_141] : memref<2x6x128xi32, #tpu.memory_space<vmem>>[vector<16xi32>, vector<16xi32>, vector<16xi32>], vector<16xi32>,
        %bitcast3A = vector.bitcast %gather3A : vector<16xi32> to vector<16xf32>
        %get3A = arith.index_cast %scan3A_140 : i32 to index
        %get3A_142 = arith.constant 0 : index
        %get3A_143 = tpu.vector_load %arg6[%get3A, %get3A_142] {strides = array<i32>} : memref<128x48xf32, #tpu.memory_space<vmem>>, vector<16xf32>,
        %mul3A_144 = arith.mulf %get3A_143, %bitcast3A : vector<16xf32>
        %swap3A = arith.index_cast %scan3A_140 : i32 to index
        %swap3A_145 = arith.constant 0 : index
        %swap3A_146 = tpu.vector_load %arg6[%swap3A, %swap3A_145] {strides = array<i32>} : memref<128x48xf32, #tpu.memory_space<vmem>>, vector<16xf32>,
        tpu.vector_store %arg6[%swap3A, %swap3A_145], %mul3A_144 {strides = array<i32>} : memref<128x48xf32, #tpu.memory_space<vmem>>, vector<16xf32>,
        %get3A_147 = arith.index_cast %scan3A_140 : i32 to index
        %get3A_148 = arith.constant 16 : index
        %get3A_149 = tpu.vector_load %arg6[%get3A_147, %get3A_148] {strides = array<i32>} : memref<128x48xf32, #tpu.memory_space<vmem>>, vector<16xf32>,
        %mul3A_150 = arith.mulf %get3A_149, %bitcast3A : vector<16xf32>
        %swap3A_151 = arith.index_cast %scan3A_140 : i32 to index
        %swap3A_152 = arith.constant 16 : index
        %swap3A_153 = tpu.vector_load %arg6[%swap3A_151, %swap3A_152] {strides = array<i32>} : memref<128x48xf32, #tpu.memory_space<vmem>>, vector<16xf32>,
        tpu.vector_store %arg6[%swap3A_151, %swap3A_152], %mul3A_150 {strides = array<i32>} : memref<128x48xf32, #tpu.memory_space<vmem>>, vector<16xf32>,
        %get3A_154 = arith.index_cast %scan3A_140 : i32 to index
        %get3A_155 = arith.constant 32 : index
        %get3A_156 = tpu.vector_load %arg6[%get3A_154, %get3A_155] {strides = array<i32>} : memref<128x48xf32, #tpu.memory_space<vmem>>, vector<16xf32>,
        %mul3A_157 = arith.mulf %get3A_156, %bitcast3A : vector<16xf32>
        %swap3A_158 = arith.index_cast %scan3A_140 : i32 to index
        %swap3A_159 = arith.constant 32 : index
        %swap3A_160 = tpu.vector_load %arg6[%swap3A_158, %swap3A_159] {strides = array<i32>} : memref<128x48xf32, #tpu.memory_space<vmem>>, vector<16xf32>,
        tpu.vector_store %arg6[%swap3A_158, %swap3A_159], %mul3A_157 {strides = array<i32>} : memref<128x48xf32, #tpu.memory_space<vmem>>, vector<16xf32>,
        %scan3A_161 = arith.constant 1 : i32
        %scan3A_162 = arith.addi %scan3A_140, %scan3A_161 : i32
        %broadcast_in_dim3A_163 = vector.broadcast %scan3A_162 : i32 to vector<16xi32>
        %gather3A_164 = tpu.vector_load_idx %arg5[%broadcast_in_dim3A, %broadcast_in_dim3A_93, %broadcast_in_dim3A_163] : memref<2x6x128xi32, #tpu.memory_space<vmem>>[vector<16xi32>, vector<16xi32>, vector<16xi32>], vector<16xi32>,
        %bitcast3A_165 = vector.bitcast %gather3A_164 : vector<16xi32> to vector<16xf32>
        %get3A_166 = arith.index_cast %scan3A_162 : i32 to index
        %get3A_167 = arith.constant 0 : index
        %get3A_168 = tpu.vector_load %arg6[%get3A_166, %get3A_167] {strides = array<i32>} : memref<128x48xf32, #tpu.memory_space<vmem>>, vector<16xf32>,
        %mul3A_169 = arith.mulf %get3A_168, %bitcast3A_165 : vector<16xf32>
        %swap3A_170 = arith.index_cast %scan3A_162 : i32 to index
        %swap3A_171 = arith.constant 0 : index
        %swap3A_172 = tpu.vector_load %arg6[%swap3A_170, %swap3A_171] {strides = array<i32>} : memref<128x48xf32, #tpu.memory_space<vmem>>, vector<16xf32>,
        tpu.vector_store %arg6[%swap3A_170, %swap3A_171], %mul3A_169 {strides = array<i32>} : memref<128x48xf32, #tpu.memory_space<vmem>>, vector<16xf32>,
        %get3A_173 = arith.index_cast %scan3A_162 : i32 to index
        %get3A_174 = arith.constant 16 : index
        %get3A_175 = tpu.vector_load %arg6[%get3A_173, %get3A_174] {strides = array<i32>} : memref<128x48xf32, #tpu.memory_space<vmem>>, vector<16xf32>,
        %mul3A_176 = arith.mulf %get3A_175, %bitcast3A_165 : vector<16xf32>
        %swap3A_177 = arith.index_cast %scan3A_162 : i32 to index
        %swap3A_178 = arith.constant 16 : index
        %swap3A_179 = tpu.vector_load %arg6[%swap3A_177, %swap3A_178] {strides = array<i32>} : memref<128x48xf32, #tpu.memory_space<vmem>>, vector<16xf32>,
        tpu.vector_store %arg6[%swap3A_177, %swap3A_178], %mul3A_176 {strides = array<i32>} : memref<128x48xf32, #tpu.memory_space<vmem>>, vector<16xf32>,
        %get3A_180 = arith.index_cast %scan3A_162 : i32 to index
        %get3A_181 = arith.constant 32 : index
        %get3A_182 = tpu.vector_load %arg6[%get3A_180, %get3A_181] {strides = array<i32>} : memref<128x48xf32, #tpu.memory_space<vmem>>, vector<16xf32>,
        %mul3A_183 = arith.mulf %get3A_182, %bitcast3A_165 : vector<16xf32>
        %swap3A_184 = arith.index_cast %scan3A_162 : i32 to index
        %swap3A_185 = arith.constant 32 : index
        %swap3A_186 = tpu.vector_load %arg6[%swap3A_184, %swap3A_185] {strides = array<i32>} : memref<128x48xf32, #tpu.memory_space<vmem>>, vector<16xf32>,
        tpu.vector_store %arg6[%swap3A_184, %swap3A_185], %mul3A_183 {strides = array<i32>} : memref<128x48xf32, #tpu.memory_space<vmem>>, vector<16xf32>,
        %scan3A_187 = arith.constant 2 : i32
        %scan3A_188 = arith.addi %scan3A_140, %scan3A_187 : i32
        %broadcast_in_dim3A_189 = vector.broadcast %scan3A_188 : i32 to vector<16xi32>
        %gather3A_190 = tpu.vector_load_idx %arg5[%broadcast_in_dim3A, %broadcast_in_dim3A_93, %broadcast_in_dim3A_189] : memref<2x6x128xi32, #tpu.memory_space<vmem>>[vector<16xi32>, vector<16xi32>, vector<16xi32>], vector<16xi32>,
        %bitcast3A_191 = vector.bitcast %gather3A_190 : vector<16xi32> to vector<16xf32>
        %get3A_192 = arith.index_cast %scan3A_188 : i32 to index
        %get3A_193 = arith.constant 0 : index
        %get3A_194 = tpu.vector_load %arg6[%get3A_192, %get3A_193] {strides = array<i32>} : memref<128x48xf32, #tpu.memory_space<vmem>>, vector<16xf32>,
        %mul3A_195 = arith.mulf %get3A_194, %bitcast3A_191 : vector<16xf32>
        %swap3A_196 = arith.index_cast %scan3A_188 : i32 to index
        %swap3A_197 = arith.constant 0 : index
        %swap3A_198 = tpu.vector_load %arg6[%swap3A_196, %swap3A_197] {strides = array<i32>} : memref<128x48xf32, #tpu.memory_space<vmem>>, vector<16xf32>,
        tpu.vector_store %arg6[%swap3A_196, %swap3A_197], %mul3A_195 {strides = array<i32>} : memref<128x48xf32, #tpu.memory_space<vmem>>, vector<16xf32>,
        %get3A_199 = arith.index_cast %scan3A_188 : i32 to index
        %get3A_200 = arith.constant 16 : index
        %get3A_201 = tpu.vector_load %arg6[%get3A_199, %get3A_200] {strides = array<i32>} : memref<128x48xf32, #tpu.memory_space<vmem>>, vector<16xf32>,
        %mul3A_202 = arith.mulf %get3A_201, %bitcast3A_191 : vector<16xf32>
        %swap3A_203 = arith.index_cast %scan3A_188 : i32 to index
        %swap3A_204 = arith.constant 16 : index
        %swap3A_205 = tpu.vector_load %arg6[%swap3A_203, %swap3A_204] {strides = array<i32>} : memref<128x48xf32, #tpu.memory_space<vmem>>, vector<16xf32>,
        tpu.vector_store %arg6[%swap3A_203, %swap3A_204], %mul3A_202 {strides = array<i32>} : memref<128x48xf32, #tpu.memory_space<vmem>>, vector<16xf32>,
        %get3A_206 = arith.index_cast %scan3A_188 : i32 to index
        %get3A_207 = arith.constant 32 : index
        %get3A_208 = tpu.vector_load %arg6[%get3A_206, %get3A_207] {strides = array<i32>} : memref<128x48xf32, #tpu.memory_space<vmem>>, vector<16xf32>,
        %mul3A_209 = arith.mulf %get3A_208, %bitcast3A_191 : vector<16xf32>
        %swap3A_210 = arith.index_cast %scan3A_188 : i32 to index
        %swap3A_211 = arith.constant 32 : index
        %swap3A_212 = tpu.vector_load %arg6[%swap3A_210, %swap3A_211] {strides = array<i32>} : memref<128x48xf32, #tpu.memory_space<vmem>>, vector<16xf32>,
        tpu.vector_store %arg6[%swap3A_210, %swap3A_211], %mul3A_209 {strides = array<i32>} : memref<128x48xf32, #tpu.memory_space<vmem>>, vector<16xf32>,
        %scan3A_213 = arith.constant 3 : i32
        %scan3A_214 = arith.addi %scan3A_140, %scan3A_213 : i32
        %broadcast_in_dim3A_215 = vector.broadcast %scan3A_214 : i32 to vector<16xi32>
        %gather3A_216 = tpu.vector_load_idx %arg5[%broadcast_in_dim3A, %broadcast_in_dim3A_93, %broadcast_in_dim3A_215] : memref<2x6x128xi32, #tpu.memory_space<vmem>>[vector<16xi32>, vector<16xi32>, vector<16xi32>], vector<16xi32>,
        %bitcast3A_217 = vector.bitcast %gather3A_216 : vector<16xi32> to vector<16xf32>
        %get3A_218 = arith.index_cast %scan3A_214 : i32 to index
        %get3A_219 = arith.constant 0 : index
        %get3A_220 = tpu.vector_load %arg6[%get3A_218, %get3A_219] {strides = array<i32>} : memref<128x48xf32, #tpu.memory_space<vmem>>, vector<16xf32>,
        %mul3A_221 = arith.mulf %get3A_220, %bitcast3A_217 : vector<16xf32>
        %swap3A_222 = arith.index_cast %scan3A_214 : i32 to index
        %swap3A_223 = arith.constant 0 : index
        %swap3A_224 = tpu.vector_load %arg6[%swap3A_222, %swap3A_223] {strides = array<i32>} : memref<128x48xf32, #tpu.memory_space<vmem>>, vector<16xf32>,
        tpu.vector_store %arg6[%swap3A_222, %swap3A_223], %mul3A_221 {strides = array<i32>} : memref<128x48xf32, #tpu.memory_space<vmem>>, vector<16xf32>,
        %get3A_225 = arith.index_cast %scan3A_214 : i32 to index
        %get3A_226 = arith.constant 16 : index
        %get3A_227 = tpu.vector_load %arg6[%get3A_225, %get3A_226] {strides = array<i32>} : memref<128x48xf32, #tpu.memory_space<vmem>>, vector<16xf32>,
        %mul3A_228 = arith.mulf %get3A_227, %bitcast3A_217 : vector<16xf32>
        %swap3A_229 = arith.index_cast %scan3A_214 : i32 to index
        %swap3A_230 = arith.constant 16 : index
        %swap3A_231 = tpu.vector_load %arg6[%swap3A_229, %swap3A_230] {strides = array<i32>} : memref<128x48xf32, #tpu.memory_space<vmem>>, vector<16xf32>,
        tpu.vector_store %arg6[%swap3A_229, %swap3A_230], %mul3A_228 {strides = array<i32>} : memref<128x48xf32, #tpu.memory_space<vmem>>, vector<16xf32>,
        %get3A_232 = arith.index_cast %scan3A_214 : i32 to index
        %get3A_233 = arith.constant 32 : index
        %get3A_234 = tpu.vector_load %arg6[%get3A_232, %get3A_233] {strides = array<i32>} : memref<128x48xf32, #tpu.memory_space<vmem>>, vector<16xf32>,
        %mul3A_235 = arith.mulf %get3A_234, %bitcast3A_217 : vector<16xf32>
        %swap3A_236 = arith.index_cast %scan3A_214 : i32 to index
        %swap3A_237 = arith.constant 32 : index
        %swap3A_238 = tpu.vector_load %arg6[%swap3A_236, %swap3A_237] {strides = array<i32>} : memref<128x48xf32, #tpu.memory_space<vmem>>, vector<16xf32>,
        tpu.vector_store %arg6[%swap3A_236, %swap3A_237], %mul3A_235 {strides = array<i32>} : memref<128x48xf32, #tpu.memory_space<vmem>>, vector<16xf32>,
      }
      %scan3A_98 = arith.constant 128 : i32
      %dma_start3A_99 = arith.constant 2 : i32
      %dma_start3A_100 = arith.constant 0 : i32
      %dma_start3A_101 = tpu.memref_slice %arg5[%and3A_80, %dma_start3A_99, %dma_start3A_100] : memref<2x6x128xi32, #tpu.memory_space<vmem>> -> memref<1x1x128xi32, #tpu.memory_space<vmem>>
      %dma_start3A_102 = tpu.memref_squeeze %dma_start3A_101 : memref<1x1x128xi32, #tpu.memory_space<vmem>> -> memref<128xi32, #tpu.memory_space<vmem>>
      %dma_start3A_103 = arith.constant 0 : i32
      %dma_start3A_104 = arith.constant 0 : i32
      %dma_start3A_105 = tpu.memref_slice %arg8[%dma_start3A_103, %dma_start3A_104] : memref<10240x48xf32, #tpu.memory_space<vmem_shared>> -> memref<10240x48xf32, #tpu.memory_space<vmem_shared>>
      tpu.enqueue_indirect_dma source(%arg6 : memref<128x48xf32, #tpu.memory_space<vmem>>) target(%dma_start3A_105 : memref<10240x48xf32, #tpu.memory_space<vmem_shared>>) offsets(%dma_start3A_102 : memref<128xi32, #tpu.memory_space<vmem>>) semaphore(%arg12 : memref<!tpu.dma_semaphore, #tpu.memory_space<semaphore_mem>>) {add = true}
      %dma_wait3A_106 = arith.constant 1 : i32
      %dma_wait3A_107 = arith.constant 0 : i32
      %dma_wait3A_108 = tpu.memref_slice %arg5[%and3A_80, %dma_wait3A_106, %dma_wait3A_107] : memref<2x6x128xi32, #tpu.memory_space<vmem>> -> memref<1x1x128xi32, #tpu.memory_space<vmem>>
      %dma_wait3A_109 = tpu.memref_squeeze %dma_wait3A_108 : memref<1x1x128xi32, #tpu.memory_space<vmem>> -> memref<128xi32, #tpu.memory_space<vmem>>
      %dma_wait3A_110 = arith.constant 0 : i32
      %dma_wait3A_111 = arith.constant 0 : i32
      %dma_wait3A_112 = tpu.memref_slice %arg2[%dma_wait3A_110, %dma_wait3A_111] : memref<10240x48xf32, #tpu.memory_space<hbm>> -> memref<10240x48xf32, #tpu.memory_space<hbm>>
      tpu.wait_indirect_dma semaphore(%arg11 : memref<!tpu.dma_semaphore, #tpu.memory_space<semaphore_mem>>) src(%dma_wait3A_112 : memref<10240x48xf32, #tpu.memory_space<hbm>>) dst(%arg7 : memref<128x48xf32, #tpu.memory_space<vmem>>)
      %broadcast_in_dim3A_113 = vector.broadcast %and3A_80 : i32 to vector<16xi32>
      %broadcast_in_dim3A_114 = arith.constant 5 : i32
      %broadcast_in_dim3A_115 = vector.broadcast %broadcast_in_dim3A_114 : i32 to vector<16xi32>
      %scan3A_116 = arith.constant 0 : i32
      %scan3A_117 = arith.constant 0 : i32
      %scan3A_118 = arith.constant 128 : i32
      %scan3A_119 = arith.addi %scan3A_117, %scan3A_118 : i32
      %scan3A_120 = arith.constant 4 : i32
      scf.for %scan3A_140 = %scan3A_117 to %scan3A_119 step %scan3A_120  : i32 {
        %broadcast_in_dim3A_141 = vector.broadcast %scan3A_140 : i32 to vector<16xi32>
        %gather3A = tpu.vector_load_idx %arg5[%broadcast_in_dim3A_113, %broadcast_in_dim3A_115, %broadcast_in_dim3A_141] : memref<2x6x128xi32, #tpu.memory_space<vmem>>[vector<16xi32>, vector<16xi32>, vector<16xi32>], vector<16xi32>,
        %bitcast3A = vector.bitcast %gather3A : vector<16xi32> to vector<16xf32>
        %get3A = arith.index_cast %scan3A_140 : i32 to index
        %get3A_142 = arith.constant 0 : index
        %get3A_143 = tpu.vector_load %arg7[%get3A, %get3A_142] {strides = array<i32>} : memref<128x48xf32, #tpu.memory_space<vmem>>, vector<16xf32>,
        %mul3A_144 = arith.mulf %get3A_143, %bitcast3A : vector<16xf32>
        %swap3A = arith.index_cast %scan3A_140 : i32 to index
        %swap3A_145 = arith.constant 0 : index
        %swap3A_146 = tpu.vector_load %arg7[%swap3A, %swap3A_145] {strides = array<i32>} : memref<128x48xf32, #tpu.memory_space<vmem>>, vector<16xf32>,
        tpu.vector_store %arg7[%swap3A, %swap3A_145], %mul3A_144 {strides = array<i32>} : memref<128x48xf32, #tpu.memory_space<vmem>>, vector<16xf32>,
        %get3A_147 = arith.index_cast %scan3A_140 : i32 to index
        %get3A_148 = arith.constant 16 : index
        %get3A_149 = tpu.vector_load %arg7[%get3A_147, %get3A_148] {strides = array<i32>} : memref<128x48xf32, #tpu.memory_space<vmem>>, vector<16xf32>,
        %mul3A_150 = arith.mulf %get3A_149, %bitcast3A : vector<16xf32>
        %swap3A_151 = arith.index_cast %scan3A_140 : i32 to index
        %swap3A_152 = arith.constant 16 : index
        %swap3A_153 = tpu.vector_load %arg7[%swap3A_151, %swap3A_152] {strides = array<i32>} : memref<128x48xf32, #tpu.memory_space<vmem>>, vector<16xf32>,
        tpu.vector_store %arg7[%swap3A_151, %swap3A_152], %mul3A_150 {strides = array<i32>} : memref<128x48xf32, #tpu.memory_space<vmem>>, vector<16xf32>,
        %get3A_154 = arith.index_cast %scan3A_140 : i32 to index
        %get3A_155 = arith.constant 32 : index
        %get3A_156 = tpu.vector_load %arg7[%get3A_154, %get3A_155] {strides = array<i32>} : memref<128x48xf32, #tpu.memory_space<vmem>>, vector<16xf32>,
        %mul3A_157 = arith.mulf %get3A_156, %bitcast3A : vector<16xf32>
        %swap3A_158 = arith.index_cast %scan3A_140 : i32 to index
        %swap3A_159 = arith.constant 32 : index
        %swap3A_160 = tpu.vector_load %arg7[%swap3A_158, %swap3A_159] {strides = array<i32>} : memref<128x48xf32, #tpu.memory_space<vmem>>, vector<16xf32>,
        tpu.vector_store %arg7[%swap3A_158, %swap3A_159], %mul3A_157 {strides = array<i32>} : memref<128x48xf32, #tpu.memory_space<vmem>>, vector<16xf32>,
        %scan3A_161 = arith.constant 1 : i32
        %scan3A_162 = arith.addi %scan3A_140, %scan3A_161 : i32
        %broadcast_in_dim3A_163 = vector.broadcast %scan3A_162 : i32 to vector<16xi32>
        %gather3A_164 = tpu.vector_load_idx %arg5[%broadcast_in_dim3A_113, %broadcast_in_dim3A_115, %broadcast_in_dim3A_163] : memref<2x6x128xi32, #tpu.memory_space<vmem>>[vector<16xi32>, vector<16xi32>, vector<16xi32>], vector<16xi32>,
        %bitcast3A_165 = vector.bitcast %gather3A_164 : vector<16xi32> to vector<16xf32>
        %get3A_166 = arith.index_cast %scan3A_162 : i32 to index
        %get3A_167 = arith.constant 0 : index
        %get3A_168 = tpu.vector_load %arg7[%get3A_166, %get3A_167] {strides = array<i32>} : memref<128x48xf32, #tpu.memory_space<vmem>>, vector<16xf32>,
        %mul3A_169 = arith.mulf %get3A_168, %bitcast3A_165 : vector<16xf32>
        %swap3A_170 = arith.index_cast %scan3A_162 : i32 to index
        %swap3A_171 = arith.constant 0 : index
        %swap3A_172 = tpu.vector_load %arg7[%swap3A_170, %swap3A_171] {strides = array<i32>} : memref<128x48xf32, #tpu.memory_space<vmem>>, vector<16xf32>,
        tpu.vector_store %arg7[%swap3A_170, %swap3A_171], %mul3A_169 {strides = array<i32>} : memref<128x48xf32, #tpu.memory_space<vmem>>, vector<16xf32>,
        %get3A_173 = arith.index_cast %scan3A_162 : i32 to index
        %get3A_174 = arith.constant 16 : index
        %get3A_175 = tpu.vector_load %arg7[%get3A_173, %get3A_174] {strides = array<i32>} : memref<128x48xf32, #tpu.memory_space<vmem>>, vector<16xf32>,
        %mul3A_176 = arith.mulf %get3A_175, %bitcast3A_165 : vector<16xf32>
        %swap3A_177 = arith.index_cast %scan3A_162 : i32 to index
        %swap3A_178 = arith.constant 16 : index
        %swap3A_179 = tpu.vector_load %arg7[%swap3A_177, %swap3A_178] {strides = array<i32>} : memref<128x48xf32, #tpu.memory_space<vmem>>, vector<16xf32>,
        tpu.vector_store %arg7[%swap3A_177, %swap3A_178], %mul3A_176 {strides = array<i32>} : memref<128x48xf32, #tpu.memory_space<vmem>>, vector<16xf32>,
        %get3A_180 = arith.index_cast %scan3A_162 : i32 to index
        %get3A_181 = arith.constant 32 : index
        %get3A_182 = tpu.vector_load %arg7[%get3A_180, %get3A_181] {strides = array<i32>} : memref<128x48xf32, #tpu.memory_space<vmem>>, vector<16xf32>,
        %mul3A_183 = arith.mulf %get3A_182, %bitcast3A_165 : vector<16xf32>
        %swap3A_184 = arith.index_cast %scan3A_162 : i32 to index
        %swap3A_185 = arith.constant 32 : index
        %swap3A_186 = tpu.vector_load %arg7[%swap3A_184, %swap3A_185] {strides = array<i32>} : memref<128x48xf32, #tpu.memory_space<vmem>>, vector<16xf32>,
        tpu.vector_store %arg7[%swap3A_184, %swap3A_185], %mul3A_183 {strides = array<i32>} : memref<128x48xf32, #tpu.memory_space<vmem>>, vector<16xf32>,
        %scan3A_187 = arith.constant 2 : i32
        %scan3A_188 = arith.addi %scan3A_140, %scan3A_187 : i32
        %broadcast_in_dim3A_189 = vector.broadcast %scan3A_188 : i32 to vector<16xi32>
        %gather3A_190 = tpu.vector_load_idx %arg5[%broadcast_in_dim3A_113, %broadcast_in_dim3A_115, %broadcast_in_dim3A_189] : memref<2x6x128xi32, #tpu.memory_space<vmem>>[vector<16xi32>, vector<16xi32>, vector<16xi32>], vector<16xi32>,
        %bitcast3A_191 = vector.bitcast %gather3A_190 : vector<16xi32> to vector<16xf32>
        %get3A_192 = arith.index_cast %scan3A_188 : i32 to index
        %get3A_193 = arith.constant 0 : index
        %get3A_194 = tpu.vector_load %arg7[%get3A_192, %get3A_193] {strides = array<i32>} : memref<128x48xf32, #tpu.memory_space<vmem>>, vector<16xf32>,
        %mul3A_195 = arith.mulf %get3A_194, %bitcast3A_191 : vector<16xf32>
        %swap3A_196 = arith.index_cast %scan3A_188 : i32 to index
        %swap3A_197 = arith.constant 0 : index
        %swap3A_198 = tpu.vector_load %arg7[%swap3A_196, %swap3A_197] {strides = array<i32>} : memref<128x48xf32, #tpu.memory_space<vmem>>, vector<16xf32>,
        tpu.vector_store %arg7[%swap3A_196, %swap3A_197], %mul3A_195 {strides = array<i32>} : memref<128x48xf32, #tpu.memory_space<vmem>>, vector<16xf32>,
        %get3A_199 = arith.index_cast %scan3A_188 : i32 to index
        %get3A_200 = arith.constant 16 : index
        %get3A_201 = tpu.vector_load %arg7[%get3A_199, %get3A_200] {strides = array<i32>} : memref<128x48xf32, #tpu.memory_space<vmem>>, vector<16xf32>,
        %mul3A_202 = arith.mulf %get3A_201, %bitcast3A_191 : vector<16xf32>
        %swap3A_203 = arith.index_cast %scan3A_188 : i32 to index
        %swap3A_204 = arith.constant 16 : index
        %swap3A_205 = tpu.vector_load %arg7[%swap3A_203, %swap3A_204] {strides = array<i32>} : memref<128x48xf32, #tpu.memory_space<vmem>>, vector<16xf32>,
        tpu.vector_store %arg7[%swap3A_203, %swap3A_204], %mul3A_202 {strides = array<i32>} : memref<128x48xf32, #tpu.memory_space<vmem>>, vector<16xf32>,
        %get3A_206 = arith.index_cast %scan3A_188 : i32 to index
        %get3A_207 = arith.constant 32 : index
        %get3A_208 = tpu.vector_load %arg7[%get3A_206, %get3A_207] {strides = array<i32>} : memref<128x48xf32, #tpu.memory_space<vmem>>, vector<16xf32>,
        %mul3A_209 = arith.mulf %get3A_208, %bitcast3A_191 : vector<16xf32>
        %swap3A_210 = arith.index_cast %scan3A_188 : i32 to index
        %swap3A_211 = arith.constant 32 : index
        %swap3A_212 = tpu.vector_load %arg7[%swap3A_210, %swap3A_211] {strides = array<i32>} : memref<128x48xf32, #tpu.memory_space<vmem>>, vector<16xf32>,
        tpu.vector_store %arg7[%swap3A_210, %swap3A_211], %mul3A_209 {strides = array<i32>} : memref<128x48xf32, #tpu.memory_space<vmem>>, vector<16xf32>,
        %scan3A_213 = arith.constant 3 : i32
        %scan3A_214 = arith.addi %scan3A_140, %scan3A_213 : i32
        %broadcast_in_dim3A_215 = vector.broadcast %scan3A_214 : i32 to vector<16xi32>
        %gather3A_216 = tpu.vector_load_idx %arg5[%broadcast_in_dim3A_113, %broadcast_in_dim3A_115, %broadcast_in_dim3A_215] : memref<2x6x128xi32, #tpu.memory_space<vmem>>[vector<16xi32>, vector<16xi32>, vector<16xi32>], vector<16xi32>,
        %bitcast3A_217 = vector.bitcast %gather3A_216 : vector<16xi32> to vector<16xf32>
        %get3A_218 = arith.index_cast %scan3A_214 : i32 to index
        %get3A_219 = arith.constant 0 : index
        %get3A_220 = tpu.vector_load %arg7[%get3A_218, %get3A_219] {strides = array<i32>} : memref<128x48xf32, #tpu.memory_space<vmem>>, vector<16xf32>,
        %mul3A_221 = arith.mulf %get3A_220, %bitcast3A_217 : vector<16xf32>
        %swap3A_222 = arith.index_cast %scan3A_214 : i32 to index
        %swap3A_223 = arith.constant 0 : index
        %swap3A_224 = tpu.vector_load %arg7[%swap3A_222, %swap3A_223] {strides = array<i32>} : memref<128x48xf32, #tpu.memory_space<vmem>>, vector<16xf32>,
        tpu.vector_store %arg7[%swap3A_222, %swap3A_223], %mul3A_221 {strides = array<i32>} : memref<128x48xf32, #tpu.memory_space<vmem>>, vector<16xf32>,
        %get3A_225 = arith.index_cast %scan3A_214 : i32 to index
        %get3A_226 = arith.constant 16 : index
        %get3A_227 = tpu.vector_load %arg7[%get3A_225, %get3A_226] {strides = array<i32>} : memref<128x48xf32, #tpu.memory_space<vmem>>, vector<16xf32>,
        %mul3A_228 = arith.mulf %get3A_227, %bitcast3A_217 : vector<16xf32>
        %swap3A_229 = arith.index_cast %scan3A_214 : i32 to index
        %swap3A_230 = arith.constant 16 : index
        %swap3A_231 = tpu.vector_load %arg7[%swap3A_229, %swap3A_230] {strides = array<i32>} : memref<128x48xf32, #tpu.memory_space<vmem>>, vector<16xf32>,
        tpu.vector_store %arg7[%swap3A_229, %swap3A_230], %mul3A_228 {strides = array<i32>} : memref<128x48xf32, #tpu.memory_space<vmem>>, vector<16xf32>,
        %get3A_232 = arith.index_cast %scan3A_214 : i32 to index
        %get3A_233 = arith.constant 32 : index
        %get3A_234 = tpu.vector_load %arg7[%get3A_232, %get3A_233] {strides = array<i32>} : memref<128x48xf32, #tpu.memory_space<vmem>>, vector<16xf32>,
        %mul3A_235 = arith.mulf %get3A_234, %bitcast3A_217 : vector<16xf32>
        %swap3A_236 = arith.index_cast %scan3A_214 : i32 to index
        %swap3A_237 = arith.constant 32 : index
        %swap3A_238 = tpu.vector_load %arg7[%swap3A_236, %swap3A_237] {strides = array<i32>} : memref<128x48xf32, #tpu.memory_space<vmem>>, vector<16xf32>,
        tpu.vector_store %arg7[%swap3A_236, %swap3A_237], %mul3A_235 {strides = array<i32>} : memref<128x48xf32, #tpu.memory_space<vmem>>, vector<16xf32>,
      }
      %scan3A_121 = arith.constant 128 : i32
      %dma_start3A_122 = arith.constant 3 : i32
      %dma_start3A_123 = arith.constant 0 : i32
      %dma_start3A_124 = tpu.memref_slice %arg5[%and3A_80, %dma_start3A_122, %dma_start3A_123] : memref<2x6x128xi32, #tpu.memory_space<vmem>> -> memref<1x1x128xi32, #tpu.memory_space<vmem>>
      %dma_start3A_125 = tpu.memref_squeeze %dma_start3A_124 : memref<1x1x128xi32, #tpu.memory_space<vmem>> -> memref<128xi32, #tpu.memory_space<vmem>>
      %dma_start3A_126 = arith.constant 0 : i32
      %dma_start3A_127 = arith.constant 0 : i32
      %dma_start3A_128 = tpu.memref_slice %arg8[%dma_start3A_126, %dma_start3A_127] : memref<10240x48xf32, #tpu.memory_space<vmem_shared>> -> memref<10240x48xf32, #tpu.memory_space<vmem_shared>>
      tpu.enqueue_indirect_dma source(%arg7 : memref<128x48xf32, #tpu.memory_space<vmem>>) target(%dma_start3A_128 : memref<10240x48xf32, #tpu.memory_space<vmem_shared>>) offsets(%dma_start3A_125 : memref<128xi32, #tpu.memory_space<vmem>>) semaphore(%arg13 : memref<!tpu.dma_semaphore, #tpu.memory_space<semaphore_mem>>) {add = true}
      %add3A_129 = arith.constant 1 : i32
      %add3A_130 = arith.addi %while3A_79, %add3A_129 : i32
      %lt3A_131 = arith.cmpi slt, %add3A_130, %select_n3A_8 : i32
      %convert_element_type3A_132 = arith.extui %lt3A_131 : i1 to i32
      %cond3A_133 = arith.constant 0 : i32
      %cond3A_134 = arith.cmpi ne, %convert_element_type3A_132, %cond3A_133 : i32
      scf.if %cond3A_134 {
        %add3A_140 = arith.constant 1 : i32
        %add3A_141 = arith.addi %while3A_79, %add3A_140 : i32
        %add3A_142 = arith.addi %select_n3A, %add3A_141 : i32
        %dma_wait3A_143 = arith.constant 0 : i32
        %dma_wait3A_144 = arith.constant 0 : i32
        %dma_wait3A_145 = tpu.memref_slice %arg5[%sub3A_81, %dma_wait3A_143, %dma_wait3A_144] : memref<2x6x128xi32, #tpu.memory_space<vmem>> -> memref<1x6x128xi32, #tpu.memory_space<vmem>>
        %dma_wait3A_146 = tpu.memref_squeeze %dma_wait3A_145 : memref<1x6x128xi32, #tpu.memory_space<vmem>> -> memref<6x128xi32, #tpu.memory_space<vmem>>
        %dma_wait3A_147 = arith.constant 0 : i32
        %dma_wait3A_148 = arith.constant 0 : i32
        %dma_wait3A_149 = tpu.memref_slice %arg3[%add3A_142, %dma_wait3A_147, %dma_wait3A_148] : memref<1264x6x128xi32, #tpu.memory_space<hbm>> -> memref<1x6x128xi32, #tpu.memory_space<hbm>>
        %dma_wait3A_150 = tpu.memref_squeeze %dma_wait3A_149 : memref<1x6x128xi32, #tpu.memory_space<hbm>> -> memref<6x128xi32, #tpu.memory_space<hbm>>
        %dma_wait3A_151 = tpu.memref_slice %arg9[%sub3A_81] : memref<2x!tpu.dma_semaphore, #tpu.memory_space<semaphore_mem>> -> memref<1x!tpu.dma_semaphore, #tpu.memory_space<semaphore_mem>>
        %dma_wait3A_152 = tpu.memref_squeeze %dma_wait3A_151 : memref<1x!tpu.dma_semaphore, #tpu.memory_space<semaphore_mem>> -> memref<!tpu.dma_semaphore, #tpu.memory_space<semaphore_mem>>
        %dma_wait3A_153 = arith.constant 0 : i32
        %dma_wait3A_154 = arith.constant 0 : i32
        %dma_wait3A_155 = tpu.memref_slice %arg5[%sub3A_81, %dma_wait3A_153, %dma_wait3A_154] : memref<2x6x128xi32, #tpu.memory_space<vmem>> -> memref<1x6x128xi32, #tpu.memory_space<vmem>>
        %dma_wait3A_156 = tpu.memref_squeeze %dma_wait3A_155 : memref<1x6x128xi32, #tpu.memory_space<vmem>> -> memref<6x128xi32, #tpu.memory_space<vmem>>
        %dma_wait3A_157 = arith.constant 0 : i32
        %dma_wait3A_158 = arith.constant 0 : i32
        %dma_wait3A_159 = tpu.memref_slice %arg3[%add3A_142, %dma_wait3A_157, %dma_wait3A_158] : memref<1264x6x128xi32, #tpu.memory_space<hbm>> -> memref<1x6x128xi32, #tpu.memory_space<hbm>>
        %dma_wait3A_160 = tpu.memref_squeeze %dma_wait3A_159 : memref<1x6x128xi32, #tpu.memory_space<hbm>> -> memref<6x128xi32, #tpu.memory_space<hbm>>
        tpu.wait_dma2 semaphore(%dma_wait3A_152 : memref<!tpu.dma_semaphore, #tpu.memory_space<semaphore_mem>>) src(%dma_wait3A_160 : memref<6x128xi32, #tpu.memory_space<hbm>>) dst(%dma_wait3A_156 : memref<6x128xi32, #tpu.memory_space<vmem>>)
        %dma_wait3A_161 = arith.constant 2 : i32
        %dma_wait3A_162 = arith.constant 0 : i32
        %dma_wait3A_163 = tpu.memref_slice %arg5[%and3A_80, %dma_wait3A_161, %dma_wait3A_162] : memref<2x6x128xi32, #tpu.memory_space<vmem>> -> memref<1x1x128xi32, #tpu.memory_space<vmem>>
        %dma_wait3A_164 = tpu.memref_squeeze %dma_wait3A_163 : memref<1x1x128xi32, #tpu.memory_space<vmem>> -> memref<128xi32, #tpu.memory_space<vmem>>
        %dma_wait3A_165 = arith.constant 0 : i32
        %dma_wait3A_166 = arith.constant 0 : i32
        %dma_wait3A_167 = tpu.memref_slice %arg8[%dma_wait3A_165, %dma_wait3A_166] : memref<10240x48xf32, #tpu.memory_space<vmem_shared>> -> memref<10240x48xf32, #tpu.memory_space<vmem_shared>>
        tpu.wait_indirect_dma semaphore(%arg12 : memref<!tpu.dma_semaphore, #tpu.memory_space<semaphore_mem>>) src(%arg6 : memref<128x48xf32, #tpu.memory_space<vmem>>) dst(%dma_wait3A_167 : memref<10240x48xf32, #tpu.memory_space<vmem_shared>>)
        %dma_start3A_168 = arith.constant 0 : i32
        %dma_start3A_169 = arith.constant 0 : i32
        %dma_start3A_170 = tpu.memref_slice %arg5[%sub3A_81, %dma_start3A_168, %dma_start3A_169] : memref<2x6x128xi32, #tpu.memory_space<vmem>> -> memref<1x1x128xi32, #tpu.memory_space<vmem>>
        %dma_start3A_171 = tpu.memref_squeeze %dma_start3A_170 : memref<1x1x128xi32, #tpu.memory_space<vmem>> -> memref<128xi32, #tpu.memory_space<vmem>>
        %dma_start3A_172 = arith.constant 0 : i32
        %dma_start3A_173 = arith.constant 0 : i32
        %dma_start3A_174 = tpu.memref_slice %arg2[%dma_start3A_172, %dma_start3A_173] : memref<10240x48xf32, #tpu.memory_space<hbm>> -> memref<10240x48xf32, #tpu.memory_space<hbm>>
        tpu.enqueue_indirect_dma source(%dma_start3A_174 : memref<10240x48xf32, #tpu.memory_space<hbm>>) target(%arg6 : memref<128x48xf32, #tpu.memory_space<vmem>>) offsets(%dma_start3A_171 : memref<128xi32, #tpu.memory_space<vmem>>) semaphore(%arg10 : memref<!tpu.dma_semaphore, #tpu.memory_space<semaphore_mem>>)
        %dma_wait3A_175 = arith.constant 3 : i32
        %dma_wait3A_176 = arith.constant 0 : i32
        %dma_wait3A_177 = tpu.memref_slice %arg5[%and3A_80, %dma_wait3A_175, %dma_wait3A_176] : memref<2x6x128xi32, #tpu.memory_space<vmem>> -> memref<1x1x128xi32, #tpu.memory_space<vmem>>
        %dma_wait3A_178 = tpu.memref_squeeze %dma_wait3A_177 : memref<1x1x128xi32, #tpu.memory_space<vmem>> -> memref<128xi32, #tpu.memory_space<vmem>>
        %dma_wait3A_179 = arith.constant 0 : i32
        %dma_wait3A_180 = arith.constant 0 : i32
        %dma_wait3A_181 = tpu.memref_slice %arg8[%dma_wait3A_179, %dma_wait3A_180] : memref<10240x48xf32, #tpu.memory_space<vmem_shared>> -> memref<10240x48xf32, #tpu.memory_space<vmem_shared>>
        tpu.wait_indirect_dma semaphore(%arg13 : memref<!tpu.dma_semaphore, #tpu.memory_space<semaphore_mem>>) src(%arg7 : memref<128x48xf32, #tpu.memory_space<vmem>>) dst(%dma_wait3A_181 : memref<10240x48xf32, #tpu.memory_space<vmem_shared>>)
        %dma_start3A_182 = arith.constant 1 : i32
        %dma_start3A_183 = arith.constant 0 : i32
        %dma_start3A_184 = tpu.memref_slice %arg5[%sub3A_81, %dma_start3A_182, %dma_start3A_183] : memref<2x6x128xi32, #tpu.memory_space<vmem>> -> memref<1x1x128xi32, #tpu.memory_space<vmem>>
        %dma_start3A_185 = tpu.memref_squeeze %dma_start3A_184 : memref<1x1x128xi32, #tpu.memory_space<vmem>> -> memref<128xi32, #tpu.memory_space<vmem>>
        %dma_start3A_186 = arith.constant 0 : i32
        %dma_start3A_187 = arith.constant 0 : i32
        %dma_start3A_188 = tpu.memref_slice %arg2[%dma_start3A_186, %dma_start3A_187] : memref<10240x48xf32, #tpu.memory_space<hbm>> -> memref<10240x48xf32, #tpu.memory_space<hbm>>
        tpu.enqueue_indirect_dma source(%dma_start3A_188 : memref<10240x48xf32, #tpu.memory_space<hbm>>) target(%arg7 : memref<128x48xf32, #tpu.memory_space<vmem>>) offsets(%dma_start3A_185 : memref<128xi32, #tpu.memory_space<vmem>>) semaphore(%arg11 : memref<!tpu.dma_semaphore, #tpu.memory_space<semaphore_mem>>)
      } else {
      }
      %add3A_135 = arith.constant 1 : i32
      %add3A_136 = arith.addi %while3A_79, %add3A_135 : i32
      %ge3A = arith.cmpi sge, %add3A_136, %select_n3A_8 : i32
      %convert_element_type3A_137 = arith.extui %ge3A : i1 to i32
      %cond3A_138 = arith.constant 0 : i32
      %cond3A_139 = arith.cmpi ne, %convert_element_type3A_137, %cond3A_138 : i32
      scf.if %cond3A_139 {
        %dma_wait3A_140 = arith.constant 2 : i32
        %dma_wait3A_141 = arith.constant 0 : i32
        %dma_wait3A_142 = tpu.memref_slice %arg5[%and3A_80, %dma_wait3A_140, %dma_wait3A_141] : memref<2x6x128xi32, #tpu.memory_space<vmem>> -> memref<1x1x128xi32, #tpu.memory_space<vmem>>
        %dma_wait3A_143 = tpu.memref_squeeze %dma_wait3A_142 : memref<1x1x128xi32, #tpu.memory_space<vmem>> -> memref<128xi32, #tpu.memory_space<vmem>>
        %dma_wait3A_144 = arith.constant 0 : i32
        %dma_wait3A_145 = arith.constant 0 : i32
        %dma_wait3A_146 = tpu.memref_slice %arg8[%dma_wait3A_144, %dma_wait3A_145] : memref<10240x48xf32, #tpu.memory_space<vmem_shared>> -> memref<10240x48xf32, #tpu.memory_space<vmem_shared>>
        tpu.wait_indirect_dma semaphore(%arg12 : memref<!tpu.dma_semaphore, #tpu.memory_space<semaphore_mem>>) src(%arg6 : memref<128x48xf32, #tpu.memory_space<vmem>>) dst(%dma_wait3A_146 : memref<10240x48xf32, #tpu.memory_space<vmem_shared>>)
        %dma_wait3A_147 = arith.constant 3 : i32
        %dma_wait3A_148 = arith.constant 0 : i32
        %dma_wait3A_149 = tpu.memref_slice %arg5[%and3A_80, %dma_wait3A_147, %dma_wait3A_148] : memref<2x6x128xi32, #tpu.memory_space<vmem>> -> memref<1x1x128xi32, #tpu.memory_space<vmem>>
        %dma_wait3A_150 = tpu.memref_squeeze %dma_wait3A_149 : memref<1x1x128xi32, #tpu.memory_space<vmem>> -> memref<128xi32, #tpu.memory_space<vmem>>
        %dma_wait3A_151 = arith.constant 0 : i32
        %dma_wait3A_152 = arith.constant 0 : i32
        %dma_wait3A_153 = tpu.memref_slice %arg8[%dma_wait3A_151, %dma_wait3A_152] : memref<10240x48xf32, #tpu.memory_space<vmem_shared>> -> memref<10240x48xf32, #tpu.memory_space<vmem_shared>>
        tpu.wait_indirect_dma semaphore(%arg13 : memref<!tpu.dma_semaphore, #tpu.memory_space<semaphore_mem>>) src(%arg7 : memref<128x48xf32, #tpu.memory_space<vmem>>) dst(%dma_wait3A_153 : memref<10240x48xf32, #tpu.memory_space<vmem_shared>>)
      } else {
      }
    }
    %while3A_77 = arith.constant 1 : i32
    scf.for %while3A_79 = %while3A_75 to %while3A_71 step %while3A_77  : i32 {
      %and3A = arith.constant 1 : i32
      %and3A_80 = arith.andi %while3A_79, %and3A : i32
      %sub3A = arith.constant 1 : i32
      %sub3A_81 = arith.subi %sub3A, %and3A_80 : i32
      %add3A_82 = arith.constant 1 : i32
      %add3A_83 = arith.addi %while3A_79, %add3A_82 : i32
      %lt3A = arith.cmpi slt, %add3A_83, %select_n3A_8 : i32
      %convert_element_type3A = arith.extui %lt3A : i1 to i32
      %cond3A = arith.constant 0 : i32
      %cond3A_84 = arith.cmpi ne, %convert_element_type3A, %cond3A : i32
      scf.if %cond3A_84 {
        %add3A_140 = arith.constant 1 : i32
        %add3A_141 = arith.addi %while3A_79, %add3A_140 : i32
        %add3A_142 = arith.addi %select_n3A, %add3A_141 : i32
        %dma_start3A_143 = arith.constant 0 : i32
        %dma_start3A_144 = arith.constant 0 : i32
        %dma_start3A_145 = tpu.memref_slice %arg5[%sub3A_81, %dma_start3A_143, %dma_start3A_144] : memref<2x6x128xi32, #tpu.memory_space<vmem>> -> memref<1x6x128xi32, #tpu.memory_space<vmem>>
        %dma_start3A_146 = tpu.memref_squeeze %dma_start3A_145 : memref<1x6x128xi32, #tpu.memory_space<vmem>> -> memref<6x128xi32, #tpu.memory_space<vmem>>
        %dma_start3A_147 = arith.constant 0 : i32
        %dma_start3A_148 = arith.constant 0 : i32
        %dma_start3A_149 = tpu.memref_slice %arg3[%add3A_142, %dma_start3A_147, %dma_start3A_148] : memref<1264x6x128xi32, #tpu.memory_space<hbm>> -> memref<1x6x128xi32, #tpu.memory_space<hbm>>
        %dma_start3A_150 = tpu.memref_squeeze %dma_start3A_149 : memref<1x6x128xi32, #tpu.memory_space<hbm>> -> memref<6x128xi32, #tpu.memory_space<hbm>>
        %dma_start3A_151 = tpu.memref_slice %arg9[%sub3A_81] : memref<2x!tpu.dma_semaphore, #tpu.memory_space<semaphore_mem>> -> memref<1x!tpu.dma_semaphore, #tpu.memory_space<semaphore_mem>>
        %dma_start3A_152 = tpu.memref_squeeze %dma_start3A_151 : memref<1x!tpu.dma_semaphore, #tpu.memory_space<semaphore_mem>> -> memref<!tpu.dma_semaphore, #tpu.memory_space<semaphore_mem>>
        %dma_start3A_153 = arith.constant 0 : i32
        %dma_start3A_154 = arith.constant 0 : i32
        %dma_start3A_155 = tpu.memref_slice %arg5[%sub3A_81, %dma_start3A_153, %dma_start3A_154] : memref<2x6x128xi32, #tpu.memory_space<vmem>> -> memref<1x6x128xi32, #tpu.memory_space<vmem>>
        %dma_start3A_156 = tpu.memref_squeeze %dma_start3A_155 : memref<1x6x128xi32, #tpu.memory_space<vmem>> -> memref<6x128xi32, #tpu.memory_space<vmem>>
        %dma_start3A_157 = arith.constant 0 : i32
        %dma_start3A_158 = arith.constant 0 : i32
        %dma_start3A_159 = tpu.memref_slice %arg3[%add3A_142, %dma_start3A_157, %dma_start3A_158] : memref<1264x6x128xi32, #tpu.memory_space<hbm>> -> memref<1x6x128xi32, #tpu.memory_space<hbm>>
        %dma_start3A_160 = tpu.memref_squeeze %dma_start3A_159 : memref<1x6x128xi32, #tpu.memory_space<hbm>> -> memref<6x128xi32, #tpu.memory_space<hbm>>
        tpu.enqueue_dma source(%dma_start3A_160 : memref<6x128xi32, #tpu.memory_space<hbm>>) target(%dma_start3A_156 : memref<6x128xi32, #tpu.memory_space<vmem>>) target_semaphore(%dma_start3A_152 : memref<!tpu.dma_semaphore, #tpu.memory_space<semaphore_mem>>)
      } else {
      }
      %dma_wait3A_85 = arith.constant 0 : i32
      %dma_wait3A_86 = arith.constant 0 : i32
      %dma_wait3A_87 = tpu.memref_slice %arg5[%and3A_80, %dma_wait3A_85, %dma_wait3A_86] : memref<2x6x128xi32, #tpu.memory_space<vmem>> -> memref<1x1x128xi32, #tpu.memory_space<vmem>>
      %dma_wait3A_88 = tpu.memref_squeeze %dma_wait3A_87 : memref<1x1x128xi32, #tpu.memory_space<vmem>> -> memref<128xi32, #tpu.memory_space<vmem>>
      %dma_wait3A_89 = arith.constant 0 : i32
      %dma_wait3A_90 = arith.constant 0 : i32
      %dma_wait3A_91 = tpu.memref_slice %arg2[%dma_wait3A_89, %dma_wait3A_90] : memref<10240x48xf32, #tpu.memory_space<hbm>> -> memref<10240x48xf32, #tpu.memory_space<hbm>>
      tpu.wait_indirect_dma semaphore(%arg10 : memref<!tpu.dma_semaphore, #tpu.memory_space<semaphore_mem>>) src(%dma_wait3A_91 : memref<10240x48xf32, #tpu.memory_space<hbm>>) dst(%arg6 : memref<128x48xf32, #tpu.memory_space<vmem>>)
      %broadcast_in_dim3A = vector.broadcast %and3A_80 : i32 to vector<16xi32>
      %broadcast_in_dim3A_92 = arith.constant 4 : i32
      %broadcast_in_dim3A_93 = vector.broadcast %broadcast_in_dim3A_92 : i32 to vector<16xi32>
      %scan3A = arith.constant 0 : i32
      %scan3A_94 = arith.constant 0 : i32
      %scan3A_95 = arith.constant 128 : i32
      %scan3A_96 = arith.addi %scan3A_94, %scan3A_95 : i32
      %scan3A_97 = arith.constant 4 : i32
      scf.for %scan3A_140 = %scan3A_94 to %scan3A_96 step %scan3A_97  : i32 {
        %broadcast_in_dim3A_141 = vector.broadcast %scan3A_140 : i32 to vector<16xi32>
        %gather3A = tpu.vector_load_idx %arg5[%broadcast_in_dim3A, %broadcast_in_dim3A_93, %broadcast_in_dim3A_141] : memref<2x6x128xi32, #tpu.memory_space<vmem>>[vector<16xi32>, vector<16xi32>, vector<16xi32>], vector<16xi32>,
        %bitcast3A = vector.bitcast %gather3A : vector<16xi32> to vector<16xf32>
        %get3A = arith.index_cast %scan3A_140 : i32 to index
        %get3A_142 = arith.constant 0 : index
        %get3A_143 = tpu.vector_load %arg6[%get3A, %get3A_142] {strides = array<i32>} : memref<128x48xf32, #tpu.memory_space<vmem>>, vector<16xf32>,
        %mul3A_144 = arith.mulf %get3A_143, %bitcast3A : vector<16xf32>
        %swap3A = arith.index_cast %scan3A_140 : i32 to index
        %swap3A_145 = arith.constant 0 : index
        %swap3A_146 = tpu.vector_load %arg6[%swap3A, %swap3A_145] {strides = array<i32>} : memref<128x48xf32, #tpu.memory_space<vmem>>, vector<16xf32>,
        tpu.vector_store %arg6[%swap3A, %swap3A_145], %mul3A_144 {strides = array<i32>} : memref<128x48xf32, #tpu.memory_space<vmem>>, vector<16xf32>,
        %get3A_147 = arith.index_cast %scan3A_140 : i32 to index
        %get3A_148 = arith.constant 16 : index
        %get3A_149 = tpu.vector_load %arg6[%get3A_147, %get3A_148] {strides = array<i32>} : memref<128x48xf32, #tpu.memory_space<vmem>>, vector<16xf32>,
        %mul3A_150 = arith.mulf %get3A_149, %bitcast3A : vector<16xf32>
        %swap3A_151 = arith.index_cast %scan3A_140 : i32 to index
        %swap3A_152 = arith.constant 16 : index
        %swap3A_153 = tpu.vector_load %arg6[%swap3A_151, %swap3A_152] {strides = array<i32>} : memref<128x48xf32, #tpu.memory_space<vmem>>, vector<16xf32>,
        tpu.vector_store %arg6[%swap3A_151, %swap3A_152], %mul3A_150 {strides = array<i32>} : memref<128x48xf32, #tpu.memory_space<vmem>>, vector<16xf32>,
        %get3A_154 = arith.index_cast %scan3A_140 : i32 to index
        %get3A_155 = arith.constant 32 : index
        %get3A_156 = tpu.vector_load %arg6[%get3A_154, %get3A_155] {strides = array<i32>} : memref<128x48xf32, #tpu.memory_space<vmem>>, vector<16xf32>,
        %mul3A_157 = arith.mulf %get3A_156, %bitcast3A : vector<16xf32>
        %swap3A_158 = arith.index_cast %scan3A_140 : i32 to index
        %swap3A_159 = arith.constant 32 : index
        %swap3A_160 = tpu.vector_load %arg6[%swap3A_158, %swap3A_159] {strides = array<i32>} : memref<128x48xf32, #tpu.memory_space<vmem>>, vector<16xf32>,
        tpu.vector_store %arg6[%swap3A_158, %swap3A_159], %mul3A_157 {strides = array<i32>} : memref<128x48xf32, #tpu.memory_space<vmem>>, vector<16xf32>,
        %scan3A_161 = arith.constant 1 : i32
        %scan3A_162 = arith.addi %scan3A_140, %scan3A_161 : i32
        %broadcast_in_dim3A_163 = vector.broadcast %scan3A_162 : i32 to vector<16xi32>
        %gather3A_164 = tpu.vector_load_idx %arg5[%broadcast_in_dim3A, %broadcast_in_dim3A_93, %broadcast_in_dim3A_163] : memref<2x6x128xi32, #tpu.memory_space<vmem>>[vector<16xi32>, vector<16xi32>, vector<16xi32>], vector<16xi32>,
        %bitcast3A_165 = vector.bitcast %gather3A_164 : vector<16xi32> to vector<16xf32>
        %get3A_166 = arith.index_cast %scan3A_162 : i32 to index
        %get3A_167 = arith.constant 0 : index
        %get3A_168 = tpu.vector_load %arg6[%get3A_166, %get3A_167] {strides = array<i32>} : memref<128x48xf32, #tpu.memory_space<vmem>>, vector<16xf32>,
        %mul3A_169 = arith.mulf %get3A_168, %bitcast3A_165 : vector<16xf32>
        %swap3A_170 = arith.index_cast %scan3A_162 : i32 to index
        %swap3A_171 = arith.constant 0 : index
        %swap3A_172 = tpu.vector_load %arg6[%swap3A_170, %swap3A_171] {strides = array<i32>} : memref<128x48xf32, #tpu.memory_space<vmem>>, vector<16xf32>,
        tpu.vector_store %arg6[%swap3A_170, %swap3A_171], %mul3A_169 {strides = array<i32>} : memref<128x48xf32, #tpu.memory_space<vmem>>, vector<16xf32>,
        %get3A_173 = arith.index_cast %scan3A_162 : i32 to index
        %get3A_174 = arith.constant 16 : index
        %get3A_175 = tpu.vector_load %arg6[%get3A_173, %get3A_174] {strides = array<i32>} : memref<128x48xf32, #tpu.memory_space<vmem>>, vector<16xf32>,
        %mul3A_176 = arith.mulf %get3A_175, %bitcast3A_165 : vector<16xf32>
        %swap3A_177 = arith.index_cast %scan3A_162 : i32 to index
        %swap3A_178 = arith.constant 16 : index
        %swap3A_179 = tpu.vector_load %arg6[%swap3A_177, %swap3A_178] {strides = array<i32>} : memref<128x48xf32, #tpu.memory_space<vmem>>, vector<16xf32>,
        tpu.vector_store %arg6[%swap3A_177, %swap3A_178], %mul3A_176 {strides = array<i32>} : memref<128x48xf32, #tpu.memory_space<vmem>>, vector<16xf32>,
        %get3A_180 = arith.index_cast %scan3A_162 : i32 to index
        %get3A_181 = arith.constant 32 : index
        %get3A_182 = tpu.vector_load %arg6[%get3A_180, %get3A_181] {strides = array<i32>} : memref<128x48xf32, #tpu.memory_space<vmem>>, vector<16xf32>,
        %mul3A_183 = arith.mulf %get3A_182, %bitcast3A_165 : vector<16xf32>
        %swap3A_184 = arith.index_cast %scan3A_162 : i32 to index
        %swap3A_185 = arith.constant 32 : index
        %swap3A_186 = tpu.vector_load %arg6[%swap3A_184, %swap3A_185] {strides = array<i32>} : memref<128x48xf32, #tpu.memory_space<vmem>>, vector<16xf32>,
        tpu.vector_store %arg6[%swap3A_184, %swap3A_185], %mul3A_183 {strides = array<i32>} : memref<128x48xf32, #tpu.memory_space<vmem>>, vector<16xf32>,
        %scan3A_187 = arith.constant 2 : i32
        %scan3A_188 = arith.addi %scan3A_140, %scan3A_187 : i32
        %broadcast_in_dim3A_189 = vector.broadcast %scan3A_188 : i32 to vector<16xi32>
        %gather3A_190 = tpu.vector_load_idx %arg5[%broadcast_in_dim3A, %broadcast_in_dim3A_93, %broadcast_in_dim3A_189] : memref<2x6x128xi32, #tpu.memory_space<vmem>>[vector<16xi32>, vector<16xi32>, vector<16xi32>], vector<16xi32>,
        %bitcast3A_191 = vector.bitcast %gather3A_190 : vector<16xi32> to vector<16xf32>
        %get3A_192 = arith.index_cast %scan3A_188 : i32 to index
        %get3A_193 = arith.constant 0 : index
        %get3A_194 = tpu.vector_load %arg6[%get3A_192, %get3A_193] {strides = array<i32>} : memref<128x48xf32, #tpu.memory_space<vmem>>, vector<16xf32>,
        %mul3A_195 = arith.mulf %get3A_194, %bitcast3A_191 : vector<16xf32>
        %swap3A_196 = arith.index_cast %scan3A_188 : i32 to index
        %swap3A_197 = arith.constant 0 : index
        %swap3A_198 = tpu.vector_load %arg6[%swap3A_196, %swap3A_197] {strides = array<i32>} : memref<128x48xf32, #tpu.memory_space<vmem>>, vector<16xf32>,
        tpu.vector_store %arg6[%swap3A_196, %swap3A_197], %mul3A_195 {strides = array<i32>} : memref<128x48xf32, #tpu.memory_space<vmem>>, vector<16xf32>,
        %get3A_199 = arith.index_cast %scan3A_188 : i32 to index
        %get3A_200 = arith.constant 16 : index
        %get3A_201 = tpu.vector_load %arg6[%get3A_199, %get3A_200] {strides = array<i32>} : memref<128x48xf32, #tpu.memory_space<vmem>>, vector<16xf32>,
        %mul3A_202 = arith.mulf %get3A_201, %bitcast3A_191 : vector<16xf32>
        %swap3A_203 = arith.index_cast %scan3A_188 : i32 to index
        %swap3A_204 = arith.constant 16 : index
        %swap3A_205 = tpu.vector_load %arg6[%swap3A_203, %swap3A_204] {strides = array<i32>} : memref<128x48xf32, #tpu.memory_space<vmem>>, vector<16xf32>,
        tpu.vector_store %arg6[%swap3A_203, %swap3A_204], %mul3A_202 {strides = array<i32>} : memref<128x48xf32, #tpu.memory_space<vmem>>, vector<16xf32>,
        %get3A_206 = arith.index_cast %scan3A_188 : i32 to index
        %get3A_207 = arith.constant 32 : index
        %get3A_208 = tpu.vector_load %arg6[%get3A_206, %get3A_207] {strides = array<i32>} : memref<128x48xf32, #tpu.memory_space<vmem>>, vector<16xf32>,
        %mul3A_209 = arith.mulf %get3A_208, %bitcast3A_191 : vector<16xf32>
        %swap3A_210 = arith.index_cast %scan3A_188 : i32 to index
        %swap3A_211 = arith.constant 32 : index
        %swap3A_212 = tpu.vector_load %arg6[%swap3A_210, %swap3A_211] {strides = array<i32>} : memref<128x48xf32, #tpu.memory_space<vmem>>, vector<16xf32>,
        tpu.vector_store %arg6[%swap3A_210, %swap3A_211], %mul3A_209 {strides = array<i32>} : memref<128x48xf32, #tpu.memory_space<vmem>>, vector<16xf32>,
        %scan3A_213 = arith.constant 3 : i32
        %scan3A_214 = arith.addi %scan3A_140, %scan3A_213 : i32
        %broadcast_in_dim3A_215 = vector.broadcast %scan3A_214 : i32 to vector<16xi32>
        %gather3A_216 = tpu.vector_load_idx %arg5[%broadcast_in_dim3A, %broadcast_in_dim3A_93, %broadcast_in_dim3A_215] : memref<2x6x128xi32, #tpu.memory_space<vmem>>[vector<16xi32>, vector<16xi32>, vector<16xi32>], vector<16xi32>,
        %bitcast3A_217 = vector.bitcast %gather3A_216 : vector<16xi32> to vector<16xf32>
        %get3A_218 = arith.index_cast %scan3A_214 : i32 to index
        %get3A_219 = arith.constant 0 : index
        %get3A_220 = tpu.vector_load %arg6[%get3A_218, %get3A_219] {strides = array<i32>} : memref<128x48xf32, #tpu.memory_space<vmem>>, vector<16xf32>,
        %mul3A_221 = arith.mulf %get3A_220, %bitcast3A_217 : vector<16xf32>
        %swap3A_222 = arith.index_cast %scan3A_214 : i32 to index
        %swap3A_223 = arith.constant 0 : index
        %swap3A_224 = tpu.vector_load %arg6[%swap3A_222, %swap3A_223] {strides = array<i32>} : memref<128x48xf32, #tpu.memory_space<vmem>>, vector<16xf32>,
        tpu.vector_store %arg6[%swap3A_222, %swap3A_223], %mul3A_221 {strides = array<i32>} : memref<128x48xf32, #tpu.memory_space<vmem>>, vector<16xf32>,
        %get3A_225 = arith.index_cast %scan3A_214 : i32 to index
        %get3A_226 = arith.constant 16 : index
        %get3A_227 = tpu.vector_load %arg6[%get3A_225, %get3A_226] {strides = array<i32>} : memref<128x48xf32, #tpu.memory_space<vmem>>, vector<16xf32>,
        %mul3A_228 = arith.mulf %get3A_227, %bitcast3A_217 : vector<16xf32>
        %swap3A_229 = arith.index_cast %scan3A_214 : i32 to index
        %swap3A_230 = arith.constant 16 : index
        %swap3A_231 = tpu.vector_load %arg6[%swap3A_229, %swap3A_230] {strides = array<i32>} : memref<128x48xf32, #tpu.memory_space<vmem>>, vector<16xf32>,
        tpu.vector_store %arg6[%swap3A_229, %swap3A_230], %mul3A_228 {strides = array<i32>} : memref<128x48xf32, #tpu.memory_space<vmem>>, vector<16xf32>,
        %get3A_232 = arith.index_cast %scan3A_214 : i32 to index
        %get3A_233 = arith.constant 32 : index
        %get3A_234 = tpu.vector_load %arg6[%get3A_232, %get3A_233] {strides = array<i32>} : memref<128x48xf32, #tpu.memory_space<vmem>>, vector<16xf32>,
        %mul3A_235 = arith.mulf %get3A_234, %bitcast3A_217 : vector<16xf32>
        %swap3A_236 = arith.index_cast %scan3A_214 : i32 to index
        %swap3A_237 = arith.constant 32 : index
        %swap3A_238 = tpu.vector_load %arg6[%swap3A_236, %swap3A_237] {strides = array<i32>} : memref<128x48xf32, #tpu.memory_space<vmem>>, vector<16xf32>,
        tpu.vector_store %arg6[%swap3A_236, %swap3A_237], %mul3A_235 {strides = array<i32>} : memref<128x48xf32, #tpu.memory_space<vmem>>, vector<16xf32>,
      }
      %scan3A_98 = arith.constant 128 : i32
      %dma_start3A_99 = arith.constant 2 : i32
      %dma_start3A_100 = arith.constant 0 : i32
      %dma_start3A_101 = tpu.memref_slice %arg5[%and3A_80, %dma_start3A_99, %dma_start3A_100] : memref<2x6x128xi32, #tpu.memory_space<vmem>> -> memref<1x1x128xi32, #tpu.memory_space<vmem>>
      %dma_start3A_102 = tpu.memref_squeeze %dma_start3A_101 : memref<1x1x128xi32, #tpu.memory_space<vmem>> -> memref<128xi32, #tpu.memory_space<vmem>>
      %dma_start3A_103 = arith.constant 0 : i32
      %dma_start3A_104 = arith.constant 0 : i32
      %dma_start3A_105 = tpu.memref_slice %arg8[%dma_start3A_103, %dma_start3A_104] : memref<10240x48xf32, #tpu.memory_space<vmem_shared>> -> memref<10240x48xf32, #tpu.memory_space<vmem_shared>>
      tpu.enqueue_indirect_dma source(%arg6 : memref<128x48xf32, #tpu.memory_space<vmem>>) target(%dma_start3A_105 : memref<10240x48xf32, #tpu.memory_space<vmem_shared>>) offsets(%dma_start3A_102 : memref<128xi32, #tpu.memory_space<vmem>>) semaphore(%arg12 : memref<!tpu.dma_semaphore, #tpu.memory_space<semaphore_mem>>) {add = true}
      %dma_wait3A_106 = arith.constant 1 : i32
      %dma_wait3A_107 = arith.constant 0 : i32
      %dma_wait3A_108 = tpu.memref_slice %arg5[%and3A_80, %dma_wait3A_106, %dma_wait3A_107] : memref<2x6x128xi32, #tpu.memory_space<vmem>> -> memref<1x1x128xi32, #tpu.memory_space<vmem>>
      %dma_wait3A_109 = tpu.memref_squeeze %dma_wait3A_108 : memref<1x1x128xi32, #tpu.memory_space<vmem>> -> memref<128xi32, #tpu.memory_space<vmem>>
      %dma_wait3A_110 = arith.constant 0 : i32
      %dma_wait3A_111 = arith.constant 0 : i32
      %dma_wait3A_112 = tpu.memref_slice %arg2[%dma_wait3A_110, %dma_wait3A_111] : memref<10240x48xf32, #tpu.memory_space<hbm>> -> memref<10240x48xf32, #tpu.memory_space<hbm>>
      tpu.wait_indirect_dma semaphore(%arg11 : memref<!tpu.dma_semaphore, #tpu.memory_space<semaphore_mem>>) src(%dma_wait3A_112 : memref<10240x48xf32, #tpu.memory_space<hbm>>) dst(%arg7 : memref<128x48xf32, #tpu.memory_space<vmem>>)
      %broadcast_in_dim3A_113 = vector.broadcast %and3A_80 : i32 to vector<16xi32>
      %broadcast_in_dim3A_114 = arith.constant 5 : i32
      %broadcast_in_dim3A_115 = vector.broadcast %broadcast_in_dim3A_114 : i32 to vector<16xi32>
      %scan3A_116 = arith.constant 0 : i32
      %scan3A_117 = arith.constant 0 : i32
      %scan3A_118 = arith.constant 128 : i32
      %scan3A_119 = arith.addi %scan3A_117, %scan3A_118 : i32
      %scan3A_120 = arith.constant 4 : i32
      scf.for %scan3A_140 = %scan3A_117 to %scan3A_119 step %scan3A_120  : i32 {
        %broadcast_in_dim3A_141 = vector.broadcast %scan3A_140 : i32 to vector<16xi32>
        %gather3A = tpu.vector_load_idx %arg5[%broadcast_in_dim3A_113, %broadcast_in_dim3A_115, %broadcast_in_dim3A_141] : memref<2x6x128xi32, #tpu.memory_space<vmem>>[vector<16xi32>, vector<16xi32>, vector<16xi32>], vector<16xi32>,
        %bitcast3A = vector.bitcast %gather3A : vector<16xi32> to vector<16xf32>
        %get3A = arith.index_cast %scan3A_140 : i32 to index
        %get3A_142 = arith.constant 0 : index
        %get3A_143 = tpu.vector_load %arg7[%get3A, %get3A_142] {strides = array<i32>} : memref<128x48xf32, #tpu.memory_space<vmem>>, vector<16xf32>,
        %mul3A_144 = arith.mulf %get3A_143, %bitcast3A : vector<16xf32>
        %swap3A = arith.index_cast %scan3A_140 : i32 to index
        %swap3A_145 = arith.constant 0 : index
        %swap3A_146 = tpu.vector_load %arg7[%swap3A, %swap3A_145] {strides = array<i32>} : memref<128x48xf32, #tpu.memory_space<vmem>>, vector<16xf32>,
        tpu.vector_store %arg7[%swap3A, %swap3A_145], %mul3A_144 {strides = array<i32>} : memref<128x48xf32, #tpu.memory_space<vmem>>, vector<16xf32>,
        %get3A_147 = arith.index_cast %scan3A_140 : i32 to index
        %get3A_148 = arith.constant 16 : index
        %get3A_149 = tpu.vector_load %arg7[%get3A_147, %get3A_148] {strides = array<i32>} : memref<128x48xf32, #tpu.memory_space<vmem>>, vector<16xf32>,
        %mul3A_150 = arith.mulf %get3A_149, %bitcast3A : vector<16xf32>
        %swap3A_151 = arith.index_cast %scan3A_140 : i32 to index
        %swap3A_152 = arith.constant 16 : index
        %swap3A_153 = tpu.vector_load %arg7[%swap3A_151, %swap3A_152] {strides = array<i32>} : memref<128x48xf32, #tpu.memory_space<vmem>>, vector<16xf32>,
        tpu.vector_store %arg7[%swap3A_151, %swap3A_152], %mul3A_150 {strides = array<i32>} : memref<128x48xf32, #tpu.memory_space<vmem>>, vector<16xf32>,
        %get3A_154 = arith.index_cast %scan3A_140 : i32 to index
        %get3A_155 = arith.constant 32 : index
        %get3A_156 = tpu.vector_load %arg7[%get3A_154, %get3A_155] {strides = array<i32>} : memref<128x48xf32, #tpu.memory_space<vmem>>, vector<16xf32>,
        %mul3A_157 = arith.mulf %get3A_156, %bitcast3A : vector<16xf32>
        %swap3A_158 = arith.index_cast %scan3A_140 : i32 to index
        %swap3A_159 = arith.constant 32 : index
        %swap3A_160 = tpu.vector_load %arg7[%swap3A_158, %swap3A_159] {strides = array<i32>} : memref<128x48xf32, #tpu.memory_space<vmem>>, vector<16xf32>,
        tpu.vector_store %arg7[%swap3A_158, %swap3A_159], %mul3A_157 {strides = array<i32>} : memref<128x48xf32, #tpu.memory_space<vmem>>, vector<16xf32>,
        %scan3A_161 = arith.constant 1 : i32
        %scan3A_162 = arith.addi %scan3A_140, %scan3A_161 : i32
        %broadcast_in_dim3A_163 = vector.broadcast %scan3A_162 : i32 to vector<16xi32>
        %gather3A_164 = tpu.vector_load_idx %arg5[%broadcast_in_dim3A_113, %broadcast_in_dim3A_115, %broadcast_in_dim3A_163] : memref<2x6x128xi32, #tpu.memory_space<vmem>>[vector<16xi32>, vector<16xi32>, vector<16xi32>], vector<16xi32>,
        %bitcast3A_165 = vector.bitcast %gather3A_164 : vector<16xi32> to vector<16xf32>
        %get3A_166 = arith.index_cast %scan3A_162 : i32 to index
        %get3A_167 = arith.constant 0 : index
        %get3A_168 = tpu.vector_load %arg7[%get3A_166, %get3A_167] {strides = array<i32>} : memref<128x48xf32, #tpu.memory_space<vmem>>, vector<16xf32>,
        %mul3A_169 = arith.mulf %get3A_168, %bitcast3A_165 : vector<16xf32>
        %swap3A_170 = arith.index_cast %scan3A_162 : i32 to index
        %swap3A_171 = arith.constant 0 : index
        %swap3A_172 = tpu.vector_load %arg7[%swap3A_170, %swap3A_171] {strides = array<i32>} : memref<128x48xf32, #tpu.memory_space<vmem>>, vector<16xf32>,
        tpu.vector_store %arg7[%swap3A_170, %swap3A_171], %mul3A_169 {strides = array<i32>} : memref<128x48xf32, #tpu.memory_space<vmem>>, vector<16xf32>,
        %get3A_173 = arith.index_cast %scan3A_162 : i32 to index
        %get3A_174 = arith.constant 16 : index
        %get3A_175 = tpu.vector_load %arg7[%get3A_173, %get3A_174] {strides = array<i32>} : memref<128x48xf32, #tpu.memory_space<vmem>>, vector<16xf32>,
        %mul3A_176 = arith.mulf %get3A_175, %bitcast3A_165 : vector<16xf32>
        %swap3A_177 = arith.index_cast %scan3A_162 : i32 to index
        %swap3A_178 = arith.constant 16 : index
        %swap3A_179 = tpu.vector_load %arg7[%swap3A_177, %swap3A_178] {strides = array<i32>} : memref<128x48xf32, #tpu.memory_space<vmem>>, vector<16xf32>,
        tpu.vector_store %arg7[%swap3A_177, %swap3A_178], %mul3A_176 {strides = array<i32>} : memref<128x48xf32, #tpu.memory_space<vmem>>, vector<16xf32>,
        %get3A_180 = arith.index_cast %scan3A_162 : i32 to index
        %get3A_181 = arith.constant 32 : index
        %get3A_182 = tpu.vector_load %arg7[%get3A_180, %get3A_181] {strides = array<i32>} : memref<128x48xf32, #tpu.memory_space<vmem>>, vector<16xf32>,
        %mul3A_183 = arith.mulf %get3A_182, %bitcast3A_165 : vector<16xf32>
        %swap3A_184 = arith.index_cast %scan3A_162 : i32 to index
        %swap3A_185 = arith.constant 32 : index
        %swap3A_186 = tpu.vector_load %arg7[%swap3A_184, %swap3A_185] {strides = array<i32>} : memref<128x48xf32, #tpu.memory_space<vmem>>, vector<16xf32>,
        tpu.vector_store %arg7[%swap3A_184, %swap3A_185], %mul3A_183 {strides = array<i32>} : memref<128x48xf32, #tpu.memory_space<vmem>>, vector<16xf32>,
        %scan3A_187 = arith.constant 2 : i32
        %scan3A_188 = arith.addi %scan3A_140, %scan3A_187 : i32
        %broadcast_in_dim3A_189 = vector.broadcast %scan3A_188 : i32 to vector<16xi32>
        %gather3A_190 = tpu.vector_load_idx %arg5[%broadcast_in_dim3A_113, %broadcast_in_dim3A_115, %broadcast_in_dim3A_189] : memref<2x6x128xi32, #tpu.memory_space<vmem>>[vector<16xi32>, vector<16xi32>, vector<16xi32>], vector<16xi32>,
        %bitcast3A_191 = vector.bitcast %gather3A_190 : vector<16xi32> to vector<16xf32>
        %get3A_192 = arith.index_cast %scan3A_188 : i32 to index
        %get3A_193 = arith.constant 0 : index
        %get3A_194 = tpu.vector_load %arg7[%get3A_192, %get3A_193] {strides = array<i32>} : memref<128x48xf32, #tpu.memory_space<vmem>>, vector<16xf32>,
        %mul3A_195 = arith.mulf %get3A_194, %bitcast3A_191 : vector<16xf32>
        %swap3A_196 = arith.index_cast %scan3A_188 : i32 to index
        %swap3A_197 = arith.constant 0 : index
        %swap3A_198 = tpu.vector_load %arg7[%swap3A_196, %swap3A_197] {strides = array<i32>} : memref<128x48xf32, #tpu.memory_space<vmem>>, vector<16xf32>,
        tpu.vector_store %arg7[%swap3A_196, %swap3A_197], %mul3A_195 {strides = array<i32>} : memref<128x48xf32, #tpu.memory_space<vmem>>, vector<16xf32>,
        %get3A_199 = arith.index_cast %scan3A_188 : i32 to index
        %get3A_200 = arith.constant 16 : index
        %get3A_201 = tpu.vector_load %arg7[%get3A_199, %get3A_200] {strides = array<i32>} : memref<128x48xf32, #tpu.memory_space<vmem>>, vector<16xf32>,
        %mul3A_202 = arith.mulf %get3A_201, %bitcast3A_191 : vector<16xf32>
        %swap3A_203 = arith.index_cast %scan3A_188 : i32 to index
        %swap3A_204 = arith.constant 16 : index
        %swap3A_205 = tpu.vector_load %arg7[%swap3A_203, %swap3A_204] {strides = array<i32>} : memref<128x48xf32, #tpu.memory_space<vmem>>, vector<16xf32>,
        tpu.vector_store %arg7[%swap3A_203, %swap3A_204], %mul3A_202 {strides = array<i32>} : memref<128x48xf32, #tpu.memory_space<vmem>>, vector<16xf32>,
        %get3A_206 = arith.index_cast %scan3A_188 : i32 to index
        %get3A_207 = arith.constant 32 : index
        %get3A_208 = tpu.vector_load %arg7[%get3A_206, %get3A_207] {strides = array<i32>} : memref<128x48xf32, #tpu.memory_space<vmem>>, vector<16xf32>,
        %mul3A_209 = arith.mulf %get3A_208, %bitcast3A_191 : vector<16xf32>
        %swap3A_210 = arith.index_cast %scan3A_188 : i32 to index
        %swap3A_211 = arith.constant 32 : index
        %swap3A_212 = tpu.vector_load %arg7[%swap3A_210, %swap3A_211] {strides = array<i32>} : memref<128x48xf32, #tpu.memory_space<vmem>>, vector<16xf32>,
        tpu.vector_store %arg7[%swap3A_210, %swap3A_211], %mul3A_209 {strides = array<i32>} : memref<128x48xf32, #tpu.memory_space<vmem>>, vector<16xf32>,
        %scan3A_213 = arith.constant 3 : i32
        %scan3A_214 = arith.addi %scan3A_140, %scan3A_213 : i32
        %broadcast_in_dim3A_215 = vector.broadcast %scan3A_214 : i32 to vector<16xi32>
        %gather3A_216 = tpu.vector_load_idx %arg5[%broadcast_in_dim3A_113, %broadcast_in_dim3A_115, %broadcast_in_dim3A_215] : memref<2x6x128xi32, #tpu.memory_space<vmem>>[vector<16xi32>, vector<16xi32>, vector<16xi32>], vector<16xi32>,
        %bitcast3A_217 = vector.bitcast %gather3A_216 : vector<16xi32> to vector<16xf32>
        %get3A_218 = arith.index_cast %scan3A_214 : i32 to index
        %get3A_219 = arith.constant 0 : index
        %get3A_220 = tpu.vector_load %arg7[%get3A_218, %get3A_219] {strides = array<i32>} : memref<128x48xf32, #tpu.memory_space<vmem>>, vector<16xf32>,
        %mul3A_221 = arith.mulf %get3A_220, %bitcast3A_217 : vector<16xf32>
        %swap3A_222 = arith.index_cast %scan3A_214 : i32 to index
        %swap3A_223 = arith.constant 0 : index
        %swap3A_224 = tpu.vector_load %arg7[%swap3A_222, %swap3A_223] {strides = array<i32>} : memref<128x48xf32, #tpu.memory_space<vmem>>, vector<16xf32>,
        tpu.vector_store %arg7[%swap3A_222, %swap3A_223], %mul3A_221 {strides = array<i32>} : memref<128x48xf32, #tpu.memory_space<vmem>>, vector<16xf32>,
        %get3A_225 = arith.index_cast %scan3A_214 : i32 to index
        %get3A_226 = arith.constant 16 : index
        %get3A_227 = tpu.vector_load %arg7[%get3A_225, %get3A_226] {strides = array<i32>} : memref<128x48xf32, #tpu.memory_space<vmem>>, vector<16xf32>,
        %mul3A_228 = arith.mulf %get3A_227, %bitcast3A_217 : vector<16xf32>
        %swap3A_229 = arith.index_cast %scan3A_214 : i32 to index
        %swap3A_230 = arith.constant 16 : index
        %swap3A_231 = tpu.vector_load %arg7[%swap3A_229, %swap3A_230] {strides = array<i32>} : memref<128x48xf32, #tpu.memory_space<vmem>>, vector<16xf32>,
        tpu.vector_store %arg7[%swap3A_229, %swap3A_230], %mul3A_228 {strides = array<i32>} : memref<128x48xf32, #tpu.memory_space<vmem>>, vector<16xf32>,
        %get3A_232 = arith.index_cast %scan3A_214 : i32 to index
        %get3A_233 = arith.constant 32 : index
        %get3A_234 = tpu.vector_load %arg7[%get3A_232, %get3A_233] {strides = array<i32>} : memref<128x48xf32, #tpu.memory_space<vmem>>, vector<16xf32>,
        %mul3A_235 = arith.mulf %get3A_234, %bitcast3A_217 : vector<16xf32>
        %swap3A_236 = arith.index_cast %scan3A_214 : i32 to index
        %swap3A_237 = arith.constant 32 : index
        %swap3A_238 = tpu.vector_load %arg7[%swap3A_236, %swap3A_237] {strides = array<i32>} : memref<128x48xf32, #tpu.memory_space<vmem>>, vector<16xf32>,
        tpu.vector_store %arg7[%swap3A_236, %swap3A_237], %mul3A_235 {strides = array<i32>} : memref<128x48xf32, #tpu.memory_space<vmem>>, vector<16xf32>,
      }
      %scan3A_121 = arith.constant 128 : i32
      %dma_start3A_122 = arith.constant 3 : i32
      %dma_start3A_123 = arith.constant 0 : i32
      %dma_start3A_124 = tpu.memref_slice %arg5[%and3A_80, %dma_start3A_122, %dma_start3A_123] : memref<2x6x128xi32, #tpu.memory_space<vmem>> -> memref<1x1x128xi32, #tpu.memory_space<vmem>>
      %dma_start3A_125 = tpu.memref_squeeze %dma_start3A_124 : memref<1x1x128xi32, #tpu.memory_space<vmem>> -> memref<128xi32, #tpu.memory_space<vmem>>
      %dma_start3A_126 = arith.constant 0 : i32
      %dma_start3A_127 = arith.constant 0 : i32
      %dma_start3A_128 = tpu.memref_slice %arg8[%dma_start3A_126, %dma_start3A_127] : memref<10240x48xf32, #tpu.memory_space<vmem_shared>> -> memref<10240x48xf32, #tpu.memory_space<vmem_shared>>
      tpu.enqueue_indirect_dma source(%arg7 : memref<128x48xf32, #tpu.memory_space<vmem>>) target(%dma_start3A_128 : memref<10240x48xf32, #tpu.memory_space<vmem_shared>>) offsets(%dma_start3A_125 : memref<128xi32, #tpu.memory_space<vmem>>) semaphore(%arg13 : memref<!tpu.dma_semaphore, #tpu.memory_space<semaphore_mem>>) {add = true}
      %add3A_129 = arith.constant 1 : i32
      %add3A_130 = arith.addi %while3A_79, %add3A_129 : i32
      %lt3A_131 = arith.cmpi slt, %add3A_130, %select_n3A_8 : i32
      %convert_element_type3A_132 = arith.extui %lt3A_131 : i1 to i32
      %cond3A_133 = arith.constant 0 : i32
      %cond3A_134 = arith.cmpi ne, %convert_element_type3A_132, %cond3A_133 : i32
      scf.if %cond3A_134 {
        %add3A_140 = arith.constant 1 : i32
        %add3A_141 = arith.addi %while3A_79, %add3A_140 : i32
        %add3A_142 = arith.addi %select_n3A, %add3A_141 : i32
        %dma_wait3A_143 = arith.constant 0 : i32
        %dma_wait3A_144 = arith.constant 0 : i32
        %dma_wait3A_145 = tpu.memref_slice %arg5[%sub3A_81, %dma_wait3A_143, %dma_wait3A_144] : memref<2x6x128xi32, #tpu.memory_space<vmem>> -> memref<1x6x128xi32, #tpu.memory_space<vmem>>
        %dma_wait3A_146 = tpu.memref_squeeze %dma_wait3A_145 : memref<1x6x128xi32, #tpu.memory_space<vmem>> -> memref<6x128xi32, #tpu.memory_space<vmem>>
        %dma_wait3A_147 = arith.constant 0 : i32
        %dma_wait3A_148 = arith.constant 0 : i32
        %dma_wait3A_149 = tpu.memref_slice %arg3[%add3A_142, %dma_wait3A_147, %dma_wait3A_148] : memref<1264x6x128xi32, #tpu.memory_space<hbm>> -> memref<1x6x128xi32, #tpu.memory_space<hbm>>
        %dma_wait3A_150 = tpu.memref_squeeze %dma_wait3A_149 : memref<1x6x128xi32, #tpu.memory_space<hbm>> -> memref<6x128xi32, #tpu.memory_space<hbm>>
        %dma_wait3A_151 = tpu.memref_slice %arg9[%sub3A_81] : memref<2x!tpu.dma_semaphore, #tpu.memory_space<semaphore_mem>> -> memref<1x!tpu.dma_semaphore, #tpu.memory_space<semaphore_mem>>
        %dma_wait3A_152 = tpu.memref_squeeze %dma_wait3A_151 : memref<1x!tpu.dma_semaphore, #tpu.memory_space<semaphore_mem>> -> memref<!tpu.dma_semaphore, #tpu.memory_space<semaphore_mem>>
        %dma_wait3A_153 = arith.constant 0 : i32
        %dma_wait3A_154 = arith.constant 0 : i32
        %dma_wait3A_155 = tpu.memref_slice %arg5[%sub3A_81, %dma_wait3A_153, %dma_wait3A_154] : memref<2x6x128xi32, #tpu.memory_space<vmem>> -> memref<1x6x128xi32, #tpu.memory_space<vmem>>
        %dma_wait3A_156 = tpu.memref_squeeze %dma_wait3A_155 : memref<1x6x128xi32, #tpu.memory_space<vmem>> -> memref<6x128xi32, #tpu.memory_space<vmem>>
        %dma_wait3A_157 = arith.constant 0 : i32
        %dma_wait3A_158 = arith.constant 0 : i32
        %dma_wait3A_159 = tpu.memref_slice %arg3[%add3A_142, %dma_wait3A_157, %dma_wait3A_158] : memref<1264x6x128xi32, #tpu.memory_space<hbm>> -> memref<1x6x128xi32, #tpu.memory_space<hbm>>
        %dma_wait3A_160 = tpu.memref_squeeze %dma_wait3A_159 : memref<1x6x128xi32, #tpu.memory_space<hbm>> -> memref<6x128xi32, #tpu.memory_space<hbm>>
        tpu.wait_dma2 semaphore(%dma_wait3A_152 : memref<!tpu.dma_semaphore, #tpu.memory_space<semaphore_mem>>) src(%dma_wait3A_160 : memref<6x128xi32, #tpu.memory_space<hbm>>) dst(%dma_wait3A_156 : memref<6x128xi32, #tpu.memory_space<vmem>>)
        %dma_wait3A_161 = arith.constant 2 : i32
        %dma_wait3A_162 = arith.constant 0 : i32
        %dma_wait3A_163 = tpu.memref_slice %arg5[%and3A_80, %dma_wait3A_161, %dma_wait3A_162] : memref<2x6x128xi32, #tpu.memory_space<vmem>> -> memref<1x1x128xi32, #tpu.memory_space<vmem>>
        %dma_wait3A_164 = tpu.memref_squeeze %dma_wait3A_163 : memref<1x1x128xi32, #tpu.memory_space<vmem>> -> memref<128xi32, #tpu.memory_space<vmem>>
        %dma_wait3A_165 = arith.constant 0 : i32
        %dma_wait3A_166 = arith.constant 0 : i32
        %dma_wait3A_167 = tpu.memref_slice %arg8[%dma_wait3A_165, %dma_wait3A_166] : memref<10240x48xf32, #tpu.memory_space<vmem_shared>> -> memref<10240x48xf32, #tpu.memory_space<vmem_shared>>
        tpu.wait_indirect_dma semaphore(%arg12 : memref<!tpu.dma_semaphore, #tpu.memory_space<semaphore_mem>>) src(%arg6 : memref<128x48xf32, #tpu.memory_space<vmem>>) dst(%dma_wait3A_167 : memref<10240x48xf32, #tpu.memory_space<vmem_shared>>)
        %dma_start3A_168 = arith.constant 0 : i32
        %dma_start3A_169 = arith.constant 0 : i32
        %dma_start3A_170 = tpu.memref_slice %arg5[%sub3A_81, %dma_start3A_168, %dma_start3A_169] : memref<2x6x128xi32, #tpu.memory_space<vmem>> -> memref<1x1x128xi32, #tpu.memory_space<vmem>>
        %dma_start3A_171 = tpu.memref_squeeze %dma_start3A_170 : memref<1x1x128xi32, #tpu.memory_space<vmem>> -> memref<128xi32, #tpu.memory_space<vmem>>
        %dma_start3A_172 = arith.constant 0 : i32
        %dma_start3A_173 = arith.constant 0 : i32
        %dma_start3A_174 = tpu.memref_slice %arg2[%dma_start3A_172, %dma_start3A_173] : memref<10240x48xf32, #tpu.memory_space<hbm>> -> memref<10240x48xf32, #tpu.memory_space<hbm>>
        tpu.enqueue_indirect_dma source(%dma_start3A_174 : memref<10240x48xf32, #tpu.memory_space<hbm>>) target(%arg6 : memref<128x48xf32, #tpu.memory_space<vmem>>) offsets(%dma_start3A_171 : memref<128xi32, #tpu.memory_space<vmem>>) semaphore(%arg10 : memref<!tpu.dma_semaphore, #tpu.memory_space<semaphore_mem>>)
        %dma_wait3A_175 = arith.constant 3 : i32
        %dma_wait3A_176 = arith.constant 0 : i32
        %dma_wait3A_177 = tpu.memref_slice %arg5[%and3A_80, %dma_wait3A_175, %dma_wait3A_176] : memref<2x6x128xi32, #tpu.memory_space<vmem>> -> memref<1x1x128xi32, #tpu.memory_space<vmem>>
        %dma_wait3A_178 = tpu.memref_squeeze %dma_wait3A_177 : memref<1x1x128xi32, #tpu.memory_space<vmem>> -> memref<128xi32, #tpu.memory_space<vmem>>
        %dma_wait3A_179 = arith.constant 0 : i32
        %dma_wait3A_180 = arith.constant 0 : i32
        %dma_wait3A_181 = tpu.memref_slice %arg8[%dma_wait3A_179, %dma_wait3A_180] : memref<10240x48xf32, #tpu.memory_space<vmem_shared>> -> memref<10240x48xf32, #tpu.memory_space<vmem_shared>>
        tpu.wait_indirect_dma semaphore(%arg13 : memref<!tpu.dma_semaphore, #tpu.memory_space<semaphore_mem>>) src(%arg7 : memref<128x48xf32, #tpu.memory_space<vmem>>) dst(%dma_wait3A_181 : memref<10240x48xf32, #tpu.memory_space<vmem_shared>>)
        %dma_start3A_182 = arith.constant 1 : i32
        %dma_start3A_183 = arith.constant 0 : i32
        %dma_start3A_184 = tpu.memref_slice %arg5[%sub3A_81, %dma_start3A_182, %dma_start3A_183] : memref<2x6x128xi32, #tpu.memory_space<vmem>> -> memref<1x1x128xi32, #tpu.memory_space<vmem>>
        %dma_start3A_185 = tpu.memref_squeeze %dma_start3A_184 : memref<1x1x128xi32, #tpu.memory_space<vmem>> -> memref<128xi32, #tpu.memory_space<vmem>>
        %dma_start3A_186 = arith.constant 0 : i32
        %dma_start3A_187 = arith.constant 0 : i32
        %dma_start3A_188 = tpu.memref_slice %arg2[%dma_start3A_186, %dma_start3A_187] : memref<10240x48xf32, #tpu.memory_space<hbm>> -> memref<10240x48xf32, #tpu.memory_space<hbm>>
        tpu.enqueue_indirect_dma source(%dma_start3A_188 : memref<10240x48xf32, #tpu.memory_space<hbm>>) target(%arg7 : memref<128x48xf32, #tpu.memory_space<vmem>>) offsets(%dma_start3A_185 : memref<128xi32, #tpu.memory_space<vmem>>) semaphore(%arg11 : memref<!tpu.dma_semaphore, #tpu.memory_space<semaphore_mem>>)
      } else {
      }
      %add3A_135 = arith.constant 1 : i32
      %add3A_136 = arith.addi %while3A_79, %add3A_135 : i32
      %ge3A = arith.cmpi sge, %add3A_136, %select_n3A_8 : i32
      %convert_element_type3A_137 = arith.extui %ge3A : i1 to i32
      %cond3A_138 = arith.constant 0 : i32
      %cond3A_139 = arith.cmpi ne, %convert_element_type3A_137, %cond3A_138 : i32
      scf.if %cond3A_139 {
        %dma_wait3A_140 = arith.constant 2 : i32
        %dma_wait3A_141 = arith.constant 0 : i32
        %dma_wait3A_142 = tpu.memref_slice %arg5[%and3A_80, %dma_wait3A_140, %dma_wait3A_141] : memref<2x6x128xi32, #tpu.memory_space<vmem>> -> memref<1x1x128xi32, #tpu.memory_space<vmem>>
        %dma_wait3A_143 = tpu.memref_squeeze %dma_wait3A_142 : memref<1x1x128xi32, #tpu.memory_space<vmem>> -> memref<128xi32, #tpu.memory_space<vmem>>
        %dma_wait3A_144 = arith.constant 0 : i32
        %dma_wait3A_145 = arith.constant 0 : i32
        %dma_wait3A_146 = tpu.memref_slice %arg8[%dma_wait3A_144, %dma_wait3A_145] : memref<10240x48xf32, #tpu.memory_space<vmem_shared>> -> memref<10240x48xf32, #tpu.memory_space<vmem_shared>>
        tpu.wait_indirect_dma semaphore(%arg12 : memref<!tpu.dma_semaphore, #tpu.memory_space<semaphore_mem>>) src(%arg6 : memref<128x48xf32, #tpu.memory_space<vmem>>) dst(%dma_wait3A_146 : memref<10240x48xf32, #tpu.memory_space<vmem_shared>>)
        %dma_wait3A_147 = arith.constant 3 : i32
        %dma_wait3A_148 = arith.constant 0 : i32
        %dma_wait3A_149 = tpu.memref_slice %arg5[%and3A_80, %dma_wait3A_147, %dma_wait3A_148] : memref<2x6x128xi32, #tpu.memory_space<vmem>> -> memref<1x1x128xi32, #tpu.memory_space<vmem>>
        %dma_wait3A_150 = tpu.memref_squeeze %dma_wait3A_149 : memref<1x1x128xi32, #tpu.memory_space<vmem>> -> memref<128xi32, #tpu.memory_space<vmem>>
        %dma_wait3A_151 = arith.constant 0 : i32
        %dma_wait3A_152 = arith.constant 0 : i32
        %dma_wait3A_153 = tpu.memref_slice %arg8[%dma_wait3A_151, %dma_wait3A_152] : memref<10240x48xf32, #tpu.memory_space<vmem_shared>> -> memref<10240x48xf32, #tpu.memory_space<vmem_shared>>
        tpu.wait_indirect_dma semaphore(%arg13 : memref<!tpu.dma_semaphore, #tpu.memory_space<semaphore_mem>>) src(%arg7 : memref<128x48xf32, #tpu.memory_space<vmem>>) dst(%dma_wait3A_153 : memref<10240x48xf32, #tpu.memory_space<vmem_shared>>)
      } else {
      }
    }
    %barrier3A_78 = arith.constant 0 : index
    tpu.barrier barrier_id(%barrier3A_78)
    "tpu.region"() ({
      %run_scoped3A = tpu.sem_alloc : memref<!tpu.dma_semaphore, #tpu.memory_space<semaphore_mem>>
      %dma_start3A_79 = arith.constant 0 : i32
      %dma_start3A_80 = arith.constant 0 : i32
      %dma_start3A_81 = tpu.memref_slice %arg4[%arg0, %dma_start3A_79, %dma_start3A_80] : memref<2x10240x48xf32, #tpu.memory_space<hbm>> -> memref<1x10240x48xf32, #tpu.memory_space<hbm>>
      %dma_start3A_82 = tpu.memref_squeeze %dma_start3A_81 : memref<1x10240x48xf32, #tpu.memory_space<hbm>> -> memref<10240x48xf32, #tpu.memory_space<hbm>>
      %dma_start3A_83 = arith.constant 0 : i32
      %dma_start3A_84 = tpu.memref_slice %dma_start3A_82[%mul3A_10, %dma_start3A_83] : memref<10240x48xf32, #tpu.memory_space<hbm>> -> memref<640x48xf32, #tpu.memory_space<hbm>>
      %dma_start3A_85 = arith.constant 0 : i32
      %dma_start3A_86 = tpu.memref_slice %arg8[%mul3A_10, %dma_start3A_85] : memref<10240x48xf32, #tpu.memory_space<vmem_shared>> -> memref<640x48xf32, #tpu.memory_space<vmem_shared>>
      tpu.enqueue_dma source(%dma_start3A_86 : memref<640x48xf32, #tpu.memory_space<vmem_shared>>) target(%dma_start3A_84 : memref<640x48xf32, #tpu.memory_space<hbm>>) target_semaphore(%run_scoped3A : memref<!tpu.dma_semaphore, #tpu.memory_space<semaphore_mem>>)
      %dma_wait3A_87 = arith.constant 0 : i32
      %dma_wait3A_88 = arith.constant 0 : i32
      %dma_wait3A_89 = tpu.memref_slice %arg4[%arg0, %dma_wait3A_87, %dma_wait3A_88] : memref<2x10240x48xf32, #tpu.memory_space<hbm>> -> memref<1x10240x48xf32, #tpu.memory_space<hbm>>
      %dma_wait3A_90 = tpu.memref_squeeze %dma_wait3A_89 : memref<1x10240x48xf32, #tpu.memory_space<hbm>> -> memref<10240x48xf32, #tpu.memory_space<hbm>>
      %dma_wait3A_91 = arith.constant 0 : i32
      %dma_wait3A_92 = tpu.memref_slice %dma_wait3A_90[%mul3A_10, %dma_wait3A_91] : memref<10240x48xf32, #tpu.memory_space<hbm>> -> memref<640x48xf32, #tpu.memory_space<hbm>>
      %dma_wait3A_93 = arith.constant 0 : i32
      %dma_wait3A_94 = tpu.memref_slice %arg8[%mul3A_10, %dma_wait3A_93] : memref<10240x48xf32, #tpu.memory_space<vmem_shared>> -> memref<640x48xf32, #tpu.memory_space<vmem_shared>>
      tpu.wait_dma2 semaphore(%run_scoped3A : memref<!tpu.dma_semaphore, #tpu.memory_space<semaphore_mem>>) src(%dma_wait3A_94 : memref<640x48xf32, #tpu.memory_space<vmem_shared>>) dst(%dma_wait3A_92 : memref<640x48xf32, #tpu.memory_space<hbm>>)
      tpu.yield
    }) : () -> ()
    return
  }
}

module attributes {stable_mosaic.version = 14 : i64} {
  func.func @_lin1_body(%arg0: i32, %arg1: memref<2x512x16xf32, #tpu.memory_space<vmem>>, %arg2: memref<512x128xf32, #tpu.memory_space<vmem>>, %arg3: memref<128x128xf32, #tpu.memory_space<vmem>>, %arg4: memref<512x128xf32, #tpu.memory_space<vmem>>) attributes {dimension_semantics = [#tpu.dimension_semantics<arbitrary>], iteration_bounds = array<i64: 20>, scalar_prefetch = 0 : i64, scratch_operands = 0 : i64, tpu.core_type = #tpu.core_type<tc>, window_params = [{transform_indices = @transform_0, window_bounds = array<i64: 2, 512, 16>}, {transform_indices = @transform_1, window_bounds = array<i64: 512, 128>}, {pipeline_mode = #tpu.pipeline_mode<synchronous>, transform_indices = @transform_2, window_bounds = array<i64: 128, 128>}, {transform_indices = @transform_3, window_bounds = array<i64: 512, 128>}]} {
    %get3A = arith.constant 0 : index
    %get3A_0 = arith.constant 0 : index
    %get3A_1 = arith.constant 0 : index
    %get3A_2 = vector.load %arg1[%get3A, %get3A_0, %get3A_1] : memref<2x512x16xf32, #tpu.memory_space<vmem>>, vector<1x512x16xf32>
    %get3A_3 = vector.shape_cast %get3A_2 : vector<1x512x16xf32> to vector<512x16xf32>
    %slice3A = vector.extract_strided_slice %get3A_3 {offsets = [0, 0], sizes = [512, 1], strides = [1, 1]} : vector<512x16xf32> to vector<512x1xf32>
    %add3A = arith.constant 1.000000e+00 : f32
    %add3A_4 = vector.broadcast %add3A : f32 to vector<512x1xf32>
    %add3A_5 = arith.addf %add3A_4, %slice3A : vector<512x1xf32>
    %get3A_6 = arith.constant 1 : index
    %get3A_7 = arith.constant 0 : index
    %get3A_8 = arith.constant 0 : index
    %get3A_9 = vector.load %arg1[%get3A_6, %get3A_7, %get3A_8] : memref<2x512x16xf32, #tpu.memory_space<vmem>>, vector<1x512x16xf32>
    %get3A_10 = vector.shape_cast %get3A_9 : vector<1x512x16xf32> to vector<512x16xf32>
    %slice3A_11 = vector.extract_strided_slice %get3A_10 {offsets = [0, 0], sizes = [512, 1], strides = [1, 1]} : vector<512x16xf32> to vector<512x1xf32>
    %add3A_12 = arith.addf %add3A_5, %slice3A_11 : vector<512x1xf32>
    %gt3A = arith.constant 0.000000e+00 : f32
    %gt3A_13 = vector.broadcast %gt3A : f32 to vector<512x1xf32>
    %gt3A_14 = arith.cmpf ogt, %add3A_12, %gt3A_13 : vector<512x1xf32>
    %rsqrt3A = math.rsqrt %add3A_12 : vector<512x1xf32>
    %jit3A = arith.constant 0.000000e+00 : f32
    %broadcast_in_dim3A = vector.broadcast %jit3A : f32 to vector<512x1xf32>
    %select_n3A = arith.select %gt3A_14, %rsqrt3A, %broadcast_in_dim3A : vector<512x1xi1>, vector<512x1xf32>
    %get3A_15 = arith.constant 0 : index
    %get3A_16 = arith.constant 0 : index
    %get3A_17 = vector.load %arg2[%get3A_15, %get3A_16] : memref<512x128xf32, #tpu.memory_space<vmem>>, vector<512x128xf32>
    %get3A_18 = arith.constant 0 : index
    %get3A_19 = arith.constant 0 : index
    %get3A_20 = vector.load %arg3[%get3A_18, %get3A_19] : memref<128x128xf32, #tpu.memory_space<vmem>>, vector<128x128xf32>
    %dot_general3A = arith.constant dense<0.000000e+00> : vector<512x128xf32>
    %dot_general3A_21 = tpu.matmul %get3A_17, %get3A_20, %dot_general3A {dimension_numbers = #tpu.dot_dimension_numbers<[1], [0], [0], [1], [0, 0, 1, 1], [], []>, transpose_lhs_hint = false} : vector<512x128xf32>, vector<128x128xf32>, vector<512x128xf32> -> vector<512x128xf32>
    %mul3A = vector.broadcast %select_n3A : vector<512x1xf32> to vector<512x128xf32>
    %mul3A_22 = arith.mulf %mul3A, %dot_general3A_21 : vector<512x128xf32>
    %swap3A = arith.constant 0 : index
    %swap3A_23 = arith.constant 0 : index
    %swap3A_24 = vector.load %arg4[%swap3A, %swap3A_23] : memref<512x128xf32, #tpu.memory_space<vmem>>, vector<512x128xf32>
    tpu.vector_store %arg4[%swap3A, %swap3A_23], %mul3A_22 {strides = array<i32>} : memref<512x128xf32, #tpu.memory_space<vmem>>, vector<512x128xf32>,
    return
  }
  func.func @transform_0(%arg0: i32) -> (i32, i32, i32) {
    %c0_i32 = arith.constant 0 : i32
    %c0_i32_0 = arith.constant 0 : i32
    %c0_i32_1 = arith.constant 0 : i32
    return %c0_i32, %arg0, %c0_i32_0 : i32, i32, i32
  }
  func.func @transform_1(%arg0: i32) -> (i32, i32) {
    %c0_i32 = arith.constant 0 : i32
    %c0_i32_0 = arith.constant 0 : i32
    return %arg0, %c0_i32 : i32, i32
  }
  func.func @transform_2(%arg0: i32) -> (i32, i32) {
    %c0_i32 = arith.constant 0 : i32
    %c0_i32_0 = arith.constant 0 : i32
    %c0_i32_1 = arith.constant 0 : i32
    return %c0_i32, %c0_i32_0 : i32, i32
  }
  func.func @transform_3(%arg0: i32) -> (i32, i32) {
    %c0_i32 = arith.constant 0 : i32
    %c0_i32_0 = arith.constant 0 : i32
    return %arg0, %c0_i32 : i32, i32
  }
}

module attributes {stable_mosaic.version = 14 : i64} {
  func.func @_lin2_body(%arg0: i32, %arg1: memref<2x512x128xf32, #tpu.memory_space<vmem>>, %arg2: memref<512x128xf32, #tpu.memory_space<vmem>>, %arg3: memref<2x512x16xf32, #tpu.memory_space<vmem>>, %arg4: memref<1x128xf32, #tpu.memory_space<vmem>>, %arg5: memref<128x48xf32, #tpu.memory_space<vmem>>, %arg6: memref<512x48xf32, #tpu.memory_space<vmem>>) attributes {dimension_semantics = [#tpu.dimension_semantics<arbitrary>], iteration_bounds = array<i64: 20>, scalar_prefetch = 0 : i64, scratch_operands = 0 : i64, tpu.core_type = #tpu.core_type<tc>, window_params = [{transform_indices = @transform_0, window_bounds = array<i64: 2, 512, 128>}, {transform_indices = @transform_1, window_bounds = array<i64: 512, 128>}, {transform_indices = @transform_2, window_bounds = array<i64: 2, 512, 16>}, {pipeline_mode = #tpu.pipeline_mode<synchronous>, transform_indices = @transform_3, window_bounds = array<i64: 1, 128>}, {pipeline_mode = #tpu.pipeline_mode<synchronous>, transform_indices = @transform_4, window_bounds = array<i64: 128, 48>}, {transform_indices = @transform_5, window_bounds = array<i64: 512, 48>}]} {
    %get3A = arith.constant 0 : index
    %get3A_0 = arith.constant 0 : index
    %get3A_1 = arith.constant 0 : index
    %get3A_2 = vector.load %arg3[%get3A, %get3A_0, %get3A_1] : memref<2x512x16xf32, #tpu.memory_space<vmem>>, vector<1x512x16xf32>
    %get3A_3 = vector.shape_cast %get3A_2 : vector<1x512x16xf32> to vector<512x16xf32>
    %slice3A = vector.extract_strided_slice %get3A_3 {offsets = [0, 0], sizes = [512, 1], strides = [1, 1]} : vector<512x16xf32> to vector<512x1xf32>
    %add3A = arith.constant 1.000000e+00 : f32
    %add3A_4 = vector.broadcast %add3A : f32 to vector<512x1xf32>
    %add3A_5 = arith.addf %add3A_4, %slice3A : vector<512x1xf32>
    %get3A_6 = arith.constant 1 : index
    %get3A_7 = arith.constant 0 : index
    %get3A_8 = arith.constant 0 : index
    %get3A_9 = vector.load %arg3[%get3A_6, %get3A_7, %get3A_8] : memref<2x512x16xf32, #tpu.memory_space<vmem>>, vector<1x512x16xf32>
    %get3A_10 = vector.shape_cast %get3A_9 : vector<1x512x16xf32> to vector<512x16xf32>
    %slice3A_11 = vector.extract_strided_slice %get3A_10 {offsets = [0, 0], sizes = [512, 1], strides = [1, 1]} : vector<512x16xf32> to vector<512x1xf32>
    %add3A_12 = arith.addf %add3A_5, %slice3A_11 : vector<512x1xf32>
    %gt3A = arith.constant 0.000000e+00 : f32
    %gt3A_13 = vector.broadcast %gt3A : f32 to vector<512x1xf32>
    %gt3A_14 = arith.cmpf ogt, %add3A_12, %gt3A_13 : vector<512x1xf32>
    %rsqrt3A = math.rsqrt %add3A_12 : vector<512x1xf32>
    %jit3A = arith.constant 0.000000e+00 : f32
    %broadcast_in_dim3A = vector.broadcast %jit3A : f32 to vector<512x1xf32>
    %select_n3A = arith.select %gt3A_14, %rsqrt3A, %broadcast_in_dim3A : vector<512x1xi1>, vector<512x1xf32>
    %get3A_15 = arith.constant 0 : index
    %get3A_16 = arith.constant 0 : index
    %get3A_17 = arith.constant 0 : index
    %get3A_18 = vector.load %arg1[%get3A_15, %get3A_16, %get3A_17] : memref<2x512x128xf32, #tpu.memory_space<vmem>>, vector<1x512x128xf32>
    %get3A_19 = vector.shape_cast %get3A_18 : vector<1x512x128xf32> to vector<512x128xf32>
    %get3A_20 = arith.constant 1 : index
    %get3A_21 = arith.constant 0 : index
    %get3A_22 = arith.constant 0 : index
    %get3A_23 = vector.load %arg1[%get3A_20, %get3A_21, %get3A_22] : memref<2x512x128xf32, #tpu.memory_space<vmem>>, vector<1x512x128xf32>
    %get3A_24 = vector.shape_cast %get3A_23 : vector<1x512x128xf32> to vector<512x128xf32>
    %add3A_25 = arith.addf %get3A_19, %get3A_24 : vector<512x128xf32>
    %get3A_26 = arith.constant 0 : index
    %get3A_27 = arith.constant 0 : index
    %get3A_28 = vector.load %arg2[%get3A_26, %get3A_27] : memref<512x128xf32, #tpu.memory_space<vmem>>, vector<512x128xf32>
    %sub3A = arith.subf %add3A_25, %get3A_28 : vector<512x128xf32>
    %mul3A = vector.broadcast %select_n3A : vector<512x1xf32> to vector<512x128xf32>
    %mul3A_29 = arith.mulf %mul3A, %sub3A : vector<512x128xf32>
    %get3A_30 = arith.constant 0 : index
    %get3A_31 = arith.constant 0 : index
    %get3A_32 = vector.load %arg4[%get3A_30, %get3A_31] : memref<1x128xf32, #tpu.memory_space<vmem>>, vector<1x128xf32>
    %add3A_33 = vector.broadcast %get3A_32 : vector<1x128xf32> to vector<512x128xf32>
    %add3A_34 = arith.addf %mul3A_29, %add3A_33 : vector<512x128xf32>
    %ge3A = arith.constant 0.000000e+00 : f32
    %ge3A_35 = vector.broadcast %ge3A : f32 to vector<512x128xf32>
    %ge3A_36 = arith.cmpf oge, %add3A_34, %ge3A_35 : vector<512x128xf32>
    %mul3A_37 = arith.constant 0.00999999977 : f32
    %mul3A_38 = vector.broadcast %mul3A_37 : f32 to vector<512x128xf32>
    %mul3A_39 = arith.mulf %mul3A_38, %add3A_34 : vector<512x128xf32>
    %select_n3A_40 = arith.select %ge3A_36, %add3A_34, %mul3A_39 : vector<512x128xi1>, vector<512x128xf32>
    %get3A_41 = arith.constant 0 : index
    %get3A_42 = arith.constant 0 : index
    %get3A_43 = vector.load %arg5[%get3A_41, %get3A_42] : memref<128x48xf32, #tpu.memory_space<vmem>>, vector<128x48xf32>
    %dot_general3A = arith.constant dense<0.000000e+00> : vector<512x48xf32>
    %dot_general3A_44 = tpu.matmul %select_n3A_40, %get3A_43, %dot_general3A {dimension_numbers = #tpu.dot_dimension_numbers<[1], [0], [0], [1], [0, 0, 1, 1], [], []>, transpose_lhs_hint = false} : vector<512x128xf32>, vector<128x48xf32>, vector<512x48xf32> -> vector<512x48xf32>
    %mul3A_45 = vector.broadcast %select_n3A : vector<512x1xf32> to vector<512x48xf32>
    %mul3A_46 = arith.mulf %mul3A_45, %dot_general3A_44 : vector<512x48xf32>
    %swap3A = arith.constant 0 : index
    %swap3A_47 = arith.constant 0 : index
    %swap3A_48 = vector.load %arg6[%swap3A, %swap3A_47] : memref<512x48xf32, #tpu.memory_space<vmem>>, vector<512x48xf32>
    tpu.vector_store %arg6[%swap3A, %swap3A_47], %mul3A_46 {strides = array<i32>} : memref<512x48xf32, #tpu.memory_space<vmem>>, vector<512x48xf32>,
    return
  }
  func.func @transform_0(%arg0: i32) -> (i32, i32, i32) {
    %c0_i32 = arith.constant 0 : i32
    %c0_i32_0 = arith.constant 0 : i32
    %c0_i32_1 = arith.constant 0 : i32
    return %c0_i32, %arg0, %c0_i32_0 : i32, i32, i32
  }
  func.func @transform_1(%arg0: i32) -> (i32, i32) {
    %c0_i32 = arith.constant 0 : i32
    %c0_i32_0 = arith.constant 0 : i32
    return %arg0, %c0_i32 : i32, i32
  }
  func.func @transform_2(%arg0: i32) -> (i32, i32, i32) {
    %c0_i32 = arith.constant 0 : i32
    %c0_i32_0 = arith.constant 0 : i32
    %c0_i32_1 = arith.constant 0 : i32
    return %c0_i32, %arg0, %c0_i32_0 : i32, i32, i32
  }
  func.func @transform_3(%arg0: i32) -> (i32, i32) {
    %c0_i32 = arith.constant 0 : i32
    %c0_i32_0 = arith.constant 0 : i32
    %c0_i32_1 = arith.constant 0 : i32
    return %c0_i32, %c0_i32_0 : i32, i32
  }
  func.func @transform_4(%arg0: i32) -> (i32, i32) {
    %c0_i32 = arith.constant 0 : i32
    %c0_i32_0 = arith.constant 0 : i32
    %c0_i32_1 = arith.constant 0 : i32
    return %c0_i32, %c0_i32_0 : i32, i32
  }
  func.func @transform_5(%arg0: i32) -> (i32, i32) {
    %c0_i32 = arith.constant 0 : i32
    %c0_i32_0 = arith.constant 0 : i32
    return %arg0, %c0_i32 : i32, i32
  }
}

module attributes {stable_mosaic.version = 14 : i64} {
  func.func @_final_body(%arg0: i32, %arg1: memref<2x512x48xf32, #tpu.memory_space<vmem>>, %arg2: memref<512x48xf32, #tpu.memory_space<vmem>>, %arg3: memref<2x512x16xf32, #tpu.memory_space<vmem>>, %arg4: memref<1x48xf32, #tpu.memory_space<vmem>>, %arg5: memref<512x48xf32, #tpu.memory_space<vmem>>) attributes {dimension_semantics = [#tpu.dimension_semantics<arbitrary>], iteration_bounds = array<i64: 20>, scalar_prefetch = 0 : i64, scratch_operands = 0 : i64, tpu.core_type = #tpu.core_type<tc>, window_params = [{transform_indices = @transform_0, window_bounds = array<i64: 2, 512, 48>}, {transform_indices = @transform_1, window_bounds = array<i64: 512, 48>}, {transform_indices = @transform_2, window_bounds = array<i64: 2, 512, 16>}, {pipeline_mode = #tpu.pipeline_mode<synchronous>, transform_indices = @transform_3, window_bounds = array<i64: 1, 48>}, {transform_indices = @transform_4, window_bounds = array<i64: 512, 48>}]} {
    %get3A = arith.constant 0 : index
    %get3A_0 = arith.constant 0 : index
    %get3A_1 = arith.constant 0 : index
    %get3A_2 = vector.load %arg3[%get3A, %get3A_0, %get3A_1] : memref<2x512x16xf32, #tpu.memory_space<vmem>>, vector<1x512x16xf32>
    %get3A_3 = vector.shape_cast %get3A_2 : vector<1x512x16xf32> to vector<512x16xf32>
    %slice3A = vector.extract_strided_slice %get3A_3 {offsets = [0, 0], sizes = [512, 1], strides = [1, 1]} : vector<512x16xf32> to vector<512x1xf32>
    %add3A = arith.constant 1.000000e+00 : f32
    %add3A_4 = vector.broadcast %add3A : f32 to vector<512x1xf32>
    %add3A_5 = arith.addf %add3A_4, %slice3A : vector<512x1xf32>
    %get3A_6 = arith.constant 1 : index
    %get3A_7 = arith.constant 0 : index
    %get3A_8 = arith.constant 0 : index
    %get3A_9 = vector.load %arg3[%get3A_6, %get3A_7, %get3A_8] : memref<2x512x16xf32, #tpu.memory_space<vmem>>, vector<1x512x16xf32>
    %get3A_10 = vector.shape_cast %get3A_9 : vector<1x512x16xf32> to vector<512x16xf32>
    %slice3A_11 = vector.extract_strided_slice %get3A_10 {offsets = [0, 0], sizes = [512, 1], strides = [1, 1]} : vector<512x16xf32> to vector<512x1xf32>
    %add3A_12 = arith.addf %add3A_5, %slice3A_11 : vector<512x1xf32>
    %gt3A = arith.constant 0.000000e+00 : f32
    %gt3A_13 = vector.broadcast %gt3A : f32 to vector<512x1xf32>
    %gt3A_14 = arith.cmpf ogt, %add3A_12, %gt3A_13 : vector<512x1xf32>
    %rsqrt3A = math.rsqrt %add3A_12 : vector<512x1xf32>
    %jit3A = arith.constant 0.000000e+00 : f32
    %broadcast_in_dim3A = vector.broadcast %jit3A : f32 to vector<512x1xf32>
    %select_n3A = arith.select %gt3A_14, %rsqrt3A, %broadcast_in_dim3A : vector<512x1xi1>, vector<512x1xf32>
    %get3A_15 = arith.constant 0 : index
    %get3A_16 = arith.constant 0 : index
    %get3A_17 = arith.constant 0 : index
    %get3A_18 = vector.load %arg1[%get3A_15, %get3A_16, %get3A_17] : memref<2x512x48xf32, #tpu.memory_space<vmem>>, vector<1x512x48xf32>
    %get3A_19 = vector.shape_cast %get3A_18 : vector<1x512x48xf32> to vector<512x48xf32>
    %get3A_20 = arith.constant 1 : index
    %get3A_21 = arith.constant 0 : index
    %get3A_22 = arith.constant 0 : index
    %get3A_23 = vector.load %arg1[%get3A_20, %get3A_21, %get3A_22] : memref<2x512x48xf32, #tpu.memory_space<vmem>>, vector<1x512x48xf32>
    %get3A_24 = vector.shape_cast %get3A_23 : vector<1x512x48xf32> to vector<512x48xf32>
    %add3A_25 = arith.addf %get3A_19, %get3A_24 : vector<512x48xf32>
    %get3A_26 = arith.constant 0 : index
    %get3A_27 = arith.constant 0 : index
    %get3A_28 = vector.load %arg2[%get3A_26, %get3A_27] : memref<512x48xf32, #tpu.memory_space<vmem>>, vector<512x48xf32>
    %sub3A = arith.subf %add3A_25, %get3A_28 : vector<512x48xf32>
    %mul3A = vector.broadcast %select_n3A : vector<512x1xf32> to vector<512x48xf32>
    %mul3A_29 = arith.mulf %mul3A, %sub3A : vector<512x48xf32>
    %get3A_30 = arith.constant 0 : index
    %get3A_31 = arith.constant 0 : index
    %get3A_32 = vector.load %arg4[%get3A_30, %get3A_31] : memref<1x48xf32, #tpu.memory_space<vmem>>, vector<1x48xf32>
    %add3A_33 = vector.broadcast %get3A_32 : vector<1x48xf32> to vector<512x48xf32>
    %add3A_34 = arith.addf %mul3A_29, %add3A_33 : vector<512x48xf32>
    %iota3A = tpu.iota {dimensions = array<i32: 1>} : vector<512x48xi32>
    %lt3A = arith.constant 40 : i32
    %lt3A_35 = vector.broadcast %lt3A : i32 to vector<512x48xi32>
    %lt3A_36 = arith.cmpi slt, %iota3A, %lt3A_35 : vector<512x48xi32>
    %jit3A_37 = arith.constant -1.000000e+30 : f32
    %broadcast_in_dim3A_38 = vector.broadcast %jit3A_37 : f32 to vector<512x48xf32>
    %select_n3A_39 = arith.select %lt3A_36, %add3A_34, %broadcast_in_dim3A_38 : vector<512x48xi1>, vector<512x48xf32>
    %reduce_max3A = arith.constant dense<0xFF800000> : vector<512xf32>
    %reduce_max3A_40 = vector.multi_reduction <maximumf>, %select_n3A_39, %reduce_max3A [1] : vector<512x48xf32> to vector<512xf32>
    %broadcast_in_dim3A_41 = vector.shape_cast %reduce_max3A_40 : vector<512xf32> to vector<512x1xf32>
    %sub3A_42 = vector.broadcast %broadcast_in_dim3A_41 : vector<512x1xf32> to vector<512x48xf32>
    %sub3A_43 = arith.subf %select_n3A_39, %sub3A_42 : vector<512x48xf32>
    %exp3A = math.exp %sub3A_43 : vector<512x48xf32>
    %jit3A_44 = arith.constant 0.000000e+00 : f32
    %broadcast_in_dim3A_45 = vector.broadcast %jit3A_44 : f32 to vector<512x48xf32>
    %select_n3A_46 = arith.select %lt3A_36, %exp3A, %broadcast_in_dim3A_45 : vector<512x48xi1>, vector<512x48xf32>
    %reduce_sum3A = arith.constant dense<0.000000e+00> : vector<512xf32>
    %reduce_sum3A_47 = vector.multi_reduction <add>, %select_n3A_46, %reduce_sum3A [1] : vector<512x48xf32> to vector<512xf32>
    %broadcast_in_dim3A_48 = vector.shape_cast %reduce_sum3A_47 : vector<512xf32> to vector<512x1xf32>
    %sub3A_49 = vector.broadcast %broadcast_in_dim3A_41 : vector<512x1xf32> to vector<512x48xf32>
    %sub3A_50 = arith.subf %add3A_34, %sub3A_49 : vector<512x48xf32>
    %log3A = math.log %broadcast_in_dim3A_48 : vector<512x1xf32>
    %sub3A_51 = vector.broadcast %log3A : vector<512x1xf32> to vector<512x48xf32>
    %sub3A_52 = arith.subf %sub3A_50, %sub3A_51 : vector<512x48xf32>
    %swap3A = arith.constant 0 : index
    %swap3A_53 = arith.constant 0 : index
    %swap3A_54 = vector.load %arg5[%swap3A, %swap3A_53] : memref<512x48xf32, #tpu.memory_space<vmem>>, vector<512x48xf32>
    tpu.vector_store %arg5[%swap3A, %swap3A_53], %sub3A_52 {strides = array<i32>} : memref<512x48xf32, #tpu.memory_space<vmem>>, vector<512x48xf32>,
    return
  }
  func.func @transform_0(%arg0: i32) -> (i32, i32, i32) {
    %c0_i32 = arith.constant 0 : i32
    %c0_i32_0 = arith.constant 0 : i32
    %c0_i32_1 = arith.constant 0 : i32
    return %c0_i32, %arg0, %c0_i32_0 : i32, i32, i32
  }
  func.func @transform_1(%arg0: i32) -> (i32, i32) {
    %c0_i32 = arith.constant 0 : i32
    %c0_i32_0 = arith.constant 0 : i32
    return %arg0, %c0_i32 : i32, i32
  }
  func.func @transform_2(%arg0: i32) -> (i32, i32, i32) {
    %c0_i32 = arith.constant 0 : i32
    %c0_i32_0 = arith.constant 0 : i32
    %c0_i32_1 = arith.constant 0 : i32
    return %c0_i32, %arg0, %c0_i32_0 : i32, i32, i32
  }
  func.func @transform_3(%arg0: i32) -> (i32, i32) {
    %c0_i32 = arith.constant 0 : i32
    %c0_i32_0 = arith.constant 0 : i32
    %c0_i32_1 = arith.constant 0 : i32
    return %c0_i32, %c0_i32_0 : i32, i32
  }
  func.func @transform_4(%arg0: i32) -> (i32, i32) {
    %c0_i32 = arith.constant 0 : i32
    %c0_i32_0 = arith.constant 0 : i32
    return %arg0, %c0_i32 : i32, i32
  }
}

</mosaic_0001>

<sc_bundles>
// kernel: kernel.11.cloned.1.call-start
scs
__scs_entry_jumppad:
0x0: {  	(pc) =	sbr.rel $0x88, $3  }
0x1: {  	(tag) =	ssettag $0x0;
	lr =	simm.s32 $0x1  }
0x2: {  	[smem:$0x3F99] =	sst lr;
	_ =	strace $0xD0000000  }
0x3: {  	_ = 	snop  }
0x4: {  	_ = 	snop  }
0x5: {  	_ = 	snop  }
0x6: {  	_ = 	snop  }
0x7: {  	_ = 	snop  }
__scs_overlays_trampoline_lowered:
0x8: {  	[smem:$0x3FA8] =	sst s0  }
0x9: {  	[smem:$0x3FA9] =	sst s1  }
0xa: {  	[smem:$0x3FAA] =	sst s2  }
0xb: {  	[smem:$0x3FAB] =	sst s3  }
0xc: {  	[smem:$0x3FAC] =	sst s4  }
0xd: {  	[smem:$0x3FAD] =	sst s5  }
0xe: {  	[smem:$0x3FAE] =	sst s6  }
0xf: {  	[smem:$0x3FAF] =	sst s7  }
0x10: {  	[smem:$0x3FB0] =	sst s8  }
0x11: {  	[smem:$0x3FB1] =	sst s9;
	s0 =	simm.s32 @!p0 $0x0  }
0x12: {  	s1 =	sld [smem:$0x3F97];
	s0 =	simm.s32 @p0 $0x1  }
0x13: {  	[smem:$0x3FB2] =	sst s0;
	s0 =	simm.s32 @!p1 $0x0  }
0x14: {  	s2 =	sld [smem:$0x3F96];
	s0 =	simm.s32 @p1 $0x1  }
0x15: {  	[smem:$0x3FB3] =	sst s0;
	s0 =	simm.s32 @!p2 $0x0  }
0x16: {  	s3 =	sld [smem:$0x3FDB];
	s0 =	simm.s32 @p2 $0x1  }
0x17: {  	s4 =	simm.s32 $0x1BF5;
	[smem:$0x3FB5] =	sst s0  }
0x18: {  	s0 =	sld [smem:$0x3F98];
	_ =	swait.ge [sflag:s4], $0x0  }
0x19: {  	s7 =	sld [smem:$0x3F99]  }
0x1a: {  	s8 =	sadd.s32 $0xFFFFE003, lr  }
0x1b: {  	s9 =	sadd.s32 $0xFFFFFEF7, lr;
	s5 =	simm.s32 $0xFFFFFFFF;
	p2 =	slt.u32 s8, $0xFFFFF086  }
0x1c: {  	p1 =	slt.u32 s9, $0xF7A;
	s5 =	simm.s32 @!p2 $0x0  }
0x1d: {  	s5 =	simm.s32 @p1 $0x1;
	p0 =	seq.s32 s7, s2  }
0x1e: {  	s7 =	smul.u32 @!p0 $0xF7A, s2;
	p2 =	seq.s32 @!p0 s5, $0x0  }
0x1f: {  	s9 =	smul.u32 $0xF7A, s1;
	s8 =	simm.s32 @!p0 $0x1BF5;
	p2 =	por !p2, p0  }
0x20: {  	[sflag:s8] =	ssyncset.s32 @!p0 $0xFFFFF086;
	s6 =	sadd.s32 @!p0 s3, s7;
	s7 =	simm.s32 @!p0 $0x108  }
0x21: {  	s3 =	sadd.s32 s3, s9;
	s6 =	sadd.s32 @!p0 $0x88, s6;
	s7 =	simm.s32 @p2 $0x1082  }
0x22: {  	[simem:s7], [sflag:s8] =	dma.local @!p0 [hbm:s6], $0xF7A  }
0x23: {  	s9 =	sor.u32 $0xD0000000, s2;
	s6 =	simm.s32 $0x108;
	_ =	swait.ge @!p0 [sflag:s8], $0x0  }
0x24: {  	s3 =	sadd.s32 $0x88, s3;
	s6 =	simm.s32 @!p1 $0x1082;
	[sflag:s4] =	ssyncset.s32 $0xFFFFF086  }
0x25: {  	[simem:s6], [sflag:s4] =	dma.local [hbm:s3], $0xF7A  }
0x26: {  	[smem:$0x3F99] =	sst s1;
	(tag) =	ssettag s2;
	_ =	strace s9  }
0x27: {  	s1 =	sld [smem:$0x3FA9]  }
0x28: {  	s2 =	sld [smem:$0x3FAA]  }
0x29: {  	s4 =	sld [smem:$0x3FAC]  }
0x2a: {  	p0 =	seq.s32 s5, $0x0;
	s5 =	sld [smem:$0x3FAD]  }
0x2b: {  	s6 =	sld [smem:$0x3FAE]  }
0x2c: {  	s7 =	sld [smem:$0x3FAF]  }
0x2d: {  	s3 =	simm.s32 $0x108;
	s8 =	sld [smem:$0x3FB0]  }
0x2e: {  	s3 =	simm.s32 @!p0 $0x1082;
	s9 =	sld [smem:$0x3FB1]  }
0x2f: {  	lr =	sadd.s32 s0, s3;
	s0 =	sld [smem:$0x3FA8]  }
0x30: {  	s3 =	sld [smem:$0x3FAB]  }
0x31: {  	[smem:$0x3FB4] =	sst s10  }
0x32: {  	s10 =	sld [smem:$0x3FB2];
	_ =	sdelay $0x3  }
0x33: {  	p0 =	seq.s32 s10, $0x1;
	s10 =	sld [smem:$0x3FB4];
	_ =	sdelay $0x3  }
0x34: {  	[smem:$0x3FB4] =	sst s10  }
0x35: {  	s10 =	sld [smem:$0x3FB3];
	_ =	sdelay $0x3  }
0x36: {  	p1 =	seq.s32 s10, $0x1;
	s10 =	sld [smem:$0x3FB4];
	_ =	sdelay $0x3  }
0x37: {  	[smem:$0x3FB4] =	sst s10  }
0x38: {  	s10 =	sld [smem:$0x3FB5]  }
0x39: {  	_ = 	snop;
	(pc) =	sbr.ind lr, $3  }
0x3a: {  	_ = 	snop  }
0x3b: {  	_ = 	snop  }
0x3c: {  	p2 =	seq.s32 s10, $0x1;
	s10 =	sld [smem:$0x3FB4]  }
0x3d: {  	_ =	shalt  }
0x3e: {  	_ =	shalt  }
0x3f: {  	_ =	shalt  }
0x40: {  	_ =	shalt  }
0x41: {  	_ =	shalt  }
0x42: {  	_ =	shalt  }
0x43: {  	_ =	shalt  }
0x44: {  	_ =	shalt  }
0x45: {  	_ =	shalt  }
0x46: {  	_ =	shalt  }
0x47: {  	_ =	shalt  }
0x48: {  	_ =	shalt  }
0x49: {  	_ =	shalt  }
0x4a: {  	_ =	shalt  }
0x4b: {  	_ =	shalt  }
0x4c: {  	_ =	shalt  }
0x4d: {  	_ =	shalt  }
0x4e: {  	_ =	shalt  }
0x4f: {  	_ =	shalt  }
0x50: {  	_ =	shalt  }
0x51: {  	_ =	shalt  }
0x52: {  	_ =	shalt  }
0x53: {  	_ =	shalt  }
0x54: {  	_ =	shalt  }
0x55: {  	_ =	shalt  }
0x56: {  	_ =	shalt  }
0x57: {  	_ =	shalt  }
0x58: {  	_ =	shalt  }
0x59: {  	_ =	shalt  }
0x5a: {  	_ =	shalt  }
0x5b: {  	_ =	shalt  }
0x5c: {  	_ =	shalt  }
0x5d: {  	_ =	shalt  }
0x5e: {  	_ =	shalt  }
0x5f: {  	_ =	shalt  }
0x60: {  	_ =	shalt  }
0x61: {  	_ =	shalt  }
0x62: {  	_ =	shalt  }
0x63: {  	_ =	shalt  }
0x64: {  	_ =	shalt  }
0x65: {  	_ =	shalt  }
0x66: {  	_ =	shalt  }
0x67: {  	_ =	shalt  }
0x68: {  	_ =	shalt  }
0x69: {  	_ =	shalt  }
0x6a: {  	_ =	shalt  }
0x6b: {  	_ =	shalt  }
0x6c: {  	_ =	shalt  }
0x6d: {  	_ =	shalt  }
0x6e: {  	_ =	shalt  }
0x6f: {  	_ =	shalt  }
0x70: {  	_ =	shalt  }
0x71: {  	_ =	shalt  }
0x72: {  	_ =	shalt  }
0x73: {  	_ =	shalt  }
0x74: {  	_ =	shalt  }
0x75: {  	_ =	shalt  }
0x76: {  	_ =	shalt  }
0x77: {  	_ =	shalt  }
0x78: {  	_ =	shalt  }
0x79: {  	_ =	shalt  }
0x7a: {  	_ =	shalt  }
0x7b: {  	_ =	shalt  }
0x7c: {  	_ =	shalt  }
0x7d: {  	_ =	shalt  }
0x7e: {  	_ =	shalt  }
0x7f: {  	_ =	shalt  }
0x80: {  	_ =	shalt  }
0x81: {  	_ =	shalt  }
0x82: {  	_ =	shalt  }
0x83: {  	_ =	shalt  }
0x84: {  	_ =	shalt  }
0x85: {  	_ =	shalt  }
0x86: {  	_ =	shalt  }
0x87: {  	_ =	shalt  }
.Lfunc_end0:
.L_simem_size_0:
called_computation.1_lowered:
.L_overlay_start_0:
0x88: {  	s2 =	sld [smem:$0x3FD9]  }
0x89: {  	s3 =	sld [smem:$0x3FFE];
	_ =	sdelay $0x1  }
0x8a: {  	s1 =	srdreg.scid  }
0x8b: {  	s0 =	sand.u32 $0x1, s1  }
0x8c: {  	s16 =	sshll.u32 s0, $0xA;
	s2 =	sadd.s32 s3, s2  }
0x8d: {  	s2 =	sadd.s32 s2, s16  }
0x8e: {  	[smem:$0x3FC0] =	sst s2  }
0x8f: {  	_ = 	snop  }
0x90: {  	(tm) =	ssettm $0x1  }
0x91: {  	s17 =	sld [smem:$0x3FFB];
	_ =	sdelay $0x3  }
0x92: {  	_ =	strace s17  }
0x93: {  	s2 =	sld [smem:$0x3FFC];
	_ =	sdelay $0x3  }
0x94: {  	_ =	strace s2  }
0x95: {  	s2 =	sld [smem:$0x3FFD];
	_ =	sdelay $0x3  }
0x96: {  	_ =	strace s2  }
0x97: {  	_ =	strace $0x8FFFFFFF  }
0x98: {  	s18 =	sld [smem:$0x3FDB];
	_ =	sdelay $0x1  }
0x99: {  	s19 =	simm.s32 $_scs_section_size  }
0x9a: {  	s4 =	simm.s32 $_size__tile_overlayer_lowered;
	s5 =	simm.s32 $_tile_overlayer_lowered  }
0x9b: {  	s22 =	simm.s32 $0x1BFF;
	s21 =	sshll.u32 s5, $0x1;
	s2 =	sadd.s32 s19, s18  }
0x9c: {  	s6 =	simm.s32 $0x0;
	s20 =	sshll.u32 s4, $0x1;
	s4 =	sadd.s32 s21, s2  }
0x9d: {  	[timem:s6], [sflag:s22] =	dma.local [hbm:s4], s20  }
0x9e: {  	_ =	swait.ge [sflag:s22], s20  }
0x9f: {  	s3 =	ssub.s32 $0x0, s20;
	[sflag:s22] =	ssyncset.done $0x0  }
0xa0: {  	[sflag:s22] =	ssyncadd.s32 s3;
	_ =	sdelay $0x1  }
0xa1: {  	s23 =	simm.s32 $0x1B8B  }
0xa2: {  	_ =	swait.ge [sflag:s23], $0x1  }
0xa3: {  	[sflag:s23] =	ssyncset.done $0x0  }
0xa4: {  	s25 =	simm.s32 $0x1B8E;
	s24 =	sld [smem:$0x3FFE];
	[sflag:s23] =	ssyncadd.s32 $0xFFFFFFFF  }
0xa5: {  	s26 =	simm.s32 $execute0_lowered;
	[smem:$0x3FD2] =	sst s25  }
0xa6: {  	s4 =	sshll.u32 s26, $0x1;
	_ =	strace $0x80000049;
	[dreg:$0x1] =	wrdreg $0xFFFFFFFF  }
0xa7: {  	s28 =	simm.s32 $_size_execute0_lowered;
	s2 =	sadd.s32 s2, s4;
	[dreg:$0x0] =	wrdreg $0x0  }
0xa8: {  	s4 =	sshll.u32 s28, $0x1;
	[dreg:$0x2] =	wrdreg s2  }
0xa9: {  	[dreg:$0x3] =	wrdreg s4  }
0xaa: {  	[dreg:$0x4] =	wrdreg $0xC0  }
0xab: {  	_ =	task [dreg:s6], $0x5FFFF  }
0xac: {  	[dreg:$0x1] =	wrdreg $0xFFFFFFFF  }
0xad: {  	[dreg:$0x0] =	wrdreg $0x60  }
0xae: {  	[dreg:$0x2] =	wrdreg s24  }
0xaf: {  	[dreg:$0x3] =	wrdreg $0x86000  }
0xb0: {  	[dreg:$0x4] =	wrdreg $0x9  }
0xb1: {  	_ =	task.clear_ibuf [dreg:s6], $0x5FFFF;
	_ =	strace $0x90000049  }
0xb2: {  	s29 =	simm.s32 $0x9;
	_ =	strace $0x8000004B  }
0xb3: {  	_ =	swait.ge [sflag:s29], $0x1  }
0xb4: {  	[sflag:s29] =	ssyncadd.s32 $0xFFFFFFFF  }
0xb5: {  	_ =	strace $0x9000004B  }
0xb6: {  	_ =	sfence  }
0xb7: {  	s30 =	sld [smem:$0x0];
	_ =	sdelay $0x2  }
0xb8: {  	s31 =	sshll.u32 s1, $0xD;
	s1 =	sshrl.u32 s1, $0x2  }
0xb9: {  	s3 =	sand.u32 $0x4000, s31;
	s1 =	sadd.s32 s1, s30  }
0xba: {  	s0 =	sor.u32 s3, s0;
	s1 =	sshll.u32 s1, $0x11  }
0xbb: {  	s0 =	sor.u32 s1, s0  }
0xbc: {  	s0 =	sadd.s32 $0x8F2B, s0  }
0xbd: {  	[sflag:s0] =	ssyncadd.remote.s32 $0x1  }
0xbe: {  	_ =	sfence.sel $0xFFFF  }
0xbf: {  	[dreg:$0x0] =	wrdreg $0xFFFFFFFF;
	(pc) =	sbr.abs _section_cstart, $3  }
0xc0: {  	[dreg:$0x1] =	wrdreg $0xFFFFFFFF  }
0xc1: {  	_ =	task.clear_ibuf [dreg:s6], $0x2FFFF;
	_ =	strace $0x9FFFFFFF  }
0xc2: {  	(tm) =	ssettm $0x7FFFFFFF  }
0xc3: {  	_ =	shalt  }
tec
execute0_lowered:
.L_overlay_start_1:
0x0: {  	(tag) =	ssettag $0x1  }
0x1: {  	s6 =	rddreg [dreg:$0x0]  }
0x2: {  	s1 =	rddreg [dreg:$0x1];
	s2 =	simm.s32 $0x0  }
0x3: {  	s3 =	srdreg.scid;
	s14 =	simm.s32 $0x1;
	s15 =	simm.s32 $0x80  }
0x4: {  	s16 =	simm.s32 $0x600;
	s17 =	simm.s32 $0x4600;
	s18 =	simm.s32 $0x3  }
0x5: {  	s19 =	simm.s32 $0x4;
	[smem:$0x7FF] =	sst s2;
	s7 =	sand.u32 $0x1, s3  }
0x6: {  	s3 =	stileid.u32;
	s4 =	sadd.s32 $0x1F800, s6;
	s8 =	smul.u32 $0x28000, s7  }
0x7: {  	s5 =	sadd.s32 $0x1E00, s6;
	_ =	strace $0x8000004A;
	s9 =	smul.u32 $0x14, s3  }
0x8: {  	s29 =	ssub.s32 $0x2, s7;
	s10 =	smul.u32 $0x3B, s3;
	p0 =	seq.s32 s7, $0x0  }
0x9: {  	s7 =	simm.s32 $0x3B;
	s30 =	smul.u32 $0x14000, s3;
	s31 =	sshll.u32 s3, $0x6  }
0xa: {  	s12 =	sshrl.u32 s29, $0x1;
	s7 =	simm.s32 @!p0 $0x14;
	s11 =	sadd.s32 s8, s6  }
0xb: {  	s6 =	sadd.s32 $0x3B0, s9;
	s12 =	ssub.s32 s29, s12;
	s13 =	sadd.s32 s30, s1  }
0xc: {  	s20 =	sshrl.u32 s30, $0x3;
	s9 =	sor.u32 $0x1C07, s31;
	s6 =	smov.u32 @p0 s10  }
0xd: {  	s8 =	sadd.s32 s4, s20;
	s21 =	sadd.s32 $0x9CE00, s11;
	s10 =	smul.u32 $0x60, s6  }
0xe: {  	s11 =	smax.u32 s12, $0x1;
	s12 =	sshrl.u32 s13, $0x3;
	s13 =	simm.s32 $0x7  }
0xf: {  	s20 =	sadd.s32 s20, s21;
	s21 =	simm.s32 $0x0;
	s10 =	sadd.s32 s5, s10  }
.LBB2_1:
0x10: {  	[spmem:s12], [sflag:s9] =	dma.local [hbm:s8], $0x2800  }
0x11: {  	_ =	swait.ge [sflag:s13], $0x2800  }
0x12: {  	[sflag:s13] =	ssyncset.done $0x0  }
0x13: {  	[sflag:s13] =	ssyncadd.s32 $0xFFFFD800  }
0x14: {  	[bflag:$0x0] =	sbarrier.arrive $0xFFFF  }
0x15: {  	[tilespmem:s2], [sflag:$0x1] =	stream.linear.gather [hbm4b:s10+s2], $0x300, $0x38;
	[tilespmem:$0x1C600] =	vst v63  }
0x16: {  	_ =	swait.ge [sflag:s14], $0x300  }
0x17: {  	[sflag:s14] =	ssyncset.done $0x0  }
0x18: {  	[sflag:s14] =	ssyncadd.s32 $0xFFFFFD00  }
0x19: {  	[tilespmem:s16], [sflag:$0x3] =	stream.indirect.gather [hbm4b:s4+s15], $0x80, s2, s15, $0xb8;
	[tilespmem:$0x1C600] =	vst v63  }
0x1a: {  	s22 =	simm.s32 $0x0  }
0x1b: {  	[tilespmem:s17], [sflag:$0x4] =	stream.indirect.gather [hbm4b:s4+s15], $0x80, s15, s15, $0xb8;
	[tilespmem:$0x1C600] =	vst v63  }
.LBB2_2:
0x1c: {  	s25 =	sand.u32 $0x1, s22  }
0x1d: {  	s22 =	sadd.s32 $0x1, s22;
	v0 =	vmov s25  }
0x1e: {  	s28 =	simm.s32 $0x0;
	s24 =	sxor.u32 $0x1, s25;
	p0 =	sge.u32 s22, s7;
	v0 =	vmul.u32 $0x300, v0  }
0x1f: {  	v1 =	vmov s28;
	s23 =	sadd.s32 @!p0 s6, s22;
	s26 =	smul.u32 @!p0 $0xC00, s24  }
0x20: {  	v1 =	vand.u32 $0x7C, v1;
	s29 =	smul.u32 @!p0 $0x60, s23;
	v0 =	vbroadcast v0, $0x0  }
0x21: {  	s24 =	sadd.s32 @!p0 $0x1, s24;
	v2 =	vbroadcast v1, $0x0  }
0x22: {  	s23 =	sshrl.u32 @!p0 s26, $0x2;
	s26 =	sadd.s32 @!p0 s5, s29;
	s29 =	simm.s32 @!p0 $0x0;
	v1 =	vadd.s32 $0x200, v0  }
0x23: {  	[tilespmem:s23], [sflag:s24] =	stream.linear.gather @!p0 [hbm4b:s26+s29], $0x300, $0x38;
	v2 =	vor.u32 v1, v2;
	[tilespmem:$0x1C600] =	vst v63  }
0x24: {  	_ =	swait.ge [sflag:s18], $0x4000  }
0x25: {  	[sflag:s18] =	ssyncset.done $0x0  }
0x26: {  	s26 =	simm.s32 $0x700;
	[sflag:s18] =	ssyncadd.s32 $0xFFFFC000  }
0x27: {  	v4 =	vld [tilespmem:s26+$0xFFFFFF70]  }
0x28: {  	v2 =	vld.idx.msk [tilespmem:v2+s2+$0x0], $0xffff  }
0x29: {  	v5 =	vld [tilespmem:s26+$0xFFFFFF00]  }
0x2a: {  	v6 =	vld [tilespmem:s26+$0xFFFFFF20]  }
0x2b: {  	v7 =	vld [tilespmem:s26+$0xFFFFFF30]  }
0x2c: {  	v3 =	vld [tilespmem:s26+$0xFFFFFF50]  }
0x2d: {  	s29 =	simm.s32 $0x1;
	v9 =	vld [tilespmem:s26+$0xFFFFFF10];
	v4 =	vmul.f32 v2, v4  }
0x2e: {  	v11 =	vmov s29;
	v8 =	vld [tilespmem:s26+$0xFFFFFF60];
	v5 =	vmul.f32 v2, v5  }
0x2f: {  	v10 =	vld [tilespmem:s26+$0xFFFFFF40];
	v6 =	vmul.f32 v2, v6;
	[tilespmem:s26+$0xFFFFFF70] =	vst v4;
	v4 =	vand.u32 $0x7D, v11  }
0x30: {  	v7 =	vmul.f32 v2, v7;
	[tilespmem:s26+$0xFFFFFF00] =	vst v5;
	v4 =	vbroadcast v4, $0x0  }
0x31: {  	v3 =	vmul.f32 v2, v3;
	[tilespmem:s26+$0xFFFFFF20] =	vst v6  }
0x32: {  	v5 =	vmul.f32 v2, v9;
	[tilespmem:s26+$0xFFFFFF30] =	vst v7;
	v4 =	vor.u32 v1, v4  }
0x33: {  	v6 =	vmul.f32 v2, v8;
	[tilespmem:s26+$0xFFFFFF50] =	vst v3  }
0x34: {  	v2 =	vmul.f32 v2, v10;
	[tilespmem:s26+$0xFFFFFF10] =	vst v5  }
0x35: {  	v3 =	vld [tilespmem:s26+$0xFFFFFFA0];
	[tilespmem:s26+$0xFFFFFF60] =	vst v6  }
0x36: {  	[tilespmem:s26+$0xFFFFFF40] =	vst v2;
	v2 =	vld [tilespmem:s26+$0xFFFFFF80]  }
0x37: {  	v4 =	vld.idx.msk [tilespmem:v4+s2+$0x0], $0xffff  }
0x38: {  	v7 =	vld [tilespmem:s26+$0xFFFFFF90]  }
0x39: {  	v5 =	vld [tilespmem:s26+$0xFFFFFFF0]  }
0x3a: {  	v6 =	vld [tilespmem:s26+$0xFFFFFFC0]  }
0x3b: {  	v8 =	vld [tilespmem:s26+$0xFFFFFFD0]  }
0x3c: {  	s29 =	simm.s32 $0x2;
	v9 =	vld [tilespmem:s26+$0xFFFFFFB0];
	v2 =	vmul.f32 v4, v2  }
0x3d: {  	v10 =	vmov s29;
	v3 =	vmul.f32 v4, v3  }
0x3e: {  	v11 =	vld [tilespmem:s26+$0xFFFFFFE0];
	v5 =	vmul.f32 v4, v5;
	[tilespmem:s26+$0xFFFFFF80] =	vst v2;
	v2 =	vand.u32 $0x7E, v10  }
0x3f: {  	v6 =	vmul.f32 v4, v6;
	[tilespmem:s26+$0xFFFFFFA0] =	vst v3;
	v2 =	vbroadcast v2, $0x0  }
0x40: {  	v3 =	vmul.f32 v4, v7;
	[tilespmem:s26+$0xFFFFFFF0] =	vst v5  }
0x41: {  	v5 =	vmul.f32 v4, v8;
	[tilespmem:s26+$0xFFFFFFC0] =	vst v6;
	v6 =	vmul.f32 v4, v9;
	v8 =	vld [tilespmem:s26+$0x30];
	v7 =	vor.u32 v1, v2  }
0x42: {  	[tilespmem:s26+$0xFFFFFF90] =	vst v3;
	v3 =	vld [tilespmem:s26+$0x70]  }
0x43: {  	v4 =	vmul.f32 v4, v11;
	[tilespmem:s26+$0xFFFFFFB0] =	vst v6;
	v6 =	vld [tilespmem:s26+$0x20]  }
0x44: {  	[tilespmem:s26+$0xFFFFFFD0] =	vst v5;
	v5 =	vld [tilespmem:s26+$0x10]  }
0x45: {  	[tilespmem:s26+$0xFFFFFFE0] =	vst v4;
	v2 =	vld [tilespmem:s26+$0x60]  }
0x46: {  	v4 =	vld.idx.msk [tilespmem:v7+s2+$0x0], $0xffff  }
0x47: {  	s30 =	simm.s32 $0x700;
	s29 =	simm.s32 $0x4;
	v7 =	vld [tilespmem:s26+$0x0]  }
.LBB2_3:
0x48: {  	p1 =	slt.u32 s29, $0x7C  }
0x49: {  	v9 =	vld [tilespmem:s26+$0x50];
	s30 =	sadd.s32 $0x200, s30;
	s31 =	smov.u32 s29;
	s29 =	sadd.s32 $0x4, s29  }
0x4a: {  	v10 =	vld [tilespmem:s26+$0x40];
	_ =	sdelay $0x1  }
0x4b: {  	s0 =	sadd.s32 $0x3, s28;
	s28 =	smov.u32 s31;
	v8 =	vmul.f32 v4, v8;
	v7 =	vmul.f32 v4, v7  }
0x4c: {  	v11 =	vmov s0;
	v6 =	vmul.f32 v4, v6;
	v5 =	vmul.f32 v4, v5  }
0x4d: {  	v2 =	vmul.f32 v4, v2;
	v3 =	vmul.f32 v4, v3;
	[tilespmem:s26+$0x30] =	vst v8;
	v8 =	vand.u32 $0x7F, v11  }
0x4e: {  	[tilespmem:s26+$0x20] =	vst v6;
	v6 =	vmul.f32 v4, v10;
	v8 =	vbroadcast v8, $0x0  }
0x4f: {  	v4 =	vmul.f32 v4, v9;
	[tilespmem:s26+$0x70] =	vst v3  }
0x50: {  	[tilespmem:s26+$0x60] =	vst v2;
	v8 =	vor.u32 v1, v8;
	v9 =	vld [tilespmem:s26+$0x80]  }
0x51: {  	v2 =	vld [tilespmem:s30+$0x60];
	[tilespmem:s26+$0x50] =	vst v4  }
0x52: {  	v3 =	vld [tilespmem:s30+$0x70];
	[tilespmem:s26+$0x40] =	vst v6  }
0x53: {  	[tilespmem:s26+$0x0] =	vst v7;
	v4 =	vld [tilespmem:s26+$0xB0]  }
0x54: {  	[tilespmem:s26+$0x10] =	vst v5;
	v5 =	vld [tilespmem:s26+$0xD0]  }
0x55: {  	v6 =	vld.idx.msk [tilespmem:v8+s2+$0x0], $0xffff  }
0x56: {  	v7 =	vld [tilespmem:s26+$0xF0]  }
0x57: {  	v8 =	vld [tilespmem:s26+$0xA0]  }
0x58: {  	v10 =	vld [tilespmem:s26+$0xC0]  }
0x59: {  	v11 =	vld [tilespmem:s26+$0xE0]  }
0x5a: {  	v12 =	vld [tilespmem:s26+$0x90]  }
0x5b: {  	v9 =	vmul.f32 v6, v9;
	v7 =	vmul.f32 v6, v7  }
0x5c: {  	v13 =	vmov s28;
	v4 =	vmul.f32 v6, v4;
	v8 =	vmul.f32 v6, v8  }
0x5d: {  	v13 =	vand.u32 $0x7C, v13;
	v5 =	vmul.f32 v6, v5;
	[tilespmem:s26+$0x80] =	vst v9;
	v9 =	vmul.f32 v6, v10  }
0x5e: {  	v10 =	vbroadcast v13, $0x0;
	v11 =	vmul.f32 v6, v11;
	[tilespmem:s26+$0xF0] =	vst v7  }
0x5f: {  	v6 =	vmul.f32 v6, v12;
	[tilespmem:s26+$0xB0] =	vst v4  }
0x60: {  	v4 =	vor.u32 v1, v10;
	[tilespmem:s26+$0xA0] =	vst v8  }
0x61: {  	v7 =	vld [tilespmem:s30+$0xFFFFFF50];
	[tilespmem:s26+$0xD0] =	vst v5  }
0x62: {  	v5 =	vld [tilespmem:s30+$0xFFFFFF30];
	[tilespmem:s26+$0xC0] =	vst v9  }
0x63: {  	v8 =	vld [tilespmem:s30+$0xFFFFFF60];
	[tilespmem:s26+$0x90] =	vst v6  }
0x64: {  	v6 =	vld [tilespmem:s30+$0xFFFFFF70];
	[tilespmem:s26+$0xE0] =	vst v11;
	s26 =	smov.u32 s30  }
0x65: {  	v4 =	vld.idx.msk [tilespmem:v4+s2+$0x0], $0xffff  }
0x66: {  	v9 =	vld [tilespmem:s30+$0xFFFFFF00]  }
0x67: {  	v10 =	vld [tilespmem:s30+$0xFFFFFF20]  }
0x68: {  	v11 =	vld [tilespmem:s30+$0xFFFFFF10]  }
0x69: {  	v12 =	vld [tilespmem:s30+$0xFFFFFF40];
	_ =	sdelay $0x1  }
0x6a: {  	s0 =	sadd.s32 $0x1, s28;
	v6 =	vmul.f32 v4, v6;
	v9 =	vmul.f32 v4, v9  }
0x6b: {  	v13 =	vmov s0;
	v8 =	vmul.f32 v4, v8;
	v10 =	vmul.f32 v4, v10  }
0x6c: {  	v5 =	vmul.f32 v4, v5;
	v11 =	vmul.f32 v4, v11;
	[tilespmem:s30+$0xFFFFFF70] =	vst v6;
	v6 =	vand.u32 $0x7D, v13  }
0x6d: {  	[tilespmem:s30+$0xFFFFFF00] =	vst v9;
	v9 =	vmul.f32 v4, v12;
	v6 =	vbroadcast v6, $0x0  }
0x6e: {  	v4 =	vmul.f32 v4, v7;
	[tilespmem:s30+$0xFFFFFF20] =	vst v10  }
0x6f: {  	[tilespmem:s30+$0xFFFFFF30] =	vst v5;
	v5 =	vor.u32 v1, v6  }
0x70: {  	[tilespmem:s30+$0xFFFFFF50] =	vst v4;
	v4 =	vld [tilespmem:s30+$0xFFFFFFD0]  }
0x71: {  	[tilespmem:s30+$0xFFFFFF10] =	vst v11;
	v6 =	vld [tilespmem:s30+$0xFFFFFFE0]  }
0x72: {  	[tilespmem:s30+$0xFFFFFF60] =	vst v8;
	v7 =	vld [tilespmem:s30+$0xFFFFFFB0]  }
0x73: {  	[tilespmem:s30+$0xFFFFFF40] =	vst v9;
	v8 =	vld [tilespmem:s30+$0xFFFFFFF0]  }
0x74: {  	v5 =	vld.idx.msk [tilespmem:v5+s2+$0x0], $0xffff  }
0x75: {  	v9 =	vld [tilespmem:s30+$0xFFFFFF80]  }
0x76: {  	v10 =	vld [tilespmem:s30+$0xFFFFFFA0]  }
0x77: {  	v11 =	vld [tilespmem:s30+$0xFFFFFFC0]  }
0x78: {  	v12 =	vld [tilespmem:s30+$0xFFFFFF90];
	_ =	sdelay $0x1  }
0x79: {  	s0 =	sadd.s32 $0x2, s28;
	v8 =	vmul.f32 v5, v8;
	v9 =	vmul.f32 v5, v9  }
0x7a: {  	v13 =	vmov s0;
	v7 =	vmul.f32 v5, v7;
	v10 =	vmul.f32 v5, v10  }
0x7b: {  	v6 =	vmul.f32 v5, v6;
	[tilespmem:s30+$0xFFFFFF80] =	vst v9;
	v9 =	vmul.f32 v5, v11;
	v11 =	vand.u32 $0x7E, v13  }
0x7c: {  	v4 =	vmul.f32 v5, v4;
	[tilespmem:s30+$0xFFFFFFA0] =	vst v10;
	v10 =	vbroadcast v11, $0x0  }
0x7d: {  	v5 =	vmul.f32 v5, v12;
	[tilespmem:s30+$0xFFFFFFF0] =	vst v8  }
0x7e: {  	[tilespmem:s30+$0xFFFFFFC0] =	vst v9;
	v9 =	vor.u32 v1, v10  }
0x7f: {  	[tilespmem:s30+$0xFFFFFF90] =	vst v5  }
0x80: {  	[tilespmem:s30+$0xFFFFFFD0] =	vst v4  }
.Ltmp0:
0x81: {  	[tilespmem:s30+$0xFFFFFFB0] =	vst v7;
	v8 =	vld [tilespmem:s30+$0x30];
	(pc) =	sbr.rel @p1 .LBB2_3-.Ltmp0, $4  }
0x82: {  	[tilespmem:s30+$0xFFFFFFE0] =	vst v6;
	v6 =	vld [tilespmem:s30+$0x20]  }
0x83: {  	v4 =	vld.idx.msk [tilespmem:v9+s2+$0x0], $0xffff  }
0x84: {  	v7 =	vld [tilespmem:s30+$0x0]  }
0x85: {  	v5 =	vld [tilespmem:s30+$0x10]  }
0x86: {  	_ =	sdelay $0x1  }
0x87: {  	v9 =	vld [tilespmem:s26+$0x50];
	s0 =	sadd.s32 $0x3, s28;
	v8 =	vmul.f32 v4, v8  }
0x88: {  	v10 =	vld [tilespmem:s26+$0x40];
	v11 =	vmov s0;
	v3 =	vmul.f32 v4, v3  }
0x89: {  	v2 =	vmul.f32 v4, v2;
	[tilespmem:s26+$0x30] =	vst v8;
	v8 =	vand.u32 $0x7F, v11  }
0x8a: {  	v6 =	vmul.f32 v4, v6;
	[tilespmem:s26+$0x70] =	vst v3;
	v8 =	vbroadcast v8, $0x0  }
0x8b: {  	v7 =	vmul.f32 v4, v7;
	[tilespmem:s26+$0x60] =	vst v2  }
0x8c: {  	[tilespmem:s26+$0x20] =	vst v6;
	v3 =	vmul.f32 v4, v9;
	v1 =	vor.u32 v1, v8  }
0x8d: {  	v2 =	vmul.f32 v4, v10;
	[tilespmem:s26+$0x0] =	vst v7  }
0x8e: {  	[tilespmem:s26+$0x50] =	vst v3;
	v3 =	vmul.f32 v4, v5  }
0x8f: {  	v59 =	vld [tilespmem:s26+$0xE0];
	[tilespmem:s26+$0x40] =	vst v2  }
0x90: {  	v6 =	vld [tilespmem:s26+$0x80];
	[tilespmem:s26+$0x10] =	vst v3  }
0x91: {  	v1 =	vld.idx.msk [tilespmem:v1+s2+$0x0], $0xffff  }
0x92: {  	v2 =	vld [tilespmem:s26+$0xF0]  }
0x93: {  	v3 =	vld [tilespmem:s26+$0xB0]  }
0x94: {  	v4 =	vld [tilespmem:s26+$0xA0]  }
0x95: {  	v5 =	vld [tilespmem:s26+$0xD0]  }
0x96: {  	v7 =	vld [tilespmem:s26+$0xC0];
	v6 =	vmul.f32 v1, v6  }
0x97: {  	v8 =	vld [tilespmem:s26+$0x90];
	v2 =	vmul.f32 v1, v2  }
0x98: {  	v3 =	vmul.f32 v1, v3;
	[tilespmem:s26+$0x80] =	vst v6  }
0x99: {  	v4 =	vmul.f32 v1, v4;
	[tilespmem:s26+$0xF0] =	vst v2  }
0x9a: {  	v2 =	vmul.f32 v1, v5;
	[tilespmem:s26+$0xB0] =	vst v3  }
0x9b: {  	s28 =	simm.s32 $0x0;
	v3 =	vmul.f32 v1, v7;
	[tilespmem:s26+$0xA0] =	vst v4  }
0x9c: {  	s25 =	smul.u32 $0xC00, s25;
	v4 =	vmul.f32 v1, v8;
	v1 =	vmul.f32 v1, v59;
	[tilespmem:s26+$0xD0] =	vst v2;
	v2 =	vmov s28  }
0x9d: {  	[tilespmem:s26+$0xC0] =	vst v3;
	v2 =	vand.u32 $0x7C, v2  }
0x9e: {  	s25 =	sshrl.u32 s25, $0x2;
	[tilespmem:s26+$0xE0] =	vst v1;
	v1 =	vbroadcast v2, $0x0  }
0x9f: {  	v0 =	vadd.s32 $0x280, v0;
	s0 =	sadd.s32 $0x100, s25;
	[tilespmem:s26+$0x90] =	vst v4  }
0xa0: {  	[spmem:s1] =	stream.indirect.scatter.add.f32 [tilespmem:s16], [sflag:$0x5], $0x80, s0, s15, $0xb8;
	v1 =	vor.u32 v0, v1;
	[tilespmem:$0x1C600] =	vst v63  }
0xa1: {  	_ =	swait.ge [sflag:s19], $0x4000  }
0xa2: {  	[sflag:s19] =	ssyncset.done $0x0  }
0xa3: {  	s26 =	simm.s32 $0x4700;
	[sflag:s19] =	ssyncadd.s32 $0xFFFFC000  }
0xa4: {  	v3 =	vld [tilespmem:s26+$0xFFFFFF70]  }
0xa5: {  	v1 =	vld.idx.msk [tilespmem:v1+s2+$0x0], $0xffff  }
0xa6: {  	v4 =	vld [tilespmem:s26+$0xFFFFFF00]  }
0xa7: {  	v5 =	vld [tilespmem:s26+$0xFFFFFF20]  }
0xa8: {  	v6 =	vld [tilespmem:s26+$0xFFFFFF30]  }
0xa9: {  	v2 =	vld [tilespmem:s26+$0xFFFFFF50]  }
0xaa: {  	s31 =	simm.s32 $0x1;
	v8 =	vld [tilespmem:s26+$0xFFFFFF10];
	v3 =	vmul.f32 v1, v3  }
0xab: {  	v61 =	vmov s31;
	v7 =	vld [tilespmem:s26+$0xFFFFFF60];
	v4 =	vmul.f32 v1, v4  }
0xac: {  	v60 =	vld [tilespmem:s26+$0xFFFFFF40];
	v5 =	vmul.f32 v1, v5;
	[tilespmem:s26+$0xFFFFFF70] =	vst v3;
	v3 =	vand.u32 $0x7D, v61  }
0xad: {  	v6 =	vmul.f32 v1, v6;
	[tilespmem:s26+$0xFFFFFF00] =	vst v4;
	v3 =	vbroadcast v3, $0x0  }
0xae: {  	v2 =	vmul.f32 v1, v2;
	[tilespmem:s26+$0xFFFFFF20] =	vst v5  }
0xaf: {  	v4 =	vmul.f32 v1, v8;
	[tilespmem:s26+$0xFFFFFF30] =	vst v6;
	v3 =	vor.u32 v0, v3  }
0xb0: {  	v5 =	vmul.f32 v1, v7;
	[tilespmem:s26+$0xFFFFFF50] =	vst v2  }
0xb1: {  	v1 =	vmul.f32 v1, v60;
	[tilespmem:s26+$0xFFFFFF10] =	vst v4  }
0xb2: {  	v2 =	vld [tilespmem:s26+$0xFFFFFFA0];
	[tilespmem:s26+$0xFFFFFF60] =	vst v5  }
0xb3: {  	[tilespmem:s26+$0xFFFFFF40] =	vst v1;
	v1 =	vld [tilespmem:s26+$0xFFFFFF80]  }
0xb4: {  	v3 =	vld.idx.msk [tilespmem:v3+s2+$0x0], $0xffff  }
0xb5: {  	v6 =	vld [tilespmem:s26+$0xFFFFFF90]  }
0xb6: {  	v4 =	vld [tilespmem:s26+$0xFFFFFFF0]  }
0xb7: {  	v5 =	vld [tilespmem:s26+$0xFFFFFFC0]  }
0xb8: {  	v7 =	vld [tilespmem:s26+$0xFFFFFFD0]  }
0xb9: {  	s31 =	simm.s32 $0x2;
	v8 =	vld [tilespmem:s26+$0xFFFFFFB0];
	v1 =	vmul.f32 v3, v1  }
0xba: {  	v62 =	vmov s31;
	v2 =	vmul.f32 v3, v2  }
0xbb: {  	v63 =	vld [tilespmem:s26+$0xFFFFFFE0];
	v4 =	vmul.f32 v3, v4;
	[tilespmem:s26+$0xFFFFFF80] =	vst v1;
	v1 =	vand.u32 $0x7E, v62  }
0xbc: {  	v5 =	vmul.f32 v3, v5;
	[tilespmem:s26+$0xFFFFFFA0] =	vst v2;
	v1 =	vbroadcast v1, $0x0  }
0xbd: {  	v2 =	vmul.f32 v3, v6;
	[tilespmem:s26+$0xFFFFFFF0] =	vst v4  }
0xbe: {  	v4 =	vmul.f32 v3, v7;
	[tilespmem:s26+$0xFFFFFFC0] =	vst v5;
	v5 =	vmul.f32 v3, v8;
	v7 =	vld [tilespmem:s26+$0x30];
	v6 =	vor.u32 v0, v1  }
0xbf: {  	[tilespmem:s26+$0xFFFFFF90] =	vst v2;
	v2 =	vld [tilespmem:s26+$0x70]  }
0xc0: {  	v3 =	vmul.f32 v3, v63;
	[tilespmem:s26+$0xFFFFFFB0] =	vst v5;
	v5 =	vld [tilespmem:s26+$0x20]  }
0xc1: {  	[tilespmem:s26+$0xFFFFFFD0] =	vst v4;
	v4 =	vld [tilespmem:s26+$0x10]  }
0xc2: {  	[tilespmem:s26+$0xFFFFFFE0] =	vst v3;
	v1 =	vld [tilespmem:s26+$0x60]  }
0xc3: {  	v3 =	vld.idx.msk [tilespmem:v6+s2+$0x0], $0xffff  }
0xc4: {  	s29 =	simm.s32 $0x4;
	s30 =	simm.s32 $0x4700;
	v6 =	vld [tilespmem:s26+$0x0]  }
.LBB2_5:
0xc5: {  	p1 =	slt.u32 s29, $0x7C  }
0xc6: {  	v8 =	vld [tilespmem:s26+$0x50];
	s30 =	sadd.s32 $0x200, s30;
	s0 =	smov.u32 s29;
	s29 =	sadd.s32 $0x4, s29  }
0xc7: {  	v9 =	vld [tilespmem:s26+$0x40];
	_ =	sdelay $0x1  }
0xc8: {  	s31 =	sadd.s32 $0x3, s28;
	s28 =	smov.u32 s0;
	v7 =	vmul.f32 v3, v7;
	v6 =	vmul.f32 v3, v6  }
0xc9: {  	v10 =	vmov s31;
	v5 =	vmul.f32 v3, v5;
	v4 =	vmul.f32 v3, v4  }
0xca: {  	v1 =	vmul.f32 v3, v1;
	v2 =	vmul.f32 v3, v2;
	[tilespmem:s26+$0x30] =	vst v7;
	v7 =	vand.u32 $0x7F, v10  }
0xcb: {  	[tilespmem:s26+$0x20] =	vst v5;
	v5 =	vmul.f32 v3, v9;
	v7 =	vbroadcast v7, $0x0  }
0xcc: {  	v3 =	vmul.f32 v3, v8;
	[tilespmem:s26+$0x70] =	vst v2  }
0xcd: {  	[tilespmem:s26+$0x60] =	vst v1;
	v7 =	vor.u32 v0, v7;
	v8 =	vld [tilespmem:s26+$0x80]  }
0xce: {  	v1 =	vld [tilespmem:s30+$0x60];
	[tilespmem:s26+$0x50] =	vst v3  }
0xcf: {  	v2 =	vld [tilespmem:s30+$0x70];
	[tilespmem:s26+$0x40] =	vst v5  }
0xd0: {  	[tilespmem:s26+$0x0] =	vst v6;
	v3 =	vld [tilespmem:s26+$0xB0]  }
0xd1: {  	[tilespmem:s26+$0x10] =	vst v4;
	v4 =	vld [tilespmem:s26+$0xD0]  }
0xd2: {  	v5 =	vld.idx.msk [tilespmem:v7+s2+$0x0], $0xffff  }
0xd3: {  	v6 =	vld [tilespmem:s26+$0xF0]  }
0xd4: {  	v7 =	vld [tilespmem:s26+$0xA0]  }
0xd5: {  	v9 =	vld [tilespmem:s26+$0xC0]  }
0xd6: {  	v10 =	vld [tilespmem:s26+$0xE0]  }
0xd7: {  	v11 =	vld [tilespmem:s26+$0x90]  }
0xd8: {  	v8 =	vmul.f32 v5, v8;
	v6 =	vmul.f32 v5, v6  }
0xd9: {  	v12 =	vmov s28;
	v3 =	vmul.f32 v5, v3;
	v7 =	vmul.f32 v5, v7  }
0xda: {  	v12 =	vand.u32 $0x7C, v12;
	v4 =	vmul.f32 v5, v4;
	[tilespmem:s26+$0x80] =	vst v8;
	v8 =	vmul.f32 v5, v9  }
0xdb: {  	v9 =	vbroadcast v12, $0x0;
	v10 =	vmul.f32 v5, v10;
	[tilespmem:s26+$0xF0] =	vst v6  }
0xdc: {  	v5 =	vmul.f32 v5, v11;
	[tilespmem:s26+$0xB0] =	vst v3  }
0xdd: {  	v3 =	vor.u32 v0, v9;
	[tilespmem:s26+$0xA0] =	vst v7  }
0xde: {  	v6 =	vld [tilespmem:s30+$0xFFFFFF50];
	[tilespmem:s26+$0xD0] =	vst v4  }
0xdf: {  	v4 =	vld [tilespmem:s30+$0xFFFFFF30];
	[tilespmem:s26+$0xC0] =	vst v8  }
0xe0: {  	v7 =	vld [tilespmem:s30+$0xFFFFFF60];
	[tilespmem:s26+$0x90] =	vst v5  }
0xe1: {  	v5 =	vld [tilespmem:s30+$0xFFFFFF70];
	[tilespmem:s26+$0xE0] =	vst v10;
	s26 =	smov.u32 s30  }
0xe2: {  	v3 =	vld.idx.msk [tilespmem:v3+s2+$0x0], $0xffff  }
0xe3: {  	v8 =	vld [tilespmem:s30+$0xFFFFFF00]  }
0xe4: {  	v9 =	vld [tilespmem:s30+$0xFFFFFF20]  }
0xe5: {  	v10 =	vld [tilespmem:s30+$0xFFFFFF10]  }
0xe6: {  	v11 =	vld [tilespmem:s30+$0xFFFFFF40];
	_ =	sdelay $0x1  }
0xe7: {  	s0 =	sadd.s32 $0x1, s28;
	v5 =	vmul.f32 v3, v5;
	v8 =	vmul.f32 v3, v8  }
0xe8: {  	v12 =	vmov s0;
	v7 =	vmul.f32 v3, v7;
	v9 =	vmul.f32 v3, v9  }
0xe9: {  	v4 =	vmul.f32 v3, v4;
	v10 =	vmul.f32 v3, v10;
	[tilespmem:s30+$0xFFFFFF70] =	vst v5;
	v5 =	vand.u32 $0x7D, v12  }
0xea: {  	[tilespmem:s30+$0xFFFFFF00] =	vst v8;
	v8 =	vmul.f32 v3, v11;
	v5 =	vbroadcast v5, $0x0  }
0xeb: {  	v3 =	vmul.f32 v3, v6;
	[tilespmem:s30+$0xFFFFFF20] =	vst v9  }
0xec: {  	[tilespmem:s30+$0xFFFFFF30] =	vst v4;
	v4 =	vor.u32 v0, v5  }
0xed: {  	[tilespmem:s30+$0xFFFFFF50] =	vst v3;
	v3 =	vld [tilespmem:s30+$0xFFFFFFD0]  }
0xee: {  	[tilespmem:s30+$0xFFFFFF10] =	vst v10;
	v5 =	vld [tilespmem:s30+$0xFFFFFFE0]  }
0xef: {  	[tilespmem:s30+$0xFFFFFF60] =	vst v7;
	v6 =	vld [tilespmem:s30+$0xFFFFFFB0]  }
0xf0: {  	[tilespmem:s30+$0xFFFFFF40] =	vst v8;
	v7 =	vld [tilespmem:s30+$0xFFFFFFF0]  }
0xf1: {  	v4 =	vld.idx.msk [tilespmem:v4+s2+$0x0], $0xffff  }
0xf2: {  	v8 =	vld [tilespmem:s30+$0xFFFFFF80]  }
0xf3: {  	v9 =	vld [tilespmem:s30+$0xFFFFFFA0]  }
0xf4: {  	v10 =	vld [tilespmem:s30+$0xFFFFFFC0]  }
0xf5: {  	v11 =	vld [tilespmem:s30+$0xFFFFFF90];
	_ =	sdelay $0x1  }
0xf6: {  	s0 =	sadd.s32 $0x2, s28;
	v7 =	vmul.f32 v4, v7;
	v8 =	vmul.f32 v4, v8  }
0xf7: {  	v12 =	vmov s0;
	v6 =	vmul.f32 v4, v6;
	v9 =	vmul.f32 v4, v9  }
0xf8: {  	v5 =	vmul.f32 v4, v5;
	[tilespmem:s30+$0xFFFFFF80] =	vst v8;
	v8 =	vmul.f32 v4, v10;
	v10 =	vand.u32 $0x7E, v12  }
0xf9: {  	v3 =	vmul.f32 v4, v3;
	[tilespmem:s30+$0xFFFFFFA0] =	vst v9;
	v9 =	vbroadcast v10, $0x0  }
0xfa: {  	v4 =	vmul.f32 v4, v11;
	[tilespmem:s30+$0xFFFFFFF0] =	vst v7  }
0xfb: {  	[tilespmem:s30+$0xFFFFFFC0] =	vst v8;
	v8 =	vor.u32 v0, v9  }
0xfc: {  	[tilespmem:s30+$0xFFFFFF90] =	vst v4  }
0xfd: {  	[tilespmem:s30+$0xFFFFFFD0] =	vst v3  }
.Ltmp1:
0xfe: {  	[tilespmem:s30+$0xFFFFFFB0] =	vst v6;
	v7 =	vld [tilespmem:s30+$0x30];
	(pc) =	sbr.rel @p1 .LBB2_5-.Ltmp1, $4  }
0xff: {  	[tilespmem:s30+$0xFFFFFFE0] =	vst v5;
	v5 =	vld [tilespmem:s30+$0x20]  }
0x100: {  	v3 =	vld.idx.msk [tilespmem:v8+s2+$0x0], $0xffff  }
0x101: {  	v6 =	vld [tilespmem:s30+$0x0]  }
0x102: {  	v4 =	vld [tilespmem:s30+$0x10]  }
0x103: {  	_ =	sdelay $0x1  }
0x104: {  	s0 =	sadd.s32 $0x3, s28;
	v7 =	vmul.f32 v3, v7  }
0x105: {  	v8 =	vld [tilespmem:s26+$0x50];
	v10 =	vmov s0;
	v2 =	vmul.f32 v3, v2  }
0x106: {  	v9 =	vld [tilespmem:s26+$0x40];
	v1 =	vmul.f32 v3, v1;
	v49 =	vand.u32 $0x7F, v10;
	[tilespmem:s26+$0x30] =	vst v7  }
0x107: {  	v5 =	vmul.f32 v3, v5;
	v7 =	vbroadcast v49, $0x0;
	[tilespmem:s26+$0x70] =	vst v2  }
0x108: {  	v6 =	vmul.f32 v3, v6;
	[tilespmem:s26+$0x60] =	vst v1  }
0x109: {  	[tilespmem:s26+$0x20] =	vst v5;
	v53 =	vmul.f32 v3, v4;
	v0 =	vor.u32 v0, v7  }
0x10a: {  	v50 =	vmul.f32 v3, v8;
	[tilespmem:s26+$0x0] =	vst v6  }
0x10b: {  	v51 =	vmul.f32 v3, v9;
	[tilespmem:s26+$0x10] =	vst v53  }
0x10c: {  	[tilespmem:s26+$0x50] =	vst v50  }
0x10d: {  	v52 =	vld [tilespmem:s26+$0x80];
	[tilespmem:s26+$0x40] =	vst v51  }
0x10e: {  	v0 =	vld.idx.msk [tilespmem:v0+s2+$0x0], $0xffff  }
0x10f: {  	v54 =	vld [tilespmem:s26+$0xF0]  }
0x110: {  	v55 =	vld [tilespmem:s26+$0xB0]  }
0x111: {  	v56 =	vld [tilespmem:s26+$0xA0]  }
0x112: {  	v57 =	vld [tilespmem:s26+$0xD0]  }
0x113: {  	v58 =	vld [tilespmem:s26+$0xC0];
	v5 =	vmul.f32 v0, v52  }
0x114: {  	v59 =	vld [tilespmem:s26+$0x90];
	v1 =	vmul.f32 v0, v54  }
0x115: {  	v60 =	vld [tilespmem:s26+$0xE0];
	v2 =	vmul.f32 v0, v55;
	[tilespmem:s26+$0x80] =	vst v5  }
0x116: {  	v3 =	vmul.f32 v0, v56;
	[tilespmem:s26+$0xF0] =	vst v1  }
0x117: {  	v61 =	vmul.f32 v0, v57;
	[tilespmem:s26+$0xB0] =	vst v2  }
0x118: {  	v62 =	vmul.f32 v0, v58;
	[tilespmem:s26+$0xA0] =	vst v3  }
0x119: {  	v63 =	vmul.f32 v0, v59;
	[tilespmem:s26+$0xD0] =	vst v61  }
0x11a: {  	v0 =	vmul.f32 v0, v60;
	[tilespmem:s26+$0xC0] =	vst v62  }
0x11b: {  	[tilespmem:s26+$0x90] =	vst v63  }
0x11c: {  	s31 =	sadd.s32 $0x180, s25;
	s0 =	simm.s32 @p0 $0x5;
	[tilespmem:s26+$0xE0] =	vst v0  }
0x11d: {  	[spmem:s1] =	stream.indirect.scatter.add.f32 [tilespmem:s17], [sflag:$0x6], $0x80, s31, s15, $0xb8;
	[tilespmem:$0x1C600] =	vst v63  }
0x11e: {  	_ =	swait.ge @p0 [sflag:s0], $0x4000  }
0x11f: {  	[sflag:s0] =	ssyncset.done @p0 $0x0  }
0x120: {  	[sflag:s0] =	ssyncadd.s32 @p0 $0xFFFFC000;
	s0 =	simm.s32 @p0 $0x6  }
0x121: {  	_ =	swait.ge @p0 [sflag:s0], $0x4000  }
0x122: {  	[sflag:s0] =	ssyncset.done @p0 $0x0  }
0x123: {  	[sflag:s0] =	ssyncadd.s32 @p0 $0xFFFFC000  }
0x124: {  	_ =	swait.ge @!p0 [sflag:s24], $0x300  }
0x125: {  	[sflag:s24] =	ssyncset.done @!p0 $0x0  }
0x126: {  	s0 =	simm.s32 @!p0 $0x5;
	[sflag:s24] =	ssyncadd.s32 @!p0 $0xFFFFFD00  }
0x127: {  	_ =	swait.ge @!p0 [sflag:s0], $0x4000  }
0x128: {  	[sflag:s0] =	ssyncset.done @!p0 $0x0  }
0x129: {  	s24 =	simm.s32 @!p0 $0x600;
	[sflag:s0] =	ssyncadd.s32 @!p0 $0xFFFFC000;
	s0 =	simm.s32 @!p0 $0x80  }
0x12a: {  	[tilespmem:s24], [sflag:$0x3] =	stream.indirect.gather @!p0 [hbm4b:s4+s0], $0x80, s23, s0, $0xb8;
	[tilespmem:$0x1C600] =	vst v63  }
0x12b: {  	s24 =	simm.s32 @!p0 $0x6  }
0x12c: {  	_ =	swait.ge @!p0 [sflag:s24], $0x4000  }
0x12d: {  	[sflag:s24] =	ssyncset.done @!p0 $0x0  }
0x12e: {  	s23 =	sor.u32 @!p0 $0x80, s23;
	[sflag:s24] =	ssyncadd.s32 @!p0 $0xFFFFC000;
	s24 =	simm.s32 @!p0 $0x4600  }
0x12f: {  	[tilespmem:s24], [sflag:$0x4] =	stream.indirect.gather @!p0 [hbm4b:s4+s0], $0x80, s23, s0, $0xb8;
	[tilespmem:$0x1C600] =	vst v63  }
0x130: {  	p0 =	sne.s32 s22, s7  }
.Ltmp2:
0x131: {  	_ = 	snop;
	(pc) =	sbr.rel @p0 .LBB2_2-.Ltmp2, $1  }
0x132: {  	_ =	sdelay $0x3  }
0x133: {  	s21 =	sadd.s32 $0x1, s21  }
0x134: {  	p0 =	sne.s32 s21, s11  }
.Ltmp3:
0x135: {  	[bflag:$0x0] =	sbarrier.arrive $0xFFFF;
	(pc) =	sbr.rel @p0 .LBB2_1-.Ltmp3, $4  }
0x136: {  	[hbm:s20], [sflag:s9] =	dma.local [spmem:s12], $0x2800  }
0x137: {  	_ =	swait.ge [sflag:s13], $0x2800  }
0x138: {  	[sflag:s13] =	ssyncset.done $0x0  }
0x139: {  	[sflag:s13] =	ssyncadd.s32 $0xFFFFD800  }
0x13a: {  	_ =	sfence.sel $0x180000  }
0x13b: {  	[bflag:$0x0] =	sbarrier.arrive $0xFFFF  }
0x13c: {  	_ =	strace $0x9000004A  }
0x13d: {  	[bflag:$0x2] =	sbarrier.arrive $0xFFFF  }
0x13e: {  	p0 =	sne.s32 s3, $0x0;
	s0 =	rddreg [dreg:$0x2]  }
0x13f: {  	s0 =	sadd.s32 @!p0 $0x100000, s0  }
0x140: {  	[sflag:s0] =	ssyncadd.tile.s32 @!p0 $0x1;
	_ =	shalt  }
.Lfunc_end2:
_tile_overlayer_lowered:
.L_overlay_start_2:
0x141: {  	(tag) =	ssettag $0x2  }
0x142: {  	s0 =	rddreg [dreg:$0x0];
	s2 =	stileid.u32  }
0x143: {  	s1 =	rddreg [dreg:$0x1];
	p0 =	sne.s32 s2, $0x0  }
0x144: {  	s3 =	rddreg [dreg:$0x2];
	[bflag:$0x3] =	sbarrier.arrive $0xFFFF;
	s2 =	simm.s32 @!p0 $0x1C07  }
0x145: {  	[timem:s3], [sflag:s2] =	dma.local @!p0 [hbm:s0], s1  }
0x146: {  	s0 =	simm.s32 @!p0 $0x7  }
0x147: {  	_ =	swait.ge @!p0 [sflag:s0], s1  }
0x148: {  	s1 =	ssub.s32 @!p0 $0x0, s1;
	[sflag:s0] =	ssyncset.done @!p0 $0x0  }
0x149: {  	[sflag:s0] =	ssyncadd.s32 @!p0 s1  }
0x14a: {  	[bflag:$0x3] =	sbarrier.arrive $0xFFFF  }
0x14b: {  	_ =	shalt  }

// kernel: kernel.14.cloned.1.call-start
scs
__scs_entry_jumppad:
0x0: {  	(pc) =	sbr.rel $0x88, $3  }
0x1: {  	(tag) =	ssettag $0x0;
	lr =	simm.s32 $0x1  }
0x2: {  	[smem:$0x3F99] =	sst lr;
	_ =	strace $0xD0000000  }
0x3: {  	_ = 	snop  }
0x4: {  	_ = 	snop  }
0x5: {  	_ = 	snop  }
0x6: {  	_ = 	snop  }
0x7: {  	_ = 	snop  }
__scs_overlays_trampoline_lowered:
0x8: {  	[smem:$0x3FA8] =	sst s0  }
0x9: {  	[smem:$0x3FA9] =	sst s1  }
0xa: {  	[smem:$0x3FAA] =	sst s2  }
0xb: {  	[smem:$0x3FAB] =	sst s3  }
0xc: {  	[smem:$0x3FAC] =	sst s4  }
0xd: {  	[smem:$0x3FAD] =	sst s5  }
0xe: {  	[smem:$0x3FAE] =	sst s6  }
0xf: {  	[smem:$0x3FAF] =	sst s7  }
0x10: {  	[smem:$0x3FB0] =	sst s8  }
0x11: {  	[smem:$0x3FB1] =	sst s9;
	s0 =	simm.s32 @!p0 $0x0  }
0x12: {  	s1 =	sld [smem:$0x3F97];
	s0 =	simm.s32 @p0 $0x1  }
0x13: {  	[smem:$0x3FB2] =	sst s0;
	s0 =	simm.s32 @!p1 $0x0  }
0x14: {  	s2 =	sld [smem:$0x3F96];
	s0 =	simm.s32 @p1 $0x1  }
0x15: {  	[smem:$0x3FB3] =	sst s0;
	s0 =	simm.s32 @!p2 $0x0  }
0x16: {  	s3 =	sld [smem:$0x3FDB];
	s0 =	simm.s32 @p2 $0x1  }
0x17: {  	s4 =	simm.s32 $0x1BF5;
	[smem:$0x3FB5] =	sst s0  }
0x18: {  	s0 =	sld [smem:$0x3F98];
	_ =	swait.ge [sflag:s4], $0x0  }
0x19: {  	s7 =	sld [smem:$0x3F99]  }
0x1a: {  	s8 =	sadd.s32 $0xFFFFE003, lr  }
0x1b: {  	s9 =	sadd.s32 $0xFFFFFEF7, lr;
	s5 =	simm.s32 $0xFFFFFFFF;
	p2 =	slt.u32 s8, $0xFFFFF086  }
0x1c: {  	p1 =	slt.u32 s9, $0xF7A;
	s5 =	simm.s32 @!p2 $0x0  }
0x1d: {  	s5 =	simm.s32 @p1 $0x1;
	p0 =	seq.s32 s7, s2  }
0x1e: {  	s7 =	smul.u32 @!p0 $0xF7A, s2;
	p2 =	seq.s32 @!p0 s5, $0x0  }
0x1f: {  	s9 =	smul.u32 $0xF7A, s1;
	s8 =	simm.s32 @!p0 $0x1BF5;
	p2 =	por !p2, p0  }
0x20: {  	[sflag:s8] =	ssyncset.s32 @!p0 $0xFFFFF086;
	s6 =	sadd.s32 @!p0 s3, s7;
	s7 =	simm.s32 @!p0 $0x108  }
0x21: {  	s3 =	sadd.s32 s3, s9;
	s6 =	sadd.s32 @!p0 $0x88, s6;
	s7 =	simm.s32 @p2 $0x1082  }
0x22: {  	[simem:s7], [sflag:s8] =	dma.local @!p0 [hbm:s6], $0xF7A  }
0x23: {  	s9 =	sor.u32 $0xD0000000, s2;
	s6 =	simm.s32 $0x108;
	_ =	swait.ge @!p0 [sflag:s8], $0x0  }
0x24: {  	s3 =	sadd.s32 $0x88, s3;
	s6 =	simm.s32 @!p1 $0x1082;
	[sflag:s4] =	ssyncset.s32 $0xFFFFF086  }
0x25: {  	[simem:s6], [sflag:s4] =	dma.local [hbm:s3], $0xF7A  }
0x26: {  	[smem:$0x3F99] =	sst s1;
	(tag) =	ssettag s2;
	_ =	strace s9  }
0x27: {  	s1 =	sld [smem:$0x3FA9]  }
0x28: {  	s2 =	sld [smem:$0x3FAA]  }
0x29: {  	s4 =	sld [smem:$0x3FAC]  }
0x2a: {  	p0 =	seq.s32 s5, $0x0;
	s5 =	sld [smem:$0x3FAD]  }
0x2b: {  	s6 =	sld [smem:$0x3FAE]  }
0x2c: {  	s7 =	sld [smem:$0x3FAF]  }
0x2d: {  	s3 =	simm.s32 $0x108;
	s8 =	sld [smem:$0x3FB0]  }
0x2e: {  	s3 =	simm.s32 @!p0 $0x1082;
	s9 =	sld [smem:$0x3FB1]  }
0x2f: {  	lr =	sadd.s32 s0, s3;
	s0 =	sld [smem:$0x3FA8]  }
0x30: {  	s3 =	sld [smem:$0x3FAB]  }
0x31: {  	[smem:$0x3FB4] =	sst s10  }
0x32: {  	s10 =	sld [smem:$0x3FB2];
	_ =	sdelay $0x3  }
0x33: {  	p0 =	seq.s32 s10, $0x1;
	s10 =	sld [smem:$0x3FB4];
	_ =	sdelay $0x3  }
0x34: {  	[smem:$0x3FB4] =	sst s10  }
0x35: {  	s10 =	sld [smem:$0x3FB3];
	_ =	sdelay $0x3  }
0x36: {  	p1 =	seq.s32 s10, $0x1;
	s10 =	sld [smem:$0x3FB4];
	_ =	sdelay $0x3  }
0x37: {  	[smem:$0x3FB4] =	sst s10  }
0x38: {  	s10 =	sld [smem:$0x3FB5]  }
0x39: {  	_ = 	snop;
	(pc) =	sbr.ind lr, $3  }
0x3a: {  	_ = 	snop  }
0x3b: {  	_ = 	snop  }
0x3c: {  	p2 =	seq.s32 s10, $0x1;
	s10 =	sld [smem:$0x3FB4]  }
0x3d: {  	_ =	shalt  }
0x3e: {  	_ =	shalt  }
0x3f: {  	_ =	shalt  }
0x40: {  	_ =	shalt  }
0x41: {  	_ =	shalt  }
0x42: {  	_ =	shalt  }
0x43: {  	_ =	shalt  }
0x44: {  	_ =	shalt  }
0x45: {  	_ =	shalt  }
0x46: {  	_ =	shalt  }
0x47: {  	_ =	shalt  }
0x48: {  	_ =	shalt  }
0x49: {  	_ =	shalt  }
0x4a: {  	_ =	shalt  }
0x4b: {  	_ =	shalt  }
0x4c: {  	_ =	shalt  }
0x4d: {  	_ =	shalt  }
0x4e: {  	_ =	shalt  }
0x4f: {  	_ =	shalt  }
0x50: {  	_ =	shalt  }
0x51: {  	_ =	shalt  }
0x52: {  	_ =	shalt  }
0x53: {  	_ =	shalt  }
0x54: {  	_ =	shalt  }
0x55: {  	_ =	shalt  }
0x56: {  	_ =	shalt  }
0x57: {  	_ =	shalt  }
0x58: {  	_ =	shalt  }
0x59: {  	_ =	shalt  }
0x5a: {  	_ =	shalt  }
0x5b: {  	_ =	shalt  }
0x5c: {  	_ =	shalt  }
0x5d: {  	_ =	shalt  }
0x5e: {  	_ =	shalt  }
0x5f: {  	_ =	shalt  }
0x60: {  	_ =	shalt  }
0x61: {  	_ =	shalt  }
0x62: {  	_ =	shalt  }
0x63: {  	_ =	shalt  }
0x64: {  	_ =	shalt  }
0x65: {  	_ =	shalt  }
0x66: {  	_ =	shalt  }
0x67: {  	_ =	shalt  }
0x68: {  	_ =	shalt  }
0x69: {  	_ =	shalt  }
0x6a: {  	_ =	shalt  }
0x6b: {  	_ =	shalt  }
0x6c: {  	_ =	shalt  }
0x6d: {  	_ =	shalt  }
0x6e: {  	_ =	shalt  }
0x6f: {  	_ =	shalt  }
0x70: {  	_ =	shalt  }
0x71: {  	_ =	shalt  }
0x72: {  	_ =	shalt  }
0x73: {  	_ =	shalt  }
0x74: {  	_ =	shalt  }
0x75: {  	_ =	shalt  }
0x76: {  	_ =	shalt  }
0x77: {  	_ =	shalt  }
0x78: {  	_ =	shalt  }
0x79: {  	_ =	shalt  }
0x7a: {  	_ =	shalt  }
0x7b: {  	_ =	shalt  }
0x7c: {  	_ =	shalt  }
0x7d: {  	_ =	shalt  }
0x7e: {  	_ =	shalt  }
0x7f: {  	_ =	shalt  }
0x80: {  	_ =	shalt  }
0x81: {  	_ =	shalt  }
0x82: {  	_ =	shalt  }
0x83: {  	_ =	shalt  }
0x84: {  	_ =	shalt  }
0x85: {  	_ =	shalt  }
0x86: {  	_ =	shalt  }
0x87: {  	_ =	shalt  }
.Lfunc_end0:
.L_simem_size_0:
called_computation.2_lowered:
.L_overlay_start_0:
0x88: {  	s2 =	sld [smem:$0x3FD9]  }
0x89: {  	s3 =	sld [smem:$0x3FFE];
	_ =	sdelay $0x1  }
0x8a: {  	s1 =	srdreg.scid  }
0x8b: {  	s0 =	sand.u32 $0x1, s1  }
0x8c: {  	s16 =	sshll.u32 s0, $0xA;
	s2 =	sadd.s32 s3, s2  }
0x8d: {  	s2 =	sadd.s32 s2, s16  }
0x8e: {  	[smem:$0x3FC0] =	sst s2  }
0x8f: {  	_ = 	snop  }
0x90: {  	(tm) =	ssettm $0x1  }
0x91: {  	s17 =	sld [smem:$0x3FFB];
	_ =	sdelay $0x3  }
0x92: {  	_ =	strace s17  }
0x93: {  	s2 =	sld [smem:$0x3FFC];
	_ =	sdelay $0x3  }
0x94: {  	_ =	strace s2  }
0x95: {  	s2 =	sld [smem:$0x3FFD];
	_ =	sdelay $0x3  }
0x96: {  	_ =	strace s2  }
0x97: {  	_ =	strace $0x8FFFFFFF  }
0x98: {  	s18 =	sld [smem:$0x3FDB];
	_ =	sdelay $0x1  }
0x99: {  	s19 =	simm.s32 $_scs_section_size  }
0x9a: {  	s4 =	simm.s32 $_size__tile_overlayer_lowered;
	s5 =	simm.s32 $_tile_overlayer_lowered  }
0x9b: {  	s22 =	simm.s32 $0x1BFF;
	s21 =	sshll.u32 s5, $0x1;
	s2 =	sadd.s32 s19, s18  }
0x9c: {  	s6 =	simm.s32 $0x0;
	s20 =	sshll.u32 s4, $0x1;
	s4 =	sadd.s32 s21, s2  }
0x9d: {  	[timem:s6], [sflag:s22] =	dma.local [hbm:s4], s20  }
0x9e: {  	_ =	swait.ge [sflag:s22], s20  }
0x9f: {  	s3 =	ssub.s32 $0x0, s20;
	[sflag:s22] =	ssyncset.done $0x0  }
0xa0: {  	[sflag:s22] =	ssyncadd.s32 s3;
	_ =	sdelay $0x1  }
0xa1: {  	s23 =	simm.s32 $0x1B8B  }
0xa2: {  	_ =	swait.ge [sflag:s23], $0x1  }
0xa3: {  	[sflag:s23] =	ssyncset.done $0x0  }
0xa4: {  	s25 =	simm.s32 $0x1B8E;
	s24 =	sld [smem:$0x3FFE];
	[sflag:s23] =	ssyncadd.s32 $0xFFFFFFFF  }
0xa5: {  	s26 =	simm.s32 $execute0_lowered;
	[smem:$0x3FD2] =	sst s25  }
0xa6: {  	s4 =	sshll.u32 s26, $0x1;
	_ =	strace $0x8000004C;
	[dreg:$0x1] =	wrdreg $0xFFFFFFFF  }
0xa7: {  	s28 =	simm.s32 $_size_execute0_lowered;
	s2 =	sadd.s32 s2, s4;
	[dreg:$0x0] =	wrdreg $0x0  }
0xa8: {  	s4 =	sshll.u32 s28, $0x1;
	[dreg:$0x2] =	wrdreg s2  }
0xa9: {  	[dreg:$0x3] =	wrdreg s4  }
0xaa: {  	[dreg:$0x4] =	wrdreg $0xC0  }
0xab: {  	_ =	task [dreg:s6], $0x5FFFF  }
0xac: {  	[dreg:$0x1] =	wrdreg $0xFFFFFFFF  }
0xad: {  	[dreg:$0x0] =	wrdreg $0x60  }
0xae: {  	[dreg:$0x2] =	wrdreg s24  }
0xaf: {  	[dreg:$0x3] =	wrdreg $0x36000  }
0xb0: {  	[dreg:$0x4] =	wrdreg $0x9  }
0xb1: {  	_ =	task.clear_ibuf [dreg:s6], $0x5FFFF;
	_ =	strace $0x9000004C  }
0xb2: {  	s29 =	simm.s32 $0x9;
	_ =	strace $0x8000004E  }
0xb3: {  	_ =	swait.ge [sflag:s29], $0x1  }
0xb4: {  	[sflag:s29] =	ssyncadd.s32 $0xFFFFFFFF  }
0xb5: {  	_ =	strace $0x9000004E  }
0xb6: {  	_ =	sfence  }
0xb7: {  	s30 =	sld [smem:$0x0];
	_ =	sdelay $0x2  }
0xb8: {  	s31 =	sshll.u32 s1, $0xD;
	s1 =	sshrl.u32 s1, $0x2  }
0xb9: {  	s3 =	sand.u32 $0x4000, s31;
	s1 =	sadd.s32 s1, s30  }
0xba: {  	s0 =	sor.u32 s3, s0;
	s1 =	sshll.u32 s1, $0x11  }
0xbb: {  	s0 =	sor.u32 s1, s0  }
0xbc: {  	s0 =	sadd.s32 $0x8F2B, s0  }
0xbd: {  	[sflag:s0] =	ssyncadd.remote.s32 $0x1  }
0xbe: {  	_ =	sfence.sel $0xFFFF  }
0xbf: {  	[dreg:$0x0] =	wrdreg $0xFFFFFFFF;
	(pc) =	sbr.abs _section_cstart, $3  }
0xc0: {  	[dreg:$0x1] =	wrdreg $0xFFFFFFFF  }
0xc1: {  	_ =	task.clear_ibuf [dreg:s6], $0x2FFFF;
	_ =	strace $0x9FFFFFFF  }
0xc2: {  	(tm) =	ssettm $0x7FFFFFFF  }
0xc3: {  	_ =	shalt  }
tec
execute0_lowered:
.L_overlay_start_1:
0x0: {  	(tag) =	ssettag $0x1  }
0x1: {  	s6 =	rddreg [dreg:$0x0]  }
0x2: {  	s1 =	rddreg [dreg:$0x1]  }
0x3: {  	s0 =	rddreg [dreg:$0x2];
	s2 =	simm.s32 $0x0  }
0x4: {  	s3 =	srdreg.scid;
	s14 =	simm.s32 $0x1;
	s15 =	simm.s32 $0x80  }
0x5: {  	s16 =	simm.s32 $0x600;
	s17 =	simm.s32 $0x1E00;
	s18 =	simm.s32 $0x3  }
0x6: {  	s19 =	simm.s32 $0x4;
	[smem:$0x7FF] =	sst s2;
	s7 =	sand.u32 $0x1, s3  }
0x7: {  	s3 =	stileid.u32;
	s4 =	sadd.s32 $0x1F800, s6;
	s8 =	smul.u32 $0xF000, s7  }
0x8: {  	s5 =	sadd.s32 $0x1E00, s6;
	_ =	strace $0x8000004D;
	s9 =	smul.u32 $0x1D, s3  }
0x9: {  	s29 =	ssub.s32 $0x2, s7;
	s10 =	smul.u32 $0x32, s3;
	p0 =	seq.s32 s7, $0x0  }
0xa: {  	s7 =	simm.s32 $0x32;
	s30 =	smul.u32 $0x7800, s3;
	s31 =	sshll.u32 s3, $0x6  }
0xb: {  	s12 =	sshrl.u32 s29, $0x1;
	s7 =	simm.s32 @!p0 $0x1D;
	s11 =	sadd.s32 s8, s6  }
0xc: {  	s6 =	sadd.s32 $0x320, s9;
	s12 =	ssub.s32 s29, s12;
	s13 =	sadd.s32 s30, s1  }
0xd: {  	s20 =	sshrl.u32 s30, $0x3;
	s9 =	sor.u32 $0x1C07, s31;
	s6 =	smov.u32 @p0 s10  }
0xe: {  	s8 =	sadd.s32 s4, s20;
	s21 =	sadd.s32 $0x2E800, s11;
	s10 =	smul.u32 $0x60, s6  }
0xf: {  	s11 =	smax.u32 s12, $0x1;
	s12 =	sshrl.u32 s13, $0x3;
	s13 =	simm.s32 $0x7  }
0x10: {  	s20 =	sadd.s32 s20, s21;
	s21 =	simm.s32 $0x0;
	s10 =	sadd.s32 s5, s10  }
.LBB2_1:
0x11: {  	[spmem:s12], [sflag:s9] =	dma.local [hbm:s8], $0xF00  }
0x12: {  	_ =	swait.ge [sflag:s13], $0xF00  }
0x13: {  	[sflag:s13] =	ssyncset.done $0x0  }
0x14: {  	[sflag:s13] =	ssyncadd.s32 $0xFFFFF100  }
0x15: {  	[bflag:$0x0] =	sbarrier.arrive $0xFFFF  }
0x16: {  	[tilespmem:s2], [sflag:$0x1] =	stream.linear.gather [hbm4b:s10+s2], $0x300, $0x38;
	[tilespmem:$0xAE00] =	vst v63  }
0x17: {  	_ =	swait.ge [sflag:s14], $0x300  }
0x18: {  	[sflag:s14] =	ssyncset.done $0x0  }
0x19: {  	[sflag:s14] =	ssyncadd.s32 $0xFFFFFD00  }
0x1a: {  	[tilespmem:s16], [sflag:$0x3] =	stream.indirect.gather [hbm4b:s4+s15], $0x30, s2, s15, $0xb8;
	[tilespmem:$0xAE00] =	vst v63  }
0x1b: {  	s22 =	simm.s32 $0x0  }
0x1c: {  	[tilespmem:s17], [sflag:$0x4] =	stream.indirect.gather [hbm4b:s4+s15], $0x30, s15, s15, $0xb8;
	[tilespmem:$0xAE00] =	vst v63  }
.LBB2_2:
0x1d: {  	s25 =	sand.u32 $0x1, s22  }
0x1e: {  	s22 =	sadd.s32 $0x1, s22;
	v0 =	vmov s25  }
0x1f: {  	s23 =	simm.s32 $0x0;
	s24 =	sxor.u32 $0x1, s25;
	p0 =	sge.u32 s22, s7;
	v0 =	vmul.u32 $0x300, v0  }
0x20: {  	v1 =	vmov s23;
	s23 =	sadd.s32 @!p0 s6, s22;
	s26 =	smul.u32 @!p0 $0xC00, s24  }
0x21: {  	v1 =	vand.u32 $0x7C, v1;
	s28 =	smul.u32 @!p0 $0x60, s23;
	v0 =	vbroadcast v0, $0x0  }
0x22: {  	s24 =	sadd.s32 @!p0 $0x1, s24;
	v2 =	vbroadcast v1, $0x0  }
0x23: {  	s23 =	sshrl.u32 @!p0 s26, $0x2;
	s26 =	sadd.s32 @!p0 s5, s28;
	s28 =	simm.s32 @!p0 $0x0;
	v1 =	vadd.s32 $0x200, v0  }
0x24: {  	[tilespmem:s23], [sflag:s24] =	stream.linear.gather @!p0 [hbm4b:s26+s28], $0x300, $0x38;
	v2 =	vor.u32 v1, v2;
	[tilespmem:$0xAE00] =	vst v63  }
0x25: {  	_ =	swait.ge [sflag:s18], $0x1800  }
0x26: {  	[sflag:s18] =	ssyncset.done $0x0  }
0x27: {  	s26 =	simm.s32 $0x660;
	[sflag:s18] =	ssyncadd.s32 $0xFFFFE800  }
0x28: {  	v3 =	vld [tilespmem:s26+$0xFFFFFFA0]  }
0x29: {  	s28 =	simm.s32 $0x1;
	v2 =	vld.idx.msk [tilespmem:v2+s2+$0x0], $0xffff  }
0x2a: {  	v5 =	vmov s28;
	v4 =	vld [tilespmem:s26+$0xFFFFFFB0]  }
0x2b: {  	v5 =	vand.u32 $0x7D, v5;
	v6 =	vld [tilespmem:s26+$0xFFFFFFC0]  }
0x2c: {  	v5 =	vbroadcast v5, $0x0;
	_ =	sdelay $0x1  }
0x2d: {  	v5 =	vor.u32 v1, v5;
	v3 =	vmul.f32 v2, v3  }
0x2e: {  	v4 =	vmul.f32 v2, v4  }
0x2f: {  	v2 =	vmul.f32 v2, v6;
	[tilespmem:s26+$0xFFFFFFA0] =	vst v3  }
0x30: {  	[tilespmem:s26+$0xFFFFFFB0] =	vst v4  }
0x31: {  	[tilespmem:s26+$0xFFFFFFC0] =	vst v2;
	v3 =	vld [tilespmem:s26+$0xFFFFFFD0]  }
0x32: {  	s28 =	simm.s32 $0x2;
	v2 =	vld.idx.msk [tilespmem:v5+s2+$0x0], $0xffff  }
0x33: {  	v4 =	vld [tilespmem:s26+$0xFFFFFFE0];
	v5 =	vmov s28  }
0x34: {  	v6 =	vld [tilespmem:s26+$0xFFFFFFF0];
	v5 =	vand.u32 $0x7E, v5  }
0x35: {  	v5 =	vbroadcast v5, $0x0;
	_ =	sdelay $0x1  }
0x36: {  	v5 =	vor.u32 v1, v5;
	v3 =	vmul.f32 v2, v3  }
0x37: {  	v4 =	vmul.f32 v2, v4  }
0x38: {  	v2 =	vmul.f32 v2, v6;
	[tilespmem:s26+$0xFFFFFFD0] =	vst v3  }
0x39: {  	[tilespmem:s26+$0xFFFFFFE0] =	vst v4  }
0x3a: {  	[tilespmem:s26+$0xFFFFFFF0] =	vst v2;
	v3 =	vld [tilespmem:s26+$0x20]  }
0x3b: {  	s28 =	simm.s32 $0x3;
	v2 =	vld.idx.msk [tilespmem:v5+s2+$0x0], $0xffff  }
0x3c: {  	v4 =	vld [tilespmem:s26+$0x10];
	v5 =	vmov s28  }
0x3d: {  	v6 =	vld [tilespmem:s26+$0x0];
	v5 =	vand.u32 $0x7F, v5  }
0x3e: {  	v5 =	vbroadcast v5, $0x0;
	_ =	sdelay $0x1  }
0x3f: {  	v5 =	vor.u32 v1, v5;
	v3 =	vmul.f32 v2, v3  }
0x40: {  	v4 =	vmul.f32 v2, v4  }
0x41: {  	v2 =	vmul.f32 v2, v6;
	[tilespmem:s26+$0x20] =	vst v3  }
0x42: {  	[tilespmem:s26+$0x10] =	vst v4  }
0x43: {  	v7 =	vld [tilespmem:s26+$0x40];
	[tilespmem:s26+$0x0] =	vst v2  }
0x44: {  	v2 =	vld.idx.msk [tilespmem:v5+s2+$0x0], $0xffff  }
0x45: {  	s28 =	simm.s32 $0x4;
	v5 =	vld [tilespmem:s26+$0x30]  }
0x46: {  	v3 =	vmov s28;
	v4 =	vld [tilespmem:s26+$0x50]  }
0x47: {  	v3 =	vand.u32 $0x7C, v3  }
0x48: {  	v3 =	vbroadcast v3, $0x0;
	_ =	sdelay $0x1  }
0x49: {  	s29 =	simm.s32 $0x8;
	v3 =	vor.u32 v1, v3;
	v6 =	vmul.f32 v2, v5;
	v5 =	vmul.f32 v2, v7  }
.LBB2_3:
0x4a: {  	p1 =	slt.u32 s29, $0x7C;
	v2 =	vmul.f32 v2, v4  }
0x4b: {  	[tilespmem:s26+$0x30] =	vst v6  }
0x4c: {  	[tilespmem:s26+$0x40] =	vst v5  }
0x4d: {  	[tilespmem:s26+$0x50] =	vst v2  }
0x4e: {  	s26 =	sadd.s32 $0xC0, s26;
	v2 =	vld.idx.msk [tilespmem:v3+s2+$0x0], $0xffff  }
0x4f: {  	s30 =	sadd.s32 $0x1, s28;
	v3 =	vld [tilespmem:s26+$0xFFFFFFA0]  }
0x50: {  	v5 =	vmov s30;
	v4 =	vld [tilespmem:s26+$0xFFFFFFB0]  }
0x51: {  	v5 =	vand.u32 $0x7D, v5;
	v6 =	vld [tilespmem:s26+$0xFFFFFFC0]  }
0x52: {  	v5 =	vbroadcast v5, $0x0;
	_ =	sdelay $0x1  }
0x53: {  	v5 =	vor.u32 v1, v5;
	v3 =	vmul.f32 v2, v3  }
0x54: {  	v4 =	vmul.f32 v2, v4  }
0x55: {  	[tilespmem:s26+$0xFFFFFFA0] =	vst v3;
	v2 =	vmul.f32 v2, v6  }
0x56: {  	[tilespmem:s26+$0xFFFFFFB0] =	vst v4  }
0x57: {  	[tilespmem:s26+$0xFFFFFFC0] =	vst v2  }
0x58: {  	v2 =	vld.idx.msk [tilespmem:v5+s2+$0x0], $0xffff  }
0x59: {  	s30 =	sadd.s32 $0x2, s28;
	v3 =	vld [tilespmem:s26+$0xFFFFFFD0]  }
0x5a: {  	v5 =	vmov s30;
	v4 =	vld [tilespmem:s26+$0xFFFFFFE0]  }
0x5b: {  	v5 =	vand.u32 $0x7E, v5;
	v6 =	vld [tilespmem:s26+$0xFFFFFFF0]  }
0x5c: {  	v5 =	vbroadcast v5, $0x0;
	_ =	sdelay $0x1  }
0x5d: {  	v5 =	vor.u32 v1, v5;
	v3 =	vmul.f32 v2, v3  }
0x5e: {  	v4 =	vmul.f32 v2, v4  }
0x5f: {  	[tilespmem:s26+$0xFFFFFFD0] =	vst v3;
	v2 =	vmul.f32 v2, v6  }
0x60: {  	[tilespmem:s26+$0xFFFFFFE0] =	vst v4  }
0x61: {  	[tilespmem:s26+$0xFFFFFFF0] =	vst v2;
	v2 =	vld [tilespmem:s26+$0x10]  }
0x62: {  	v3 =	vld.idx.msk [tilespmem:v5+s2+$0x0], $0xffff  }
0x63: {  	s30 =	sadd.s32 $0x3, s28;
	s28 =	smov.u32 s29;
	v4 =	vld [tilespmem:s26+$0x20]  }
0x64: {  	v6 =	vmov s30;
	v5 =	vld [tilespmem:s26+$0x0]  }
0x65: {  	v6 =	vand.u32 $0x7F, v6  }
0x66: {  	v6 =	vbroadcast v6, $0x0;
	_ =	sdelay $0x1  }
0x67: {  	v6 =	vor.u32 v1, v6;
	v2 =	vmul.f32 v3, v2;
	v4 =	vmul.f32 v3, v4  }
0x68: {  	v3 =	vmul.f32 v3, v5  }
0x69: {  	[tilespmem:s26+$0x20] =	vst v4  }
0x6a: {  	[tilespmem:s26+$0x10] =	vst v2  }
0x6b: {  	[tilespmem:s26+$0x0] =	vst v3;
	v5 =	vld [tilespmem:s26+$0x40]  }
0x6c: {  	v2 =	vld.idx.msk [tilespmem:v6+s2+$0x0], $0xffff  }
0x6d: {  	v6 =	vld [tilespmem:s26+$0x30]  }
.Ltmp0:
0x6e: {  	v3 =	vmov s29;
	v4 =	vld [tilespmem:s26+$0x50];
	(pc) =	sbr.rel @p1 .LBB2_3-.Ltmp0, $3  }
0x6f: {  	v3 =	vand.u32 $0x7C, v3  }
0x70: {  	v3 =	vbroadcast v3, $0x0;
	_ =	sdelay $0x1  }
0x71: {  	s29 =	sadd.s32 $0x4, s29;
	v3 =	vor.u32 v1, v3;
	v5 =	vmul.f32 v2, v5;
	v6 =	vmul.f32 v2, v6  }
0x72: {  	_ = 	snop  }
0x73: {  	v2 =	vmul.f32 v2, v4;
	[tilespmem:s26+$0x30] =	vst v6  }
0x74: {  	[tilespmem:s26+$0x40] =	vst v5  }
0x75: {  	[tilespmem:s26+$0x50] =	vst v2  }
0x76: {  	s30 =	sadd.s32 $0xC0, s26;
	v2 =	vld.idx.msk [tilespmem:v3+s2+$0x0], $0xffff  }
0x77: {  	s29 =	sadd.s32 $0x1, s28;
	v3 =	vld [tilespmem:s30+$0xFFFFFFA0]  }
0x78: {  	v4 =	vld [tilespmem:s30+$0xFFFFFFB0];
	v5 =	vmov s29  }
0x79: {  	v6 =	vld [tilespmem:s30+$0xFFFFFFC0];
	v5 =	vand.u32 $0x7D, v5  }
0x7a: {  	v5 =	vbroadcast v5, $0x0;
	_ =	sdelay $0x1  }
0x7b: {  	v5 =	vor.u32 v1, v5;
	v3 =	vmul.f32 v2, v3  }
0x7c: {  	v4 =	vmul.f32 v2, v4  }
0x7d: {  	v2 =	vmul.f32 v2, v6;
	[tilespmem:s30+$0xFFFFFFA0] =	vst v3  }
0x7e: {  	[tilespmem:s30+$0xFFFFFFB0] =	vst v4  }
0x7f: {  	[tilespmem:s30+$0xFFFFFFC0] =	vst v2;
	v3 =	vld [tilespmem:s30+$0xFFFFFFD0]  }
0x80: {  	s29 =	sadd.s32 $0x2, s28;
	v2 =	vld.idx.msk [tilespmem:v5+s2+$0x0], $0xffff  }
0x81: {  	v4 =	vld [tilespmem:s30+$0xFFFFFFE0];
	v5 =	vmov s29  }
0x82: {  	v6 =	vld [tilespmem:s30+$0xFFFFFFF0];
	v5 =	vand.u32 $0x7E, v5  }
0x83: {  	v5 =	vbroadcast v5, $0x0;
	_ =	sdelay $0x1  }
0x84: {  	v5 =	vor.u32 v1, v5;
	v3 =	vmul.f32 v2, v3  }
0x85: {  	v4 =	vmul.f32 v2, v4  }
0x86: {  	v2 =	vmul.f32 v2, v6;
	[tilespmem:s30+$0xFFFFFFD0] =	vst v3  }
0x87: {  	[tilespmem:s30+$0xFFFFFFE0] =	vst v4  }
0x88: {  	[tilespmem:s30+$0xFFFFFFF0] =	vst v2;
	v3 =	vld [tilespmem:s30+$0x20]  }
0x89: {  	s28 =	sadd.s32 $0x3, s28;
	v2 =	vld.idx.msk [tilespmem:v5+s2+$0x0], $0xffff  }
0x8a: {  	v4 =	vld [tilespmem:s30+$0x10];
	v5 =	vmov s28  }
0x8b: {  	v6 =	vld [tilespmem:s30+$0x0];
	v5 =	vand.u32 $0x7F, v5  }
0x8c: {  	v5 =	vbroadcast v5, $0x0;
	_ =	sdelay $0x1  }
0x8d: {  	v1 =	vor.u32 v1, v5;
	v3 =	vmul.f32 v2, v3  }
0x8e: {  	v4 =	vmul.f32 v2, v4  }
0x8f: {  	v2 =	vmul.f32 v2, v6;
	[tilespmem:s30+$0x20] =	vst v3  }
0x90: {  	[tilespmem:s30+$0x10] =	vst v4  }
0x91: {  	[tilespmem:s30+$0x0] =	vst v2;
	v2 =	vld [tilespmem:s30+$0x30]  }
0x92: {  	v1 =	vld.idx.msk [tilespmem:v1+s2+$0x0], $0xffff  }
0x93: {  	v3 =	vld [tilespmem:s30+$0x40]  }
0x94: {  	v4 =	vld [tilespmem:s30+$0x50];
	_ =	sdelay $0x2  }
0x95: {  	s28 =	simm.s32 $0x0;
	v2 =	vmul.f32 v1, v2  }
0x96: {  	s25 =	smul.u32 $0xC00, s25;
	v5 =	vmov s28;
	v3 =	vmul.f32 v1, v3  }
0x97: {  	v5 =	vand.u32 $0x7C, v5;
	v1 =	vmul.f32 v1, v4;
	[tilespmem:s30+$0x30] =	vst v2  }
0x98: {  	s25 =	sshrl.u32 s25, $0x2;
	v2 =	vbroadcast v5, $0x0;
	[tilespmem:s30+$0x40] =	vst v3  }
0x99: {  	v0 =	vadd.s32 $0x280, v0;
	s31 =	sadd.s32 $0x100, s25;
	[tilespmem:s30+$0x50] =	vst v1  }
0x9a: {  	[spmem:s1] =	stream.indirect.scatter.add.f32 [tilespmem:s16], [sflag:$0x5], $0x30, s31, s15, $0xb8;
	v1 =	vor.u32 v0, v2;
	[tilespmem:$0xAE00] =	vst v63  }
0x9b: {  	_ =	swait.ge [sflag:s19], $0x1800  }
0x9c: {  	[sflag:s19] =	ssyncset.done $0x0  }
0x9d: {  	s26 =	simm.s32 $0x1E60;
	[sflag:s19] =	ssyncadd.s32 $0xFFFFE800  }
0x9e: {  	v2 =	vld [tilespmem:s26+$0xFFFFFFA0]  }
0x9f: {  	s28 =	simm.s32 $0x1;
	v1 =	vld.idx.msk [tilespmem:v1+s2+$0x0], $0xffff  }
0xa0: {  	v4 =	vmov s28;
	v3 =	vld [tilespmem:s26+$0xFFFFFFB0]  }
0xa1: {  	v4 =	vand.u32 $0x7D, v4;
	v5 =	vld [tilespmem:s26+$0xFFFFFFC0]  }
0xa2: {  	v4 =	vbroadcast v4, $0x0;
	_ =	sdelay $0x1  }
0xa3: {  	v4 =	vor.u32 v0, v4;
	v2 =	vmul.f32 v1, v2  }
0xa4: {  	v3 =	vmul.f32 v1, v3  }
0xa5: {  	v1 =	vmul.f32 v1, v5;
	[tilespmem:s26+$0xFFFFFFA0] =	vst v2  }
0xa6: {  	[tilespmem:s26+$0xFFFFFFB0] =	vst v3  }
0xa7: {  	[tilespmem:s26+$0xFFFFFFC0] =	vst v1;
	v2 =	vld [tilespmem:s26+$0xFFFFFFD0]  }
0xa8: {  	s28 =	simm.s32 $0x2;
	v1 =	vld.idx.msk [tilespmem:v4+s2+$0x0], $0xffff  }
0xa9: {  	v3 =	vld [tilespmem:s26+$0xFFFFFFE0];
	v4 =	vmov s28  }
0xaa: {  	v5 =	vld [tilespmem:s26+$0xFFFFFFF0];
	v4 =	vand.u32 $0x7E, v4  }
0xab: {  	v4 =	vbroadcast v4, $0x0;
	_ =	sdelay $0x1  }
0xac: {  	v4 =	vor.u32 v0, v4;
	v2 =	vmul.f32 v1, v2  }
0xad: {  	v3 =	vmul.f32 v1, v3  }
0xae: {  	v1 =	vmul.f32 v1, v5;
	[tilespmem:s26+$0xFFFFFFD0] =	vst v2  }
0xaf: {  	[tilespmem:s26+$0xFFFFFFE0] =	vst v3  }
0xb0: {  	[tilespmem:s26+$0xFFFFFFF0] =	vst v1;
	v2 =	vld [tilespmem:s26+$0x20]  }
0xb1: {  	s28 =	simm.s32 $0x3;
	v1 =	vld.idx.msk [tilespmem:v4+s2+$0x0], $0xffff  }
0xb2: {  	v3 =	vld [tilespmem:s26+$0x10];
	v4 =	vmov s28  }
0xb3: {  	v5 =	vld [tilespmem:s26+$0x0];
	v4 =	vand.u32 $0x7F, v4  }
0xb4: {  	v4 =	vbroadcast v4, $0x0;
	_ =	sdelay $0x1  }
0xb5: {  	v4 =	vor.u32 v0, v4;
	v2 =	vmul.f32 v1, v2  }
0xb6: {  	v3 =	vmul.f32 v1, v3  }
0xb7: {  	v1 =	vmul.f32 v1, v5;
	[tilespmem:s26+$0x20] =	vst v2  }
0xb8: {  	[tilespmem:s26+$0x10] =	vst v3  }
0xb9: {  	v6 =	vld [tilespmem:s26+$0x40];
	[tilespmem:s26+$0x0] =	vst v1  }
0xba: {  	v1 =	vld.idx.msk [tilespmem:v4+s2+$0x0], $0xffff  }
0xbb: {  	s28 =	simm.s32 $0x4;
	v4 =	vld [tilespmem:s26+$0x30]  }
0xbc: {  	v2 =	vmov s28;
	v3 =	vld [tilespmem:s26+$0x50]  }
0xbd: {  	v2 =	vand.u32 $0x7C, v2  }
0xbe: {  	v2 =	vbroadcast v2, $0x0;
	_ =	sdelay $0x1  }
0xbf: {  	s29 =	simm.s32 $0x8;
	v2 =	vor.u32 v0, v2;
	v5 =	vmul.f32 v1, v4;
	v4 =	vmul.f32 v1, v6  }
.LBB2_5:
0xc0: {  	p1 =	slt.u32 s29, $0x7C;
	v1 =	vmul.f32 v1, v3  }
0xc1: {  	[tilespmem:s26+$0x30] =	vst v5  }
0xc2: {  	[tilespmem:s26+$0x40] =	vst v4  }
0xc3: {  	[tilespmem:s26+$0x50] =	vst v1  }
0xc4: {  	s26 =	sadd.s32 $0xC0, s26;
	v1 =	vld.idx.msk [tilespmem:v2+s2+$0x0], $0xffff  }
0xc5: {  	s30 =	sadd.s32 $0x1, s28;
	v2 =	vld [tilespmem:s26+$0xFFFFFFA0]  }
0xc6: {  	v4 =	vmov s30;
	v3 =	vld [tilespmem:s26+$0xFFFFFFB0]  }
0xc7: {  	v4 =	vand.u32 $0x7D, v4;
	v5 =	vld [tilespmem:s26+$0xFFFFFFC0]  }
0xc8: {  	v4 =	vbroadcast v4, $0x0;
	_ =	sdelay $0x1  }
0xc9: {  	v4 =	vor.u32 v0, v4;
	v2 =	vmul.f32 v1, v2  }
0xca: {  	v3 =	vmul.f32 v1, v3  }
0xcb: {  	[tilespmem:s26+$0xFFFFFFA0] =	vst v2;
	v1 =	vmul.f32 v1, v5  }
0xcc: {  	[tilespmem:s26+$0xFFFFFFB0] =	vst v3  }
0xcd: {  	[tilespmem:s26+$0xFFFFFFC0] =	vst v1  }
0xce: {  	v1 =	vld.idx.msk [tilespmem:v4+s2+$0x0], $0xffff  }
0xcf: {  	s30 =	sadd.s32 $0x2, s28;
	v2 =	vld [tilespmem:s26+$0xFFFFFFD0]  }
0xd0: {  	v4 =	vmov s30;
	v3 =	vld [tilespmem:s26+$0xFFFFFFE0]  }
0xd1: {  	v4 =	vand.u32 $0x7E, v4;
	v5 =	vld [tilespmem:s26+$0xFFFFFFF0]  }
0xd2: {  	v4 =	vbroadcast v4, $0x0;
	_ =	sdelay $0x1  }
0xd3: {  	v4 =	vor.u32 v0, v4;
	v2 =	vmul.f32 v1, v2  }
0xd4: {  	v3 =	vmul.f32 v1, v3  }
0xd5: {  	[tilespmem:s26+$0xFFFFFFD0] =	vst v2;
	v1 =	vmul.f32 v1, v5  }
0xd6: {  	[tilespmem:s26+$0xFFFFFFE0] =	vst v3  }
0xd7: {  	[tilespmem:s26+$0xFFFFFFF0] =	vst v1;
	v1 =	vld [tilespmem:s26+$0x10]  }
0xd8: {  	v2 =	vld.idx.msk [tilespmem:v4+s2+$0x0], $0xffff  }
0xd9: {  	s30 =	sadd.s32 $0x3, s28;
	s28 =	smov.u32 s29;
	v3 =	vld [tilespmem:s26+$0x20]  }
0xda: {  	v5 =	vmov s30;
	v4 =	vld [tilespmem:s26+$0x0]  }
0xdb: {  	v5 =	vand.u32 $0x7F, v5  }
0xdc: {  	v5 =	vbroadcast v5, $0x0;
	_ =	sdelay $0x1  }
0xdd: {  	v5 =	vor.u32 v0, v5;
	v1 =	vmul.f32 v2, v1;
	v3 =	vmul.f32 v2, v3  }
0xde: {  	v2 =	vmul.f32 v2, v4  }
0xdf: {  	[tilespmem:s26+$0x20] =	vst v3  }
0xe0: {  	[tilespmem:s26+$0x10] =	vst v1  }
0xe1: {  	[tilespmem:s26+$0x0] =	vst v2;
	v4 =	vld [tilespmem:s26+$0x40]  }
0xe2: {  	v1 =	vld.idx.msk [tilespmem:v5+s2+$0x0], $0xffff  }
0xe3: {  	v5 =	vld [tilespmem:s26+$0x30]  }
.Ltmp1:
0xe4: {  	v2 =	vmov s29;
	v3 =	vld [tilespmem:s26+$0x50];
	(pc) =	sbr.rel @p1 .LBB2_5-.Ltmp1, $3  }
0xe5: {  	v2 =	vand.u32 $0x7C, v2  }
0xe6: {  	v2 =	vbroadcast v2, $0x0;
	_ =	sdelay $0x1  }
0xe7: {  	s29 =	sadd.s32 $0x4, s29;
	v2 =	vor.u32 v0, v2;
	v4 =	vmul.f32 v1, v4;
	v5 =	vmul.f32 v1, v5  }
0xe8: {  	_ = 	snop  }
0xe9: {  	v1 =	vmul.f32 v1, v3;
	[tilespmem:s26+$0x30] =	vst v5  }
0xea: {  	[tilespmem:s26+$0x40] =	vst v4  }
0xeb: {  	[tilespmem:s26+$0x50] =	vst v1  }
0xec: {  	s26 =	sadd.s32 $0xC0, s26;
	v1 =	vld.idx.msk [tilespmem:v2+s2+$0x0], $0xffff  }
0xed: {  	s29 =	sadd.s32 $0x1, s28;
	v48 =	vld [tilespmem:s26+$0xFFFFFFA0]  }
0xee: {  	v50 =	vmov s29;
	v49 =	vld [tilespmem:s26+$0xFFFFFFB0]  }
0xef: {  	v4 =	vand.u32 $0x7D, v50;
	v51 =	vld [tilespmem:s26+$0xFFFFFFC0]  }
0xf0: {  	v4 =	vbroadcast v4, $0x0;
	_ =	sdelay $0x1  }
0xf1: {  	v4 =	vor.u32 v0, v4;
	v2 =	vmul.f32 v1, v48  }
0xf2: {  	v3 =	vmul.f32 v1, v49  }
0xf3: {  	v1 =	vmul.f32 v1, v51;
	[tilespmem:s26+$0xFFFFFFA0] =	vst v2  }
0xf4: {  	[tilespmem:s26+$0xFFFFFFB0] =	vst v3  }
0xf5: {  	v52 =	vld [tilespmem:s26+$0xFFFFFFD0];
	[tilespmem:s26+$0xFFFFFFC0] =	vst v1  }
0xf6: {  	s30 =	sadd.s32 $0x2, s28;
	v1 =	vld.idx.msk [tilespmem:v4+s2+$0x0], $0xffff  }
0xf7: {  	v54 =	vmov s30;
	v53 =	vld [tilespmem:s26+$0xFFFFFFE0]  }
0xf8: {  	v55 =	vld [tilespmem:s26+$0xFFFFFFF0];
	v4 =	vand.u32 $0x7E, v54  }
0xf9: {  	v4 =	vbroadcast v4, $0x0;
	_ =	sdelay $0x1  }
0xfa: {  	v4 =	vor.u32 v0, v4;
	v2 =	vmul.f32 v1, v52  }
0xfb: {  	v3 =	vmul.f32 v1, v53  }
0xfc: {  	v1 =	vmul.f32 v1, v55;
	[tilespmem:s26+$0xFFFFFFD0] =	vst v2  }
0xfd: {  	[tilespmem:s26+$0xFFFFFFE0] =	vst v3  }
0xfe: {  	v56 =	vld [tilespmem:s26+$0x20];
	[tilespmem:s26+$0xFFFFFFF0] =	vst v1  }
0xff: {  	s31 =	sadd.s32 $0x3, s28;
	v1 =	vld.idx.msk [tilespmem:v4+s2+$0x0], $0xffff  }
0x100: {  	v58 =	vmov s31;
	v57 =	vld [tilespmem:s26+$0x10]  }
0x101: {  	v59 =	vld [tilespmem:s26+$0x0];
	v4 =	vand.u32 $0x7F, v58  }
0x102: {  	v4 =	vbroadcast v4, $0x0;
	_ =	sdelay $0x1  }
0x103: {  	v60 =	vor.u32 v0, v4;
	v2 =	vmul.f32 v1, v56  }
0x104: {  	v3 =	vmul.f32 v1, v57  }
0x105: {  	v1 =	vmul.f32 v1, v59;
	[tilespmem:s26+$0x20] =	vst v2  }
0x106: {  	[tilespmem:s26+$0x10] =	vst v3  }
0x107: {  	v61 =	vld [tilespmem:s26+$0x30];
	[tilespmem:s26+$0x0] =	vst v1  }
0x108: {  	v0 =	vld.idx.msk [tilespmem:v60+s2+$0x0], $0xffff  }
0x109: {  	v62 =	vld [tilespmem:s26+$0x40]  }
0x10a: {  	v63 =	vld [tilespmem:s26+$0x50];
	_ =	sdelay $0x2  }
0x10b: {  	v1 =	vmul.f32 v0, v61  }
0x10c: {  	v2 =	vmul.f32 v0, v62  }
0x10d: {  	v0 =	vmul.f32 v0, v63;
	[tilespmem:s26+$0x30] =	vst v1  }
0x10e: {  	[tilespmem:s26+$0x40] =	vst v2  }
0x10f: {  	s25 =	sadd.s32 $0x180, s25;
	[tilespmem:s26+$0x50] =	vst v0  }
0x110: {  	[spmem:s1] =	stream.indirect.scatter.add.f32 [tilespmem:s17], [sflag:$0x6], $0x30, s25, s15, $0xb8;
	[tilespmem:$0xAE00] =	vst v63  }
0x111: {  	s25 =	simm.s32 @p0 $0x5  }
0x112: {  	_ =	swait.ge @p0 [sflag:s25], $0x1800  }
0x113: {  	[sflag:s25] =	ssyncset.done @p0 $0x0  }
0x114: {  	[sflag:s25] =	ssyncadd.s32 @p0 $0xFFFFE800;
	s25 =	simm.s32 @p0 $0x6  }
0x115: {  	_ =	swait.ge @p0 [sflag:s25], $0x1800  }
0x116: {  	[sflag:s25] =	ssyncset.done @p0 $0x0  }
0x117: {  	[sflag:s25] =	ssyncadd.s32 @p0 $0xFFFFE800  }
0x118: {  	_ =	swait.ge @!p0 [sflag:s24], $0x300  }
0x119: {  	[sflag:s24] =	ssyncset.done @!p0 $0x0  }
0x11a: {  	[sflag:s24] =	ssyncadd.s32 @!p0 $0xFFFFFD00;
	s24 =	simm.s32 @!p0 $0x5  }
0x11b: {  	_ =	swait.ge @!p0 [sflag:s24], $0x1800  }
0x11c: {  	[sflag:s24] =	ssyncset.done @!p0 $0x0  }
0x11d: {  	s25 =	simm.s32 @!p0 $0x600;
	[sflag:s24] =	ssyncadd.s32 @!p0 $0xFFFFE800;
	s24 =	simm.s32 @!p0 $0x80  }
0x11e: {  	[tilespmem:s25], [sflag:$0x3] =	stream.indirect.gather @!p0 [hbm4b:s4+s24], $0x30, s23, s24, $0xb8;
	[tilespmem:$0xAE00] =	vst v63  }
0x11f: {  	s25 =	simm.s32 @!p0 $0x6  }
0x120: {  	_ =	swait.ge @!p0 [sflag:s25], $0x1800  }
0x121: {  	[sflag:s25] =	ssyncset.done @!p0 $0x0  }
0x122: {  	s23 =	sor.u32 @!p0 $0x80, s23;
	[sflag:s25] =	ssyncadd.s32 @!p0 $0xFFFFE800;
	s25 =	simm.s32 @!p0 $0x1E00  }
0x123: {  	[tilespmem:s25], [sflag:$0x4] =	stream.indirect.gather @!p0 [hbm4b:s4+s24], $0x30, s23, s24, $0xb8;
	[tilespmem:$0xAE00] =	vst v63  }
0x124: {  	p0 =	sne.s32 s22, s7  }
.Ltmp2:
0x125: {  	_ = 	snop;
	(pc) =	sbr.rel @p0 .LBB2_2-.Ltmp2, $1  }
0x126: {  	_ =	sdelay $0x3  }
0x127: {  	s21 =	sadd.s32 $0x1, s21  }
0x128: {  	p0 =	sne.s32 s21, s11  }
.Ltmp3:
0x129: {  	[bflag:$0x0] =	sbarrier.arrive $0xFFFF;
	(pc) =	sbr.rel @p0 .LBB2_1-.Ltmp3, $4  }
0x12a: {  	[hbm:s20], [sflag:s9] =	dma.local [spmem:s12], $0xF00  }
0x12b: {  	_ =	swait.ge [sflag:s13], $0xF00  }
0x12c: {  	[sflag:s13] =	ssyncset.done $0x0  }
0x12d: {  	[sflag:s13] =	ssyncadd.s32 $0xFFFFF100  }
0x12e: {  	_ =	sfence.sel $0x180000  }
0x12f: {  	[bflag:$0x0] =	sbarrier.arrive $0xFFFF  }
0x130: {  	p0 =	sne.s32 s3, $0x0;
	_ =	strace $0x9000004D  }
0x131: {  	s0 =	sadd.s32 @!p0 $0x100000, s0;
	[bflag:$0x2] =	sbarrier.arrive $0xFFFF  }
0x132: {  	[sflag:s0] =	ssyncadd.tile.s32 @!p0 $0x1;
	_ =	shalt  }
.Lfunc_end2:
_tile_overlayer_lowered:
.L_overlay_start_2:
0x133: {  	(tag) =	ssettag $0x2  }
0x134: {  	s0 =	rddreg [dreg:$0x0];
	s2 =	stileid.u32  }
0x135: {  	s1 =	rddreg [dreg:$0x1];
	p0 =	sne.s32 s2, $0x0  }
0x136: {  	s3 =	rddreg [dreg:$0x2];
	[bflag:$0x3] =	sbarrier.arrive $0xFFFF;
	s2 =	simm.s32 @!p0 $0x1C07  }
0x137: {  	[timem:s3], [sflag:s2] =	dma.local @!p0 [hbm:s0], s1  }
0x138: {  	s0 =	simm.s32 @!p0 $0x7  }
0x139: {  	_ =	swait.ge @!p0 [sflag:s0], s1  }
0x13a: {  	s1 =	ssub.s32 @!p0 $0x0, s1;
	[sflag:s0] =	ssyncset.done @!p0 $0x0  }
0x13b: {  	[sflag:s0] =	ssyncadd.s32 @!p0 s1  }
0x13c: {  	[bflag:$0x3] =	sbarrier.arrive $0xFFFF  }
0x13d: {  	_ =	shalt  }

// kernel: kernel.8.cloned.1.call-start
scs
__scs_entry_jumppad:
0x0: {  	(pc) =	sbr.rel $0x88, $3  }
0x1: {  	(tag) =	ssettag $0x0;
	lr =	simm.s32 $0x1  }
0x2: {  	[smem:$0x3F99] =	sst lr;
	_ =	strace $0xD0000000  }
0x3: {  	_ = 	snop  }
0x4: {  	_ = 	snop  }
0x5: {  	_ = 	snop  }
0x6: {  	_ = 	snop  }
0x7: {  	_ = 	snop  }
__scs_overlays_trampoline_lowered:
0x8: {  	[smem:$0x3FA8] =	sst s0  }
0x9: {  	[smem:$0x3FA9] =	sst s1  }
0xa: {  	[smem:$0x3FAA] =	sst s2  }
0xb: {  	[smem:$0x3FAB] =	sst s3  }
0xc: {  	[smem:$0x3FAC] =	sst s4  }
0xd: {  	[smem:$0x3FAD] =	sst s5  }
0xe: {  	[smem:$0x3FAE] =	sst s6  }
0xf: {  	[smem:$0x3FAF] =	sst s7  }
0x10: {  	[smem:$0x3FB0] =	sst s8  }
0x11: {  	[smem:$0x3FB1] =	sst s9;
	s0 =	simm.s32 @!p0 $0x0  }
0x12: {  	s1 =	sld [smem:$0x3F97];
	s0 =	simm.s32 @p0 $0x1  }
0x13: {  	[smem:$0x3FB2] =	sst s0;
	s0 =	simm.s32 @!p1 $0x0  }
0x14: {  	s2 =	sld [smem:$0x3F96];
	s0 =	simm.s32 @p1 $0x1  }
0x15: {  	[smem:$0x3FB3] =	sst s0;
	s0 =	simm.s32 @!p2 $0x0  }
0x16: {  	s3 =	sld [smem:$0x3FDB];
	s0 =	simm.s32 @p2 $0x1  }
0x17: {  	s4 =	simm.s32 $0x1BF5;
	[smem:$0x3FB5] =	sst s0  }
0x18: {  	s0 =	sld [smem:$0x3F98];
	_ =	swait.ge [sflag:s4], $0x0  }
0x19: {  	s7 =	sld [smem:$0x3F99]  }
0x1a: {  	s8 =	sadd.s32 $0xFFFFE003, lr  }
0x1b: {  	s9 =	sadd.s32 $0xFFFFFEF7, lr;
	s5 =	simm.s32 $0xFFFFFFFF;
	p2 =	slt.u32 s8, $0xFFFFF086  }
0x1c: {  	p1 =	slt.u32 s9, $0xF7A;
	s5 =	simm.s32 @!p2 $0x0  }
0x1d: {  	s5 =	simm.s32 @p1 $0x1;
	p0 =	seq.s32 s7, s2  }
0x1e: {  	s7 =	smul.u32 @!p0 $0xF7A, s2;
	p2 =	seq.s32 @!p0 s5, $0x0  }
0x1f: {  	s9 =	smul.u32 $0xF7A, s1;
	s8 =	simm.s32 @!p0 $0x1BF5;
	p2 =	por !p2, p0  }
0x20: {  	[sflag:s8] =	ssyncset.s32 @!p0 $0xFFFFF086;
	s6 =	sadd.s32 @!p0 s3, s7;
	s7 =	simm.s32 @!p0 $0x108  }
0x21: {  	s3 =	sadd.s32 s3, s9;
	s6 =	sadd.s32 @!p0 $0x88, s6;
	s7 =	simm.s32 @p2 $0x1082  }
0x22: {  	[simem:s7], [sflag:s8] =	dma.local @!p0 [hbm:s6], $0xF7A  }
0x23: {  	s9 =	sor.u32 $0xD0000000, s2;
	s6 =	simm.s32 $0x108;
	_ =	swait.ge @!p0 [sflag:s8], $0x0  }
0x24: {  	s3 =	sadd.s32 $0x88, s3;
	s6 =	simm.s32 @!p1 $0x1082;
	[sflag:s4] =	ssyncset.s32 $0xFFFFF086  }
0x25: {  	[simem:s6], [sflag:s4] =	dma.local [hbm:s3], $0xF7A  }
0x26: {  	[smem:$0x3F99] =	sst s1;
	(tag) =	ssettag s2;
	_ =	strace s9  }
0x27: {  	s1 =	sld [smem:$0x3FA9]  }
0x28: {  	s2 =	sld [smem:$0x3FAA]  }
0x29: {  	s4 =	sld [smem:$0x3FAC]  }
0x2a: {  	p0 =	seq.s32 s5, $0x0;
	s5 =	sld [smem:$0x3FAD]  }
0x2b: {  	s6 =	sld [smem:$0x3FAE]  }
0x2c: {  	s7 =	sld [smem:$0x3FAF]  }
0x2d: {  	s3 =	simm.s32 $0x108;
	s8 =	sld [smem:$0x3FB0]  }
0x2e: {  	s3 =	simm.s32 @!p0 $0x1082;
	s9 =	sld [smem:$0x3FB1]  }
0x2f: {  	lr =	sadd.s32 s0, s3;
	s0 =	sld [smem:$0x3FA8]  }
0x30: {  	s3 =	sld [smem:$0x3FAB]  }
0x31: {  	[smem:$0x3FB4] =	sst s10  }
0x32: {  	s10 =	sld [smem:$0x3FB2];
	_ =	sdelay $0x3  }
0x33: {  	p0 =	seq.s32 s10, $0x1;
	s10 =	sld [smem:$0x3FB4];
	_ =	sdelay $0x3  }
0x34: {  	[smem:$0x3FB4] =	sst s10  }
0x35: {  	s10 =	sld [smem:$0x3FB3];
	_ =	sdelay $0x3  }
0x36: {  	p1 =	seq.s32 s10, $0x1;
	s10 =	sld [smem:$0x3FB4];
	_ =	sdelay $0x3  }
0x37: {  	[smem:$0x3FB4] =	sst s10  }
0x38: {  	s10 =	sld [smem:$0x3FB5]  }
0x39: {  	_ = 	snop;
	(pc) =	sbr.ind lr, $3  }
0x3a: {  	_ = 	snop  }
0x3b: {  	_ = 	snop  }
0x3c: {  	p2 =	seq.s32 s10, $0x1;
	s10 =	sld [smem:$0x3FB4]  }
0x3d: {  	_ =	shalt  }
0x3e: {  	_ =	shalt  }
0x3f: {  	_ =	shalt  }
0x40: {  	_ =	shalt  }
0x41: {  	_ =	shalt  }
0x42: {  	_ =	shalt  }
0x43: {  	_ =	shalt  }
0x44: {  	_ =	shalt  }
0x45: {  	_ =	shalt  }
0x46: {  	_ =	shalt  }
0x47: {  	_ =	shalt  }
0x48: {  	_ =	shalt  }
0x49: {  	_ =	shalt  }
0x4a: {  	_ =	shalt  }
0x4b: {  	_ =	shalt  }
0x4c: {  	_ =	shalt  }
0x4d: {  	_ =	shalt  }
0x4e: {  	_ =	shalt  }
0x4f: {  	_ =	shalt  }
0x50: {  	_ =	shalt  }
0x51: {  	_ =	shalt  }
0x52: {  	_ =	shalt  }
0x53: {  	_ =	shalt  }
0x54: {  	_ =	shalt  }
0x55: {  	_ =	shalt  }
0x56: {  	_ =	shalt  }
0x57: {  	_ =	shalt  }
0x58: {  	_ =	shalt  }
0x59: {  	_ =	shalt  }
0x5a: {  	_ =	shalt  }
0x5b: {  	_ =	shalt  }
0x5c: {  	_ =	shalt  }
0x5d: {  	_ =	shalt  }
0x5e: {  	_ =	shalt  }
0x5f: {  	_ =	shalt  }
0x60: {  	_ =	shalt  }
0x61: {  	_ =	shalt  }
0x62: {  	_ =	shalt  }
0x63: {  	_ =	shalt  }
0x64: {  	_ =	shalt  }
0x65: {  	_ =	shalt  }
0x66: {  	_ =	shalt  }
0x67: {  	_ =	shalt  }
0x68: {  	_ =	shalt  }
0x69: {  	_ =	shalt  }
0x6a: {  	_ =	shalt  }
0x6b: {  	_ =	shalt  }
0x6c: {  	_ =	shalt  }
0x6d: {  	_ =	shalt  }
0x6e: {  	_ =	shalt  }
0x6f: {  	_ =	shalt  }
0x70: {  	_ =	shalt  }
0x71: {  	_ =	shalt  }
0x72: {  	_ =	shalt  }
0x73: {  	_ =	shalt  }
0x74: {  	_ =	shalt  }
0x75: {  	_ =	shalt  }
0x76: {  	_ =	shalt  }
0x77: {  	_ =	shalt  }
0x78: {  	_ =	shalt  }
0x79: {  	_ =	shalt  }
0x7a: {  	_ =	shalt  }
0x7b: {  	_ =	shalt  }
0x7c: {  	_ =	shalt  }
0x7d: {  	_ =	shalt  }
0x7e: {  	_ =	shalt  }
0x7f: {  	_ =	shalt  }
0x80: {  	_ =	shalt  }
0x81: {  	_ =	shalt  }
0x82: {  	_ =	shalt  }
0x83: {  	_ =	shalt  }
0x84: {  	_ =	shalt  }
0x85: {  	_ =	shalt  }
0x86: {  	_ =	shalt  }
0x87: {  	_ =	shalt  }
.Lfunc_end0:
.L_simem_size_0:
called_computation_lowered:
.L_overlay_start_0:
0x88: {  	s2 =	sld [smem:$0x3FD9]  }
0x89: {  	s3 =	sld [smem:$0x3FFE];
	_ =	sdelay $0x1  }
0x8a: {  	s1 =	srdreg.scid  }
0x8b: {  	s0 =	sand.u32 $0x1, s1  }
0x8c: {  	s17 =	sshll.u32 s0, $0xA;
	s2 =	sadd.s32 s3, s2  }
0x8d: {  	s2 =	sadd.s32 s2, s17  }
0x8e: {  	[smem:$0x3FC0] =	sst s2  }
0x8f: {  	_ = 	snop  }
0x90: {  	s2 =	sld [smem:$0x3FC6]  }
0x91: {  	s18 =	sld [smem:$0x3FD0];
	(tm) =	ssettm $0x1  }
0x92: {  	s4 =	sld [smem:$0x3FFB];
	_ =	sdelay $0x3  }
0x93: {  	_ =	strace s4  }
0x94: {  	s4 =	sld [smem:$0x3FFC];
	_ =	sdelay $0x3  }
0x95: {  	_ =	strace s4  }
0x96: {  	s4 =	sld [smem:$0x3FFD];
	_ =	sdelay $0x3  }
0x97: {  	_ =	strace s4  }
0x98: {  	_ =	strace $0x8FFFFFFF  }
0x99: {  	s19 =	sld [smem:$0x3FDB];
	_ =	sdelay $0x1  }
0x9a: {  	s5 =	simm.s32 $_scs_section_size  }
0x9b: {  	s6 =	simm.s32 $_size__tile_overlayer_lowered;
	s7 =	simm.s32 $_tile_overlayer_lowered  }
0x9c: {  	s22 =	simm.s32 $0x1BFF;
	s21 =	sshll.u32 s7, $0x1;
	s4 =	sadd.s32 s5, s19  }
0x9d: {  	s8 =	simm.s32 $0x0;
	s20 =	sshll.u32 s6, $0x1;
	s6 =	sadd.s32 s21, s4  }
0x9e: {  	[timem:s8], [sflag:s22] =	dma.local [hbm:s6], s20  }
0x9f: {  	_ =	swait.ge [sflag:s22], s20  }
0xa0: {  	s5 =	ssub.s32 $0x0, s20;
	[sflag:s22] =	ssyncset.done $0x0  }
0xa1: {  	[sflag:s22] =	ssyncadd.s32 s5;
	_ =	sdelay $0x1  }
0xa2: {  	s23 =	simm.s32 $0x1B8B  }
0xa3: {  	_ =	swait.ge [sflag:s23], $0x1  }
0xa4: {  	[sflag:s23] =	ssyncset.done $0x0  }
0xa5: {  	s25 =	simm.s32 $0x1B8E;
	s24 =	sld [smem:$0x3FFE];
	[sflag:s23] =	ssyncadd.s32 $0xFFFFFFFF  }
0xa6: {  	s26 =	simm.s32 $execute0_lowered;
	[smem:$0x3FD2] =	sst s25  }
0xa7: {  	s6 =	sshll.u32 s26, $0x1;
	_ =	strace $0x80000046;
	[dreg:$0x1] =	wrdreg $0xFFFFFFFF  }
0xa8: {  	s28 =	simm.s32 $_size_execute0_lowered;
	s4 =	sadd.s32 s4, s6;
	[dreg:$0x0] =	wrdreg $0x0  }
0xa9: {  	s6 =	sshll.u32 s28, $0x1;
	[dreg:$0x2] =	wrdreg s4  }
0xaa: {  	[dreg:$0x3] =	wrdreg s6  }
0xab: {  	[dreg:$0x4] =	wrdreg $0xC0  }
0xac: {  	_ =	task [dreg:s8], $0x5FFFF  }
0xad: {  	[dreg:$0x1] =	wrdreg $0xFFFFFFFF  }
0xae: {  	[dreg:$0x0] =	wrdreg $0x60  }
0xaf: {  	[dreg:$0x2] =	wrdreg s2  }
0xb0: {  	[dreg:$0x3] =	wrdreg s24  }
0xb1: {  	[dreg:$0x4] =	wrdreg s18  }
0xb2: {  	[dreg:$0x5] =	wrdreg $0x97400  }
0xb3: {  	[dreg:$0x6] =	wrdreg $0x9  }
0xb4: {  	_ =	task.clear_ibuf [dreg:s8], $0x7FFFF;
	_ =	strace $0x90000046  }
0xb5: {  	s29 =	simm.s32 $0x9;
	_ =	strace $0x80000048  }
0xb6: {  	_ =	swait.ge [sflag:s29], $0x1  }
0xb7: {  	[sflag:s29] =	ssyncadd.s32 $0xFFFFFFFF  }
0xb8: {  	_ =	strace $0x90000048  }
0xb9: {  	_ =	sfence  }
0xba: {  	s30 =	sld [smem:$0x0];
	_ =	sdelay $0x2  }
0xbb: {  	s31 =	sshll.u32 s1, $0xD;
	s1 =	sshrl.u32 s1, $0x2  }
0xbc: {  	s3 =	sand.u32 $0x4000, s31;
	s1 =	sadd.s32 s1, s30  }
0xbd: {  	s0 =	sor.u32 s3, s0;
	s1 =	sshll.u32 s1, $0x11  }
0xbe: {  	s0 =	sor.u32 s1, s0  }
0xbf: {  	s0 =	sadd.s32 $0x8F2B, s0  }
0xc0: {  	[sflag:s0] =	ssyncadd.remote.s32 $0x1  }
0xc1: {  	_ =	sfence.sel $0xFFFF  }
0xc2: {  	[dreg:$0x0] =	wrdreg $0xFFFFFFFF;
	(pc) =	sbr.abs _section_cstart, $3  }
0xc3: {  	[dreg:$0x1] =	wrdreg $0xFFFFFFFF  }
0xc4: {  	_ =	task.clear_ibuf [dreg:s8], $0x2FFFF;
	_ =	strace $0x9FFFFFFF  }
0xc5: {  	(tm) =	ssettm $0x7FFFFFFF  }
tec
execute0_lowered:
.L_overlay_start_1:
0x0: {  	(tag) =	ssettag $0x1  }
0x1: {  	s1 =	rddreg [dreg:$0x0]  }
0x2: {  	s0 =	rddreg [dreg:$0x1]  }
0x3: {  	s2 =	srdreg.scid;
	s8 =	rddreg [dreg:$0x2]  }
0x4: {  	s17 =	stileid.u32;
	s3 =	rddreg [dreg:$0x3];
	s7 =	simm.s32 $0x2D  }
0x5: {  	s30 =	simm.s32 $0x1;
	s31 =	simm.s32 $0x5;
	s9 =	smul.u32 $0x2800, s17  }
0x6: {  	s2 =	sand.u32 $0x1, s2;
	s4 =	sshll.u32 s17, $0x1;
	s6 =	smul.u32 $0x22, s17  }
0x7: {  	s16 =	smul.u32 $0x2D, s17;
	s10 =	sor.u32 s2, s4;
	s4 =	simm.s32 $0x0  }
0x8: {  	s14 =	ssub.s32 $0x2, s2;
	p0 =	seq.s32 s2, $0x0;
	s2 =	smul.u32 $0x5000, s2  }
0x9: {  	s19 =	sshll.u32 s17, $0x6;
	s5 =	smul.u32 $0x28, s10;
	[smem:$0x7FF] =	sst s4  }
0xa: {  	s12 =	sshrl.u32 s9, $0x3;
	s15 =	sshrl.u32 s14, $0x1;
	s6 =	sadd.s32 $0x2D0, s6  }
0xb: {  	s7 =	simm.s32 @!p0 $0x22;
	s18 =	sadd.s32 s9, s3;
	s20 =	smul.u32 $0xA000, s10  }
0xc: {  	s9 =	sor.u32 $0x1C0D, s19;
	s10 =	smul.u32 $0x1400, s10;
	s19 =	simm.s32 $0xD  }
0xd: {  	_ =	strace $0x80000047;
	s13 =	sadd.s32 s12, s0;
	s14 =	ssub.s32 s14, s15  }
0xe: {  	s6 =	smov.u32 @p0 s16;
	s28 =	sadd.s32 s8, s2;
	s18 =	sshrl.u32 s18, $0x3  }
0xf: {  	s8 =	simm.s32 $0x6;
	s15 =	simm.s32 $0xB;
	s16 =	simm.s32 $0xC  }
0x10: {  	s11 =	sadd.s32 s5, s0;
	s5 =	sadd.s32 $0x1E00, s0;
	s0 =	sadd.s32 $0x24E00, s0  }
0x11: {  	s13 =	sadd.s32 $0x1FE00, s13;
	s21 =	smul.u32 $0x60, s6;
	s22 =	sshrl.u32 s20, $0x3  }
0x12: {  	s29 =	smax.u32 s14, $0x1;
	s20 =	simm.s32 $0x8140;
	[dreg:$0x5] =	wrdreg s13  }
0x13: {  	s14 =	simm.s32 $0x8F40;
	s11 =	sadd.s32 $0x1F800, s11;
	[dreg:$0xd] =	wrdreg s29  }
0x14: {  	[dreg:$0x6] =	wrdreg s11;
	s13 =	sadd.s32 s5, s21;
	s11 =	sadd.s32 s0, s22  }
0x15: {  	s0 =	sadd.s32 s0, s10;
	s21 =	simm.s32 $0x40;
	[dreg:$0x7] =	wrdreg s13  }
0x16: {  	s22 =	simm.s32 $0x140;
	[dreg:$0x8] =	wrdreg s0;
	s23 =	sadd.s32 $0x400, s11  }
0x17: {  	s10 =	simm.s32 $0x7;
	s24 =	sadd.s32 $0x800, s11;
	[dreg:$0x9] =	wrdreg s23  }
0x18: {  	s25 =	sadd.s32 $0xC00, s11;
	s26 =	sadd.s32 $0x1000, s11;
	[dreg:$0xa] =	wrdreg s24  }
0x19: {  	s0 =	sadd.s32 s12, s28;
	s11 =	simm.s32 $0x8;
	[dreg:$0xb] =	wrdreg s25  }
0x1a: {  	s12 =	simm.s32 $0x9;
	s13 =	simm.s32 $0x8740;
	[dreg:$0xc] =	wrdreg s26  }
0x1b: {  	[dreg:$0xe] =	wrdreg s0;
	s25 =	simm.s32 $0x80;
	s23 =	simm.s32 $0x0  }
.LBB2_1:
0x1c: {  	s0 =	rddreg [dreg:$0x5]  }
0x1d: {  	[spmem:s18], [sflag:s9] =	dma.local [hbm:s0], $0x500  }
0x1e: {  	_ =	swait.ge [sflag:s19], $0x500  }
0x1f: {  	[sflag:s19] =	ssyncset.done $0x0  }
0x20: {  	s17 =	rddreg [dreg:$0x6];
	[sflag:s19] =	ssyncadd.s32 $0xFFFFFB00  }
0x21: {  	[tilespmem:s4], [sflag:$0xD] =	stream.linear.gather [hbm4b:s17+s4], $0x140, $0x38;
	[tilespmem:$0xBF40] =	vst v63  }
0x22: {  	_ =	swait.ge [sflag:s19], $0x140  }
0x23: {  	[sflag:s19] =	ssyncset.done $0x0  }
0x24: {  	s24 =	rddreg [dreg:$0x7];
	[sflag:s19] =	ssyncadd.s32 $0xFFFFFEC0  }
0x25: {  	[tilespmem:s20], [sflag:$0x9] =	stream.linear.gather [hbm4b:s24+s4], $0x300, $0x38;
	[tilespmem:$0xBF40] =	vst v63  }
0x26: {  	_ = 	snop  }
0x27: {  	[tilespmem:s22], [sflag:$0x1] =	stream.indirect.gather [hbm4b:s1+s21], $0x80, s4, s21, $0xb8;
	[tilespmem:$0xBF40] =	vst v63  }
0x28: {  	s2 =	simm.s32 $0x2140  }
0x29: {  	[tilespmem:s2], [sflag:$0x2] =	stream.indirect.gather [hbm4b:s1+s21], $0x80, s21, s21, $0xb8;
	[tilespmem:$0xBF40] =	vst v63  }
0x2a: {  	s17 =	simm.s32 $0x4140  }
0x2b: {  	[tilespmem:s17], [sflag:$0x3] =	stream.indirect.gather [hbm4b:s1+s21], $0x80, s25, s21, $0xb8;
	[tilespmem:$0xBF40] =	vst v63  }
0x2c: {  	s26 =	simm.s32 $0xC0;
	s24 =	simm.s32 $0x6140  }
0x2d: {  	[tilespmem:s24], [sflag:$0x4] =	stream.indirect.gather [hbm4b:s1+s21], $0x80, s26, s21, $0xb8;
	[tilespmem:$0xBF40] =	vst v63  }
0x2e: {  	_ =	swait.ge [sflag:s30], $0x2000  }
0x2f: {  	[sflag:s30] =	ssyncset.done $0x0  }
0x30: {  	s28 =	rddreg [dreg:$0x8];
	[sflag:s30] =	ssyncadd.s32 $0xFFFFE000  }
0x31: {  	[hbm4b:s28+s4] =	stream.linear.scatter [tilespmem:s22], [sflag:$0x5], $0x2000, $0x38;
	[tilespmem:$0xBF40] =	vst v63  }
0x32: {  	_ =	swait.ge [sflag:s31], $0x2000  }
0x33: {  	[sflag:s31] =	ssyncset.done $0x0  }
0x34: {  	s29 =	simm.s32 $0x100;
	s26 =	simm.s32 $0x2;
	[sflag:s31] =	ssyncadd.s32 $0xFFFFE000  }
0x35: {  	[tilespmem:s22], [sflag:$0x1] =	stream.indirect.gather [hbm4b:s1+s21], $0x80, s29, s21, $0xb8;
	[tilespmem:$0xBF40] =	vst v63  }
0x36: {  	_ =	swait.ge [sflag:s26], $0x2000  }
0x37: {  	[sflag:s26] =	ssyncset.done $0x0  }
0x38: {  	s29 =	simm.s32 $0x3;
	s28 =	rddreg [dreg:$0x9];
	[sflag:s26] =	ssyncadd.s32 $0xFFFFE000  }
0x39: {  	[hbm4b:s28+s4] =	stream.linear.scatter [tilespmem:s2], [sflag:$0x6], $0x2000, $0x38;
	[tilespmem:$0xBF40] =	vst v63  }
0x3a: {  	_ =	swait.ge [sflag:s29], $0x2000  }
0x3b: {  	[sflag:s29] =	ssyncset.done $0x0  }
0x3c: {  	s26 =	simm.s32 $0x4;
	s2 =	rddreg [dreg:$0xa];
	[sflag:s29] =	ssyncadd.s32 $0xFFFFE000  }
0x3d: {  	[hbm4b:s2+s4] =	stream.linear.scatter [tilespmem:s17], [sflag:$0x7], $0x2000, $0x38;
	[tilespmem:$0xBF40] =	vst v63  }
0x3e: {  	_ =	swait.ge [sflag:s26], $0x2000  }
0x3f: {  	[sflag:s26] =	ssyncset.done $0x0  }
0x40: {  	s28 =	rddreg [dreg:$0xb];
	[sflag:s26] =	ssyncadd.s32 $0xFFFFE000  }
0x41: {  	[hbm4b:s28+s4] =	stream.linear.scatter [tilespmem:s24], [sflag:$0x8], $0x2000, $0x38;
	[tilespmem:$0xBF40] =	vst v63  }
0x42: {  	_ =	swait.ge [sflag:s30], $0x2000  }
0x43: {  	[sflag:s30] =	ssyncset.done $0x0  }
0x44: {  	s29 =	rddreg [dreg:$0xc];
	[sflag:s30] =	ssyncadd.s32 $0xFFFFE000  }
0x45: {  	[hbm4b:s29+s4] =	stream.linear.scatter [tilespmem:s22], [sflag:$0x5], $0x2000, $0x38;
	[tilespmem:$0xBF40] =	vst v63  }
0x46: {  	_ =	swait.ge [sflag:s8], $0x2000  }
0x47: {  	[sflag:s8] =	ssyncset.done $0x0  }
0x48: {  	[sflag:s8] =	ssyncadd.s32 $0xFFFFE000  }
0x49: {  	_ =	swait.ge [sflag:s10], $0x2000  }
0x4a: {  	[sflag:s10] =	ssyncset.done $0x0  }
0x4b: {  	[sflag:s10] =	ssyncadd.s32 $0xFFFFE000  }
0x4c: {  	_ =	swait.ge [sflag:s11], $0x2000  }
0x4d: {  	[sflag:s11] =	ssyncset.done $0x0  }
0x4e: {  	[sflag:s11] =	ssyncadd.s32 $0xFFFFE000  }
0x4f: {  	_ =	swait.ge [sflag:s31], $0x2000  }
0x50: {  	[sflag:s31] =	ssyncset.done $0x0  }
0x51: {  	[sflag:s31] =	ssyncadd.s32 $0xFFFFE000  }
0x52: {  	_ =	swait.ge [sflag:s12], $0x300  }
0x53: {  	[sflag:s12] =	ssyncset.done $0x0  }
0x54: {  	[sflag:s12] =	ssyncadd.s32 $0xFFFFFD00  }
0x55: {  	s17 =	simm.s32 $0x0;
	[bflag:$0x0] =	sbarrier.arrive $0xFFFF  }
.LBB2_2:
0x56: {  	s29 =	sand.u32 $0x1, s17  }
0x57: {  	v0 =	vmov s29  }
0x58: {  	s0 =	simm.s32 $0x0;
	v0 =	vmul.u32 $0x300, v0  }
0x59: {  	v1 =	vmov s0  }
0x5a: {  	v1 =	vand.u32 $0x7C, v1;
	v0 =	vbroadcast v0, $0x0  }
0x5b: {  	s17 =	sadd.s32 $0x1, s17;
	v2 =	vbroadcast v1, $0x0  }
0x5c: {  	s0 =	sxor.u32 $0x1, s29;
	p0 =	sge.u32 s17, s7;
	v1 =	vadd.s32 $0x200, v0  }
0x5d: {  	s24 =	smul.u32 @!p0 $0xC00, s0;
	s26 =	sadd.s32 @!p0 s6, s17;
	v2 =	vor.u32 v1, v2  }
0x5e: {  	s2 =	simm.s32 $0x1;
	s28 =	smul.u32 @!p0 $0x60, s26  }
0x5f: {  	v3 =	vmov s2;
	s26 =	sadd.s32 @!p0 $0x9, s0;
	s24 =	sshrl.u32 @!p0 s24, $0x2  }
0x60: {  	v3 =	vand.u32 $0x7D, v3;
	s24 =	sadd.s32 @!p0 $0x8140, s24;
	s0 =	sadd.s32 @!p0 s5, s28;
	s28 =	simm.s32 @!p0 $0x0  }
0x61: {  	v3 =	vbroadcast v3, $0x0;
	[tilespmem:s24], [sflag:s26] =	stream.linear.gather @!p0 [hbm4b:s0+s28], $0x300, $0x38;
	[tilespmem:$0xBF40] =	vst v63  }
0x62: {  	v2 =	vld.idx.msk [tilespmem:v2+s20+$0x0], $0xffff  }
0x63: {  	v3 =	vor.u32 v1, v3  }
0x64: {  	s24 =	simm.s32 $0x2  }
0x65: {  	v4 =	vmov s24  }
0x66: {  	s24 =	simm.s32 $0x8760;
	v4 =	vand.u32 $0x7E, v4  }
0x67: {  	[tilespmem:s24+$0xFFFFFFE0] =	vst v2;
	v2 =	vbroadcast v4, $0x0  }
0x68: {  	v3 =	vld.idx.msk [tilespmem:v3+s20+$0x0], $0xffff  }
0x69: {  	v2 =	vor.u32 v1, v2  }
0x6a: {  	s2 =	simm.s32 $0x3  }
0x6b: {  	v4 =	vmov s2  }
0x6c: {  	v4 =	vand.u32 $0x7F, v4  }
0x6d: {  	v4 =	vbroadcast v4, $0x0;
	[tilespmem:s24+$0xFFFFFFF0] =	vst v3  }
0x6e: {  	v2 =	vld.idx.msk [tilespmem:v2+s20+$0x0], $0xffff  }
0x6f: {  	v3 =	vor.u32 v1, v4;
	_ =	sdelay $0x1  }
0x70: {  	s0 =	simm.s32 $0x4  }
0x71: {  	s28 =	simm.s32 $0x8;
	v4 =	vmov s0  }
.LBB2_3:
0x72: {  	p1 =	slt.u32 s28, $0x7C;
	v4 =	vand.u32 $0x7C, v4;
	[tilespmem:s24+$0x0] =	vst v2  }
0x73: {  	v2 =	vbroadcast v4, $0x0;
	v3 =	vld.idx.msk [tilespmem:v3+s20+$0x0], $0xffff;
	_ =	sdelay $0x1  }
0x74: {  	v2 =	vor.u32 v1, v2;
	_ =	sdelay $0x1  }
0x75: {  	s2 =	sadd.s32 $0x1, s0  }
0x76: {  	v4 =	vmov s2  }
0x77: {  	v4 =	vand.u32 $0x7D, v4;
	[tilespmem:s24+$0x10] =	vst v3  }
0x78: {  	v3 =	vbroadcast v4, $0x0;
	v2 =	vld.idx.msk [tilespmem:v2+s20+$0x0], $0xffff;
	_ =	sdelay $0x1  }
0x79: {  	v3 =	vor.u32 v1, v3;
	_ =	sdelay $0x1  }
0x7a: {  	s2 =	sadd.s32 $0x2, s0  }
0x7b: {  	v4 =	vmov s2;
	s24 =	sadd.s32 $0x40, s24  }
0x7c: {  	[tilespmem:s24+$0xFFFFFFE0] =	vst v2;
	v2 =	vand.u32 $0x7E, v4  }
0x7d: {  	v3 =	vld.idx.msk [tilespmem:v3+s20+$0x0], $0xffff;
	v2 =	vbroadcast v2, $0x0;
	_ =	sdelay $0x1  }
0x7e: {  	v2 =	vor.u32 v1, v2;
	_ =	sdelay $0x1  }
0x7f: {  	s2 =	sadd.s32 $0x3, s0;
	s0 =	smov.u32 s28  }
0x80: {  	v4 =	vmov s2  }
0x81: {  	[tilespmem:s24+$0xFFFFFFF0] =	vst v3;
	v3 =	vand.u32 $0x7F, v4  }
0x82: {  	v2 =	vld.idx.msk [tilespmem:v2+s20+$0x0], $0xffff;
	v3 =	vbroadcast v3, $0x0  }
.Ltmp0:
0x83: {  	(pc) =	sbr.rel @p1 .LBB2_3-.Ltmp0, $2  }
0x84: {  	v3 =	vor.u32 v1, v3;
	_ =	sdelay $0x2  }
0x85: {  	s28 =	sadd.s32 $0x4, s28;
	v4 =	vmov s0  }
0x86: {  	_ =	sdelay $0x1  }
0x87: {  	v4 =	vand.u32 $0x7C, v4  }
0x88: {  	[tilespmem:s24+$0x0] =	vst v2;
	v2 =	vbroadcast v4, $0x0  }
0x89: {  	v3 =	vld.idx.msk [tilespmem:v3+s20+$0x0], $0xffff  }
0x8a: {  	v2 =	vor.u32 v1, v2  }
0x8b: {  	s2 =	sadd.s32 $0x1, s0  }
0x8c: {  	v4 =	vmov s2  }
0x8d: {  	v4 =	vand.u32 $0x7D, v4  }
0x8e: {  	[tilespmem:s24+$0x10] =	vst v3;
	v3 =	vbroadcast v4, $0x0  }
0x8f: {  	v2 =	vld.idx.msk [tilespmem:v2+s20+$0x0], $0xffff  }
0x90: {  	v3 =	vor.u32 v1, v3  }
0x91: {  	s2 =	sadd.s32 $0x2, s0  }
0x92: {  	v4 =	vmov s2  }
0x93: {  	s2 =	sadd.s32 $0x40, s24;
	v4 =	vand.u32 $0x7E, v4  }
0x94: {  	[tilespmem:s2+$0xFFFFFFE0] =	vst v2;
	v2 =	vbroadcast v4, $0x0  }
0x95: {  	v3 =	vld.idx.msk [tilespmem:v3+s20+$0x0], $0xffff  }
0x96: {  	v2 =	vor.u32 v1, v2  }
0x97: {  	s24 =	sadd.s32 $0x3, s0  }
0x98: {  	v4 =	vmov s24  }
0x99: {  	v4 =	vand.u32 $0x7F, v4  }
0x9a: {  	[tilespmem:s2+$0xFFFFFFF0] =	vst v3;
	v3 =	vbroadcast v4, $0x0  }
0x9b: {  	v2 =	vld.idx.msk [tilespmem:v2+s20+$0x0], $0xffff  }
0x9c: {  	v1 =	vor.u32 v1, v3;
	_ =	sdelay $0x1  }
0x9d: {  	s24 =	simm.s32 $0x0  }
0x9e: {  	v3 =	vmov s24  }
0x9f: {  	[tilespmem:s2+$0x0] =	vst v2;
	v2 =	vand.u32 $0x7C, v3  }
0xa0: {  	v1 =	vld.idx.msk [tilespmem:v1+s20+$0x0], $0xffff;
	v2 =	vbroadcast v2, $0x0  }
0xa1: {  	v0 =	vadd.s32 $0x280, v0  }
0xa2: {  	s0 =	smul.u32 $0xC00, s29;
	v2 =	vor.u32 v0, v2  }
0xa3: {  	s24 =	simm.s32 $0x1  }
0xa4: {  	s29 =	sshrl.u32 s0, $0x2;
	v3 =	vmov s24  }
0xa5: {  	s0 =	sadd.s32 $0x8240, s29;
	[tilespmem:s2+$0x10] =	vst v1;
	v1 =	vand.u32 $0x7D, v3  }
0xa6: {  	[spmem:s3] =	stream.indirect.scatter.add.f32 [tilespmem:s13], [sflag:$0xB], $0x10, s0, s25, $0xb8;
	v1 =	vbroadcast v1, $0x0;
	[tilespmem:$0xBF40] =	vst v63  }
0xa7: {  	v2 =	vld.idx.msk [tilespmem:v2+s20+$0x0], $0xffff  }
0xa8: {  	v1 =	vor.u32 v0, v1  }
0xa9: {  	s24 =	simm.s32 $0x2  }
0xaa: {  	v3 =	vmov s24  }
0xab: {  	s24 =	simm.s32 $0x8F60;
	v3 =	vand.u32 $0x7E, v3  }
0xac: {  	[tilespmem:s24+$0xFFFFFFE0] =	vst v2;
	v2 =	vbroadcast v3, $0x0  }
0xad: {  	v1 =	vld.idx.msk [tilespmem:v1+s20+$0x0], $0xffff  }
0xae: {  	v2 =	vor.u32 v0, v2  }
0xaf: {  	s2 =	simm.s32 $0x3  }
0xb0: {  	v3 =	vmov s2  }
0xb1: {  	v3 =	vand.u32 $0x7F, v3  }
0xb2: {  	v3 =	vbroadcast v3, $0x0;
	[tilespmem:s24+$0xFFFFFFF0] =	vst v1  }
0xb3: {  	v1 =	vld.idx.msk [tilespmem:v2+s20+$0x0], $0xffff  }
0xb4: {  	v2 =	vor.u32 v0, v3;
	_ =	sdelay $0x1  }
0xb5: {  	s0 =	simm.s32 $0x4  }
0xb6: {  	s28 =	simm.s32 $0x8;
	v3 =	vmov s0  }
.LBB2_5:
0xb7: {  	p1 =	slt.u32 s28, $0x7C;
	v3 =	vand.u32 $0x7C, v3;
	[tilespmem:s24+$0x0] =	vst v1  }
0xb8: {  	v1 =	vbroadcast v3, $0x0;
	v2 =	vld.idx.msk [tilespmem:v2+s20+$0x0], $0xffff;
	_ =	sdelay $0x1  }
0xb9: {  	v1 =	vor.u32 v0, v1;
	_ =	sdelay $0x1  }
0xba: {  	s2 =	sadd.s32 $0x1, s0  }
0xbb: {  	v3 =	vmov s2  }
0xbc: {  	v3 =	vand.u32 $0x7D, v3;
	[tilespmem:s24+$0x10] =	vst v2  }
0xbd: {  	v2 =	vbroadcast v3, $0x0;
	v1 =	vld.idx.msk [tilespmem:v1+s20+$0x0], $0xffff;
	_ =	sdelay $0x1  }
0xbe: {  	v2 =	vor.u32 v0, v2;
	_ =	sdelay $0x1  }
0xbf: {  	s2 =	sadd.s32 $0x2, s0  }
0xc0: {  	v3 =	vmov s2;
	s24 =	sadd.s32 $0x40, s24  }
0xc1: {  	[tilespmem:s24+$0xFFFFFFE0] =	vst v1;
	v1 =	vand.u32 $0x7E, v3  }
0xc2: {  	v2 =	vld.idx.msk [tilespmem:v2+s20+$0x0], $0xffff;
	v1 =	vbroadcast v1, $0x0;
	_ =	sdelay $0x1  }
0xc3: {  	v1 =	vor.u32 v0, v1;
	_ =	sdelay $0x1  }
0xc4: {  	s2 =	sadd.s32 $0x3, s0;
	s0 =	smov.u32 s28  }
0xc5: {  	v3 =	vmov s2  }
0xc6: {  	[tilespmem:s24+$0xFFFFFFF0] =	vst v2;
	v2 =	vand.u32 $0x7F, v3  }
0xc7: {  	v1 =	vld.idx.msk [tilespmem:v1+s20+$0x0], $0xffff;
	v2 =	vbroadcast v2, $0x0  }
.Ltmp1:
0xc8: {  	(pc) =	sbr.rel @p1 .LBB2_5-.Ltmp1, $2  }
0xc9: {  	v2 =	vor.u32 v0, v2;
	_ =	sdelay $0x2  }
0xca: {  	s28 =	sadd.s32 $0x4, s28;
	v3 =	vmov s0  }
0xcb: {  	_ =	sdelay $0x1  }
0xcc: {  	v3 =	vand.u32 $0x7C, v3  }
0xcd: {  	[tilespmem:s24+$0x0] =	vst v1;
	v56 =	vbroadcast v3, $0x0  }
0xce: {  	v2 =	vld.idx.msk [tilespmem:v2+s20+$0x0], $0xffff  }
0xcf: {  	v1 =	vor.u32 v0, v56  }
0xd0: {  	s2 =	sadd.s32 $0x1, s0  }
0xd1: {  	v57 =	vmov s2  }
0xd2: {  	v3 =	vand.u32 $0x7D, v57  }
0xd3: {  	v58 =	vbroadcast v3, $0x0;
	[tilespmem:s24+$0x10] =	vst v2  }
0xd4: {  	v1 =	vld.idx.msk [tilespmem:v1+s20+$0x0], $0xffff  }
0xd5: {  	v2 =	vor.u32 v0, v58  }
0xd6: {  	s28 =	sadd.s32 $0x2, s0  }
0xd7: {  	v59 =	vmov s28  }
0xd8: {  	v3 =	vand.u32 $0x7E, v59;
	s24 =	sadd.s32 $0x40, s24  }
0xd9: {  	v60 =	vbroadcast v3, $0x0;
	[tilespmem:s24+$0xFFFFFFE0] =	vst v1  }
0xda: {  	v2 =	vld.idx.msk [tilespmem:v2+s20+$0x0], $0xffff  }
0xdb: {  	v1 =	vor.u32 v0, v60  }
0xdc: {  	s28 =	sadd.s32 $0x3, s0  }
0xdd: {  	v61 =	vmov s28  }
0xde: {  	v3 =	vand.u32 $0x7F, v61  }
0xdf: {  	v62 =	vbroadcast v3, $0x0;
	[tilespmem:s24+$0xFFFFFFF0] =	vst v2  }
0xe0: {  	v1 =	vld.idx.msk [tilespmem:v1+s20+$0x0], $0xffff  }
0xe1: {  	v63 =	vor.u32 v0, v62;
	_ =	sdelay $0x3  }
0xe2: {  	[tilespmem:s24+$0x0] =	vst v1  }
0xe3: {  	v0 =	vld.idx.msk [tilespmem:v63+s20+$0x0], $0xffff;
	_ =	sdelay $0x4  }
0xe4: {  	s29 =	sadd.s32 $0x82C0, s29;
	[tilespmem:s24+$0x10] =	vst v0  }
0xe5: {  	[spmem:s3] =	stream.indirect.scatter.add.f32 [tilespmem:s14], [sflag:$0xC], $0x10, s29, s25, $0xb8;
	[tilespmem:$0xBF40] =	vst v63  }
0xe6: {  	_ =	swait.ge @!p0 [sflag:s26], $0x300  }
0xe7: {  	[sflag:s26] =	ssyncset.done @!p0 $0x0  }
0xe8: {  	[sflag:s26] =	ssyncadd.s32 @!p0 $0xFFFFFD00  }
0xe9: {  	p0 =	sne.s32 s17, s7;
	_ =	swait.ge [sflag:s15], $0x800  }
.Ltmp2:
0xea: {  	[sflag:s15] =	ssyncset.done $0x0;
	(pc) =	sbr.rel @p0 .LBB2_2-.Ltmp2, $4  }
0xeb: {  	[sflag:s15] =	ssyncadd.s32 $0xFFFFF800  }
0xec: {  	_ =	swait.ge [sflag:s16], $0x800  }
0xed: {  	[sflag:s16] =	ssyncset.done $0x0  }
0xee: {  	[sflag:s16] =	ssyncadd.s32 $0xFFFFF800  }
0xef: {  	[bflag:$0x0] =	sbarrier.arrive $0xFFFF  }
0xf0: {  	s0 =	rddreg [dreg:$0xe]  }
0xf1: {  	[hbm:s0], [sflag:s9] =	dma.local [spmem:s18], $0x500  }
0xf2: {  	_ =	swait.ge [sflag:s19], $0x500  }
0xf3: {  	s23 =	sadd.s32 $0x1, s23;
	s29 =	rddreg [dreg:$0xd]  }
0xf4: {  	p0 =	sne.s32 s23, s29  }
.Ltmp3:
0xf5: {  	_ = 	snop;
	(pc) =	sbr.rel @p0 .LBB2_1-.Ltmp3, $3  }
0xf6: {  	_ =	sdelay $0x1  }
0xf7: {  	[sflag:s19] =	ssyncset.done $0x0  }
0xf8: {  	[sflag:s19] =	ssyncadd.s32 $0xFFFFFB00  }
0xf9: {  	_ =	sfence.sel $0x180000  }
0xfa: {  	[bflag:$0x0] =	sbarrier.arrive $0xFFFF  }
0xfb: {  	_ =	strace $0x90000047  }
0xfc: {  	s0 =	stileid.u32;
	[bflag:$0x2] =	sbarrier.arrive $0xFFFF  }
0xfd: {  	p0 =	sne.s32 s0, $0x0;
	s0 =	rddreg [dreg:$0x4]  }
0xfe: {  	s0 =	sadd.s32 @!p0 $0x100000, s0  }
0xff: {  	[sflag:s0] =	ssyncadd.tile.s32 @!p0 $0x1;
	_ =	shalt  }
.Lfunc_end2:
_tile_overlayer_lowered:
.L_overlay_start_2:
0x100: {  	(tag) =	ssettag $0x2  }
0x101: {  	s0 =	rddreg [dreg:$0x0];
	s2 =	stileid.u32  }
0x102: {  	s1 =	rddreg [dreg:$0x1];
	p0 =	sne.s32 s2, $0x0  }
0x103: {  	s3 =	rddreg [dreg:$0x2];
	[bflag:$0x3] =	sbarrier.arrive $0xFFFF;
	s2 =	simm.s32 @!p0 $0x1C0D  }
0x104: {  	[timem:s3], [sflag:s2] =	dma.local @!p0 [hbm:s0], s1  }
0x105: {  	s0 =	simm.s32 @!p0 $0xD  }
0x106: {  	_ =	swait.ge @!p0 [sflag:s0], s1  }
0x107: {  	s1 =	ssub.s32 @!p0 $0x0, s1;
	[sflag:s0] =	ssyncset.done @!p0 $0x0  }
0x108: {  	[sflag:s0] =	ssyncadd.s32 @!p0 s1  }
0x109: {  	[bflag:$0x3] =	sbarrier.arrive $0xFFFF  }
0x10a: {  	_ =	shalt  }

</sc_bundles>
